<compile_context>
chip_gen: v7x
topology: tpu7x:2x2x1
jax: 0.10.2.dev20260603
libtpu: 0.0.44.dev20260713+nightly
codegen_flags: <defaults>
</compile_context>

<pallas_src>
import jax
import jax.numpy as jnp
from jax import lax
from jax.experimental import pallas as pl
from jax.experimental.pallas import tpu as pltpu
from jax.experimental.pallas import tpu_sc as plsc

N = 10000
E = 320000
D = 128
H = 128
C = 16
G = 256

NC = 2
NS = 16
NW = NC * NS
CH = 128
NCHUNK = 80
EPW = NCHUNK * CH
EP = NW * EPW
NP = 10240
GP = 384
RPS = NP // NS
R = 1024


def _mesh():
    return plsc.VectorSubcoreMesh(core_axis_name="c", subcore_axis_name="s",
                                  num_cores=NC, num_subcores=NS)


def _worker_ids():
    c = lax.axis_index("c")
    s = lax.axis_index("s")
    return c, s, c * NS + s


def _fill(ref, rows, value):
    width = ref.shape[-1]
    vec = jnp.full((16,), value, dtype=ref.dtype)

    def body(i):
        for k in range(width // 16):
            ref[i, pl.ds(k * 16, 16)] = vec

    lax.fori_loop(0, rows, lambda i, _: (body(i), None)[1], None)


def _prop_body(p_hbm, src_hbm, dst_hbm, out_hbm, si0, di0, si1, di1, r0, r1,
               acc, sem0, sem1):
    c, s, w = _worker_ids()
    _fill(r0, CH, 0.0)
    for r in range(RPS // CH):
        pltpu.sync_copy(r0, acc.at[pl.ds(s * RPS + r * CH, CH)])
    plsc.subcore_barrier()

    pltpu.sync_copy(src_hbm.at[w, 0], si0)
    pltpu.sync_copy(dst_hbm.at[w, 0], di0)
    pltpu.async_copy(p_hbm.at[si0], r0, sem0)

    @pl.loop(0, NCHUNK // 2)
    def _pairs(t):
        j = 2 * t
        pltpu.sync_copy(src_hbm.at[w, j + 1], si1)
        pltpu.sync_copy(dst_hbm.at[w, j + 1], di1)
        pltpu.async_copy(p_hbm.at[si1], r1, sem1)
        pltpu.make_async_copy(p_hbm.at[si0], r0, sem0).wait()
        pltpu.sync_copy(r0, acc.at[di0], add=True)

        @pl.when(j + 2 < NCHUNK)
        def _():
            pltpu.sync_copy(src_hbm.at[w, j + 2], si0)
            pltpu.sync_copy(dst_hbm.at[w, j + 2], di0)
            pltpu.async_copy(p_hbm.at[si0], r0, sem0)

        pltpu.make_async_copy(p_hbm.at[si1], r1, sem1).wait()
        pltpu.sync_copy(r1, acc.at[di1], add=True)

    plsc.subcore_barrier()
    pltpu.sync_copy(acc.at[pl.ds(s * RPS, RPS)],
                    out_hbm.at[pl.ds(c * NP + s * RPS, RPS)])


def _prop_call(p, src3, dst3):
    kern = pl.kernel(
        _prop_body,
        out_type=jax.ShapeDtypeStruct((NC * NP, H), jnp.float32),
        mesh=_mesh(),
        scratch_types=[
            pltpu.VMEM((CH,), jnp.int32),
            pltpu.VMEM((CH,), jnp.int32),
            pltpu.VMEM((CH,), jnp.int32),
            pltpu.VMEM((CH,), jnp.int32),
            pltpu.VMEM((CH, H), jnp.float32),
            pltpu.VMEM((CH, H), jnp.float32),
            pltpu.VMEM_SHARED((NP, H), jnp.float32),
            pltpu.SemaphoreType.DMA,
            pltpu.SemaphoreType.DMA,
        ],
    )
    return kern(p, src3, dst3)


def _pool_body(h_hbm, batch_hbm, out_hbm, batch_idx, rows_v, acc, sem):
    c, s, w = _worker_ids()
    _fill(rows_v, CH, 0.0)
    pltpu.sync_copy(rows_v.at[pl.ds(0, GP // NS)],
                    acc.at[pl.ds(s * (GP // NS), GP // NS)])
    plsc.subcore_barrier()

    qb = jnp.where(w < 16, 3 * w, 48 + 2 * (w - 16))

    def chunk(q):
        pltpu.sync_copy(batch_hbm.at[q], batch_idx)
        pltpu.async_copy(h_hbm.at[pl.ds(q * CH, CH)], rows_v, sem).wait()
        pltpu.sync_copy(rows_v, acc.at[batch_idx], add=True)

    chunk(qb)
    chunk(qb + 1)

    @pl.when(w < 16)
    def _():
        chunk(qb + 2)

    plsc.subcore_barrier()
    pltpu.sync_copy(acc.at[pl.ds(s * (GP // NS), GP // NS)],
                    out_hbm.at[pl.ds(c * GP + s * (GP // NS), GP // NS)])


def _pool_call(h, batch_q):
    kern = pl.kernel(
        _pool_body,
        out_type=jax.ShapeDtypeStruct((NC * GP, H), jnp.float32),
        mesh=_mesh(),
        scratch_types=[
            pltpu.VMEM((CH,), jnp.int32),
            pltpu.VMEM((CH, H), jnp.float32),
            pltpu.VMEM_SHARED((GP, H), jnp.float32),
            pltpu.SemaphoreType.DMA,
        ],
    )
    return kern(h, batch_q)


def _dinv_block(deg_ref):
    d = deg_ref[0][:, 0:1] + deg_ref[1][:, 0:1] + 1.0
    return lax.rsqrt(jnp.maximum(d, 1.0))


def _mm_scale_body(x_ref, w_ref, deg_ref, o_ref):
    dinv = _dinv_block(deg_ref)
    o_ref[...] = jnp.dot(x_ref[...], w_ref[...],
                         preferred_element_type=jnp.float32) * dinv


def _layer_body(acc_ref, p_ref, deg_ref, b_ref, w_ref, o_ref):
    dinv = _dinv_block(deg_ref)
    h = jnp.maximum(dinv * (acc_ref[0] + acc_ref[1] + p_ref[...]) + b_ref[...],
                    0.0)
    o_ref[...] = jnp.dot(h, w_ref[...],
                         preferred_element_type=jnp.float32) * dinv


def _relu_body(acc_ref, p_ref, deg_ref, b_ref, o_ref):
    dinv = _dinv_block(deg_ref)
    o_ref[...] = jnp.maximum(
        dinv * (acc_ref[0] + acc_ref[1] + p_ref[...]) + b_ref[...], 0.0)


def _head_body(g_ref, m1_ref, b1_ref, m2_ref, b2_ref, m3_ref, b3_ref, o_ref):
    g = g_ref[0, 0:G, :] + g_ref[1, 0:G, :]
    a = jnp.maximum(jnp.dot(g, m1_ref[...],
                            preferred_element_type=jnp.float32) + b1_ref[...],
                    0.0)
    a = jnp.maximum(jnp.dot(a, m2_ref[...],
                            preferred_element_type=jnp.float32) + b2_ref[...],
                    0.0)
    o_ref[...] = jnp.dot(a, m3_ref[...],
                         preferred_element_type=jnp.float32) + b3_ref[...]


_row_spec = pl.BlockSpec((R, H), lambda i: (i, 0))
_acc_spec = pl.BlockSpec((2, R, H), lambda i: (0, i, 0))
_deg_spec = pl.BlockSpec((2, R, H), lambda i: (0, i, 0))
_w_spec = pl.BlockSpec((H, H), lambda i: (0, 0))
_b_spec = pl.BlockSpec((1, H), lambda i: (0, 0))


def _mm_scale(x_p, w, deg):
    return pl.pallas_call(
        _mm_scale_body,
        grid=(NP // R,),
        in_specs=[_row_spec, _w_spec, _deg_spec],
        out_specs=_row_spec,
        out_shape=jax.ShapeDtypeStruct((NP, H), jnp.float32),
    )(x_p, w, deg)


def _layer(acc, p, deg, b, w):
    return pl.pallas_call(
        _layer_body,
        grid=(NP // R,),
        in_specs=[_acc_spec, _row_spec, _deg_spec, _b_spec, _w_spec],
        out_specs=_row_spec,
        out_shape=jax.ShapeDtypeStruct((NP, H), jnp.float32),
    )(acc, p, deg, b, w)


def _relu_comb(acc, p, deg, b):
    return pl.pallas_call(
        _relu_body,
        grid=(NP // R,),
        in_specs=[_acc_spec, _row_spec, _deg_spec, _b_spec],
        out_specs=_row_spec,
        out_shape=jax.ShapeDtypeStruct((NP, H), jnp.float32),
    )(acc, p, deg, b)


def _head(g, m1, b1, m2, b2, m3, b3):
    return pl.pallas_call(
        _head_body,
        in_specs=[pl.BlockSpec((2, GP, H), lambda: (0, 0, 0)),
                  pl.BlockSpec((H, H), lambda: (0, 0)),
                  pl.BlockSpec((1, H), lambda: (0, 0)),
                  pl.BlockSpec((H, H), lambda: (0, 0)),
                  pl.BlockSpec((1, H), lambda: (0, 0)),
                  pl.BlockSpec((H, H), lambda: (0, 0)),
                  pl.BlockSpec((1, H), lambda: (0, 0))],
        out_specs=pl.BlockSpec((G, H), lambda: (0, 0)),
        out_shape=jax.ShapeDtypeStruct((G, H), jnp.float32),
    )(g, m1, b1, m2, b2, m3, b3)


def kernel(x, edge_index, batch, W1, b1, W2, b2, W3, b3, M1, mb1, M2, mb2,
           M3, mb3):
    f32 = jnp.float32
    x_p = jnp.zeros((NP, D), f32).at[:N].set(x)
    ones_t = jnp.ones((NP, D), f32)
    pad_e = EP - E
    epad = (N + (jnp.arange(pad_e, dtype=jnp.int32) % (NP - N))).astype(
        jnp.int32)
    src3 = jnp.concatenate([edge_index[0], epad]).reshape(NW, NCHUNK, CH)
    dst3 = jnp.concatenate([edge_index[1], epad]).reshape(NW, NCHUNK, CH)
    bpad = (G + (jnp.arange(NP - N, dtype=jnp.int32) % (GP - G))).astype(
        jnp.int32)
    batch_q = jnp.concatenate([batch, bpad]).reshape(NP // CH, CH)

    b1r = b1.reshape(1, H)
    b2r = b2.reshape(1, H)
    b3r = b3.reshape(1, H)
    mb1r = mb1.reshape(1, H)
    mb2r = mb2.reshape(1, H)
    m3p = jnp.zeros((H, H), f32).at[:, :C].set(M3)
    mb3p = jnp.zeros((1, H), f32).at[0, :C].set(mb3)

    deg = _prop_call(ones_t, src3, dst3).reshape(NC, NP, H)
    p = _mm_scale(x_p, W1, deg)
    acc = _prop_call(p, src3, dst3).reshape(NC, NP, H)
    p = _layer(acc, p, deg, b1r, W2)
    acc = _prop_call(p, src3, dst3).reshape(NC, NP, H)
    p = _layer(acc, p, deg, b2r, W3)
    acc = _prop_call(p, src3, dst3).reshape(NC, NP, H)
    h3 = _relu_comb(acc, p, deg, b3r)
    g = _pool_call(h3, batch_q).reshape(NC, GP, H)
    out = _head(g, M1, mb1r, M2, mb2r, m3p, mb3p)
    return out[:, :C]

# --- scband reference (transcript-rebuilt; emitter-appended) ---
"""Pipeline reference for scband-gnnmolecule-classifier-80539226734865 (READ-ONLY COPY).

The authoritative reference and input builder live on the scoring server;
editing this copy changes nothing except your own understanding.
"""

import jax, jax.numpy as jnp
import numpy as np

N = 10000
E = 320000
D = 128
H = 128
C = 16
G = 256


def setup_inputs(seed: int = 0) -> dict:
    key = jax.random.key(seed)
    ks = jax.random.split(key, 16)
    x = jax.random.normal(ks[0], (N, D), dtype=jnp.float32)
    edge_index = jax.random.randint(ks[1], (2, E), 0, N, dtype=jnp.int32)
    batch = jnp.sort(jax.random.randint(ks[2], (N,), 0, G, dtype=jnp.int32))
    s = 0.05
    W1 = jax.random.normal(ks[3], (D, H), dtype=jnp.float32) * s
    b1 = jnp.zeros((H,), dtype=jnp.float32)
    W2 = jax.random.normal(ks[4], (H, H), dtype=jnp.float32) * s
    b2 = jnp.zeros((H,), dtype=jnp.float32)
    W3 = jax.random.normal(ks[5], (H, H), dtype=jnp.float32) * s
    b3 = jnp.zeros((H,), dtype=jnp.float32)
    M1 = jax.random.normal(ks[6], (H, H), dtype=jnp.float32) * s
    mb1 = jnp.zeros((H,), dtype=jnp.float32)
    M2 = jax.random.normal(ks[7], (H, H), dtype=jnp.float32) * s
    mb2 = jnp.zeros((H,), dtype=jnp.float32)
    M3 = jax.random.normal(ks[8], (H, C), dtype=jnp.float32) * s
    mb3 = jnp.zeros((C,), dtype=jnp.float32)
    return {"x": x, "edge_index": edge_index, "batch": batch,
            "W1": W1, "b1": b1, "W2": W2, "b2": b2, "W3": W3, "b3": b3,
            "M1": M1, "mb1": mb1, "M2": M2, "mb2": mb2, "M3": M3, "mb3": mb3}


def reference(x, edge_index, batch, W1, b1, W2, b2, W3, b3, M1, mb1, M2, mb2, M3, mb3):
    # GCNConv with added self-loops and symmetric normalization (PyG default)
    loop = jnp.arange(N, dtype=edge_index.dtype)
    src = jnp.concatenate([edge_index[0], loop])
    dst = jnp.concatenate([edge_index[1], loop])
    deg = jax.ops.segment_sum(jnp.ones_like(src, dtype=jnp.float32), dst, num_segments=N)
    dinv = jax.lax.rsqrt(jnp.maximum(deg, 1.0))
    norm = (dinv[src] * dinv[dst])[:, None]

    def gcn(h, W, b):
        h = h @ W
        msg = jnp.take(h, src, axis=0) * norm
        return jax.ops.segment_sum(msg, dst, num_segments=N) + b

    h = jax.nn.relu(gcn(x, W1, b1))
    h = jax.nn.relu(gcn(h, W2, b2))
    h = jax.nn.relu(gcn(h, W3, b3))
    # global_add_pool over graphs
    g = jax.ops.segment_sum(h, batch, num_segments=G)
    # MLP head
    g = jax.nn.relu(g @ M1 + mb1)
    g = jax.nn.relu(g @ M2 + mb2)
    out = g @ M3 + mb3
    return out

if __name__ == "__main__":
    import jax
    _d = setup_inputs()
    print(jax.jit(kernel)(*tuple(_d.values())))

</pallas_src>

<mosaic_0001>
#map = affine_map<(d0, d1) -> (0, 0)>
#map1 = affine_map<(d0, d1) -> (0, 0, 0)>
module attributes {stable_mosaic.version = 14 : i64} {
  func.func @_prop_body(%arg0: i32, %arg1: i32, %arg2: memref<10240x128xf32, #tpu.memory_space<hbm>>, %arg3: memref<32x80x128xi32, #tpu.memory_space<hbm>>, %arg4: memref<32x80x128xi32, #tpu.memory_space<hbm>>, %arg5: memref<20480x128xf32, #tpu.memory_space<hbm>>, %arg6: memref<128xi32, #tpu.memory_space<vmem>>, %arg7: memref<128xi32, #tpu.memory_space<vmem>>, %arg8: memref<128xi32, #tpu.memory_space<vmem>>, %arg9: memref<128xi32, #tpu.memory_space<vmem>>, %arg10: memref<128x128xf32, #tpu.memory_space<vmem>>, %arg11: memref<128x128xf32, #tpu.memory_space<vmem>>, %arg12: memref<10240x128xf32, #tpu.memory_space<vmem_shared>>, %arg13: memref<!tpu.dma_semaphore, #tpu.memory_space<semaphore_mem>>, %arg14: memref<!tpu.dma_semaphore, #tpu.memory_space<semaphore_mem>>) attributes {dimension_semantics = [#tpu.dimension_semantics<core_parallel>, #tpu.dimension_semantics<subcore_parallel>], iteration_bounds = array<i64: 2, 16>, scalar_prefetch = 0 : i64, scratch_operands = 9 : i64, tpu.core_type = #tpu.core_type<sc_vector_subcore>, window_params = [{transform_indices = #map}, {transform_indices = #map1}, {transform_indices = #map1}, {transform_indices = #map}]} {
    %mul3A = arith.constant 16 : i32
    %mul3A_0 = arith.muli %arg0, %mul3A : i32
    %add3A = arith.addi %mul3A_0, %arg1 : i32
    %broadcast_in_dim3A = arith.constant 0.000000e+00 : f32
    %broadcast_in_dim3A_1 = vector.broadcast %broadcast_in_dim3A : f32 to vector<16xf32>
    %scan3A = arith.constant 0 : i32
    %scan3A_2 = arith.constant 128 : i32
    %scan3A_3 = arith.addi %scan3A, %scan3A_2 : i32
    %scan3A_4 = arith.constant 1 : i32
    scf.for %scan3A_42 = %scan3A to %scan3A_3 step %scan3A_4  : i32 {
      %swap3A = arith.index_cast %scan3A_42 : i32 to index
      %swap3A_43 = arith.constant 0 : index
      %swap3A_44 = tpu.vector_load %arg10[%swap3A, %swap3A_43] {strides = array<i32>} : memref<128x128xf32, #tpu.memory_space<vmem>>, vector<1x16xf32>,
      %swap3A_45 = vector.shape_cast %swap3A_44 : vector<1x16xf32> to vector<16xf32>
      %swap3A_46 = vector.shape_cast %broadcast_in_dim3A_1 : vector<16xf32> to vector<1x16xf32>
      tpu.vector_store %arg10[%swap3A, %swap3A_43], %swap3A_46 {strides = array<i32>} : memref<128x128xf32, #tpu.memory_space<vmem>>, vector<1x16xf32>,
      %swap3A_47 = arith.index_cast %scan3A_42 : i32 to index
      %swap3A_48 = arith.constant 16 : index
      %swap3A_49 = tpu.vector_load %arg10[%swap3A_47, %swap3A_48] {strides = array<i32>} : memref<128x128xf32, #tpu.memory_space<vmem>>, vector<1x16xf32>,
      %swap3A_50 = vector.shape_cast %swap3A_49 : vector<1x16xf32> to vector<16xf32>
      %swap3A_51 = vector.shape_cast %broadcast_in_dim3A_1 : vector<16xf32> to vector<1x16xf32>
      tpu.vector_store %arg10[%swap3A_47, %swap3A_48], %swap3A_51 {strides = array<i32>} : memref<128x128xf32, #tpu.memory_space<vmem>>, vector<1x16xf32>,
      %swap3A_52 = arith.index_cast %scan3A_42 : i32 to index
      %swap3A_53 = arith.constant 32 : index
      %swap3A_54 = tpu.vector_load %arg10[%swap3A_52, %swap3A_53] {strides = array<i32>} : memref<128x128xf32, #tpu.memory_space<vmem>>, vector<1x16xf32>,
      %swap3A_55 = vector.shape_cast %swap3A_54 : vector<1x16xf32> to vector<16xf32>
      %swap3A_56 = vector.shape_cast %broadcast_in_dim3A_1 : vector<16xf32> to vector<1x16xf32>
      tpu.vector_store %arg10[%swap3A_52, %swap3A_53], %swap3A_56 {strides = array<i32>} : memref<128x128xf32, #tpu.memory_space<vmem>>, vector<1x16xf32>,
      %swap3A_57 = arith.index_cast %scan3A_42 : i32 to index
      %swap3A_58 = arith.constant 48 : index
      %swap3A_59 = tpu.vector_load %arg10[%swap3A_57, %swap3A_58] {strides = array<i32>} : memref<128x128xf32, #tpu.memory_space<vmem>>, vector<1x16xf32>,
      %swap3A_60 = vector.shape_cast %swap3A_59 : vector<1x16xf32> to vector<16xf32>
      %swap3A_61 = vector.shape_cast %broadcast_in_dim3A_1 : vector<16xf32> to vector<1x16xf32>
      tpu.vector_store %arg10[%swap3A_57, %swap3A_58], %swap3A_61 {strides = array<i32>} : memref<128x128xf32, #tpu.memory_space<vmem>>, vector<1x16xf32>,
      %swap3A_62 = arith.index_cast %scan3A_42 : i32 to index
      %swap3A_63 = arith.constant 64 : index
      %swap3A_64 = tpu.vector_load %arg10[%swap3A_62, %swap3A_63] {strides = array<i32>} : memref<128x128xf32, #tpu.memory_space<vmem>>, vector<1x16xf32>,
      %swap3A_65 = vector.shape_cast %swap3A_64 : vector<1x16xf32> to vector<16xf32>
      %swap3A_66 = vector.shape_cast %broadcast_in_dim3A_1 : vector<16xf32> to vector<1x16xf32>
      tpu.vector_store %arg10[%swap3A_62, %swap3A_63], %swap3A_66 {strides = array<i32>} : memref<128x128xf32, #tpu.memory_space<vmem>>, vector<1x16xf32>,
      %swap3A_67 = arith.index_cast %scan3A_42 : i32 to index
      %swap3A_68 = arith.constant 80 : index
      %swap3A_69 = tpu.vector_load %arg10[%swap3A_67, %swap3A_68] {strides = array<i32>} : memref<128x128xf32, #tpu.memory_space<vmem>>, vector<1x16xf32>,
      %swap3A_70 = vector.shape_cast %swap3A_69 : vector<1x16xf32> to vector<16xf32>
      %swap3A_71 = vector.shape_cast %broadcast_in_dim3A_1 : vector<16xf32> to vector<1x16xf32>
      tpu.vector_store %arg10[%swap3A_67, %swap3A_68], %swap3A_71 {strides = array<i32>} : memref<128x128xf32, #tpu.memory_space<vmem>>, vector<1x16xf32>,
      %swap3A_72 = arith.index_cast %scan3A_42 : i32 to index
      %swap3A_73 = arith.constant 96 : index
      %swap3A_74 = tpu.vector_load %arg10[%swap3A_72, %swap3A_73] {strides = array<i32>} : memref<128x128xf32, #tpu.memory_space<vmem>>, vector<1x16xf32>,
      %swap3A_75 = vector.shape_cast %swap3A_74 : vector<1x16xf32> to vector<16xf32>
      %swap3A_76 = vector.shape_cast %broadcast_in_dim3A_1 : vector<16xf32> to vector<1x16xf32>
      tpu.vector_store %arg10[%swap3A_72, %swap3A_73], %swap3A_76 {strides = array<i32>} : memref<128x128xf32, #tpu.memory_space<vmem>>, vector<1x16xf32>,
      %swap3A_77 = arith.index_cast %scan3A_42 : i32 to index
      %swap3A_78 = arith.constant 112 : index
      %swap3A_79 = tpu.vector_load %arg10[%swap3A_77, %swap3A_78] {strides = array<i32>} : memref<128x128xf32, #tpu.memory_space<vmem>>, vector<1x16xf32>,
      %swap3A_80 = vector.shape_cast %swap3A_79 : vector<1x16xf32> to vector<16xf32>
      %swap3A_81 = vector.shape_cast %broadcast_in_dim3A_1 : vector<16xf32> to vector<1x16xf32>
      tpu.vector_store %arg10[%swap3A_77, %swap3A_78], %swap3A_81 {strides = array<i32>} : memref<128x128xf32, #tpu.memory_space<vmem>>, vector<1x16xf32>,
    }
    %scan3A_5 = arith.constant 128 : i32
    %mul3A_6 = arith.constant 640 : i32
    %mul3A_7 = arith.muli %arg1, %mul3A_6 : i32
    %add3A_8 = arith.constant 0 : i32
    %add3A_9 = arith.addi %mul3A_7, %add3A_8 : i32
    "tpu.region"() ({
      %run_scoped3A_42 = tpu.sem_alloc : memref<!tpu.dma_semaphore, #tpu.memory_space<semaphore_mem>>
      %dma_start3A_43 = arith.constant 0 : i32
      %dma_start3A_44 = tpu.memref_slice %arg12[%add3A_9, %dma_start3A_43] : memref<10240x128xf32, #tpu.memory_space<vmem_shared>> -> memref<128x128xf32, #tpu.memory_space<vmem_shared>>
      %dma_start3A_45 = arith.constant 0 : i32
      %dma_start3A_46 = tpu.memref_slice %arg12[%add3A_9, %dma_start3A_45] : memref<10240x128xf32, #tpu.memory_space<vmem_shared>> -> memref<128x128xf32, #tpu.memory_space<vmem_shared>>
      tpu.enqueue_dma source(%arg10 : memref<128x128xf32, #tpu.memory_space<vmem>>) target(%dma_start3A_46 : memref<128x128xf32, #tpu.memory_space<vmem_shared>>) target_semaphore(%run_scoped3A_42 : memref<!tpu.dma_semaphore, #tpu.memory_space<semaphore_mem>>)
      %dma_wait3A = arith.constant 0 : i32
      %dma_wait3A_47 = tpu.memref_slice %arg12[%add3A_9, %dma_wait3A] : memref<10240x128xf32, #tpu.memory_space<vmem_shared>> -> memref<128x128xf32, #tpu.memory_space<vmem_shared>>
      %dma_wait3A_48 = arith.constant 0 : i32
      %dma_wait3A_49 = tpu.memref_slice %arg12[%add3A_9, %dma_wait3A_48] : memref<10240x128xf32, #tpu.memory_space<vmem_shared>> -> memref<128x128xf32, #tpu.memory_space<vmem_shared>>
      tpu.wait_dma2 semaphore(%run_scoped3A_42 : memref<!tpu.dma_semaphore, #tpu.memory_space<semaphore_mem>>) src(%arg10 : memref<128x128xf32, #tpu.memory_space<vmem>>) dst(%dma_wait3A_49 : memref<128x128xf32, #tpu.memory_space<vmem_shared>>)
      tpu.yield
    }) : () -> ()
    %mul3A_10 = arith.constant 640 : i32
    %mul3A_11 = arith.muli %arg1, %mul3A_10 : i32
    %add3A_12 = arith.constant 128 : i32
    %add3A_13 = arith.addi %mul3A_11, %add3A_12 : i32
    "tpu.region"() ({
      %run_scoped3A_42 = tpu.sem_alloc : memref<!tpu.dma_semaphore, #tpu.memory_space<semaphore_mem>>
      %dma_start3A_43 = arith.constant 0 : i32
      %dma_start3A_44 = tpu.memref_slice %arg12[%add3A_13, %dma_start3A_43] : memref<10240x128xf32, #tpu.memory_space<vmem_shared>> -> memref<128x128xf32, #tpu.memory_space<vmem_shared>>
      %dma_start3A_45 = arith.constant 0 : i32
      %dma_start3A_46 = tpu.memref_slice %arg12[%add3A_13, %dma_start3A_45] : memref<10240x128xf32, #tpu.memory_space<vmem_shared>> -> memref<128x128xf32, #tpu.memory_space<vmem_shared>>
      tpu.enqueue_dma source(%arg10 : memref<128x128xf32, #tpu.memory_space<vmem>>) target(%dma_start3A_46 : memref<128x128xf32, #tpu.memory_space<vmem_shared>>) target_semaphore(%run_scoped3A_42 : memref<!tpu.dma_semaphore, #tpu.memory_space<semaphore_mem>>)
      %dma_wait3A = arith.constant 0 : i32
      %dma_wait3A_47 = tpu.memref_slice %arg12[%add3A_13, %dma_wait3A] : memref<10240x128xf32, #tpu.memory_space<vmem_shared>> -> memref<128x128xf32, #tpu.memory_space<vmem_shared>>
      %dma_wait3A_48 = arith.constant 0 : i32
      %dma_wait3A_49 = tpu.memref_slice %arg12[%add3A_13, %dma_wait3A_48] : memref<10240x128xf32, #tpu.memory_space<vmem_shared>> -> memref<128x128xf32, #tpu.memory_space<vmem_shared>>
      tpu.wait_dma2 semaphore(%run_scoped3A_42 : memref<!tpu.dma_semaphore, #tpu.memory_space<semaphore_mem>>) src(%arg10 : memref<128x128xf32, #tpu.memory_space<vmem>>) dst(%dma_wait3A_49 : memref<128x128xf32, #tpu.memory_space<vmem_shared>>)
      tpu.yield
    }) : () -> ()
    %mul3A_14 = arith.constant 640 : i32
    %mul3A_15 = arith.muli %arg1, %mul3A_14 : i32
    %add3A_16 = arith.constant 256 : i32
    %add3A_17 = arith.addi %mul3A_15, %add3A_16 : i32
    "tpu.region"() ({
      %run_scoped3A_42 = tpu.sem_alloc : memref<!tpu.dma_semaphore, #tpu.memory_space<semaphore_mem>>
      %dma_start3A_43 = arith.constant 0 : i32
      %dma_start3A_44 = tpu.memref_slice %arg12[%add3A_17, %dma_start3A_43] : memref<10240x128xf32, #tpu.memory_space<vmem_shared>> -> memref<128x128xf32, #tpu.memory_space<vmem_shared>>
      %dma_start3A_45 = arith.constant 0 : i32
      %dma_start3A_46 = tpu.memref_slice %arg12[%add3A_17, %dma_start3A_45] : memref<10240x128xf32, #tpu.memory_space<vmem_shared>> -> memref<128x128xf32, #tpu.memory_space<vmem_shared>>
      tpu.enqueue_dma source(%arg10 : memref<128x128xf32, #tpu.memory_space<vmem>>) target(%dma_start3A_46 : memref<128x128xf32, #tpu.memory_space<vmem_shared>>) target_semaphore(%run_scoped3A_42 : memref<!tpu.dma_semaphore, #tpu.memory_space<semaphore_mem>>)
      %dma_wait3A = arith.constant 0 : i32
      %dma_wait3A_47 = tpu.memref_slice %arg12[%add3A_17, %dma_wait3A] : memref<10240x128xf32, #tpu.memory_space<vmem_shared>> -> memref<128x128xf32, #tpu.memory_space<vmem_shared>>
      %dma_wait3A_48 = arith.constant 0 : i32
      %dma_wait3A_49 = tpu.memref_slice %arg12[%add3A_17, %dma_wait3A_48] : memref<10240x128xf32, #tpu.memory_space<vmem_shared>> -> memref<128x128xf32, #tpu.memory_space<vmem_shared>>
      tpu.wait_dma2 semaphore(%run_scoped3A_42 : memref<!tpu.dma_semaphore, #tpu.memory_space<semaphore_mem>>) src(%arg10 : memref<128x128xf32, #tpu.memory_space<vmem>>) dst(%dma_wait3A_49 : memref<128x128xf32, #tpu.memory_space<vmem_shared>>)
      tpu.yield
    }) : () -> ()
    %mul3A_18 = arith.constant 640 : i32
    %mul3A_19 = arith.muli %arg1, %mul3A_18 : i32
    %add3A_20 = arith.constant 384 : i32
    %add3A_21 = arith.addi %mul3A_19, %add3A_20 : i32
    "tpu.region"() ({
      %run_scoped3A_42 = tpu.sem_alloc : memref<!tpu.dma_semaphore, #tpu.memory_space<semaphore_mem>>
      %dma_start3A_43 = arith.constant 0 : i32
      %dma_start3A_44 = tpu.memref_slice %arg12[%add3A_21, %dma_start3A_43] : memref<10240x128xf32, #tpu.memory_space<vmem_shared>> -> memref<128x128xf32, #tpu.memory_space<vmem_shared>>
      %dma_start3A_45 = arith.constant 0 : i32
      %dma_start3A_46 = tpu.memref_slice %arg12[%add3A_21, %dma_start3A_45] : memref<10240x128xf32, #tpu.memory_space<vmem_shared>> -> memref<128x128xf32, #tpu.memory_space<vmem_shared>>
      tpu.enqueue_dma source(%arg10 : memref<128x128xf32, #tpu.memory_space<vmem>>) target(%dma_start3A_46 : memref<128x128xf32, #tpu.memory_space<vmem_shared>>) target_semaphore(%run_scoped3A_42 : memref<!tpu.dma_semaphore, #tpu.memory_space<semaphore_mem>>)
      %dma_wait3A = arith.constant 0 : i32
      %dma_wait3A_47 = tpu.memref_slice %arg12[%add3A_21, %dma_wait3A] : memref<10240x128xf32, #tpu.memory_space<vmem_shared>> -> memref<128x128xf32, #tpu.memory_space<vmem_shared>>
      %dma_wait3A_48 = arith.constant 0 : i32
      %dma_wait3A_49 = tpu.memref_slice %arg12[%add3A_21, %dma_wait3A_48] : memref<10240x128xf32, #tpu.memory_space<vmem_shared>> -> memref<128x128xf32, #tpu.memory_space<vmem_shared>>
      tpu.wait_dma2 semaphore(%run_scoped3A_42 : memref<!tpu.dma_semaphore, #tpu.memory_space<semaphore_mem>>) src(%arg10 : memref<128x128xf32, #tpu.memory_space<vmem>>) dst(%dma_wait3A_49 : memref<128x128xf32, #tpu.memory_space<vmem_shared>>)
      tpu.yield
    }) : () -> ()
    %mul3A_22 = arith.constant 640 : i32
    %mul3A_23 = arith.muli %arg1, %mul3A_22 : i32
    %add3A_24 = arith.constant 512 : i32
    %add3A_25 = arith.addi %mul3A_23, %add3A_24 : i32
    "tpu.region"() ({
      %run_scoped3A_42 = tpu.sem_alloc : memref<!tpu.dma_semaphore, #tpu.memory_space<semaphore_mem>>
      %dma_start3A_43 = arith.constant 0 : i32
      %dma_start3A_44 = tpu.memref_slice %arg12[%add3A_25, %dma_start3A_43] : memref<10240x128xf32, #tpu.memory_space<vmem_shared>> -> memref<128x128xf32, #tpu.memory_space<vmem_shared>>
      %dma_start3A_45 = arith.constant 0 : i32
      %dma_start3A_46 = tpu.memref_slice %arg12[%add3A_25, %dma_start3A_45] : memref<10240x128xf32, #tpu.memory_space<vmem_shared>> -> memref<128x128xf32, #tpu.memory_space<vmem_shared>>
      tpu.enqueue_dma source(%arg10 : memref<128x128xf32, #tpu.memory_space<vmem>>) target(%dma_start3A_46 : memref<128x128xf32, #tpu.memory_space<vmem_shared>>) target_semaphore(%run_scoped3A_42 : memref<!tpu.dma_semaphore, #tpu.memory_space<semaphore_mem>>)
      %dma_wait3A = arith.constant 0 : i32
      %dma_wait3A_47 = tpu.memref_slice %arg12[%add3A_25, %dma_wait3A] : memref<10240x128xf32, #tpu.memory_space<vmem_shared>> -> memref<128x128xf32, #tpu.memory_space<vmem_shared>>
      %dma_wait3A_48 = arith.constant 0 : i32
      %dma_wait3A_49 = tpu.memref_slice %arg12[%add3A_25, %dma_wait3A_48] : memref<10240x128xf32, #tpu.memory_space<vmem_shared>> -> memref<128x128xf32, #tpu.memory_space<vmem_shared>>
      tpu.wait_dma2 semaphore(%run_scoped3A_42 : memref<!tpu.dma_semaphore, #tpu.memory_space<semaphore_mem>>) src(%arg10 : memref<128x128xf32, #tpu.memory_space<vmem>>) dst(%dma_wait3A_49 : memref<128x128xf32, #tpu.memory_space<vmem_shared>>)
      tpu.yield
    }) : () -> ()
    %barrier3A = arith.constant 0 : index
    tpu.barrier barrier_id(%barrier3A)
    %run_scoped3A = arith.constant 0 : i32
    "tpu.region"() ({
      %run_scoped3A_42 = tpu.sem_alloc : memref<!tpu.dma_semaphore, #tpu.memory_space<semaphore_mem>>
      %dma_start3A_43 = arith.constant 0 : i32
      %dma_start3A_44 = tpu.memref_slice %arg3[%add3A, %run_scoped3A, %dma_start3A_43] : memref<32x80x128xi32, #tpu.memory_space<hbm>> -> memref<1x1x128xi32, #tpu.memory_space<hbm>>
      %dma_start3A_45 = tpu.memref_squeeze %dma_start3A_44 : memref<1x1x128xi32, #tpu.memory_space<hbm>> -> memref<128xi32, #tpu.memory_space<hbm>>
      %dma_start3A_46 = arith.constant 0 : i32
      %dma_start3A_47 = tpu.memref_slice %arg3[%add3A, %run_scoped3A, %dma_start3A_46] : memref<32x80x128xi32, #tpu.memory_space<hbm>> -> memref<1x1x128xi32, #tpu.memory_space<hbm>>
      %dma_start3A_48 = tpu.memref_squeeze %dma_start3A_47 : memref<1x1x128xi32, #tpu.memory_space<hbm>> -> memref<128xi32, #tpu.memory_space<hbm>>
      tpu.enqueue_dma source(%dma_start3A_48 : memref<128xi32, #tpu.memory_space<hbm>>) target(%arg6 : memref<128xi32, #tpu.memory_space<vmem>>) target_semaphore(%run_scoped3A_42 : memref<!tpu.dma_semaphore, #tpu.memory_space<semaphore_mem>>)
      %dma_wait3A = arith.constant 0 : i32
      %dma_wait3A_49 = tpu.memref_slice %arg3[%add3A, %run_scoped3A, %dma_wait3A] : memref<32x80x128xi32, #tpu.memory_space<hbm>> -> memref<1x1x128xi32, #tpu.memory_space<hbm>>
      %dma_wait3A_50 = tpu.memref_squeeze %dma_wait3A_49 : memref<1x1x128xi32, #tpu.memory_space<hbm>> -> memref<128xi32, #tpu.memory_space<hbm>>
      %dma_wait3A_51 = arith.constant 0 : i32
      %dma_wait3A_52 = tpu.memref_slice %arg3[%add3A, %run_scoped3A, %dma_wait3A_51] : memref<32x80x128xi32, #tpu.memory_space<hbm>> -> memref<1x1x128xi32, #tpu.memory_space<hbm>>
      %dma_wait3A_53 = tpu.memref_squeeze %dma_wait3A_52 : memref<1x1x128xi32, #tpu.memory_space<hbm>> -> memref<128xi32, #tpu.memory_space<hbm>>
      tpu.wait_dma2 semaphore(%run_scoped3A_42 : memref<!tpu.dma_semaphore, #tpu.memory_space<semaphore_mem>>) src(%dma_wait3A_53 : memref<128xi32, #tpu.memory_space<hbm>>) dst(%arg6 : memref<128xi32, #tpu.memory_space<vmem>>)
      tpu.yield
    }) : () -> ()
    %run_scoped3A_26 = arith.constant 0 : i32
    "tpu.region"() ({
      %run_scoped3A_42 = tpu.sem_alloc : memref<!tpu.dma_semaphore, #tpu.memory_space<semaphore_mem>>
      %dma_start3A_43 = arith.constant 0 : i32
      %dma_start3A_44 = tpu.memref_slice %arg4[%add3A, %run_scoped3A_26, %dma_start3A_43] : memref<32x80x128xi32, #tpu.memory_space<hbm>> -> memref<1x1x128xi32, #tpu.memory_space<hbm>>
      %dma_start3A_45 = tpu.memref_squeeze %dma_start3A_44 : memref<1x1x128xi32, #tpu.memory_space<hbm>> -> memref<128xi32, #tpu.memory_space<hbm>>
      %dma_start3A_46 = arith.constant 0 : i32
      %dma_start3A_47 = tpu.memref_slice %arg4[%add3A, %run_scoped3A_26, %dma_start3A_46] : memref<32x80x128xi32, #tpu.memory_space<hbm>> -> memref<1x1x128xi32, #tpu.memory_space<hbm>>
      %dma_start3A_48 = tpu.memref_squeeze %dma_start3A_47 : memref<1x1x128xi32, #tpu.memory_space<hbm>> -> memref<128xi32, #tpu.memory_space<hbm>>
      tpu.enqueue_dma source(%dma_start3A_48 : memref<128xi32, #tpu.memory_space<hbm>>) target(%arg7 : memref<128xi32, #tpu.memory_space<vmem>>) target_semaphore(%run_scoped3A_42 : memref<!tpu.dma_semaphore, #tpu.memory_space<semaphore_mem>>)
      %dma_wait3A = arith.constant 0 : i32
      %dma_wait3A_49 = tpu.memref_slice %arg4[%add3A, %run_scoped3A_26, %dma_wait3A] : memref<32x80x128xi32, #tpu.memory_space<hbm>> -> memref<1x1x128xi32, #tpu.memory_space<hbm>>
      %dma_wait3A_50 = tpu.memref_squeeze %dma_wait3A_49 : memref<1x1x128xi32, #tpu.memory_space<hbm>> -> memref<128xi32, #tpu.memory_space<hbm>>
      %dma_wait3A_51 = arith.constant 0 : i32
      %dma_wait3A_52 = tpu.memref_slice %arg4[%add3A, %run_scoped3A_26, %dma_wait3A_51] : memref<32x80x128xi32, #tpu.memory_space<hbm>> -> memref<1x1x128xi32, #tpu.memory_space<hbm>>
      %dma_wait3A_53 = tpu.memref_squeeze %dma_wait3A_52 : memref<1x1x128xi32, #tpu.memory_space<hbm>> -> memref<128xi32, #tpu.memory_space<hbm>>
      tpu.wait_dma2 semaphore(%run_scoped3A_42 : memref<!tpu.dma_semaphore, #tpu.memory_space<semaphore_mem>>) src(%dma_wait3A_53 : memref<128xi32, #tpu.memory_space<hbm>>) dst(%arg7 : memref<128xi32, #tpu.memory_space<vmem>>)
      tpu.yield
    }) : () -> ()
    %dma_start3A = arith.constant 0 : i32
    %dma_start3A_27 = arith.constant 0 : i32
    %dma_start3A_28 = tpu.memref_slice %arg2[%dma_start3A, %dma_start3A_27] : memref<10240x128xf32, #tpu.memory_space<hbm>> -> memref<10240x128xf32, #tpu.memory_space<hbm>>
    tpu.enqueue_indirect_dma source(%dma_start3A_28 : memref<10240x128xf32, #tpu.memory_space<hbm>>) target(%arg10 : memref<128x128xf32, #tpu.memory_space<vmem>>) offsets(%arg6 : memref<128xi32, #tpu.memory_space<vmem>>) semaphore(%arg13 : memref<!tpu.dma_semaphore, #tpu.memory_space<semaphore_mem>>)
    %scan3A_29 = arith.constant 0 : i32
    %scan3A_30 = arith.constant 40 : i32
    %scan3A_31 = arith.addi %scan3A_29, %scan3A_30 : i32
    %scan3A_32 = arith.constant 1 : i32
    scf.for %scan3A_42 = %scan3A_29 to %scan3A_31 step %scan3A_32  : i32 {
      %mul3A_43 = arith.constant 1 : i32
      %mul3A_44 = arith.muli %scan3A_42, %mul3A_43 : i32
      %add3A_45 = arith.constant 0 : i32
      %add3A_46 = arith.addi %add3A_45, %mul3A_44 : i32
      %mul3A_47 = arith.constant 2 : i32
      %mul3A_48 = arith.muli %mul3A_47, %add3A_46 : i32
      %add3A_49 = arith.constant 1 : i32
      %add3A_50 = arith.addi %mul3A_48, %add3A_49 : i32
      "tpu.region"() ({
        %run_scoped3A_65 = tpu.sem_alloc : memref<!tpu.dma_semaphore, #tpu.memory_space<semaphore_mem>>
        %dma_start3A_66 = arith.constant 0 : i32
        %dma_start3A_67 = tpu.memref_slice %arg3[%add3A, %add3A_50, %dma_start3A_66] : memref<32x80x128xi32, #tpu.memory_space<hbm>> -> memref<1x1x128xi32, #tpu.memory_space<hbm>>
        %dma_start3A_68 = tpu.memref_squeeze %dma_start3A_67 : memref<1x1x128xi32, #tpu.memory_space<hbm>> -> memref<128xi32, #tpu.memory_space<hbm>>
        %dma_start3A_69 = arith.constant 0 : i32
        %dma_start3A_70 = tpu.memref_slice %arg3[%add3A, %add3A_50, %dma_start3A_69] : memref<32x80x128xi32, #tpu.memory_space<hbm>> -> memref<1x1x128xi32, #tpu.memory_space<hbm>>
        %dma_start3A_71 = tpu.memref_squeeze %dma_start3A_70 : memref<1x1x128xi32, #tpu.memory_space<hbm>> -> memref<128xi32, #tpu.memory_space<hbm>>
        tpu.enqueue_dma source(%dma_start3A_71 : memref<128xi32, #tpu.memory_space<hbm>>) target(%arg8 : memref<128xi32, #tpu.memory_space<vmem>>) target_semaphore(%run_scoped3A_65 : memref<!tpu.dma_semaphore, #tpu.memory_space<semaphore_mem>>)
        %dma_wait3A_72 = arith.constant 0 : i32
        %dma_wait3A_73 = tpu.memref_slice %arg3[%add3A, %add3A_50, %dma_wait3A_72] : memref<32x80x128xi32, #tpu.memory_space<hbm>> -> memref<1x1x128xi32, #tpu.memory_space<hbm>>
        %dma_wait3A_74 = tpu.memref_squeeze %dma_wait3A_73 : memref<1x1x128xi32, #tpu.memory_space<hbm>> -> memref<128xi32, #tpu.memory_space<hbm>>
        %dma_wait3A_75 = arith.constant 0 : i32
        %dma_wait3A_76 = tpu.memref_slice %arg3[%add3A, %add3A_50, %dma_wait3A_75] : memref<32x80x128xi32, #tpu.memory_space<hbm>> -> memref<1x1x128xi32, #tpu.memory_space<hbm>>
        %dma_wait3A_77 = tpu.memref_squeeze %dma_wait3A_76 : memref<1x1x128xi32, #tpu.memory_space<hbm>> -> memref<128xi32, #tpu.memory_space<hbm>>
        tpu.wait_dma2 semaphore(%run_scoped3A_65 : memref<!tpu.dma_semaphore, #tpu.memory_space<semaphore_mem>>) src(%dma_wait3A_77 : memref<128xi32, #tpu.memory_space<hbm>>) dst(%arg8 : memref<128xi32, #tpu.memory_space<vmem>>)
        tpu.yield
      }) : () -> ()
      %add3A_51 = arith.constant 1 : i32
      %add3A_52 = arith.addi %mul3A_48, %add3A_51 : i32
      "tpu.region"() ({
        %run_scoped3A_65 = tpu.sem_alloc : memref<!tpu.dma_semaphore, #tpu.memory_space<semaphore_mem>>
        %dma_start3A_66 = arith.constant 0 : i32
        %dma_start3A_67 = tpu.memref_slice %arg4[%add3A, %add3A_52, %dma_start3A_66] : memref<32x80x128xi32, #tpu.memory_space<hbm>> -> memref<1x1x128xi32, #tpu.memory_space<hbm>>
        %dma_start3A_68 = tpu.memref_squeeze %dma_start3A_67 : memref<1x1x128xi32, #tpu.memory_space<hbm>> -> memref<128xi32, #tpu.memory_space<hbm>>
        %dma_start3A_69 = arith.constant 0 : i32
        %dma_start3A_70 = tpu.memref_slice %arg4[%add3A, %add3A_52, %dma_start3A_69] : memref<32x80x128xi32, #tpu.memory_space<hbm>> -> memref<1x1x128xi32, #tpu.memory_space<hbm>>
        %dma_start3A_71 = tpu.memref_squeeze %dma_start3A_70 : memref<1x1x128xi32, #tpu.memory_space<hbm>> -> memref<128xi32, #tpu.memory_space<hbm>>
        tpu.enqueue_dma source(%dma_start3A_71 : memref<128xi32, #tpu.memory_space<hbm>>) target(%arg9 : memref<128xi32, #tpu.memory_space<vmem>>) target_semaphore(%run_scoped3A_65 : memref<!tpu.dma_semaphore, #tpu.memory_space<semaphore_mem>>)
        %dma_wait3A_72 = arith.constant 0 : i32
        %dma_wait3A_73 = tpu.memref_slice %arg4[%add3A, %add3A_52, %dma_wait3A_72] : memref<32x80x128xi32, #tpu.memory_space<hbm>> -> memref<1x1x128xi32, #tpu.memory_space<hbm>>
        %dma_wait3A_74 = tpu.memref_squeeze %dma_wait3A_73 : memref<1x1x128xi32, #tpu.memory_space<hbm>> -> memref<128xi32, #tpu.memory_space<hbm>>
        %dma_wait3A_75 = arith.constant 0 : i32
        %dma_wait3A_76 = tpu.memref_slice %arg4[%add3A, %add3A_52, %dma_wait3A_75] : memref<32x80x128xi32, #tpu.memory_space<hbm>> -> memref<1x1x128xi32, #tpu.memory_space<hbm>>
        %dma_wait3A_77 = tpu.memref_squeeze %dma_wait3A_76 : memref<1x1x128xi32, #tpu.memory_space<hbm>> -> memref<128xi32, #tpu.memory_space<hbm>>
        tpu.wait_dma2 semaphore(%run_scoped3A_65 : memref<!tpu.dma_semaphore, #tpu.memory_space<semaphore_mem>>) src(%dma_wait3A_77 : memref<128xi32, #tpu.memory_space<hbm>>) dst(%arg9 : memref<128xi32, #tpu.memory_space<vmem>>)
        tpu.yield
      }) : () -> ()
      %dma_start3A_53 = arith.constant 0 : i32
      %dma_start3A_54 = arith.constant 0 : i32
      %dma_start3A_55 = tpu.memref_slice %arg2[%dma_start3A_53, %dma_start3A_54] : memref<10240x128xf32, #tpu.memory_space<hbm>> -> memref<10240x128xf32, #tpu.memory_space<hbm>>
      tpu.enqueue_indirect_dma source(%dma_start3A_55 : memref<10240x128xf32, #tpu.memory_space<hbm>>) target(%arg11 : memref<128x128xf32, #tpu.memory_space<vmem>>) offsets(%arg8 : memref<128xi32, #tpu.memory_space<vmem>>) semaphore(%arg14 : memref<!tpu.dma_semaphore, #tpu.memory_space<semaphore_mem>>)
      %dma_wait3A = arith.constant 0 : i32
      %dma_wait3A_56 = arith.constant 0 : i32
      %dma_wait3A_57 = tpu.memref_slice %arg2[%dma_wait3A, %dma_wait3A_56] : memref<10240x128xf32, #tpu.memory_space<hbm>> -> memref<10240x128xf32, #tpu.memory_space<hbm>>
      tpu.wait_indirect_dma semaphore(%arg13 : memref<!tpu.dma_semaphore, #tpu.memory_space<semaphore_mem>>) src(%dma_wait3A_57 : memref<10240x128xf32, #tpu.memory_space<hbm>>) dst(%arg10 : memref<128x128xf32, #tpu.memory_space<vmem>>)
      "tpu.region"() ({
        %run_scoped3A_65 = tpu.sem_alloc : memref<!tpu.dma_semaphore, #tpu.memory_space<semaphore_mem>>
        %dma_start3A_66 = arith.constant 0 : i32
        %dma_start3A_67 = arith.constant 0 : i32
        %dma_start3A_68 = tpu.memref_slice %arg12[%dma_start3A_66, %dma_start3A_67] : memref<10240x128xf32, #tpu.memory_space<vmem_shared>> -> memref<10240x128xf32, #tpu.memory_space<vmem_shared>>
        tpu.enqueue_indirect_dma source(%arg10 : memref<128x128xf32, #tpu.memory_space<vmem>>) target(%dma_start3A_68 : memref<10240x128xf32, #tpu.memory_space<vmem_shared>>) offsets(%arg7 : memref<128xi32, #tpu.memory_space<vmem>>) semaphore(%run_scoped3A_65 : memref<!tpu.dma_semaphore, #tpu.memory_space<semaphore_mem>>) {add = true}
        %dma_wait3A_69 = arith.constant 0 : i32
        %dma_wait3A_70 = arith.constant 0 : i32
        %dma_wait3A_71 = tpu.memref_slice %arg12[%dma_wait3A_69, %dma_wait3A_70] : memref<10240x128xf32, #tpu.memory_space<vmem_shared>> -> memref<10240x128xf32, #tpu.memory_space<vmem_shared>>
        tpu.wait_indirect_dma semaphore(%run_scoped3A_65 : memref<!tpu.dma_semaphore, #tpu.memory_space<semaphore_mem>>) src(%arg10 : memref<128x128xf32, #tpu.memory_space<vmem>>) dst(%dma_wait3A_71 : memref<10240x128xf32, #tpu.memory_space<vmem_shared>>)
        tpu.yield
      }) : () -> ()
      %add3A_58 = arith.constant 2 : i32
      %add3A_59 = arith.addi %mul3A_48, %add3A_58 : i32
      %lt3A = arith.constant 80 : i32
      %lt3A_60 = arith.cmpi slt, %add3A_59, %lt3A : i32
      %convert_element_type3A = arith.extui %lt3A_60 : i1 to i32
      %cond3A = arith.constant 0 : i32
      %cond3A_61 = arith.cmpi ne, %convert_element_type3A, %cond3A : i32
      scf.if %cond3A_61 {
        %add3A_65 = arith.constant 2 : i32
        %add3A_66 = arith.addi %mul3A_48, %add3A_65 : i32
        "tpu.region"() ({
          %run_scoped3A_72 = tpu.sem_alloc : memref<!tpu.dma_semaphore, #tpu.memory_space<semaphore_mem>>
          %dma_start3A_73 = arith.constant 0 : i32
          %dma_start3A_74 = tpu.memref_slice %arg3[%add3A, %add3A_66, %dma_start3A_73] : memref<32x80x128xi32, #tpu.memory_space<hbm>> -> memref<1x1x128xi32, #tpu.memory_space<hbm>>
          %dma_start3A_75 = tpu.memref_squeeze %dma_start3A_74 : memref<1x1x128xi32, #tpu.memory_space<hbm>> -> memref<128xi32, #tpu.memory_space<hbm>>
          %dma_start3A_76 = arith.constant 0 : i32
          %dma_start3A_77 = tpu.memref_slice %arg3[%add3A, %add3A_66, %dma_start3A_76] : memref<32x80x128xi32, #tpu.memory_space<hbm>> -> memref<1x1x128xi32, #tpu.memory_space<hbm>>
          %dma_start3A_78 = tpu.memref_squeeze %dma_start3A_77 : memref<1x1x128xi32, #tpu.memory_space<hbm>> -> memref<128xi32, #tpu.memory_space<hbm>>
          tpu.enqueue_dma source(%dma_start3A_78 : memref<128xi32, #tpu.memory_space<hbm>>) target(%arg6 : memref<128xi32, #tpu.memory_space<vmem>>) target_semaphore(%run_scoped3A_72 : memref<!tpu.dma_semaphore, #tpu.memory_space<semaphore_mem>>)
          %dma_wait3A_79 = arith.constant 0 : i32
          %dma_wait3A_80 = tpu.memref_slice %arg3[%add3A, %add3A_66, %dma_wait3A_79] : memref<32x80x128xi32, #tpu.memory_space<hbm>> -> memref<1x1x128xi32, #tpu.memory_space<hbm>>
          %dma_wait3A_81 = tpu.memref_squeeze %dma_wait3A_80 : memref<1x1x128xi32, #tpu.memory_space<hbm>> -> memref<128xi32, #tpu.memory_space<hbm>>
          %dma_wait3A_82 = arith.constant 0 : i32
          %dma_wait3A_83 = tpu.memref_slice %arg3[%add3A, %add3A_66, %dma_wait3A_82] : memref<32x80x128xi32, #tpu.memory_space<hbm>> -> memref<1x1x128xi32, #tpu.memory_space<hbm>>
          %dma_wait3A_84 = tpu.memref_squeeze %dma_wait3A_83 : memref<1x1x128xi32, #tpu.memory_space<hbm>> -> memref<128xi32, #tpu.memory_space<hbm>>
          tpu.wait_dma2 semaphore(%run_scoped3A_72 : memref<!tpu.dma_semaphore, #tpu.memory_space<semaphore_mem>>) src(%dma_wait3A_84 : memref<128xi32, #tpu.memory_space<hbm>>) dst(%arg6 : memref<128xi32, #tpu.memory_space<vmem>>)
          tpu.yield
        }) : () -> ()
        %add3A_67 = arith.constant 2 : i32
        %add3A_68 = arith.addi %mul3A_48, %add3A_67 : i32
        "tpu.region"() ({
          %run_scoped3A_72 = tpu.sem_alloc : memref<!tpu.dma_semaphore, #tpu.memory_space<semaphore_mem>>
          %dma_start3A_73 = arith.constant 0 : i32
          %dma_start3A_74 = tpu.memref_slice %arg4[%add3A, %add3A_68, %dma_start3A_73] : memref<32x80x128xi32, #tpu.memory_space<hbm>> -> memref<1x1x128xi32, #tpu.memory_space<hbm>>
          %dma_start3A_75 = tpu.memref_squeeze %dma_start3A_74 : memref<1x1x128xi32, #tpu.memory_space<hbm>> -> memref<128xi32, #tpu.memory_space<hbm>>
          %dma_start3A_76 = arith.constant 0 : i32
          %dma_start3A_77 = tpu.memref_slice %arg4[%add3A, %add3A_68, %dma_start3A_76] : memref<32x80x128xi32, #tpu.memory_space<hbm>> -> memref<1x1x128xi32, #tpu.memory_space<hbm>>
          %dma_start3A_78 = tpu.memref_squeeze %dma_start3A_77 : memref<1x1x128xi32, #tpu.memory_space<hbm>> -> memref<128xi32, #tpu.memory_space<hbm>>
          tpu.enqueue_dma source(%dma_start3A_78 : memref<128xi32, #tpu.memory_space<hbm>>) target(%arg7 : memref<128xi32, #tpu.memory_space<vmem>>) target_semaphore(%run_scoped3A_72 : memref<!tpu.dma_semaphore, #tpu.memory_space<semaphore_mem>>)
          %dma_wait3A_79 = arith.constant 0 : i32
          %dma_wait3A_80 = tpu.memref_slice %arg4[%add3A, %add3A_68, %dma_wait3A_79] : memref<32x80x128xi32, #tpu.memory_space<hbm>> -> memref<1x1x128xi32, #tpu.memory_space<hbm>>
          %dma_wait3A_81 = tpu.memref_squeeze %dma_wait3A_80 : memref<1x1x128xi32, #tpu.memory_space<hbm>> -> memref<128xi32, #tpu.memory_space<hbm>>
          %dma_wait3A_82 = arith.constant 0 : i32
          %dma_wait3A_83 = tpu.memref_slice %arg4[%add3A, %add3A_68, %dma_wait3A_82] : memref<32x80x128xi32, #tpu.memory_space<hbm>> -> memref<1x1x128xi32, #tpu.memory_space<hbm>>
          %dma_wait3A_84 = tpu.memref_squeeze %dma_wait3A_83 : memref<1x1x128xi32, #tpu.memory_space<hbm>> -> memref<128xi32, #tpu.memory_space<hbm>>
          tpu.wait_dma2 semaphore(%run_scoped3A_72 : memref<!tpu.dma_semaphore, #tpu.memory_space<semaphore_mem>>) src(%dma_wait3A_84 : memref<128xi32, #tpu.memory_space<hbm>>) dst(%arg7 : memref<128xi32, #tpu.memory_space<vmem>>)
          tpu.yield
        }) : () -> ()
        %dma_start3A_69 = arith.constant 0 : i32
        %dma_start3A_70 = arith.constant 0 : i32
        %dma_start3A_71 = tpu.memref_slice %arg2[%dma_start3A_69, %dma_start3A_70] : memref<10240x128xf32, #tpu.memory_space<hbm>> -> memref<10240x128xf32, #tpu.memory_space<hbm>>
        tpu.enqueue_indirect_dma source(%dma_start3A_71 : memref<10240x128xf32, #tpu.memory_space<hbm>>) target(%arg10 : memref<128x128xf32, #tpu.memory_space<vmem>>) offsets(%arg6 : memref<128xi32, #tpu.memory_space<vmem>>) semaphore(%arg13 : memref<!tpu.dma_semaphore, #tpu.memory_space<semaphore_mem>>)
      } else {
      }
      %dma_wait3A_62 = arith.constant 0 : i32
      %dma_wait3A_63 = arith.constant 0 : i32
      %dma_wait3A_64 = tpu.memref_slice %arg2[%dma_wait3A_62, %dma_wait3A_63] : memref<10240x128xf32, #tpu.memory_space<hbm>> -> memref<10240x128xf32, #tpu.memory_space<hbm>>
      tpu.wait_indirect_dma semaphore(%arg14 : memref<!tpu.dma_semaphore, #tpu.memory_space<semaphore_mem>>) src(%dma_wait3A_64 : memref<10240x128xf32, #tpu.memory_space<hbm>>) dst(%arg11 : memref<128x128xf32, #tpu.memory_space<vmem>>)
      "tpu.region"() ({
        %run_scoped3A_65 = tpu.sem_alloc : memref<!tpu.dma_semaphore, #tpu.memory_space<semaphore_mem>>
        %dma_start3A_66 = arith.constant 0 : i32
        %dma_start3A_67 = arith.constant 0 : i32
        %dma_start3A_68 = tpu.memref_slice %arg12[%dma_start3A_66, %dma_start3A_67] : memref<10240x128xf32, #tpu.memory_space<vmem_shared>> -> memref<10240x128xf32, #tpu.memory_space<vmem_shared>>
        tpu.enqueue_indirect_dma source(%arg11 : memref<128x128xf32, #tpu.memory_space<vmem>>) target(%dma_start3A_68 : memref<10240x128xf32, #tpu.memory_space<vmem_shared>>) offsets(%arg9 : memref<128xi32, #tpu.memory_space<vmem>>) semaphore(%run_scoped3A_65 : memref<!tpu.dma_semaphore, #tpu.memory_space<semaphore_mem>>) {add = true}
        %dma_wait3A_69 = arith.constant 0 : i32
        %dma_wait3A_70 = arith.constant 0 : i32
        %dma_wait3A_71 = tpu.memref_slice %arg12[%dma_wait3A_69, %dma_wait3A_70] : memref<10240x128xf32, #tpu.memory_space<vmem_shared>> -> memref<10240x128xf32, #tpu.memory_space<vmem_shared>>
        tpu.wait_indirect_dma semaphore(%run_scoped3A_65 : memref<!tpu.dma_semaphore, #tpu.memory_space<semaphore_mem>>) src(%arg11 : memref<128x128xf32, #tpu.memory_space<vmem>>) dst(%dma_wait3A_71 : memref<10240x128xf32, #tpu.memory_space<vmem_shared>>)
        tpu.yield
      }) : () -> ()
    }
    %scan3A_33 = arith.constant 40 : i32
    %barrier3A_34 = arith.constant 0 : index
    tpu.barrier barrier_id(%barrier3A_34)
    %mul3A_35 = arith.constant 640 : i32
    %mul3A_36 = arith.muli %arg1, %mul3A_35 : i32
    %mul3A_37 = arith.constant 10240 : i32
    %mul3A_38 = arith.muli %arg0, %mul3A_37 : i32
    %mul3A_39 = arith.constant 640 : i32
    %mul3A_40 = arith.muli %arg1, %mul3A_39 : i32
    %add3A_41 = arith.addi %mul3A_38, %mul3A_40 : i32
    "tpu.region"() ({
      %run_scoped3A_42 = tpu.sem_alloc : memref<!tpu.dma_semaphore, #tpu.memory_space<semaphore_mem>>
      %dma_start3A_43 = arith.constant 0 : i32
      %dma_start3A_44 = tpu.memref_slice %arg5[%add3A_41, %dma_start3A_43] : memref<20480x128xf32, #tpu.memory_space<hbm>> -> memref<640x128xf32, #tpu.memory_space<hbm>>
      %dma_start3A_45 = arith.constant 0 : i32
      %dma_start3A_46 = tpu.memref_slice %arg12[%mul3A_36, %dma_start3A_45] : memref<10240x128xf32, #tpu.memory_space<vmem_shared>> -> memref<640x128xf32, #tpu.memory_space<vmem_shared>>
      tpu.enqueue_dma source(%dma_start3A_46 : memref<640x128xf32, #tpu.memory_space<vmem_shared>>) target(%dma_start3A_44 : memref<640x128xf32, #tpu.memory_space<hbm>>) target_semaphore(%run_scoped3A_42 : memref<!tpu.dma_semaphore, #tpu.memory_space<semaphore_mem>>)
      %dma_wait3A = arith.constant 0 : i32
      %dma_wait3A_47 = tpu.memref_slice %arg5[%add3A_41, %dma_wait3A] : memref<20480x128xf32, #tpu.memory_space<hbm>> -> memref<640x128xf32, #tpu.memory_space<hbm>>
      %dma_wait3A_48 = arith.constant 0 : i32
      %dma_wait3A_49 = tpu.memref_slice %arg12[%mul3A_36, %dma_wait3A_48] : memref<10240x128xf32, #tpu.memory_space<vmem_shared>> -> memref<640x128xf32, #tpu.memory_space<vmem_shared>>
      tpu.wait_dma2 semaphore(%run_scoped3A_42 : memref<!tpu.dma_semaphore, #tpu.memory_space<semaphore_mem>>) src(%dma_wait3A_49 : memref<640x128xf32, #tpu.memory_space<vmem_shared>>) dst(%dma_wait3A_47 : memref<640x128xf32, #tpu.memory_space<hbm>>)
      tpu.yield
    }) : () -> ()
    return
  }
}

#map = affine_map<(d0, d1) -> (0, 0)>
#map1 = affine_map<(d0, d1) -> (0, 0, 0)>
module attributes {stable_mosaic.version = 14 : i64} {
  func.func @_prop_body(%arg0: i32, %arg1: i32, %arg2: memref<10240x128xf32, #tpu.memory_space<hbm>>, %arg3: memref<32x80x128xi32, #tpu.memory_space<hbm>>, %arg4: memref<32x80x128xi32, #tpu.memory_space<hbm>>, %arg5: memref<20480x128xf32, #tpu.memory_space<hbm>>, %arg6: memref<128xi32, #tpu.memory_space<vmem>>, %arg7: memref<128xi32, #tpu.memory_space<vmem>>, %arg8: memref<128xi32, #tpu.memory_space<vmem>>, %arg9: memref<128xi32, #tpu.memory_space<vmem>>, %arg10: memref<128x128xf32, #tpu.memory_space<vmem>>, %arg11: memref<128x128xf32, #tpu.memory_space<vmem>>, %arg12: memref<10240x128xf32, #tpu.memory_space<vmem_shared>>, %arg13: memref<!tpu.dma_semaphore, #tpu.memory_space<semaphore_mem>>, %arg14: memref<!tpu.dma_semaphore, #tpu.memory_space<semaphore_mem>>) attributes {dimension_semantics = [#tpu.dimension_semantics<core_parallel>, #tpu.dimension_semantics<subcore_parallel>], iteration_bounds = array<i64: 2, 16>, scalar_prefetch = 0 : i64, scratch_operands = 9 : i64, tpu.core_type = #tpu.core_type<sc_vector_subcore>, window_params = [{transform_indices = #map}, {transform_indices = #map1}, {transform_indices = #map1}, {transform_indices = #map}]} {
    %mul3A = arith.constant 16 : i32
    %mul3A_0 = arith.muli %arg0, %mul3A : i32
    %add3A = arith.addi %mul3A_0, %arg1 : i32
    %broadcast_in_dim3A = arith.constant 0.000000e+00 : f32
    %broadcast_in_dim3A_1 = vector.broadcast %broadcast_in_dim3A : f32 to vector<16xf32>
    %scan3A = arith.constant 0 : i32
    %scan3A_2 = arith.constant 128 : i32
    %scan3A_3 = arith.addi %scan3A, %scan3A_2 : i32
    %scan3A_4 = arith.constant 1 : i32
    scf.for %scan3A_42 = %scan3A to %scan3A_3 step %scan3A_4  : i32 {
      %swap3A = arith.index_cast %scan3A_42 : i32 to index
      %swap3A_43 = arith.constant 0 : index
      %swap3A_44 = tpu.vector_load %arg10[%swap3A, %swap3A_43] {strides = array<i32>} : memref<128x128xf32, #tpu.memory_space<vmem>>, vector<1x16xf32>,
      %swap3A_45 = vector.shape_cast %swap3A_44 : vector<1x16xf32> to vector<16xf32>
      %swap3A_46 = vector.shape_cast %broadcast_in_dim3A_1 : vector<16xf32> to vector<1x16xf32>
      tpu.vector_store %arg10[%swap3A, %swap3A_43], %swap3A_46 {strides = array<i32>} : memref<128x128xf32, #tpu.memory_space<vmem>>, vector<1x16xf32>,
      %swap3A_47 = arith.index_cast %scan3A_42 : i32 to index
      %swap3A_48 = arith.constant 16 : index
      %swap3A_49 = tpu.vector_load %arg10[%swap3A_47, %swap3A_48] {strides = array<i32>} : memref<128x128xf32, #tpu.memory_space<vmem>>, vector<1x16xf32>,
      %swap3A_50 = vector.shape_cast %swap3A_49 : vector<1x16xf32> to vector<16xf32>
      %swap3A_51 = vector.shape_cast %broadcast_in_dim3A_1 : vector<16xf32> to vector<1x16xf32>
      tpu.vector_store %arg10[%swap3A_47, %swap3A_48], %swap3A_51 {strides = array<i32>} : memref<128x128xf32, #tpu.memory_space<vmem>>, vector<1x16xf32>,
      %swap3A_52 = arith.index_cast %scan3A_42 : i32 to index
      %swap3A_53 = arith.constant 32 : index
      %swap3A_54 = tpu.vector_load %arg10[%swap3A_52, %swap3A_53] {strides = array<i32>} : memref<128x128xf32, #tpu.memory_space<vmem>>, vector<1x16xf32>,
      %swap3A_55 = vector.shape_cast %swap3A_54 : vector<1x16xf32> to vector<16xf32>
      %swap3A_56 = vector.shape_cast %broadcast_in_dim3A_1 : vector<16xf32> to vector<1x16xf32>
      tpu.vector_store %arg10[%swap3A_52, %swap3A_53], %swap3A_56 {strides = array<i32>} : memref<128x128xf32, #tpu.memory_space<vmem>>, vector<1x16xf32>,
      %swap3A_57 = arith.index_cast %scan3A_42 : i32 to index
      %swap3A_58 = arith.constant 48 : index
      %swap3A_59 = tpu.vector_load %arg10[%swap3A_57, %swap3A_58] {strides = array<i32>} : memref<128x128xf32, #tpu.memory_space<vmem>>, vector<1x16xf32>,
      %swap3A_60 = vector.shape_cast %swap3A_59 : vector<1x16xf32> to vector<16xf32>
      %swap3A_61 = vector.shape_cast %broadcast_in_dim3A_1 : vector<16xf32> to vector<1x16xf32>
      tpu.vector_store %arg10[%swap3A_57, %swap3A_58], %swap3A_61 {strides = array<i32>} : memref<128x128xf32, #tpu.memory_space<vmem>>, vector<1x16xf32>,
      %swap3A_62 = arith.index_cast %scan3A_42 : i32 to index
      %swap3A_63 = arith.constant 64 : index
      %swap3A_64 = tpu.vector_load %arg10[%swap3A_62, %swap3A_63] {strides = array<i32>} : memref<128x128xf32, #tpu.memory_space<vmem>>, vector<1x16xf32>,
      %swap3A_65 = vector.shape_cast %swap3A_64 : vector<1x16xf32> to vector<16xf32>
      %swap3A_66 = vector.shape_cast %broadcast_in_dim3A_1 : vector<16xf32> to vector<1x16xf32>
      tpu.vector_store %arg10[%swap3A_62, %swap3A_63], %swap3A_66 {strides = array<i32>} : memref<128x128xf32, #tpu.memory_space<vmem>>, vector<1x16xf32>,
      %swap3A_67 = arith.index_cast %scan3A_42 : i32 to index
      %swap3A_68 = arith.constant 80 : index
      %swap3A_69 = tpu.vector_load %arg10[%swap3A_67, %swap3A_68] {strides = array<i32>} : memref<128x128xf32, #tpu.memory_space<vmem>>, vector<1x16xf32>,
      %swap3A_70 = vector.shape_cast %swap3A_69 : vector<1x16xf32> to vector<16xf32>
      %swap3A_71 = vector.shape_cast %broadcast_in_dim3A_1 : vector<16xf32> to vector<1x16xf32>
      tpu.vector_store %arg10[%swap3A_67, %swap3A_68], %swap3A_71 {strides = array<i32>} : memref<128x128xf32, #tpu.memory_space<vmem>>, vector<1x16xf32>,
      %swap3A_72 = arith.index_cast %scan3A_42 : i32 to index
      %swap3A_73 = arith.constant 96 : index
      %swap3A_74 = tpu.vector_load %arg10[%swap3A_72, %swap3A_73] {strides = array<i32>} : memref<128x128xf32, #tpu.memory_space<vmem>>, vector<1x16xf32>,
      %swap3A_75 = vector.shape_cast %swap3A_74 : vector<1x16xf32> to vector<16xf32>
      %swap3A_76 = vector.shape_cast %broadcast_in_dim3A_1 : vector<16xf32> to vector<1x16xf32>
      tpu.vector_store %arg10[%swap3A_72, %swap3A_73], %swap3A_76 {strides = array<i32>} : memref<128x128xf32, #tpu.memory_space<vmem>>, vector<1x16xf32>,
      %swap3A_77 = arith.index_cast %scan3A_42 : i32 to index
      %swap3A_78 = arith.constant 112 : index
      %swap3A_79 = tpu.vector_load %arg10[%swap3A_77, %swap3A_78] {strides = array<i32>} : memref<128x128xf32, #tpu.memory_space<vmem>>, vector<1x16xf32>,
      %swap3A_80 = vector.shape_cast %swap3A_79 : vector<1x16xf32> to vector<16xf32>
      %swap3A_81 = vector.shape_cast %broadcast_in_dim3A_1 : vector<16xf32> to vector<1x16xf32>
      tpu.vector_store %arg10[%swap3A_77, %swap3A_78], %swap3A_81 {strides = array<i32>} : memref<128x128xf32, #tpu.memory_space<vmem>>, vector<1x16xf32>,
    }
    %scan3A_5 = arith.constant 128 : i32
    %mul3A_6 = arith.constant 640 : i32
    %mul3A_7 = arith.muli %arg1, %mul3A_6 : i32
    %add3A_8 = arith.constant 0 : i32
    %add3A_9 = arith.addi %mul3A_7, %add3A_8 : i32
    "tpu.region"() ({
      %run_scoped3A_42 = tpu.sem_alloc : memref<!tpu.dma_semaphore, #tpu.memory_space<semaphore_mem>>
      %dma_start3A_43 = arith.constant 0 : i32
      %dma_start3A_44 = tpu.memref_slice %arg12[%add3A_9, %dma_start3A_43] : memref<10240x128xf32, #tpu.memory_space<vmem_shared>> -> memref<128x128xf32, #tpu.memory_space<vmem_shared>>
      %dma_start3A_45 = arith.constant 0 : i32
      %dma_start3A_46 = tpu.memref_slice %arg12[%add3A_9, %dma_start3A_45] : memref<10240x128xf32, #tpu.memory_space<vmem_shared>> -> memref<128x128xf32, #tpu.memory_space<vmem_shared>>
      tpu.enqueue_dma source(%arg10 : memref<128x128xf32, #tpu.memory_space<vmem>>) target(%dma_start3A_46 : memref<128x128xf32, #tpu.memory_space<vmem_shared>>) target_semaphore(%run_scoped3A_42 : memref<!tpu.dma_semaphore, #tpu.memory_space<semaphore_mem>>)
      %dma_wait3A = arith.constant 0 : i32
      %dma_wait3A_47 = tpu.memref_slice %arg12[%add3A_9, %dma_wait3A] : memref<10240x128xf32, #tpu.memory_space<vmem_shared>> -> memref<128x128xf32, #tpu.memory_space<vmem_shared>>
      %dma_wait3A_48 = arith.constant 0 : i32
      %dma_wait3A_49 = tpu.memref_slice %arg12[%add3A_9, %dma_wait3A_48] : memref<10240x128xf32, #tpu.memory_space<vmem_shared>> -> memref<128x128xf32, #tpu.memory_space<vmem_shared>>
      tpu.wait_dma2 semaphore(%run_scoped3A_42 : memref<!tpu.dma_semaphore, #tpu.memory_space<semaphore_mem>>) src(%arg10 : memref<128x128xf32, #tpu.memory_space<vmem>>) dst(%dma_wait3A_49 : memref<128x128xf32, #tpu.memory_space<vmem_shared>>)
      tpu.yield
    }) : () -> ()
    %mul3A_10 = arith.constant 640 : i32
    %mul3A_11 = arith.muli %arg1, %mul3A_10 : i32
    %add3A_12 = arith.constant 128 : i32
    %add3A_13 = arith.addi %mul3A_11, %add3A_12 : i32
    "tpu.region"() ({
      %run_scoped3A_42 = tpu.sem_alloc : memref<!tpu.dma_semaphore, #tpu.memory_space<semaphore_mem>>
      %dma_start3A_43 = arith.constant 0 : i32
      %dma_start3A_44 = tpu.memref_slice %arg12[%add3A_13, %dma_start3A_43] : memref<10240x128xf32, #tpu.memory_space<vmem_shared>> -> memref<128x128xf32, #tpu.memory_space<vmem_shared>>
      %dma_start3A_45 = arith.constant 0 : i32
      %dma_start3A_46 = tpu.memref_slice %arg12[%add3A_13, %dma_start3A_45] : memref<10240x128xf32, #tpu.memory_space<vmem_shared>> -> memref<128x128xf32, #tpu.memory_space<vmem_shared>>
      tpu.enqueue_dma source(%arg10 : memref<128x128xf32, #tpu.memory_space<vmem>>) target(%dma_start3A_46 : memref<128x128xf32, #tpu.memory_space<vmem_shared>>) target_semaphore(%run_scoped3A_42 : memref<!tpu.dma_semaphore, #tpu.memory_space<semaphore_mem>>)
      %dma_wait3A = arith.constant 0 : i32
      %dma_wait3A_47 = tpu.memref_slice %arg12[%add3A_13, %dma_wait3A] : memref<10240x128xf32, #tpu.memory_space<vmem_shared>> -> memref<128x128xf32, #tpu.memory_space<vmem_shared>>
      %dma_wait3A_48 = arith.constant 0 : i32
      %dma_wait3A_49 = tpu.memref_slice %arg12[%add3A_13, %dma_wait3A_48] : memref<10240x128xf32, #tpu.memory_space<vmem_shared>> -> memref<128x128xf32, #tpu.memory_space<vmem_shared>>
      tpu.wait_dma2 semaphore(%run_scoped3A_42 : memref<!tpu.dma_semaphore, #tpu.memory_space<semaphore_mem>>) src(%arg10 : memref<128x128xf32, #tpu.memory_space<vmem>>) dst(%dma_wait3A_49 : memref<128x128xf32, #tpu.memory_space<vmem_shared>>)
      tpu.yield
    }) : () -> ()
    %mul3A_14 = arith.constant 640 : i32
    %mul3A_15 = arith.muli %arg1, %mul3A_14 : i32
    %add3A_16 = arith.constant 256 : i32
    %add3A_17 = arith.addi %mul3A_15, %add3A_16 : i32
    "tpu.region"() ({
      %run_scoped3A_42 = tpu.sem_alloc : memref<!tpu.dma_semaphore, #tpu.memory_space<semaphore_mem>>
      %dma_start3A_43 = arith.constant 0 : i32
      %dma_start3A_44 = tpu.memref_slice %arg12[%add3A_17, %dma_start3A_43] : memref<10240x128xf32, #tpu.memory_space<vmem_shared>> -> memref<128x128xf32, #tpu.memory_space<vmem_shared>>
      %dma_start3A_45 = arith.constant 0 : i32
      %dma_start3A_46 = tpu.memref_slice %arg12[%add3A_17, %dma_start3A_45] : memref<10240x128xf32, #tpu.memory_space<vmem_shared>> -> memref<128x128xf32, #tpu.memory_space<vmem_shared>>
      tpu.enqueue_dma source(%arg10 : memref<128x128xf32, #tpu.memory_space<vmem>>) target(%dma_start3A_46 : memref<128x128xf32, #tpu.memory_space<vmem_shared>>) target_semaphore(%run_scoped3A_42 : memref<!tpu.dma_semaphore, #tpu.memory_space<semaphore_mem>>)
      %dma_wait3A = arith.constant 0 : i32
      %dma_wait3A_47 = tpu.memref_slice %arg12[%add3A_17, %dma_wait3A] : memref<10240x128xf32, #tpu.memory_space<vmem_shared>> -> memref<128x128xf32, #tpu.memory_space<vmem_shared>>
      %dma_wait3A_48 = arith.constant 0 : i32
      %dma_wait3A_49 = tpu.memref_slice %arg12[%add3A_17, %dma_wait3A_48] : memref<10240x128xf32, #tpu.memory_space<vmem_shared>> -> memref<128x128xf32, #tpu.memory_space<vmem_shared>>
      tpu.wait_dma2 semaphore(%run_scoped3A_42 : memref<!tpu.dma_semaphore, #tpu.memory_space<semaphore_mem>>) src(%arg10 : memref<128x128xf32, #tpu.memory_space<vmem>>) dst(%dma_wait3A_49 : memref<128x128xf32, #tpu.memory_space<vmem_shared>>)
      tpu.yield
    }) : () -> ()
    %mul3A_18 = arith.constant 640 : i32
    %mul3A_19 = arith.muli %arg1, %mul3A_18 : i32
    %add3A_20 = arith.constant 384 : i32
    %add3A_21 = arith.addi %mul3A_19, %add3A_20 : i32
    "tpu.region"() ({
      %run_scoped3A_42 = tpu.sem_alloc : memref<!tpu.dma_semaphore, #tpu.memory_space<semaphore_mem>>
      %dma_start3A_43 = arith.constant 0 : i32
      %dma_start3A_44 = tpu.memref_slice %arg12[%add3A_21, %dma_start3A_43] : memref<10240x128xf32, #tpu.memory_space<vmem_shared>> -> memref<128x128xf32, #tpu.memory_space<vmem_shared>>
      %dma_start3A_45 = arith.constant 0 : i32
      %dma_start3A_46 = tpu.memref_slice %arg12[%add3A_21, %dma_start3A_45] : memref<10240x128xf32, #tpu.memory_space<vmem_shared>> -> memref<128x128xf32, #tpu.memory_space<vmem_shared>>
      tpu.enqueue_dma source(%arg10 : memref<128x128xf32, #tpu.memory_space<vmem>>) target(%dma_start3A_46 : memref<128x128xf32, #tpu.memory_space<vmem_shared>>) target_semaphore(%run_scoped3A_42 : memref<!tpu.dma_semaphore, #tpu.memory_space<semaphore_mem>>)
      %dma_wait3A = arith.constant 0 : i32
      %dma_wait3A_47 = tpu.memref_slice %arg12[%add3A_21, %dma_wait3A] : memref<10240x128xf32, #tpu.memory_space<vmem_shared>> -> memref<128x128xf32, #tpu.memory_space<vmem_shared>>
      %dma_wait3A_48 = arith.constant 0 : i32
      %dma_wait3A_49 = tpu.memref_slice %arg12[%add3A_21, %dma_wait3A_48] : memref<10240x128xf32, #tpu.memory_space<vmem_shared>> -> memref<128x128xf32, #tpu.memory_space<vmem_shared>>
      tpu.wait_dma2 semaphore(%run_scoped3A_42 : memref<!tpu.dma_semaphore, #tpu.memory_space<semaphore_mem>>) src(%arg10 : memref<128x128xf32, #tpu.memory_space<vmem>>) dst(%dma_wait3A_49 : memref<128x128xf32, #tpu.memory_space<vmem_shared>>)
      tpu.yield
    }) : () -> ()
    %mul3A_22 = arith.constant 640 : i32
    %mul3A_23 = arith.muli %arg1, %mul3A_22 : i32
    %add3A_24 = arith.constant 512 : i32
    %add3A_25 = arith.addi %mul3A_23, %add3A_24 : i32
    "tpu.region"() ({
      %run_scoped3A_42 = tpu.sem_alloc : memref<!tpu.dma_semaphore, #tpu.memory_space<semaphore_mem>>
      %dma_start3A_43 = arith.constant 0 : i32
      %dma_start3A_44 = tpu.memref_slice %arg12[%add3A_25, %dma_start3A_43] : memref<10240x128xf32, #tpu.memory_space<vmem_shared>> -> memref<128x128xf32, #tpu.memory_space<vmem_shared>>
      %dma_start3A_45 = arith.constant 0 : i32
      %dma_start3A_46 = tpu.memref_slice %arg12[%add3A_25, %dma_start3A_45] : memref<10240x128xf32, #tpu.memory_space<vmem_shared>> -> memref<128x128xf32, #tpu.memory_space<vmem_shared>>
      tpu.enqueue_dma source(%arg10 : memref<128x128xf32, #tpu.memory_space<vmem>>) target(%dma_start3A_46 : memref<128x128xf32, #tpu.memory_space<vmem_shared>>) target_semaphore(%run_scoped3A_42 : memref<!tpu.dma_semaphore, #tpu.memory_space<semaphore_mem>>)
      %dma_wait3A = arith.constant 0 : i32
      %dma_wait3A_47 = tpu.memref_slice %arg12[%add3A_25, %dma_wait3A] : memref<10240x128xf32, #tpu.memory_space<vmem_shared>> -> memref<128x128xf32, #tpu.memory_space<vmem_shared>>
      %dma_wait3A_48 = arith.constant 0 : i32
      %dma_wait3A_49 = tpu.memref_slice %arg12[%add3A_25, %dma_wait3A_48] : memref<10240x128xf32, #tpu.memory_space<vmem_shared>> -> memref<128x128xf32, #tpu.memory_space<vmem_shared>>
      tpu.wait_dma2 semaphore(%run_scoped3A_42 : memref<!tpu.dma_semaphore, #tpu.memory_space<semaphore_mem>>) src(%arg10 : memref<128x128xf32, #tpu.memory_space<vmem>>) dst(%dma_wait3A_49 : memref<128x128xf32, #tpu.memory_space<vmem_shared>>)
      tpu.yield
    }) : () -> ()
    %barrier3A = arith.constant 0 : index
    tpu.barrier barrier_id(%barrier3A)
    %run_scoped3A = arith.constant 0 : i32
    "tpu.region"() ({
      %run_scoped3A_42 = tpu.sem_alloc : memref<!tpu.dma_semaphore, #tpu.memory_space<semaphore_mem>>
      %dma_start3A_43 = arith.constant 0 : i32
      %dma_start3A_44 = tpu.memref_slice %arg3[%add3A, %run_scoped3A, %dma_start3A_43] : memref<32x80x128xi32, #tpu.memory_space<hbm>> -> memref<1x1x128xi32, #tpu.memory_space<hbm>>
      %dma_start3A_45 = tpu.memref_squeeze %dma_start3A_44 : memref<1x1x128xi32, #tpu.memory_space<hbm>> -> memref<128xi32, #tpu.memory_space<hbm>>
      %dma_start3A_46 = arith.constant 0 : i32
      %dma_start3A_47 = tpu.memref_slice %arg3[%add3A, %run_scoped3A, %dma_start3A_46] : memref<32x80x128xi32, #tpu.memory_space<hbm>> -> memref<1x1x128xi32, #tpu.memory_space<hbm>>
      %dma_start3A_48 = tpu.memref_squeeze %dma_start3A_47 : memref<1x1x128xi32, #tpu.memory_space<hbm>> -> memref<128xi32, #tpu.memory_space<hbm>>
      tpu.enqueue_dma source(%dma_start3A_48 : memref<128xi32, #tpu.memory_space<hbm>>) target(%arg6 : memref<128xi32, #tpu.memory_space<vmem>>) target_semaphore(%run_scoped3A_42 : memref<!tpu.dma_semaphore, #tpu.memory_space<semaphore_mem>>)
      %dma_wait3A = arith.constant 0 : i32
      %dma_wait3A_49 = tpu.memref_slice %arg3[%add3A, %run_scoped3A, %dma_wait3A] : memref<32x80x128xi32, #tpu.memory_space<hbm>> -> memref<1x1x128xi32, #tpu.memory_space<hbm>>
      %dma_wait3A_50 = tpu.memref_squeeze %dma_wait3A_49 : memref<1x1x128xi32, #tpu.memory_space<hbm>> -> memref<128xi32, #tpu.memory_space<hbm>>
      %dma_wait3A_51 = arith.constant 0 : i32
      %dma_wait3A_52 = tpu.memref_slice %arg3[%add3A, %run_scoped3A, %dma_wait3A_51] : memref<32x80x128xi32, #tpu.memory_space<hbm>> -> memref<1x1x128xi32, #tpu.memory_space<hbm>>
      %dma_wait3A_53 = tpu.memref_squeeze %dma_wait3A_52 : memref<1x1x128xi32, #tpu.memory_space<hbm>> -> memref<128xi32, #tpu.memory_space<hbm>>
      tpu.wait_dma2 semaphore(%run_scoped3A_42 : memref<!tpu.dma_semaphore, #tpu.memory_space<semaphore_mem>>) src(%dma_wait3A_53 : memref<128xi32, #tpu.memory_space<hbm>>) dst(%arg6 : memref<128xi32, #tpu.memory_space<vmem>>)
      tpu.yield
    }) : () -> ()
    %run_scoped3A_26 = arith.constant 0 : i32
    "tpu.region"() ({
      %run_scoped3A_42 = tpu.sem_alloc : memref<!tpu.dma_semaphore, #tpu.memory_space<semaphore_mem>>
      %dma_start3A_43 = arith.constant 0 : i32
      %dma_start3A_44 = tpu.memref_slice %arg4[%add3A, %run_scoped3A_26, %dma_start3A_43] : memref<32x80x128xi32, #tpu.memory_space<hbm>> -> memref<1x1x128xi32, #tpu.memory_space<hbm>>
      %dma_start3A_45 = tpu.memref_squeeze %dma_start3A_44 : memref<1x1x128xi32, #tpu.memory_space<hbm>> -> memref<128xi32, #tpu.memory_space<hbm>>
      %dma_start3A_46 = arith.constant 0 : i32
      %dma_start3A_47 = tpu.memref_slice %arg4[%add3A, %run_scoped3A_26, %dma_start3A_46] : memref<32x80x128xi32, #tpu.memory_space<hbm>> -> memref<1x1x128xi32, #tpu.memory_space<hbm>>
      %dma_start3A_48 = tpu.memref_squeeze %dma_start3A_47 : memref<1x1x128xi32, #tpu.memory_space<hbm>> -> memref<128xi32, #tpu.memory_space<hbm>>
      tpu.enqueue_dma source(%dma_start3A_48 : memref<128xi32, #tpu.memory_space<hbm>>) target(%arg7 : memref<128xi32, #tpu.memory_space<vmem>>) target_semaphore(%run_scoped3A_42 : memref<!tpu.dma_semaphore, #tpu.memory_space<semaphore_mem>>)
      %dma_wait3A = arith.constant 0 : i32
      %dma_wait3A_49 = tpu.memref_slice %arg4[%add3A, %run_scoped3A_26, %dma_wait3A] : memref<32x80x128xi32, #tpu.memory_space<hbm>> -> memref<1x1x128xi32, #tpu.memory_space<hbm>>
      %dma_wait3A_50 = tpu.memref_squeeze %dma_wait3A_49 : memref<1x1x128xi32, #tpu.memory_space<hbm>> -> memref<128xi32, #tpu.memory_space<hbm>>
      %dma_wait3A_51 = arith.constant 0 : i32
      %dma_wait3A_52 = tpu.memref_slice %arg4[%add3A, %run_scoped3A_26, %dma_wait3A_51] : memref<32x80x128xi32, #tpu.memory_space<hbm>> -> memref<1x1x128xi32, #tpu.memory_space<hbm>>
      %dma_wait3A_53 = tpu.memref_squeeze %dma_wait3A_52 : memref<1x1x128xi32, #tpu.memory_space<hbm>> -> memref<128xi32, #tpu.memory_space<hbm>>
      tpu.wait_dma2 semaphore(%run_scoped3A_42 : memref<!tpu.dma_semaphore, #tpu.memory_space<semaphore_mem>>) src(%dma_wait3A_53 : memref<128xi32, #tpu.memory_space<hbm>>) dst(%arg7 : memref<128xi32, #tpu.memory_space<vmem>>)
      tpu.yield
    }) : () -> ()
    %dma_start3A = arith.constant 0 : i32
    %dma_start3A_27 = arith.constant 0 : i32
    %dma_start3A_28 = tpu.memref_slice %arg2[%dma_start3A, %dma_start3A_27] : memref<10240x128xf32, #tpu.memory_space<hbm>> -> memref<10240x128xf32, #tpu.memory_space<hbm>>
    tpu.enqueue_indirect_dma source(%dma_start3A_28 : memref<10240x128xf32, #tpu.memory_space<hbm>>) target(%arg10 : memref<128x128xf32, #tpu.memory_space<vmem>>) offsets(%arg6 : memref<128xi32, #tpu.memory_space<vmem>>) semaphore(%arg13 : memref<!tpu.dma_semaphore, #tpu.memory_space<semaphore_mem>>)
    %scan3A_29 = arith.constant 0 : i32
    %scan3A_30 = arith.constant 40 : i32
    %scan3A_31 = arith.addi %scan3A_29, %scan3A_30 : i32
    %scan3A_32 = arith.constant 1 : i32
    scf.for %scan3A_42 = %scan3A_29 to %scan3A_31 step %scan3A_32  : i32 {
      %mul3A_43 = arith.constant 1 : i32
      %mul3A_44 = arith.muli %scan3A_42, %mul3A_43 : i32
      %add3A_45 = arith.constant 0 : i32
      %add3A_46 = arith.addi %add3A_45, %mul3A_44 : i32
      %mul3A_47 = arith.constant 2 : i32
      %mul3A_48 = arith.muli %mul3A_47, %add3A_46 : i32
      %add3A_49 = arith.constant 1 : i32
      %add3A_50 = arith.addi %mul3A_48, %add3A_49 : i32
      "tpu.region"() ({
        %run_scoped3A_65 = tpu.sem_alloc : memref<!tpu.dma_semaphore, #tpu.memory_space<semaphore_mem>>
        %dma_start3A_66 = arith.constant 0 : i32
        %dma_start3A_67 = tpu.memref_slice %arg3[%add3A, %add3A_50, %dma_start3A_66] : memref<32x80x128xi32, #tpu.memory_space<hbm>> -> memref<1x1x128xi32, #tpu.memory_space<hbm>>
        %dma_start3A_68 = tpu.memref_squeeze %dma_start3A_67 : memref<1x1x128xi32, #tpu.memory_space<hbm>> -> memref<128xi32, #tpu.memory_space<hbm>>
        %dma_start3A_69 = arith.constant 0 : i32
        %dma_start3A_70 = tpu.memref_slice %arg3[%add3A, %add3A_50, %dma_start3A_69] : memref<32x80x128xi32, #tpu.memory_space<hbm>> -> memref<1x1x128xi32, #tpu.memory_space<hbm>>
        %dma_start3A_71 = tpu.memref_squeeze %dma_start3A_70 : memref<1x1x128xi32, #tpu.memory_space<hbm>> -> memref<128xi32, #tpu.memory_space<hbm>>
        tpu.enqueue_dma source(%dma_start3A_71 : memref<128xi32, #tpu.memory_space<hbm>>) target(%arg8 : memref<128xi32, #tpu.memory_space<vmem>>) target_semaphore(%run_scoped3A_65 : memref<!tpu.dma_semaphore, #tpu.memory_space<semaphore_mem>>)
        %dma_wait3A_72 = arith.constant 0 : i32
        %dma_wait3A_73 = tpu.memref_slice %arg3[%add3A, %add3A_50, %dma_wait3A_72] : memref<32x80x128xi32, #tpu.memory_space<hbm>> -> memref<1x1x128xi32, #tpu.memory_space<hbm>>
        %dma_wait3A_74 = tpu.memref_squeeze %dma_wait3A_73 : memref<1x1x128xi32, #tpu.memory_space<hbm>> -> memref<128xi32, #tpu.memory_space<hbm>>
        %dma_wait3A_75 = arith.constant 0 : i32
        %dma_wait3A_76 = tpu.memref_slice %arg3[%add3A, %add3A_50, %dma_wait3A_75] : memref<32x80x128xi32, #tpu.memory_space<hbm>> -> memref<1x1x128xi32, #tpu.memory_space<hbm>>
        %dma_wait3A_77 = tpu.memref_squeeze %dma_wait3A_76 : memref<1x1x128xi32, #tpu.memory_space<hbm>> -> memref<128xi32, #tpu.memory_space<hbm>>
        tpu.wait_dma2 semaphore(%run_scoped3A_65 : memref<!tpu.dma_semaphore, #tpu.memory_space<semaphore_mem>>) src(%dma_wait3A_77 : memref<128xi32, #tpu.memory_space<hbm>>) dst(%arg8 : memref<128xi32, #tpu.memory_space<vmem>>)
        tpu.yield
      }) : () -> ()
      %add3A_51 = arith.constant 1 : i32
      %add3A_52 = arith.addi %mul3A_48, %add3A_51 : i32
      "tpu.region"() ({
        %run_scoped3A_65 = tpu.sem_alloc : memref<!tpu.dma_semaphore, #tpu.memory_space<semaphore_mem>>
        %dma_start3A_66 = arith.constant 0 : i32
        %dma_start3A_67 = tpu.memref_slice %arg4[%add3A, %add3A_52, %dma_start3A_66] : memref<32x80x128xi32, #tpu.memory_space<hbm>> -> memref<1x1x128xi32, #tpu.memory_space<hbm>>
        %dma_start3A_68 = tpu.memref_squeeze %dma_start3A_67 : memref<1x1x128xi32, #tpu.memory_space<hbm>> -> memref<128xi32, #tpu.memory_space<hbm>>
        %dma_start3A_69 = arith.constant 0 : i32
        %dma_start3A_70 = tpu.memref_slice %arg4[%add3A, %add3A_52, %dma_start3A_69] : memref<32x80x128xi32, #tpu.memory_space<hbm>> -> memref<1x1x128xi32, #tpu.memory_space<hbm>>
        %dma_start3A_71 = tpu.memref_squeeze %dma_start3A_70 : memref<1x1x128xi32, #tpu.memory_space<hbm>> -> memref<128xi32, #tpu.memory_space<hbm>>
        tpu.enqueue_dma source(%dma_start3A_71 : memref<128xi32, #tpu.memory_space<hbm>>) target(%arg9 : memref<128xi32, #tpu.memory_space<vmem>>) target_semaphore(%run_scoped3A_65 : memref<!tpu.dma_semaphore, #tpu.memory_space<semaphore_mem>>)
        %dma_wait3A_72 = arith.constant 0 : i32
        %dma_wait3A_73 = tpu.memref_slice %arg4[%add3A, %add3A_52, %dma_wait3A_72] : memref<32x80x128xi32, #tpu.memory_space<hbm>> -> memref<1x1x128xi32, #tpu.memory_space<hbm>>
        %dma_wait3A_74 = tpu.memref_squeeze %dma_wait3A_73 : memref<1x1x128xi32, #tpu.memory_space<hbm>> -> memref<128xi32, #tpu.memory_space<hbm>>
        %dma_wait3A_75 = arith.constant 0 : i32
        %dma_wait3A_76 = tpu.memref_slice %arg4[%add3A, %add3A_52, %dma_wait3A_75] : memref<32x80x128xi32, #tpu.memory_space<hbm>> -> memref<1x1x128xi32, #tpu.memory_space<hbm>>
        %dma_wait3A_77 = tpu.memref_squeeze %dma_wait3A_76 : memref<1x1x128xi32, #tpu.memory_space<hbm>> -> memref<128xi32, #tpu.memory_space<hbm>>
        tpu.wait_dma2 semaphore(%run_scoped3A_65 : memref<!tpu.dma_semaphore, #tpu.memory_space<semaphore_mem>>) src(%dma_wait3A_77 : memref<128xi32, #tpu.memory_space<hbm>>) dst(%arg9 : memref<128xi32, #tpu.memory_space<vmem>>)
        tpu.yield
      }) : () -> ()
      %dma_start3A_53 = arith.constant 0 : i32
      %dma_start3A_54 = arith.constant 0 : i32
      %dma_start3A_55 = tpu.memref_slice %arg2[%dma_start3A_53, %dma_start3A_54] : memref<10240x128xf32, #tpu.memory_space<hbm>> -> memref<10240x128xf32, #tpu.memory_space<hbm>>
      tpu.enqueue_indirect_dma source(%dma_start3A_55 : memref<10240x128xf32, #tpu.memory_space<hbm>>) target(%arg11 : memref<128x128xf32, #tpu.memory_space<vmem>>) offsets(%arg8 : memref<128xi32, #tpu.memory_space<vmem>>) semaphore(%arg14 : memref<!tpu.dma_semaphore, #tpu.memory_space<semaphore_mem>>)
      %dma_wait3A = arith.constant 0 : i32
      %dma_wait3A_56 = arith.constant 0 : i32
      %dma_wait3A_57 = tpu.memref_slice %arg2[%dma_wait3A, %dma_wait3A_56] : memref<10240x128xf32, #tpu.memory_space<hbm>> -> memref<10240x128xf32, #tpu.memory_space<hbm>>
      tpu.wait_indirect_dma semaphore(%arg13 : memref<!tpu.dma_semaphore, #tpu.memory_space<semaphore_mem>>) src(%dma_wait3A_57 : memref<10240x128xf32, #tpu.memory_space<hbm>>) dst(%arg10 : memref<128x128xf32, #tpu.memory_space<vmem>>)
      "tpu.region"() ({
        %run_scoped3A_65 = tpu.sem_alloc : memref<!tpu.dma_semaphore, #tpu.memory_space<semaphore_mem>>
        %dma_start3A_66 = arith.constant 0 : i32
        %dma_start3A_67 = arith.constant 0 : i32
        %dma_start3A_68 = tpu.memref_slice %arg12[%dma_start3A_66, %dma_start3A_67] : memref<10240x128xf32, #tpu.memory_space<vmem_shared>> -> memref<10240x128xf32, #tpu.memory_space<vmem_shared>>
        tpu.enqueue_indirect_dma source(%arg10 : memref<128x128xf32, #tpu.memory_space<vmem>>) target(%dma_start3A_68 : memref<10240x128xf32, #tpu.memory_space<vmem_shared>>) offsets(%arg7 : memref<128xi32, #tpu.memory_space<vmem>>) semaphore(%run_scoped3A_65 : memref<!tpu.dma_semaphore, #tpu.memory_space<semaphore_mem>>) {add = true}
        %dma_wait3A_69 = arith.constant 0 : i32
        %dma_wait3A_70 = arith.constant 0 : i32
        %dma_wait3A_71 = tpu.memref_slice %arg12[%dma_wait3A_69, %dma_wait3A_70] : memref<10240x128xf32, #tpu.memory_space<vmem_shared>> -> memref<10240x128xf32, #tpu.memory_space<vmem_shared>>
        tpu.wait_indirect_dma semaphore(%run_scoped3A_65 : memref<!tpu.dma_semaphore, #tpu.memory_space<semaphore_mem>>) src(%arg10 : memref<128x128xf32, #tpu.memory_space<vmem>>) dst(%dma_wait3A_71 : memref<10240x128xf32, #tpu.memory_space<vmem_shared>>)
        tpu.yield
      }) : () -> ()
      %add3A_58 = arith.constant 2 : i32
      %add3A_59 = arith.addi %mul3A_48, %add3A_58 : i32
      %lt3A = arith.constant 80 : i32
      %lt3A_60 = arith.cmpi slt, %add3A_59, %lt3A : i32
      %convert_element_type3A = arith.extui %lt3A_60 : i1 to i32
      %cond3A = arith.constant 0 : i32
      %cond3A_61 = arith.cmpi ne, %convert_element_type3A, %cond3A : i32
      scf.if %cond3A_61 {
        %add3A_65 = arith.constant 2 : i32
        %add3A_66 = arith.addi %mul3A_48, %add3A_65 : i32
        "tpu.region"() ({
          %run_scoped3A_72 = tpu.sem_alloc : memref<!tpu.dma_semaphore, #tpu.memory_space<semaphore_mem>>
          %dma_start3A_73 = arith.constant 0 : i32
          %dma_start3A_74 = tpu.memref_slice %arg3[%add3A, %add3A_66, %dma_start3A_73] : memref<32x80x128xi32, #tpu.memory_space<hbm>> -> memref<1x1x128xi32, #tpu.memory_space<hbm>>
          %dma_start3A_75 = tpu.memref_squeeze %dma_start3A_74 : memref<1x1x128xi32, #tpu.memory_space<hbm>> -> memref<128xi32, #tpu.memory_space<hbm>>
          %dma_start3A_76 = arith.constant 0 : i32
          %dma_start3A_77 = tpu.memref_slice %arg3[%add3A, %add3A_66, %dma_start3A_76] : memref<32x80x128xi32, #tpu.memory_space<hbm>> -> memref<1x1x128xi32, #tpu.memory_space<hbm>>
          %dma_start3A_78 = tpu.memref_squeeze %dma_start3A_77 : memref<1x1x128xi32, #tpu.memory_space<hbm>> -> memref<128xi32, #tpu.memory_space<hbm>>
          tpu.enqueue_dma source(%dma_start3A_78 : memref<128xi32, #tpu.memory_space<hbm>>) target(%arg6 : memref<128xi32, #tpu.memory_space<vmem>>) target_semaphore(%run_scoped3A_72 : memref<!tpu.dma_semaphore, #tpu.memory_space<semaphore_mem>>)
          %dma_wait3A_79 = arith.constant 0 : i32
          %dma_wait3A_80 = tpu.memref_slice %arg3[%add3A, %add3A_66, %dma_wait3A_79] : memref<32x80x128xi32, #tpu.memory_space<hbm>> -> memref<1x1x128xi32, #tpu.memory_space<hbm>>
          %dma_wait3A_81 = tpu.memref_squeeze %dma_wait3A_80 : memref<1x1x128xi32, #tpu.memory_space<hbm>> -> memref<128xi32, #tpu.memory_space<hbm>>
          %dma_wait3A_82 = arith.constant 0 : i32
          %dma_wait3A_83 = tpu.memref_slice %arg3[%add3A, %add3A_66, %dma_wait3A_82] : memref<32x80x128xi32, #tpu.memory_space<hbm>> -> memref<1x1x128xi32, #tpu.memory_space<hbm>>
          %dma_wait3A_84 = tpu.memref_squeeze %dma_wait3A_83 : memref<1x1x128xi32, #tpu.memory_space<hbm>> -> memref<128xi32, #tpu.memory_space<hbm>>
          tpu.wait_dma2 semaphore(%run_scoped3A_72 : memref<!tpu.dma_semaphore, #tpu.memory_space<semaphore_mem>>) src(%dma_wait3A_84 : memref<128xi32, #tpu.memory_space<hbm>>) dst(%arg6 : memref<128xi32, #tpu.memory_space<vmem>>)
          tpu.yield
        }) : () -> ()
        %add3A_67 = arith.constant 2 : i32
        %add3A_68 = arith.addi %mul3A_48, %add3A_67 : i32
        "tpu.region"() ({
          %run_scoped3A_72 = tpu.sem_alloc : memref<!tpu.dma_semaphore, #tpu.memory_space<semaphore_mem>>
          %dma_start3A_73 = arith.constant 0 : i32
          %dma_start3A_74 = tpu.memref_slice %arg4[%add3A, %add3A_68, %dma_start3A_73] : memref<32x80x128xi32, #tpu.memory_space<hbm>> -> memref<1x1x128xi32, #tpu.memory_space<hbm>>
          %dma_start3A_75 = tpu.memref_squeeze %dma_start3A_74 : memref<1x1x128xi32, #tpu.memory_space<hbm>> -> memref<128xi32, #tpu.memory_space<hbm>>
          %dma_start3A_76 = arith.constant 0 : i32
          %dma_start3A_77 = tpu.memref_slice %arg4[%add3A, %add3A_68, %dma_start3A_76] : memref<32x80x128xi32, #tpu.memory_space<hbm>> -> memref<1x1x128xi32, #tpu.memory_space<hbm>>
          %dma_start3A_78 = tpu.memref_squeeze %dma_start3A_77 : memref<1x1x128xi32, #tpu.memory_space<hbm>> -> memref<128xi32, #tpu.memory_space<hbm>>
          tpu.enqueue_dma source(%dma_start3A_78 : memref<128xi32, #tpu.memory_space<hbm>>) target(%arg7 : memref<128xi32, #tpu.memory_space<vmem>>) target_semaphore(%run_scoped3A_72 : memref<!tpu.dma_semaphore, #tpu.memory_space<semaphore_mem>>)
          %dma_wait3A_79 = arith.constant 0 : i32
          %dma_wait3A_80 = tpu.memref_slice %arg4[%add3A, %add3A_68, %dma_wait3A_79] : memref<32x80x128xi32, #tpu.memory_space<hbm>> -> memref<1x1x128xi32, #tpu.memory_space<hbm>>
          %dma_wait3A_81 = tpu.memref_squeeze %dma_wait3A_80 : memref<1x1x128xi32, #tpu.memory_space<hbm>> -> memref<128xi32, #tpu.memory_space<hbm>>
          %dma_wait3A_82 = arith.constant 0 : i32
          %dma_wait3A_83 = tpu.memref_slice %arg4[%add3A, %add3A_68, %dma_wait3A_82] : memref<32x80x128xi32, #tpu.memory_space<hbm>> -> memref<1x1x128xi32, #tpu.memory_space<hbm>>
          %dma_wait3A_84 = tpu.memref_squeeze %dma_wait3A_83 : memref<1x1x128xi32, #tpu.memory_space<hbm>> -> memref<128xi32, #tpu.memory_space<hbm>>
          tpu.wait_dma2 semaphore(%run_scoped3A_72 : memref<!tpu.dma_semaphore, #tpu.memory_space<semaphore_mem>>) src(%dma_wait3A_84 : memref<128xi32, #tpu.memory_space<hbm>>) dst(%arg7 : memref<128xi32, #tpu.memory_space<vmem>>)
          tpu.yield
        }) : () -> ()
        %dma_start3A_69 = arith.constant 0 : i32
        %dma_start3A_70 = arith.constant 0 : i32
        %dma_start3A_71 = tpu.memref_slice %arg2[%dma_start3A_69, %dma_start3A_70] : memref<10240x128xf32, #tpu.memory_space<hbm>> -> memref<10240x128xf32, #tpu.memory_space<hbm>>
        tpu.enqueue_indirect_dma source(%dma_start3A_71 : memref<10240x128xf32, #tpu.memory_space<hbm>>) target(%arg10 : memref<128x128xf32, #tpu.memory_space<vmem>>) offsets(%arg6 : memref<128xi32, #tpu.memory_space<vmem>>) semaphore(%arg13 : memref<!tpu.dma_semaphore, #tpu.memory_space<semaphore_mem>>)
      } else {
      }
      %dma_wait3A_62 = arith.constant 0 : i32
      %dma_wait3A_63 = arith.constant 0 : i32
      %dma_wait3A_64 = tpu.memref_slice %arg2[%dma_wait3A_62, %dma_wait3A_63] : memref<10240x128xf32, #tpu.memory_space<hbm>> -> memref<10240x128xf32, #tpu.memory_space<hbm>>
      tpu.wait_indirect_dma semaphore(%arg14 : memref<!tpu.dma_semaphore, #tpu.memory_space<semaphore_mem>>) src(%dma_wait3A_64 : memref<10240x128xf32, #tpu.memory_space<hbm>>) dst(%arg11 : memref<128x128xf32, #tpu.memory_space<vmem>>)
      "tpu.region"() ({
        %run_scoped3A_65 = tpu.sem_alloc : memref<!tpu.dma_semaphore, #tpu.memory_space<semaphore_mem>>
        %dma_start3A_66 = arith.constant 0 : i32
        %dma_start3A_67 = arith.constant 0 : i32
        %dma_start3A_68 = tpu.memref_slice %arg12[%dma_start3A_66, %dma_start3A_67] : memref<10240x128xf32, #tpu.memory_space<vmem_shared>> -> memref<10240x128xf32, #tpu.memory_space<vmem_shared>>
        tpu.enqueue_indirect_dma source(%arg11 : memref<128x128xf32, #tpu.memory_space<vmem>>) target(%dma_start3A_68 : memref<10240x128xf32, #tpu.memory_space<vmem_shared>>) offsets(%arg9 : memref<128xi32, #tpu.memory_space<vmem>>) semaphore(%run_scoped3A_65 : memref<!tpu.dma_semaphore, #tpu.memory_space<semaphore_mem>>) {add = true}
        %dma_wait3A_69 = arith.constant 0 : i32
        %dma_wait3A_70 = arith.constant 0 : i32
        %dma_wait3A_71 = tpu.memref_slice %arg12[%dma_wait3A_69, %dma_wait3A_70] : memref<10240x128xf32, #tpu.memory_space<vmem_shared>> -> memref<10240x128xf32, #tpu.memory_space<vmem_shared>>
        tpu.wait_indirect_dma semaphore(%run_scoped3A_65 : memref<!tpu.dma_semaphore, #tpu.memory_space<semaphore_mem>>) src(%arg11 : memref<128x128xf32, #tpu.memory_space<vmem>>) dst(%dma_wait3A_71 : memref<10240x128xf32, #tpu.memory_space<vmem_shared>>)
        tpu.yield
      }) : () -> ()
    }
    %scan3A_33 = arith.constant 40 : i32
    %barrier3A_34 = arith.constant 0 : index
    tpu.barrier barrier_id(%barrier3A_34)
    %mul3A_35 = arith.constant 640 : i32
    %mul3A_36 = arith.muli %arg1, %mul3A_35 : i32
    %mul3A_37 = arith.constant 10240 : i32
    %mul3A_38 = arith.muli %arg0, %mul3A_37 : i32
    %mul3A_39 = arith.constant 640 : i32
    %mul3A_40 = arith.muli %arg1, %mul3A_39 : i32
    %add3A_41 = arith.addi %mul3A_38, %mul3A_40 : i32
    "tpu.region"() ({
      %run_scoped3A_42 = tpu.sem_alloc : memref<!tpu.dma_semaphore, #tpu.memory_space<semaphore_mem>>
      %dma_start3A_43 = arith.constant 0 : i32
      %dma_start3A_44 = tpu.memref_slice %arg5[%add3A_41, %dma_start3A_43] : memref<20480x128xf32, #tpu.memory_space<hbm>> -> memref<640x128xf32, #tpu.memory_space<hbm>>
      %dma_start3A_45 = arith.constant 0 : i32
      %dma_start3A_46 = tpu.memref_slice %arg12[%mul3A_36, %dma_start3A_45] : memref<10240x128xf32, #tpu.memory_space<vmem_shared>> -> memref<640x128xf32, #tpu.memory_space<vmem_shared>>
      tpu.enqueue_dma source(%dma_start3A_46 : memref<640x128xf32, #tpu.memory_space<vmem_shared>>) target(%dma_start3A_44 : memref<640x128xf32, #tpu.memory_space<hbm>>) target_semaphore(%run_scoped3A_42 : memref<!tpu.dma_semaphore, #tpu.memory_space<semaphore_mem>>)
      %dma_wait3A = arith.constant 0 : i32
      %dma_wait3A_47 = tpu.memref_slice %arg5[%add3A_41, %dma_wait3A] : memref<20480x128xf32, #tpu.memory_space<hbm>> -> memref<640x128xf32, #tpu.memory_space<hbm>>
      %dma_wait3A_48 = arith.constant 0 : i32
      %dma_wait3A_49 = tpu.memref_slice %arg12[%mul3A_36, %dma_wait3A_48] : memref<10240x128xf32, #tpu.memory_space<vmem_shared>> -> memref<640x128xf32, #tpu.memory_space<vmem_shared>>
      tpu.wait_dma2 semaphore(%run_scoped3A_42 : memref<!tpu.dma_semaphore, #tpu.memory_space<semaphore_mem>>) src(%dma_wait3A_49 : memref<640x128xf32, #tpu.memory_space<vmem_shared>>) dst(%dma_wait3A_47 : memref<640x128xf32, #tpu.memory_space<hbm>>)
      tpu.yield
    }) : () -> ()
    return
  }
}

#map = affine_map<(d0, d1) -> (0, 0)>
#map1 = affine_map<(d0, d1) -> (0, 0, 0)>
module attributes {stable_mosaic.version = 14 : i64} {
  func.func @_prop_body(%arg0: i32, %arg1: i32, %arg2: memref<10240x128xf32, #tpu.memory_space<hbm>>, %arg3: memref<32x80x128xi32, #tpu.memory_space<hbm>>, %arg4: memref<32x80x128xi32, #tpu.memory_space<hbm>>, %arg5: memref<20480x128xf32, #tpu.memory_space<hbm>>, %arg6: memref<128xi32, #tpu.memory_space<vmem>>, %arg7: memref<128xi32, #tpu.memory_space<vmem>>, %arg8: memref<128xi32, #tpu.memory_space<vmem>>, %arg9: memref<128xi32, #tpu.memory_space<vmem>>, %arg10: memref<128x128xf32, #tpu.memory_space<vmem>>, %arg11: memref<128x128xf32, #tpu.memory_space<vmem>>, %arg12: memref<10240x128xf32, #tpu.memory_space<vmem_shared>>, %arg13: memref<!tpu.dma_semaphore, #tpu.memory_space<semaphore_mem>>, %arg14: memref<!tpu.dma_semaphore, #tpu.memory_space<semaphore_mem>>) attributes {dimension_semantics = [#tpu.dimension_semantics<core_parallel>, #tpu.dimension_semantics<subcore_parallel>], iteration_bounds = array<i64: 2, 16>, scalar_prefetch = 0 : i64, scratch_operands = 9 : i64, tpu.core_type = #tpu.core_type<sc_vector_subcore>, window_params = [{transform_indices = #map}, {transform_indices = #map1}, {transform_indices = #map1}, {transform_indices = #map}]} {
    %mul3A = arith.constant 16 : i32
    %mul3A_0 = arith.muli %arg0, %mul3A : i32
    %add3A = arith.addi %mul3A_0, %arg1 : i32
    %broadcast_in_dim3A = arith.constant 0.000000e+00 : f32
    %broadcast_in_dim3A_1 = vector.broadcast %broadcast_in_dim3A : f32 to vector<16xf32>
    %scan3A = arith.constant 0 : i32
    %scan3A_2 = arith.constant 128 : i32
    %scan3A_3 = arith.addi %scan3A, %scan3A_2 : i32
    %scan3A_4 = arith.constant 1 : i32
    scf.for %scan3A_42 = %scan3A to %scan3A_3 step %scan3A_4  : i32 {
      %swap3A = arith.index_cast %scan3A_42 : i32 to index
      %swap3A_43 = arith.constant 0 : index
      %swap3A_44 = tpu.vector_load %arg10[%swap3A, %swap3A_43] {strides = array<i32>} : memref<128x128xf32, #tpu.memory_space<vmem>>, vector<1x16xf32>,
      %swap3A_45 = vector.shape_cast %swap3A_44 : vector<1x16xf32> to vector<16xf32>
      %swap3A_46 = vector.shape_cast %broadcast_in_dim3A_1 : vector<16xf32> to vector<1x16xf32>
      tpu.vector_store %arg10[%swap3A, %swap3A_43], %swap3A_46 {strides = array<i32>} : memref<128x128xf32, #tpu.memory_space<vmem>>, vector<1x16xf32>,
      %swap3A_47 = arith.index_cast %scan3A_42 : i32 to index
      %swap3A_48 = arith.constant 16 : index
      %swap3A_49 = tpu.vector_load %arg10[%swap3A_47, %swap3A_48] {strides = array<i32>} : memref<128x128xf32, #tpu.memory_space<vmem>>, vector<1x16xf32>,
      %swap3A_50 = vector.shape_cast %swap3A_49 : vector<1x16xf32> to vector<16xf32>
      %swap3A_51 = vector.shape_cast %broadcast_in_dim3A_1 : vector<16xf32> to vector<1x16xf32>
      tpu.vector_store %arg10[%swap3A_47, %swap3A_48], %swap3A_51 {strides = array<i32>} : memref<128x128xf32, #tpu.memory_space<vmem>>, vector<1x16xf32>,
      %swap3A_52 = arith.index_cast %scan3A_42 : i32 to index
      %swap3A_53 = arith.constant 32 : index
      %swap3A_54 = tpu.vector_load %arg10[%swap3A_52, %swap3A_53] {strides = array<i32>} : memref<128x128xf32, #tpu.memory_space<vmem>>, vector<1x16xf32>,
      %swap3A_55 = vector.shape_cast %swap3A_54 : vector<1x16xf32> to vector<16xf32>
      %swap3A_56 = vector.shape_cast %broadcast_in_dim3A_1 : vector<16xf32> to vector<1x16xf32>
      tpu.vector_store %arg10[%swap3A_52, %swap3A_53], %swap3A_56 {strides = array<i32>} : memref<128x128xf32, #tpu.memory_space<vmem>>, vector<1x16xf32>,
      %swap3A_57 = arith.index_cast %scan3A_42 : i32 to index
      %swap3A_58 = arith.constant 48 : index
      %swap3A_59 = tpu.vector_load %arg10[%swap3A_57, %swap3A_58] {strides = array<i32>} : memref<128x128xf32, #tpu.memory_space<vmem>>, vector<1x16xf32>,
      %swap3A_60 = vector.shape_cast %swap3A_59 : vector<1x16xf32> to vector<16xf32>
      %swap3A_61 = vector.shape_cast %broadcast_in_dim3A_1 : vector<16xf32> to vector<1x16xf32>
      tpu.vector_store %arg10[%swap3A_57, %swap3A_58], %swap3A_61 {strides = array<i32>} : memref<128x128xf32, #tpu.memory_space<vmem>>, vector<1x16xf32>,
      %swap3A_62 = arith.index_cast %scan3A_42 : i32 to index
      %swap3A_63 = arith.constant 64 : index
      %swap3A_64 = tpu.vector_load %arg10[%swap3A_62, %swap3A_63] {strides = array<i32>} : memref<128x128xf32, #tpu.memory_space<vmem>>, vector<1x16xf32>,
      %swap3A_65 = vector.shape_cast %swap3A_64 : vector<1x16xf32> to vector<16xf32>
      %swap3A_66 = vector.shape_cast %broadcast_in_dim3A_1 : vector<16xf32> to vector<1x16xf32>
      tpu.vector_store %arg10[%swap3A_62, %swap3A_63], %swap3A_66 {strides = array<i32>} : memref<128x128xf32, #tpu.memory_space<vmem>>, vector<1x16xf32>,
      %swap3A_67 = arith.index_cast %scan3A_42 : i32 to index
      %swap3A_68 = arith.constant 80 : index
      %swap3A_69 = tpu.vector_load %arg10[%swap3A_67, %swap3A_68] {strides = array<i32>} : memref<128x128xf32, #tpu.memory_space<vmem>>, vector<1x16xf32>,
      %swap3A_70 = vector.shape_cast %swap3A_69 : vector<1x16xf32> to vector<16xf32>
      %swap3A_71 = vector.shape_cast %broadcast_in_dim3A_1 : vector<16xf32> to vector<1x16xf32>
      tpu.vector_store %arg10[%swap3A_67, %swap3A_68], %swap3A_71 {strides = array<i32>} : memref<128x128xf32, #tpu.memory_space<vmem>>, vector<1x16xf32>,
      %swap3A_72 = arith.index_cast %scan3A_42 : i32 to index
      %swap3A_73 = arith.constant 96 : index
      %swap3A_74 = tpu.vector_load %arg10[%swap3A_72, %swap3A_73] {strides = array<i32>} : memref<128x128xf32, #tpu.memory_space<vmem>>, vector<1x16xf32>,
      %swap3A_75 = vector.shape_cast %swap3A_74 : vector<1x16xf32> to vector<16xf32>
      %swap3A_76 = vector.shape_cast %broadcast_in_dim3A_1 : vector<16xf32> to vector<1x16xf32>
      tpu.vector_store %arg10[%swap3A_72, %swap3A_73], %swap3A_76 {strides = array<i32>} : memref<128x128xf32, #tpu.memory_space<vmem>>, vector<1x16xf32>,
      %swap3A_77 = arith.index_cast %scan3A_42 : i32 to index
      %swap3A_78 = arith.constant 112 : index
      %swap3A_79 = tpu.vector_load %arg10[%swap3A_77, %swap3A_78] {strides = array<i32>} : memref<128x128xf32, #tpu.memory_space<vmem>>, vector<1x16xf32>,
      %swap3A_80 = vector.shape_cast %swap3A_79 : vector<1x16xf32> to vector<16xf32>
      %swap3A_81 = vector.shape_cast %broadcast_in_dim3A_1 : vector<16xf32> to vector<1x16xf32>
      tpu.vector_store %arg10[%swap3A_77, %swap3A_78], %swap3A_81 {strides = array<i32>} : memref<128x128xf32, #tpu.memory_space<vmem>>, vector<1x16xf32>,
    }
    %scan3A_5 = arith.constant 128 : i32
    %mul3A_6 = arith.constant 640 : i32
    %mul3A_7 = arith.muli %arg1, %mul3A_6 : i32
    %add3A_8 = arith.constant 0 : i32
    %add3A_9 = arith.addi %mul3A_7, %add3A_8 : i32
    "tpu.region"() ({
      %run_scoped3A_42 = tpu.sem_alloc : memref<!tpu.dma_semaphore, #tpu.memory_space<semaphore_mem>>
      %dma_start3A_43 = arith.constant 0 : i32
      %dma_start3A_44 = tpu.memref_slice %arg12[%add3A_9, %dma_start3A_43] : memref<10240x128xf32, #tpu.memory_space<vmem_shared>> -> memref<128x128xf32, #tpu.memory_space<vmem_shared>>
      %dma_start3A_45 = arith.constant 0 : i32
      %dma_start3A_46 = tpu.memref_slice %arg12[%add3A_9, %dma_start3A_45] : memref<10240x128xf32, #tpu.memory_space<vmem_shared>> -> memref<128x128xf32, #tpu.memory_space<vmem_shared>>
      tpu.enqueue_dma source(%arg10 : memref<128x128xf32, #tpu.memory_space<vmem>>) target(%dma_start3A_46 : memref<128x128xf32, #tpu.memory_space<vmem_shared>>) target_semaphore(%run_scoped3A_42 : memref<!tpu.dma_semaphore, #tpu.memory_space<semaphore_mem>>)
      %dma_wait3A = arith.constant 0 : i32
      %dma_wait3A_47 = tpu.memref_slice %arg12[%add3A_9, %dma_wait3A] : memref<10240x128xf32, #tpu.memory_space<vmem_shared>> -> memref<128x128xf32, #tpu.memory_space<vmem_shared>>
      %dma_wait3A_48 = arith.constant 0 : i32
      %dma_wait3A_49 = tpu.memref_slice %arg12[%add3A_9, %dma_wait3A_48] : memref<10240x128xf32, #tpu.memory_space<vmem_shared>> -> memref<128x128xf32, #tpu.memory_space<vmem_shared>>
      tpu.wait_dma2 semaphore(%run_scoped3A_42 : memref<!tpu.dma_semaphore, #tpu.memory_space<semaphore_mem>>) src(%arg10 : memref<128x128xf32, #tpu.memory_space<vmem>>) dst(%dma_wait3A_49 : memref<128x128xf32, #tpu.memory_space<vmem_shared>>)
      tpu.yield
    }) : () -> ()
    %mul3A_10 = arith.constant 640 : i32
    %mul3A_11 = arith.muli %arg1, %mul3A_10 : i32
    %add3A_12 = arith.constant 128 : i32
    %add3A_13 = arith.addi %mul3A_11, %add3A_12 : i32
    "tpu.region"() ({
      %run_scoped3A_42 = tpu.sem_alloc : memref<!tpu.dma_semaphore, #tpu.memory_space<semaphore_mem>>
      %dma_start3A_43 = arith.constant 0 : i32
      %dma_start3A_44 = tpu.memref_slice %arg12[%add3A_13, %dma_start3A_43] : memref<10240x128xf32, #tpu.memory_space<vmem_shared>> -> memref<128x128xf32, #tpu.memory_space<vmem_shared>>
      %dma_start3A_45 = arith.constant 0 : i32
      %dma_start3A_46 = tpu.memref_slice %arg12[%add3A_13, %dma_start3A_45] : memref<10240x128xf32, #tpu.memory_space<vmem_shared>> -> memref<128x128xf32, #tpu.memory_space<vmem_shared>>
      tpu.enqueue_dma source(%arg10 : memref<128x128xf32, #tpu.memory_space<vmem>>) target(%dma_start3A_46 : memref<128x128xf32, #tpu.memory_space<vmem_shared>>) target_semaphore(%run_scoped3A_42 : memref<!tpu.dma_semaphore, #tpu.memory_space<semaphore_mem>>)
      %dma_wait3A = arith.constant 0 : i32
      %dma_wait3A_47 = tpu.memref_slice %arg12[%add3A_13, %dma_wait3A] : memref<10240x128xf32, #tpu.memory_space<vmem_shared>> -> memref<128x128xf32, #tpu.memory_space<vmem_shared>>
      %dma_wait3A_48 = arith.constant 0 : i32
      %dma_wait3A_49 = tpu.memref_slice %arg12[%add3A_13, %dma_wait3A_48] : memref<10240x128xf32, #tpu.memory_space<vmem_shared>> -> memref<128x128xf32, #tpu.memory_space<vmem_shared>>
      tpu.wait_dma2 semaphore(%run_scoped3A_42 : memref<!tpu.dma_semaphore, #tpu.memory_space<semaphore_mem>>) src(%arg10 : memref<128x128xf32, #tpu.memory_space<vmem>>) dst(%dma_wait3A_49 : memref<128x128xf32, #tpu.memory_space<vmem_shared>>)
      tpu.yield
    }) : () -> ()
    %mul3A_14 = arith.constant 640 : i32
    %mul3A_15 = arith.muli %arg1, %mul3A_14 : i32
    %add3A_16 = arith.constant 256 : i32
    %add3A_17 = arith.addi %mul3A_15, %add3A_16 : i32
    "tpu.region"() ({
      %run_scoped3A_42 = tpu.sem_alloc : memref<!tpu.dma_semaphore, #tpu.memory_space<semaphore_mem>>
      %dma_start3A_43 = arith.constant 0 : i32
      %dma_start3A_44 = tpu.memref_slice %arg12[%add3A_17, %dma_start3A_43] : memref<10240x128xf32, #tpu.memory_space<vmem_shared>> -> memref<128x128xf32, #tpu.memory_space<vmem_shared>>
      %dma_start3A_45 = arith.constant 0 : i32
      %dma_start3A_46 = tpu.memref_slice %arg12[%add3A_17, %dma_start3A_45] : memref<10240x128xf32, #tpu.memory_space<vmem_shared>> -> memref<128x128xf32, #tpu.memory_space<vmem_shared>>
      tpu.enqueue_dma source(%arg10 : memref<128x128xf32, #tpu.memory_space<vmem>>) target(%dma_start3A_46 : memref<128x128xf32, #tpu.memory_space<vmem_shared>>) target_semaphore(%run_scoped3A_42 : memref<!tpu.dma_semaphore, #tpu.memory_space<semaphore_mem>>)
      %dma_wait3A = arith.constant 0 : i32
      %dma_wait3A_47 = tpu.memref_slice %arg12[%add3A_17, %dma_wait3A] : memref<10240x128xf32, #tpu.memory_space<vmem_shared>> -> memref<128x128xf32, #tpu.memory_space<vmem_shared>>
      %dma_wait3A_48 = arith.constant 0 : i32
      %dma_wait3A_49 = tpu.memref_slice %arg12[%add3A_17, %dma_wait3A_48] : memref<10240x128xf32, #tpu.memory_space<vmem_shared>> -> memref<128x128xf32, #tpu.memory_space<vmem_shared>>
      tpu.wait_dma2 semaphore(%run_scoped3A_42 : memref<!tpu.dma_semaphore, #tpu.memory_space<semaphore_mem>>) src(%arg10 : memref<128x128xf32, #tpu.memory_space<vmem>>) dst(%dma_wait3A_49 : memref<128x128xf32, #tpu.memory_space<vmem_shared>>)
      tpu.yield
    }) : () -> ()
    %mul3A_18 = arith.constant 640 : i32
    %mul3A_19 = arith.muli %arg1, %mul3A_18 : i32
    %add3A_20 = arith.constant 384 : i32
    %add3A_21 = arith.addi %mul3A_19, %add3A_20 : i32
    "tpu.region"() ({
      %run_scoped3A_42 = tpu.sem_alloc : memref<!tpu.dma_semaphore, #tpu.memory_space<semaphore_mem>>
      %dma_start3A_43 = arith.constant 0 : i32
      %dma_start3A_44 = tpu.memref_slice %arg12[%add3A_21, %dma_start3A_43] : memref<10240x128xf32, #tpu.memory_space<vmem_shared>> -> memref<128x128xf32, #tpu.memory_space<vmem_shared>>
      %dma_start3A_45 = arith.constant 0 : i32
      %dma_start3A_46 = tpu.memref_slice %arg12[%add3A_21, %dma_start3A_45] : memref<10240x128xf32, #tpu.memory_space<vmem_shared>> -> memref<128x128xf32, #tpu.memory_space<vmem_shared>>
      tpu.enqueue_dma source(%arg10 : memref<128x128xf32, #tpu.memory_space<vmem>>) target(%dma_start3A_46 : memref<128x128xf32, #tpu.memory_space<vmem_shared>>) target_semaphore(%run_scoped3A_42 : memref<!tpu.dma_semaphore, #tpu.memory_space<semaphore_mem>>)
      %dma_wait3A = arith.constant 0 : i32
      %dma_wait3A_47 = tpu.memref_slice %arg12[%add3A_21, %dma_wait3A] : memref<10240x128xf32, #tpu.memory_space<vmem_shared>> -> memref<128x128xf32, #tpu.memory_space<vmem_shared>>
      %dma_wait3A_48 = arith.constant 0 : i32
      %dma_wait3A_49 = tpu.memref_slice %arg12[%add3A_21, %dma_wait3A_48] : memref<10240x128xf32, #tpu.memory_space<vmem_shared>> -> memref<128x128xf32, #tpu.memory_space<vmem_shared>>
      tpu.wait_dma2 semaphore(%run_scoped3A_42 : memref<!tpu.dma_semaphore, #tpu.memory_space<semaphore_mem>>) src(%arg10 : memref<128x128xf32, #tpu.memory_space<vmem>>) dst(%dma_wait3A_49 : memref<128x128xf32, #tpu.memory_space<vmem_shared>>)
      tpu.yield
    }) : () -> ()
    %mul3A_22 = arith.constant 640 : i32
    %mul3A_23 = arith.muli %arg1, %mul3A_22 : i32
    %add3A_24 = arith.constant 512 : i32
    %add3A_25 = arith.addi %mul3A_23, %add3A_24 : i32
    "tpu.region"() ({
      %run_scoped3A_42 = tpu.sem_alloc : memref<!tpu.dma_semaphore, #tpu.memory_space<semaphore_mem>>
      %dma_start3A_43 = arith.constant 0 : i32
      %dma_start3A_44 = tpu.memref_slice %arg12[%add3A_25, %dma_start3A_43] : memref<10240x128xf32, #tpu.memory_space<vmem_shared>> -> memref<128x128xf32, #tpu.memory_space<vmem_shared>>
      %dma_start3A_45 = arith.constant 0 : i32
      %dma_start3A_46 = tpu.memref_slice %arg12[%add3A_25, %dma_start3A_45] : memref<10240x128xf32, #tpu.memory_space<vmem_shared>> -> memref<128x128xf32, #tpu.memory_space<vmem_shared>>
      tpu.enqueue_dma source(%arg10 : memref<128x128xf32, #tpu.memory_space<vmem>>) target(%dma_start3A_46 : memref<128x128xf32, #tpu.memory_space<vmem_shared>>) target_semaphore(%run_scoped3A_42 : memref<!tpu.dma_semaphore, #tpu.memory_space<semaphore_mem>>)
      %dma_wait3A = arith.constant 0 : i32
      %dma_wait3A_47 = tpu.memref_slice %arg12[%add3A_25, %dma_wait3A] : memref<10240x128xf32, #tpu.memory_space<vmem_shared>> -> memref<128x128xf32, #tpu.memory_space<vmem_shared>>
      %dma_wait3A_48 = arith.constant 0 : i32
      %dma_wait3A_49 = tpu.memref_slice %arg12[%add3A_25, %dma_wait3A_48] : memref<10240x128xf32, #tpu.memory_space<vmem_shared>> -> memref<128x128xf32, #tpu.memory_space<vmem_shared>>
      tpu.wait_dma2 semaphore(%run_scoped3A_42 : memref<!tpu.dma_semaphore, #tpu.memory_space<semaphore_mem>>) src(%arg10 : memref<128x128xf32, #tpu.memory_space<vmem>>) dst(%dma_wait3A_49 : memref<128x128xf32, #tpu.memory_space<vmem_shared>>)
      tpu.yield
    }) : () -> ()
    %barrier3A = arith.constant 0 : index
    tpu.barrier barrier_id(%barrier3A)
    %run_scoped3A = arith.constant 0 : i32
    "tpu.region"() ({
      %run_scoped3A_42 = tpu.sem_alloc : memref<!tpu.dma_semaphore, #tpu.memory_space<semaphore_mem>>
      %dma_start3A_43 = arith.constant 0 : i32
      %dma_start3A_44 = tpu.memref_slice %arg3[%add3A, %run_scoped3A, %dma_start3A_43] : memref<32x80x128xi32, #tpu.memory_space<hbm>> -> memref<1x1x128xi32, #tpu.memory_space<hbm>>
      %dma_start3A_45 = tpu.memref_squeeze %dma_start3A_44 : memref<1x1x128xi32, #tpu.memory_space<hbm>> -> memref<128xi32, #tpu.memory_space<hbm>>
      %dma_start3A_46 = arith.constant 0 : i32
      %dma_start3A_47 = tpu.memref_slice %arg3[%add3A, %run_scoped3A, %dma_start3A_46] : memref<32x80x128xi32, #tpu.memory_space<hbm>> -> memref<1x1x128xi32, #tpu.memory_space<hbm>>
      %dma_start3A_48 = tpu.memref_squeeze %dma_start3A_47 : memref<1x1x128xi32, #tpu.memory_space<hbm>> -> memref<128xi32, #tpu.memory_space<hbm>>
      tpu.enqueue_dma source(%dma_start3A_48 : memref<128xi32, #tpu.memory_space<hbm>>) target(%arg6 : memref<128xi32, #tpu.memory_space<vmem>>) target_semaphore(%run_scoped3A_42 : memref<!tpu.dma_semaphore, #tpu.memory_space<semaphore_mem>>)
      %dma_wait3A = arith.constant 0 : i32
      %dma_wait3A_49 = tpu.memref_slice %arg3[%add3A, %run_scoped3A, %dma_wait3A] : memref<32x80x128xi32, #tpu.memory_space<hbm>> -> memref<1x1x128xi32, #tpu.memory_space<hbm>>
      %dma_wait3A_50 = tpu.memref_squeeze %dma_wait3A_49 : memref<1x1x128xi32, #tpu.memory_space<hbm>> -> memref<128xi32, #tpu.memory_space<hbm>>
      %dma_wait3A_51 = arith.constant 0 : i32
      %dma_wait3A_52 = tpu.memref_slice %arg3[%add3A, %run_scoped3A, %dma_wait3A_51] : memref<32x80x128xi32, #tpu.memory_space<hbm>> -> memref<1x1x128xi32, #tpu.memory_space<hbm>>
      %dma_wait3A_53 = tpu.memref_squeeze %dma_wait3A_52 : memref<1x1x128xi32, #tpu.memory_space<hbm>> -> memref<128xi32, #tpu.memory_space<hbm>>
      tpu.wait_dma2 semaphore(%run_scoped3A_42 : memref<!tpu.dma_semaphore, #tpu.memory_space<semaphore_mem>>) src(%dma_wait3A_53 : memref<128xi32, #tpu.memory_space<hbm>>) dst(%arg6 : memref<128xi32, #tpu.memory_space<vmem>>)
      tpu.yield
    }) : () -> ()
    %run_scoped3A_26 = arith.constant 0 : i32
    "tpu.region"() ({
      %run_scoped3A_42 = tpu.sem_alloc : memref<!tpu.dma_semaphore, #tpu.memory_space<semaphore_mem>>
      %dma_start3A_43 = arith.constant 0 : i32
      %dma_start3A_44 = tpu.memref_slice %arg4[%add3A, %run_scoped3A_26, %dma_start3A_43] : memref<32x80x128xi32, #tpu.memory_space<hbm>> -> memref<1x1x128xi32, #tpu.memory_space<hbm>>
      %dma_start3A_45 = tpu.memref_squeeze %dma_start3A_44 : memref<1x1x128xi32, #tpu.memory_space<hbm>> -> memref<128xi32, #tpu.memory_space<hbm>>
      %dma_start3A_46 = arith.constant 0 : i32
      %dma_start3A_47 = tpu.memref_slice %arg4[%add3A, %run_scoped3A_26, %dma_start3A_46] : memref<32x80x128xi32, #tpu.memory_space<hbm>> -> memref<1x1x128xi32, #tpu.memory_space<hbm>>
      %dma_start3A_48 = tpu.memref_squeeze %dma_start3A_47 : memref<1x1x128xi32, #tpu.memory_space<hbm>> -> memref<128xi32, #tpu.memory_space<hbm>>
      tpu.enqueue_dma source(%dma_start3A_48 : memref<128xi32, #tpu.memory_space<hbm>>) target(%arg7 : memref<128xi32, #tpu.memory_space<vmem>>) target_semaphore(%run_scoped3A_42 : memref<!tpu.dma_semaphore, #tpu.memory_space<semaphore_mem>>)
      %dma_wait3A = arith.constant 0 : i32
      %dma_wait3A_49 = tpu.memref_slice %arg4[%add3A, %run_scoped3A_26, %dma_wait3A] : memref<32x80x128xi32, #tpu.memory_space<hbm>> -> memref<1x1x128xi32, #tpu.memory_space<hbm>>
      %dma_wait3A_50 = tpu.memref_squeeze %dma_wait3A_49 : memref<1x1x128xi32, #tpu.memory_space<hbm>> -> memref<128xi32, #tpu.memory_space<hbm>>
      %dma_wait3A_51 = arith.constant 0 : i32
      %dma_wait3A_52 = tpu.memref_slice %arg4[%add3A, %run_scoped3A_26, %dma_wait3A_51] : memref<32x80x128xi32, #tpu.memory_space<hbm>> -> memref<1x1x128xi32, #tpu.memory_space<hbm>>
      %dma_wait3A_53 = tpu.memref_squeeze %dma_wait3A_52 : memref<1x1x128xi32, #tpu.memory_space<hbm>> -> memref<128xi32, #tpu.memory_space<hbm>>
      tpu.wait_dma2 semaphore(%run_scoped3A_42 : memref<!tpu.dma_semaphore, #tpu.memory_space<semaphore_mem>>) src(%dma_wait3A_53 : memref<128xi32, #tpu.memory_space<hbm>>) dst(%arg7 : memref<128xi32, #tpu.memory_space<vmem>>)
      tpu.yield
    }) : () -> ()
    %dma_start3A = arith.constant 0 : i32
    %dma_start3A_27 = arith.constant 0 : i32
    %dma_start3A_28 = tpu.memref_slice %arg2[%dma_start3A, %dma_start3A_27] : memref<10240x128xf32, #tpu.memory_space<hbm>> -> memref<10240x128xf32, #tpu.memory_space<hbm>>
    tpu.enqueue_indirect_dma source(%dma_start3A_28 : memref<10240x128xf32, #tpu.memory_space<hbm>>) target(%arg10 : memref<128x128xf32, #tpu.memory_space<vmem>>) offsets(%arg6 : memref<128xi32, #tpu.memory_space<vmem>>) semaphore(%arg13 : memref<!tpu.dma_semaphore, #tpu.memory_space<semaphore_mem>>)
    %scan3A_29 = arith.constant 0 : i32
    %scan3A_30 = arith.constant 40 : i32
    %scan3A_31 = arith.addi %scan3A_29, %scan3A_30 : i32
    %scan3A_32 = arith.constant 1 : i32
    scf.for %scan3A_42 = %scan3A_29 to %scan3A_31 step %scan3A_32  : i32 {
      %mul3A_43 = arith.constant 1 : i32
      %mul3A_44 = arith.muli %scan3A_42, %mul3A_43 : i32
      %add3A_45 = arith.constant 0 : i32
      %add3A_46 = arith.addi %add3A_45, %mul3A_44 : i32
      %mul3A_47 = arith.constant 2 : i32
      %mul3A_48 = arith.muli %mul3A_47, %add3A_46 : i32
      %add3A_49 = arith.constant 1 : i32
      %add3A_50 = arith.addi %mul3A_48, %add3A_49 : i32
      "tpu.region"() ({
        %run_scoped3A_65 = tpu.sem_alloc : memref<!tpu.dma_semaphore, #tpu.memory_space<semaphore_mem>>
        %dma_start3A_66 = arith.constant 0 : i32
        %dma_start3A_67 = tpu.memref_slice %arg3[%add3A, %add3A_50, %dma_start3A_66] : memref<32x80x128xi32, #tpu.memory_space<hbm>> -> memref<1x1x128xi32, #tpu.memory_space<hbm>>
        %dma_start3A_68 = tpu.memref_squeeze %dma_start3A_67 : memref<1x1x128xi32, #tpu.memory_space<hbm>> -> memref<128xi32, #tpu.memory_space<hbm>>
        %dma_start3A_69 = arith.constant 0 : i32
        %dma_start3A_70 = tpu.memref_slice %arg3[%add3A, %add3A_50, %dma_start3A_69] : memref<32x80x128xi32, #tpu.memory_space<hbm>> -> memref<1x1x128xi32, #tpu.memory_space<hbm>>
        %dma_start3A_71 = tpu.memref_squeeze %dma_start3A_70 : memref<1x1x128xi32, #tpu.memory_space<hbm>> -> memref<128xi32, #tpu.memory_space<hbm>>
        tpu.enqueue_dma source(%dma_start3A_71 : memref<128xi32, #tpu.memory_space<hbm>>) target(%arg8 : memref<128xi32, #tpu.memory_space<vmem>>) target_semaphore(%run_scoped3A_65 : memref<!tpu.dma_semaphore, #tpu.memory_space<semaphore_mem>>)
        %dma_wait3A_72 = arith.constant 0 : i32
        %dma_wait3A_73 = tpu.memref_slice %arg3[%add3A, %add3A_50, %dma_wait3A_72] : memref<32x80x128xi32, #tpu.memory_space<hbm>> -> memref<1x1x128xi32, #tpu.memory_space<hbm>>
        %dma_wait3A_74 = tpu.memref_squeeze %dma_wait3A_73 : memref<1x1x128xi32, #tpu.memory_space<hbm>> -> memref<128xi32, #tpu.memory_space<hbm>>
        %dma_wait3A_75 = arith.constant 0 : i32
        %dma_wait3A_76 = tpu.memref_slice %arg3[%add3A, %add3A_50, %dma_wait3A_75] : memref<32x80x128xi32, #tpu.memory_space<hbm>> -> memref<1x1x128xi32, #tpu.memory_space<hbm>>
        %dma_wait3A_77 = tpu.memref_squeeze %dma_wait3A_76 : memref<1x1x128xi32, #tpu.memory_space<hbm>> -> memref<128xi32, #tpu.memory_space<hbm>>
        tpu.wait_dma2 semaphore(%run_scoped3A_65 : memref<!tpu.dma_semaphore, #tpu.memory_space<semaphore_mem>>) src(%dma_wait3A_77 : memref<128xi32, #tpu.memory_space<hbm>>) dst(%arg8 : memref<128xi32, #tpu.memory_space<vmem>>)
        tpu.yield
      }) : () -> ()
      %add3A_51 = arith.constant 1 : i32
      %add3A_52 = arith.addi %mul3A_48, %add3A_51 : i32
      "tpu.region"() ({
        %run_scoped3A_65 = tpu.sem_alloc : memref<!tpu.dma_semaphore, #tpu.memory_space<semaphore_mem>>
        %dma_start3A_66 = arith.constant 0 : i32
        %dma_start3A_67 = tpu.memref_slice %arg4[%add3A, %add3A_52, %dma_start3A_66] : memref<32x80x128xi32, #tpu.memory_space<hbm>> -> memref<1x1x128xi32, #tpu.memory_space<hbm>>
        %dma_start3A_68 = tpu.memref_squeeze %dma_start3A_67 : memref<1x1x128xi32, #tpu.memory_space<hbm>> -> memref<128xi32, #tpu.memory_space<hbm>>
        %dma_start3A_69 = arith.constant 0 : i32
        %dma_start3A_70 = tpu.memref_slice %arg4[%add3A, %add3A_52, %dma_start3A_69] : memref<32x80x128xi32, #tpu.memory_space<hbm>> -> memref<1x1x128xi32, #tpu.memory_space<hbm>>
        %dma_start3A_71 = tpu.memref_squeeze %dma_start3A_70 : memref<1x1x128xi32, #tpu.memory_space<hbm>> -> memref<128xi32, #tpu.memory_space<hbm>>
        tpu.enqueue_dma source(%dma_start3A_71 : memref<128xi32, #tpu.memory_space<hbm>>) target(%arg9 : memref<128xi32, #tpu.memory_space<vmem>>) target_semaphore(%run_scoped3A_65 : memref<!tpu.dma_semaphore, #tpu.memory_space<semaphore_mem>>)
        %dma_wait3A_72 = arith.constant 0 : i32
        %dma_wait3A_73 = tpu.memref_slice %arg4[%add3A, %add3A_52, %dma_wait3A_72] : memref<32x80x128xi32, #tpu.memory_space<hbm>> -> memref<1x1x128xi32, #tpu.memory_space<hbm>>
        %dma_wait3A_74 = tpu.memref_squeeze %dma_wait3A_73 : memref<1x1x128xi32, #tpu.memory_space<hbm>> -> memref<128xi32, #tpu.memory_space<hbm>>
        %dma_wait3A_75 = arith.constant 0 : i32
        %dma_wait3A_76 = tpu.memref_slice %arg4[%add3A, %add3A_52, %dma_wait3A_75] : memref<32x80x128xi32, #tpu.memory_space<hbm>> -> memref<1x1x128xi32, #tpu.memory_space<hbm>>
        %dma_wait3A_77 = tpu.memref_squeeze %dma_wait3A_76 : memref<1x1x128xi32, #tpu.memory_space<hbm>> -> memref<128xi32, #tpu.memory_space<hbm>>
        tpu.wait_dma2 semaphore(%run_scoped3A_65 : memref<!tpu.dma_semaphore, #tpu.memory_space<semaphore_mem>>) src(%dma_wait3A_77 : memref<128xi32, #tpu.memory_space<hbm>>) dst(%arg9 : memref<128xi32, #tpu.memory_space<vmem>>)
        tpu.yield
      }) : () -> ()
      %dma_start3A_53 = arith.constant 0 : i32
      %dma_start3A_54 = arith.constant 0 : i32
      %dma_start3A_55 = tpu.memref_slice %arg2[%dma_start3A_53, %dma_start3A_54] : memref<10240x128xf32, #tpu.memory_space<hbm>> -> memref<10240x128xf32, #tpu.memory_space<hbm>>
      tpu.enqueue_indirect_dma source(%dma_start3A_55 : memref<10240x128xf32, #tpu.memory_space<hbm>>) target(%arg11 : memref<128x128xf32, #tpu.memory_space<vmem>>) offsets(%arg8 : memref<128xi32, #tpu.memory_space<vmem>>) semaphore(%arg14 : memref<!tpu.dma_semaphore, #tpu.memory_space<semaphore_mem>>)
      %dma_wait3A = arith.constant 0 : i32
      %dma_wait3A_56 = arith.constant 0 : i32
      %dma_wait3A_57 = tpu.memref_slice %arg2[%dma_wait3A, %dma_wait3A_56] : memref<10240x128xf32, #tpu.memory_space<hbm>> -> memref<10240x128xf32, #tpu.memory_space<hbm>>
      tpu.wait_indirect_dma semaphore(%arg13 : memref<!tpu.dma_semaphore, #tpu.memory_space<semaphore_mem>>) src(%dma_wait3A_57 : memref<10240x128xf32, #tpu.memory_space<hbm>>) dst(%arg10 : memref<128x128xf32, #tpu.memory_space<vmem>>)
      "tpu.region"() ({
        %run_scoped3A_65 = tpu.sem_alloc : memref<!tpu.dma_semaphore, #tpu.memory_space<semaphore_mem>>
        %dma_start3A_66 = arith.constant 0 : i32
        %dma_start3A_67 = arith.constant 0 : i32
        %dma_start3A_68 = tpu.memref_slice %arg12[%dma_start3A_66, %dma_start3A_67] : memref<10240x128xf32, #tpu.memory_space<vmem_shared>> -> memref<10240x128xf32, #tpu.memory_space<vmem_shared>>
        tpu.enqueue_indirect_dma source(%arg10 : memref<128x128xf32, #tpu.memory_space<vmem>>) target(%dma_start3A_68 : memref<10240x128xf32, #tpu.memory_space<vmem_shared>>) offsets(%arg7 : memref<128xi32, #tpu.memory_space<vmem>>) semaphore(%run_scoped3A_65 : memref<!tpu.dma_semaphore, #tpu.memory_space<semaphore_mem>>) {add = true}
        %dma_wait3A_69 = arith.constant 0 : i32
        %dma_wait3A_70 = arith.constant 0 : i32
        %dma_wait3A_71 = tpu.memref_slice %arg12[%dma_wait3A_69, %dma_wait3A_70] : memref<10240x128xf32, #tpu.memory_space<vmem_shared>> -> memref<10240x128xf32, #tpu.memory_space<vmem_shared>>
        tpu.wait_indirect_dma semaphore(%run_scoped3A_65 : memref<!tpu.dma_semaphore, #tpu.memory_space<semaphore_mem>>) src(%arg10 : memref<128x128xf32, #tpu.memory_space<vmem>>) dst(%dma_wait3A_71 : memref<10240x128xf32, #tpu.memory_space<vmem_shared>>)
        tpu.yield
      }) : () -> ()
      %add3A_58 = arith.constant 2 : i32
      %add3A_59 = arith.addi %mul3A_48, %add3A_58 : i32
      %lt3A = arith.constant 80 : i32
      %lt3A_60 = arith.cmpi slt, %add3A_59, %lt3A : i32
      %convert_element_type3A = arith.extui %lt3A_60 : i1 to i32
      %cond3A = arith.constant 0 : i32
      %cond3A_61 = arith.cmpi ne, %convert_element_type3A, %cond3A : i32
      scf.if %cond3A_61 {
        %add3A_65 = arith.constant 2 : i32
        %add3A_66 = arith.addi %mul3A_48, %add3A_65 : i32
        "tpu.region"() ({
          %run_scoped3A_72 = tpu.sem_alloc : memref<!tpu.dma_semaphore, #tpu.memory_space<semaphore_mem>>
          %dma_start3A_73 = arith.constant 0 : i32
          %dma_start3A_74 = tpu.memref_slice %arg3[%add3A, %add3A_66, %dma_start3A_73] : memref<32x80x128xi32, #tpu.memory_space<hbm>> -> memref<1x1x128xi32, #tpu.memory_space<hbm>>
          %dma_start3A_75 = tpu.memref_squeeze %dma_start3A_74 : memref<1x1x128xi32, #tpu.memory_space<hbm>> -> memref<128xi32, #tpu.memory_space<hbm>>
          %dma_start3A_76 = arith.constant 0 : i32
          %dma_start3A_77 = tpu.memref_slice %arg3[%add3A, %add3A_66, %dma_start3A_76] : memref<32x80x128xi32, #tpu.memory_space<hbm>> -> memref<1x1x128xi32, #tpu.memory_space<hbm>>
          %dma_start3A_78 = tpu.memref_squeeze %dma_start3A_77 : memref<1x1x128xi32, #tpu.memory_space<hbm>> -> memref<128xi32, #tpu.memory_space<hbm>>
          tpu.enqueue_dma source(%dma_start3A_78 : memref<128xi32, #tpu.memory_space<hbm>>) target(%arg6 : memref<128xi32, #tpu.memory_space<vmem>>) target_semaphore(%run_scoped3A_72 : memref<!tpu.dma_semaphore, #tpu.memory_space<semaphore_mem>>)
          %dma_wait3A_79 = arith.constant 0 : i32
          %dma_wait3A_80 = tpu.memref_slice %arg3[%add3A, %add3A_66, %dma_wait3A_79] : memref<32x80x128xi32, #tpu.memory_space<hbm>> -> memref<1x1x128xi32, #tpu.memory_space<hbm>>
          %dma_wait3A_81 = tpu.memref_squeeze %dma_wait3A_80 : memref<1x1x128xi32, #tpu.memory_space<hbm>> -> memref<128xi32, #tpu.memory_space<hbm>>
          %dma_wait3A_82 = arith.constant 0 : i32
          %dma_wait3A_83 = tpu.memref_slice %arg3[%add3A, %add3A_66, %dma_wait3A_82] : memref<32x80x128xi32, #tpu.memory_space<hbm>> -> memref<1x1x128xi32, #tpu.memory_space<hbm>>
          %dma_wait3A_84 = tpu.memref_squeeze %dma_wait3A_83 : memref<1x1x128xi32, #tpu.memory_space<hbm>> -> memref<128xi32, #tpu.memory_space<hbm>>
          tpu.wait_dma2 semaphore(%run_scoped3A_72 : memref<!tpu.dma_semaphore, #tpu.memory_space<semaphore_mem>>) src(%dma_wait3A_84 : memref<128xi32, #tpu.memory_space<hbm>>) dst(%arg6 : memref<128xi32, #tpu.memory_space<vmem>>)
          tpu.yield
        }) : () -> ()
        %add3A_67 = arith.constant 2 : i32
        %add3A_68 = arith.addi %mul3A_48, %add3A_67 : i32
        "tpu.region"() ({
          %run_scoped3A_72 = tpu.sem_alloc : memref<!tpu.dma_semaphore, #tpu.memory_space<semaphore_mem>>
          %dma_start3A_73 = arith.constant 0 : i32
          %dma_start3A_74 = tpu.memref_slice %arg4[%add3A, %add3A_68, %dma_start3A_73] : memref<32x80x128xi32, #tpu.memory_space<hbm>> -> memref<1x1x128xi32, #tpu.memory_space<hbm>>
          %dma_start3A_75 = tpu.memref_squeeze %dma_start3A_74 : memref<1x1x128xi32, #tpu.memory_space<hbm>> -> memref<128xi32, #tpu.memory_space<hbm>>
          %dma_start3A_76 = arith.constant 0 : i32
          %dma_start3A_77 = tpu.memref_slice %arg4[%add3A, %add3A_68, %dma_start3A_76] : memref<32x80x128xi32, #tpu.memory_space<hbm>> -> memref<1x1x128xi32, #tpu.memory_space<hbm>>
          %dma_start3A_78 = tpu.memref_squeeze %dma_start3A_77 : memref<1x1x128xi32, #tpu.memory_space<hbm>> -> memref<128xi32, #tpu.memory_space<hbm>>
          tpu.enqueue_dma source(%dma_start3A_78 : memref<128xi32, #tpu.memory_space<hbm>>) target(%arg7 : memref<128xi32, #tpu.memory_space<vmem>>) target_semaphore(%run_scoped3A_72 : memref<!tpu.dma_semaphore, #tpu.memory_space<semaphore_mem>>)
          %dma_wait3A_79 = arith.constant 0 : i32
          %dma_wait3A_80 = tpu.memref_slice %arg4[%add3A, %add3A_68, %dma_wait3A_79] : memref<32x80x128xi32, #tpu.memory_space<hbm>> -> memref<1x1x128xi32, #tpu.memory_space<hbm>>
          %dma_wait3A_81 = tpu.memref_squeeze %dma_wait3A_80 : memref<1x1x128xi32, #tpu.memory_space<hbm>> -> memref<128xi32, #tpu.memory_space<hbm>>
          %dma_wait3A_82 = arith.constant 0 : i32
          %dma_wait3A_83 = tpu.memref_slice %arg4[%add3A, %add3A_68, %dma_wait3A_82] : memref<32x80x128xi32, #tpu.memory_space<hbm>> -> memref<1x1x128xi32, #tpu.memory_space<hbm>>
          %dma_wait3A_84 = tpu.memref_squeeze %dma_wait3A_83 : memref<1x1x128xi32, #tpu.memory_space<hbm>> -> memref<128xi32, #tpu.memory_space<hbm>>
          tpu.wait_dma2 semaphore(%run_scoped3A_72 : memref<!tpu.dma_semaphore, #tpu.memory_space<semaphore_mem>>) src(%dma_wait3A_84 : memref<128xi32, #tpu.memory_space<hbm>>) dst(%arg7 : memref<128xi32, #tpu.memory_space<vmem>>)
          tpu.yield
        }) : () -> ()
        %dma_start3A_69 = arith.constant 0 : i32
        %dma_start3A_70 = arith.constant 0 : i32
        %dma_start3A_71 = tpu.memref_slice %arg2[%dma_start3A_69, %dma_start3A_70] : memref<10240x128xf32, #tpu.memory_space<hbm>> -> memref<10240x128xf32, #tpu.memory_space<hbm>>
        tpu.enqueue_indirect_dma source(%dma_start3A_71 : memref<10240x128xf32, #tpu.memory_space<hbm>>) target(%arg10 : memref<128x128xf32, #tpu.memory_space<vmem>>) offsets(%arg6 : memref<128xi32, #tpu.memory_space<vmem>>) semaphore(%arg13 : memref<!tpu.dma_semaphore, #tpu.memory_space<semaphore_mem>>)
      } else {
      }
      %dma_wait3A_62 = arith.constant 0 : i32
      %dma_wait3A_63 = arith.constant 0 : i32
      %dma_wait3A_64 = tpu.memref_slice %arg2[%dma_wait3A_62, %dma_wait3A_63] : memref<10240x128xf32, #tpu.memory_space<hbm>> -> memref<10240x128xf32, #tpu.memory_space<hbm>>
      tpu.wait_indirect_dma semaphore(%arg14 : memref<!tpu.dma_semaphore, #tpu.memory_space<semaphore_mem>>) src(%dma_wait3A_64 : memref<10240x128xf32, #tpu.memory_space<hbm>>) dst(%arg11 : memref<128x128xf32, #tpu.memory_space<vmem>>)
      "tpu.region"() ({
        %run_scoped3A_65 = tpu.sem_alloc : memref<!tpu.dma_semaphore, #tpu.memory_space<semaphore_mem>>
        %dma_start3A_66 = arith.constant 0 : i32
        %dma_start3A_67 = arith.constant 0 : i32
        %dma_start3A_68 = tpu.memref_slice %arg12[%dma_start3A_66, %dma_start3A_67] : memref<10240x128xf32, #tpu.memory_space<vmem_shared>> -> memref<10240x128xf32, #tpu.memory_space<vmem_shared>>
        tpu.enqueue_indirect_dma source(%arg11 : memref<128x128xf32, #tpu.memory_space<vmem>>) target(%dma_start3A_68 : memref<10240x128xf32, #tpu.memory_space<vmem_shared>>) offsets(%arg9 : memref<128xi32, #tpu.memory_space<vmem>>) semaphore(%run_scoped3A_65 : memref<!tpu.dma_semaphore, #tpu.memory_space<semaphore_mem>>) {add = true}
        %dma_wait3A_69 = arith.constant 0 : i32
        %dma_wait3A_70 = arith.constant 0 : i32
        %dma_wait3A_71 = tpu.memref_slice %arg12[%dma_wait3A_69, %dma_wait3A_70] : memref<10240x128xf32, #tpu.memory_space<vmem_shared>> -> memref<10240x128xf32, #tpu.memory_space<vmem_shared>>
        tpu.wait_indirect_dma semaphore(%run_scoped3A_65 : memref<!tpu.dma_semaphore, #tpu.memory_space<semaphore_mem>>) src(%arg11 : memref<128x128xf32, #tpu.memory_space<vmem>>) dst(%dma_wait3A_71 : memref<10240x128xf32, #tpu.memory_space<vmem_shared>>)
        tpu.yield
      }) : () -> ()
    }
    %scan3A_33 = arith.constant 40 : i32
    %barrier3A_34 = arith.constant 0 : index
    tpu.barrier barrier_id(%barrier3A_34)
    %mul3A_35 = arith.constant 640 : i32
    %mul3A_36 = arith.muli %arg1, %mul3A_35 : i32
    %mul3A_37 = arith.constant 10240 : i32
    %mul3A_38 = arith.muli %arg0, %mul3A_37 : i32
    %mul3A_39 = arith.constant 640 : i32
    %mul3A_40 = arith.muli %arg1, %mul3A_39 : i32
    %add3A_41 = arith.addi %mul3A_38, %mul3A_40 : i32
    "tpu.region"() ({
      %run_scoped3A_42 = tpu.sem_alloc : memref<!tpu.dma_semaphore, #tpu.memory_space<semaphore_mem>>
      %dma_start3A_43 = arith.constant 0 : i32
      %dma_start3A_44 = tpu.memref_slice %arg5[%add3A_41, %dma_start3A_43] : memref<20480x128xf32, #tpu.memory_space<hbm>> -> memref<640x128xf32, #tpu.memory_space<hbm>>
      %dma_start3A_45 = arith.constant 0 : i32
      %dma_start3A_46 = tpu.memref_slice %arg12[%mul3A_36, %dma_start3A_45] : memref<10240x128xf32, #tpu.memory_space<vmem_shared>> -> memref<640x128xf32, #tpu.memory_space<vmem_shared>>
      tpu.enqueue_dma source(%dma_start3A_46 : memref<640x128xf32, #tpu.memory_space<vmem_shared>>) target(%dma_start3A_44 : memref<640x128xf32, #tpu.memory_space<hbm>>) target_semaphore(%run_scoped3A_42 : memref<!tpu.dma_semaphore, #tpu.memory_space<semaphore_mem>>)
      %dma_wait3A = arith.constant 0 : i32
      %dma_wait3A_47 = tpu.memref_slice %arg5[%add3A_41, %dma_wait3A] : memref<20480x128xf32, #tpu.memory_space<hbm>> -> memref<640x128xf32, #tpu.memory_space<hbm>>
      %dma_wait3A_48 = arith.constant 0 : i32
      %dma_wait3A_49 = tpu.memref_slice %arg12[%mul3A_36, %dma_wait3A_48] : memref<10240x128xf32, #tpu.memory_space<vmem_shared>> -> memref<640x128xf32, #tpu.memory_space<vmem_shared>>
      tpu.wait_dma2 semaphore(%run_scoped3A_42 : memref<!tpu.dma_semaphore, #tpu.memory_space<semaphore_mem>>) src(%dma_wait3A_49 : memref<640x128xf32, #tpu.memory_space<vmem_shared>>) dst(%dma_wait3A_47 : memref<640x128xf32, #tpu.memory_space<hbm>>)
      tpu.yield
    }) : () -> ()
    return
  }
}

#map = affine_map<(d0, d1) -> (0, 0)>
#map1 = affine_map<(d0, d1) -> (0, 0, 0)>
module attributes {stable_mosaic.version = 14 : i64} {
  func.func @_prop_body(%arg0: i32, %arg1: i32, %arg2: memref<10240x128xf32, #tpu.memory_space<hbm>>, %arg3: memref<32x80x128xi32, #tpu.memory_space<hbm>>, %arg4: memref<32x80x128xi32, #tpu.memory_space<hbm>>, %arg5: memref<20480x128xf32, #tpu.memory_space<hbm>>, %arg6: memref<128xi32, #tpu.memory_space<vmem>>, %arg7: memref<128xi32, #tpu.memory_space<vmem>>, %arg8: memref<128xi32, #tpu.memory_space<vmem>>, %arg9: memref<128xi32, #tpu.memory_space<vmem>>, %arg10: memref<128x128xf32, #tpu.memory_space<vmem>>, %arg11: memref<128x128xf32, #tpu.memory_space<vmem>>, %arg12: memref<10240x128xf32, #tpu.memory_space<vmem_shared>>, %arg13: memref<!tpu.dma_semaphore, #tpu.memory_space<semaphore_mem>>, %arg14: memref<!tpu.dma_semaphore, #tpu.memory_space<semaphore_mem>>) attributes {dimension_semantics = [#tpu.dimension_semantics<core_parallel>, #tpu.dimension_semantics<subcore_parallel>], iteration_bounds = array<i64: 2, 16>, scalar_prefetch = 0 : i64, scratch_operands = 9 : i64, tpu.core_type = #tpu.core_type<sc_vector_subcore>, window_params = [{transform_indices = #map}, {transform_indices = #map1}, {transform_indices = #map1}, {transform_indices = #map}]} {
    %mul3A = arith.constant 16 : i32
    %mul3A_0 = arith.muli %arg0, %mul3A : i32
    %add3A = arith.addi %mul3A_0, %arg1 : i32
    %broadcast_in_dim3A = arith.constant 0.000000e+00 : f32
    %broadcast_in_dim3A_1 = vector.broadcast %broadcast_in_dim3A : f32 to vector<16xf32>
    %scan3A = arith.constant 0 : i32
    %scan3A_2 = arith.constant 128 : i32
    %scan3A_3 = arith.addi %scan3A, %scan3A_2 : i32
    %scan3A_4 = arith.constant 1 : i32
    scf.for %scan3A_42 = %scan3A to %scan3A_3 step %scan3A_4  : i32 {
      %swap3A = arith.index_cast %scan3A_42 : i32 to index
      %swap3A_43 = arith.constant 0 : index
      %swap3A_44 = tpu.vector_load %arg10[%swap3A, %swap3A_43] {strides = array<i32>} : memref<128x128xf32, #tpu.memory_space<vmem>>, vector<1x16xf32>,
      %swap3A_45 = vector.shape_cast %swap3A_44 : vector<1x16xf32> to vector<16xf32>
      %swap3A_46 = vector.shape_cast %broadcast_in_dim3A_1 : vector<16xf32> to vector<1x16xf32>
      tpu.vector_store %arg10[%swap3A, %swap3A_43], %swap3A_46 {strides = array<i32>} : memref<128x128xf32, #tpu.memory_space<vmem>>, vector<1x16xf32>,
      %swap3A_47 = arith.index_cast %scan3A_42 : i32 to index
      %swap3A_48 = arith.constant 16 : index
      %swap3A_49 = tpu.vector_load %arg10[%swap3A_47, %swap3A_48] {strides = array<i32>} : memref<128x128xf32, #tpu.memory_space<vmem>>, vector<1x16xf32>,
      %swap3A_50 = vector.shape_cast %swap3A_49 : vector<1x16xf32> to vector<16xf32>
      %swap3A_51 = vector.shape_cast %broadcast_in_dim3A_1 : vector<16xf32> to vector<1x16xf32>
      tpu.vector_store %arg10[%swap3A_47, %swap3A_48], %swap3A_51 {strides = array<i32>} : memref<128x128xf32, #tpu.memory_space<vmem>>, vector<1x16xf32>,
      %swap3A_52 = arith.index_cast %scan3A_42 : i32 to index
      %swap3A_53 = arith.constant 32 : index
      %swap3A_54 = tpu.vector_load %arg10[%swap3A_52, %swap3A_53] {strides = array<i32>} : memref<128x128xf32, #tpu.memory_space<vmem>>, vector<1x16xf32>,
      %swap3A_55 = vector.shape_cast %swap3A_54 : vector<1x16xf32> to vector<16xf32>
      %swap3A_56 = vector.shape_cast %broadcast_in_dim3A_1 : vector<16xf32> to vector<1x16xf32>
      tpu.vector_store %arg10[%swap3A_52, %swap3A_53], %swap3A_56 {strides = array<i32>} : memref<128x128xf32, #tpu.memory_space<vmem>>, vector<1x16xf32>,
      %swap3A_57 = arith.index_cast %scan3A_42 : i32 to index
      %swap3A_58 = arith.constant 48 : index
      %swap3A_59 = tpu.vector_load %arg10[%swap3A_57, %swap3A_58] {strides = array<i32>} : memref<128x128xf32, #tpu.memory_space<vmem>>, vector<1x16xf32>,
      %swap3A_60 = vector.shape_cast %swap3A_59 : vector<1x16xf32> to vector<16xf32>
      %swap3A_61 = vector.shape_cast %broadcast_in_dim3A_1 : vector<16xf32> to vector<1x16xf32>
      tpu.vector_store %arg10[%swap3A_57, %swap3A_58], %swap3A_61 {strides = array<i32>} : memref<128x128xf32, #tpu.memory_space<vmem>>, vector<1x16xf32>,
      %swap3A_62 = arith.index_cast %scan3A_42 : i32 to index
      %swap3A_63 = arith.constant 64 : index
      %swap3A_64 = tpu.vector_load %arg10[%swap3A_62, %swap3A_63] {strides = array<i32>} : memref<128x128xf32, #tpu.memory_space<vmem>>, vector<1x16xf32>,
      %swap3A_65 = vector.shape_cast %swap3A_64 : vector<1x16xf32> to vector<16xf32>
      %swap3A_66 = vector.shape_cast %broadcast_in_dim3A_1 : vector<16xf32> to vector<1x16xf32>
      tpu.vector_store %arg10[%swap3A_62, %swap3A_63], %swap3A_66 {strides = array<i32>} : memref<128x128xf32, #tpu.memory_space<vmem>>, vector<1x16xf32>,
      %swap3A_67 = arith.index_cast %scan3A_42 : i32 to index
      %swap3A_68 = arith.constant 80 : index
      %swap3A_69 = tpu.vector_load %arg10[%swap3A_67, %swap3A_68] {strides = array<i32>} : memref<128x128xf32, #tpu.memory_space<vmem>>, vector<1x16xf32>,
      %swap3A_70 = vector.shape_cast %swap3A_69 : vector<1x16xf32> to vector<16xf32>
      %swap3A_71 = vector.shape_cast %broadcast_in_dim3A_1 : vector<16xf32> to vector<1x16xf32>
      tpu.vector_store %arg10[%swap3A_67, %swap3A_68], %swap3A_71 {strides = array<i32>} : memref<128x128xf32, #tpu.memory_space<vmem>>, vector<1x16xf32>,
      %swap3A_72 = arith.index_cast %scan3A_42 : i32 to index
      %swap3A_73 = arith.constant 96 : index
      %swap3A_74 = tpu.vector_load %arg10[%swap3A_72, %swap3A_73] {strides = array<i32>} : memref<128x128xf32, #tpu.memory_space<vmem>>, vector<1x16xf32>,
      %swap3A_75 = vector.shape_cast %swap3A_74 : vector<1x16xf32> to vector<16xf32>
      %swap3A_76 = vector.shape_cast %broadcast_in_dim3A_1 : vector<16xf32> to vector<1x16xf32>
      tpu.vector_store %arg10[%swap3A_72, %swap3A_73], %swap3A_76 {strides = array<i32>} : memref<128x128xf32, #tpu.memory_space<vmem>>, vector<1x16xf32>,
      %swap3A_77 = arith.index_cast %scan3A_42 : i32 to index
      %swap3A_78 = arith.constant 112 : index
      %swap3A_79 = tpu.vector_load %arg10[%swap3A_77, %swap3A_78] {strides = array<i32>} : memref<128x128xf32, #tpu.memory_space<vmem>>, vector<1x16xf32>,
      %swap3A_80 = vector.shape_cast %swap3A_79 : vector<1x16xf32> to vector<16xf32>
      %swap3A_81 = vector.shape_cast %broadcast_in_dim3A_1 : vector<16xf32> to vector<1x16xf32>
      tpu.vector_store %arg10[%swap3A_77, %swap3A_78], %swap3A_81 {strides = array<i32>} : memref<128x128xf32, #tpu.memory_space<vmem>>, vector<1x16xf32>,
    }
    %scan3A_5 = arith.constant 128 : i32
    %mul3A_6 = arith.constant 640 : i32
    %mul3A_7 = arith.muli %arg1, %mul3A_6 : i32
    %add3A_8 = arith.constant 0 : i32
    %add3A_9 = arith.addi %mul3A_7, %add3A_8 : i32
    "tpu.region"() ({
      %run_scoped3A_42 = tpu.sem_alloc : memref<!tpu.dma_semaphore, #tpu.memory_space<semaphore_mem>>
      %dma_start3A_43 = arith.constant 0 : i32
      %dma_start3A_44 = tpu.memref_slice %arg12[%add3A_9, %dma_start3A_43] : memref<10240x128xf32, #tpu.memory_space<vmem_shared>> -> memref<128x128xf32, #tpu.memory_space<vmem_shared>>
      %dma_start3A_45 = arith.constant 0 : i32
      %dma_start3A_46 = tpu.memref_slice %arg12[%add3A_9, %dma_start3A_45] : memref<10240x128xf32, #tpu.memory_space<vmem_shared>> -> memref<128x128xf32, #tpu.memory_space<vmem_shared>>
      tpu.enqueue_dma source(%arg10 : memref<128x128xf32, #tpu.memory_space<vmem>>) target(%dma_start3A_46 : memref<128x128xf32, #tpu.memory_space<vmem_shared>>) target_semaphore(%run_scoped3A_42 : memref<!tpu.dma_semaphore, #tpu.memory_space<semaphore_mem>>)
      %dma_wait3A = arith.constant 0 : i32
      %dma_wait3A_47 = tpu.memref_slice %arg12[%add3A_9, %dma_wait3A] : memref<10240x128xf32, #tpu.memory_space<vmem_shared>> -> memref<128x128xf32, #tpu.memory_space<vmem_shared>>
      %dma_wait3A_48 = arith.constant 0 : i32
      %dma_wait3A_49 = tpu.memref_slice %arg12[%add3A_9, %dma_wait3A_48] : memref<10240x128xf32, #tpu.memory_space<vmem_shared>> -> memref<128x128xf32, #tpu.memory_space<vmem_shared>>
      tpu.wait_dma2 semaphore(%run_scoped3A_42 : memref<!tpu.dma_semaphore, #tpu.memory_space<semaphore_mem>>) src(%arg10 : memref<128x128xf32, #tpu.memory_space<vmem>>) dst(%dma_wait3A_49 : memref<128x128xf32, #tpu.memory_space<vmem_shared>>)
      tpu.yield
    }) : () -> ()
    %mul3A_10 = arith.constant 640 : i32
    %mul3A_11 = arith.muli %arg1, %mul3A_10 : i32
    %add3A_12 = arith.constant 128 : i32
    %add3A_13 = arith.addi %mul3A_11, %add3A_12 : i32
    "tpu.region"() ({
      %run_scoped3A_42 = tpu.sem_alloc : memref<!tpu.dma_semaphore, #tpu.memory_space<semaphore_mem>>
      %dma_start3A_43 = arith.constant 0 : i32
      %dma_start3A_44 = tpu.memref_slice %arg12[%add3A_13, %dma_start3A_43] : memref<10240x128xf32, #tpu.memory_space<vmem_shared>> -> memref<128x128xf32, #tpu.memory_space<vmem_shared>>
      %dma_start3A_45 = arith.constant 0 : i32
      %dma_start3A_46 = tpu.memref_slice %arg12[%add3A_13, %dma_start3A_45] : memref<10240x128xf32, #tpu.memory_space<vmem_shared>> -> memref<128x128xf32, #tpu.memory_space<vmem_shared>>
      tpu.enqueue_dma source(%arg10 : memref<128x128xf32, #tpu.memory_space<vmem>>) target(%dma_start3A_46 : memref<128x128xf32, #tpu.memory_space<vmem_shared>>) target_semaphore(%run_scoped3A_42 : memref<!tpu.dma_semaphore, #tpu.memory_space<semaphore_mem>>)
      %dma_wait3A = arith.constant 0 : i32
      %dma_wait3A_47 = tpu.memref_slice %arg12[%add3A_13, %dma_wait3A] : memref<10240x128xf32, #tpu.memory_space<vmem_shared>> -> memref<128x128xf32, #tpu.memory_space<vmem_shared>>
      %dma_wait3A_48 = arith.constant 0 : i32
      %dma_wait3A_49 = tpu.memref_slice %arg12[%add3A_13, %dma_wait3A_48] : memref<10240x128xf32, #tpu.memory_space<vmem_shared>> -> memref<128x128xf32, #tpu.memory_space<vmem_shared>>
      tpu.wait_dma2 semaphore(%run_scoped3A_42 : memref<!tpu.dma_semaphore, #tpu.memory_space<semaphore_mem>>) src(%arg10 : memref<128x128xf32, #tpu.memory_space<vmem>>) dst(%dma_wait3A_49 : memref<128x128xf32, #tpu.memory_space<vmem_shared>>)
      tpu.yield
    }) : () -> ()
    %mul3A_14 = arith.constant 640 : i32
    %mul3A_15 = arith.muli %arg1, %mul3A_14 : i32
    %add3A_16 = arith.constant 256 : i32
    %add3A_17 = arith.addi %mul3A_15, %add3A_16 : i32
    "tpu.region"() ({
      %run_scoped3A_42 = tpu.sem_alloc : memref<!tpu.dma_semaphore, #tpu.memory_space<semaphore_mem>>
      %dma_start3A_43 = arith.constant 0 : i32
      %dma_start3A_44 = tpu.memref_slice %arg12[%add3A_17, %dma_start3A_43] : memref<10240x128xf32, #tpu.memory_space<vmem_shared>> -> memref<128x128xf32, #tpu.memory_space<vmem_shared>>
      %dma_start3A_45 = arith.constant 0 : i32
      %dma_start3A_46 = tpu.memref_slice %arg12[%add3A_17, %dma_start3A_45] : memref<10240x128xf32, #tpu.memory_space<vmem_shared>> -> memref<128x128xf32, #tpu.memory_space<vmem_shared>>
      tpu.enqueue_dma source(%arg10 : memref<128x128xf32, #tpu.memory_space<vmem>>) target(%dma_start3A_46 : memref<128x128xf32, #tpu.memory_space<vmem_shared>>) target_semaphore(%run_scoped3A_42 : memref<!tpu.dma_semaphore, #tpu.memory_space<semaphore_mem>>)
      %dma_wait3A = arith.constant 0 : i32
      %dma_wait3A_47 = tpu.memref_slice %arg12[%add3A_17, %dma_wait3A] : memref<10240x128xf32, #tpu.memory_space<vmem_shared>> -> memref<128x128xf32, #tpu.memory_space<vmem_shared>>
      %dma_wait3A_48 = arith.constant 0 : i32
      %dma_wait3A_49 = tpu.memref_slice %arg12[%add3A_17, %dma_wait3A_48] : memref<10240x128xf32, #tpu.memory_space<vmem_shared>> -> memref<128x128xf32, #tpu.memory_space<vmem_shared>>
      tpu.wait_dma2 semaphore(%run_scoped3A_42 : memref<!tpu.dma_semaphore, #tpu.memory_space<semaphore_mem>>) src(%arg10 : memref<128x128xf32, #tpu.memory_space<vmem>>) dst(%dma_wait3A_49 : memref<128x128xf32, #tpu.memory_space<vmem_shared>>)
      tpu.yield
    }) : () -> ()
    %mul3A_18 = arith.constant 640 : i32
    %mul3A_19 = arith.muli %arg1, %mul3A_18 : i32
    %add3A_20 = arith.constant 384 : i32
    %add3A_21 = arith.addi %mul3A_19, %add3A_20 : i32
    "tpu.region"() ({
      %run_scoped3A_42 = tpu.sem_alloc : memref<!tpu.dma_semaphore, #tpu.memory_space<semaphore_mem>>
      %dma_start3A_43 = arith.constant 0 : i32
      %dma_start3A_44 = tpu.memref_slice %arg12[%add3A_21, %dma_start3A_43] : memref<10240x128xf32, #tpu.memory_space<vmem_shared>> -> memref<128x128xf32, #tpu.memory_space<vmem_shared>>
      %dma_start3A_45 = arith.constant 0 : i32
      %dma_start3A_46 = tpu.memref_slice %arg12[%add3A_21, %dma_start3A_45] : memref<10240x128xf32, #tpu.memory_space<vmem_shared>> -> memref<128x128xf32, #tpu.memory_space<vmem_shared>>
      tpu.enqueue_dma source(%arg10 : memref<128x128xf32, #tpu.memory_space<vmem>>) target(%dma_start3A_46 : memref<128x128xf32, #tpu.memory_space<vmem_shared>>) target_semaphore(%run_scoped3A_42 : memref<!tpu.dma_semaphore, #tpu.memory_space<semaphore_mem>>)
      %dma_wait3A = arith.constant 0 : i32
      %dma_wait3A_47 = tpu.memref_slice %arg12[%add3A_21, %dma_wait3A] : memref<10240x128xf32, #tpu.memory_space<vmem_shared>> -> memref<128x128xf32, #tpu.memory_space<vmem_shared>>
      %dma_wait3A_48 = arith.constant 0 : i32
      %dma_wait3A_49 = tpu.memref_slice %arg12[%add3A_21, %dma_wait3A_48] : memref<10240x128xf32, #tpu.memory_space<vmem_shared>> -> memref<128x128xf32, #tpu.memory_space<vmem_shared>>
      tpu.wait_dma2 semaphore(%run_scoped3A_42 : memref<!tpu.dma_semaphore, #tpu.memory_space<semaphore_mem>>) src(%arg10 : memref<128x128xf32, #tpu.memory_space<vmem>>) dst(%dma_wait3A_49 : memref<128x128xf32, #tpu.memory_space<vmem_shared>>)
      tpu.yield
    }) : () -> ()
    %mul3A_22 = arith.constant 640 : i32
    %mul3A_23 = arith.muli %arg1, %mul3A_22 : i32
    %add3A_24 = arith.constant 512 : i32
    %add3A_25 = arith.addi %mul3A_23, %add3A_24 : i32
    "tpu.region"() ({
      %run_scoped3A_42 = tpu.sem_alloc : memref<!tpu.dma_semaphore, #tpu.memory_space<semaphore_mem>>
      %dma_start3A_43 = arith.constant 0 : i32
      %dma_start3A_44 = tpu.memref_slice %arg12[%add3A_25, %dma_start3A_43] : memref<10240x128xf32, #tpu.memory_space<vmem_shared>> -> memref<128x128xf32, #tpu.memory_space<vmem_shared>>
      %dma_start3A_45 = arith.constant 0 : i32
      %dma_start3A_46 = tpu.memref_slice %arg12[%add3A_25, %dma_start3A_45] : memref<10240x128xf32, #tpu.memory_space<vmem_shared>> -> memref<128x128xf32, #tpu.memory_space<vmem_shared>>
      tpu.enqueue_dma source(%arg10 : memref<128x128xf32, #tpu.memory_space<vmem>>) target(%dma_start3A_46 : memref<128x128xf32, #tpu.memory_space<vmem_shared>>) target_semaphore(%run_scoped3A_42 : memref<!tpu.dma_semaphore, #tpu.memory_space<semaphore_mem>>)
      %dma_wait3A = arith.constant 0 : i32
      %dma_wait3A_47 = tpu.memref_slice %arg12[%add3A_25, %dma_wait3A] : memref<10240x128xf32, #tpu.memory_space<vmem_shared>> -> memref<128x128xf32, #tpu.memory_space<vmem_shared>>
      %dma_wait3A_48 = arith.constant 0 : i32
      %dma_wait3A_49 = tpu.memref_slice %arg12[%add3A_25, %dma_wait3A_48] : memref<10240x128xf32, #tpu.memory_space<vmem_shared>> -> memref<128x128xf32, #tpu.memory_space<vmem_shared>>
      tpu.wait_dma2 semaphore(%run_scoped3A_42 : memref<!tpu.dma_semaphore, #tpu.memory_space<semaphore_mem>>) src(%arg10 : memref<128x128xf32, #tpu.memory_space<vmem>>) dst(%dma_wait3A_49 : memref<128x128xf32, #tpu.memory_space<vmem_shared>>)
      tpu.yield
    }) : () -> ()
    %barrier3A = arith.constant 0 : index
    tpu.barrier barrier_id(%barrier3A)
    %run_scoped3A = arith.constant 0 : i32
    "tpu.region"() ({
      %run_scoped3A_42 = tpu.sem_alloc : memref<!tpu.dma_semaphore, #tpu.memory_space<semaphore_mem>>
      %dma_start3A_43 = arith.constant 0 : i32
      %dma_start3A_44 = tpu.memref_slice %arg3[%add3A, %run_scoped3A, %dma_start3A_43] : memref<32x80x128xi32, #tpu.memory_space<hbm>> -> memref<1x1x128xi32, #tpu.memory_space<hbm>>
      %dma_start3A_45 = tpu.memref_squeeze %dma_start3A_44 : memref<1x1x128xi32, #tpu.memory_space<hbm>> -> memref<128xi32, #tpu.memory_space<hbm>>
      %dma_start3A_46 = arith.constant 0 : i32
      %dma_start3A_47 = tpu.memref_slice %arg3[%add3A, %run_scoped3A, %dma_start3A_46] : memref<32x80x128xi32, #tpu.memory_space<hbm>> -> memref<1x1x128xi32, #tpu.memory_space<hbm>>
      %dma_start3A_48 = tpu.memref_squeeze %dma_start3A_47 : memref<1x1x128xi32, #tpu.memory_space<hbm>> -> memref<128xi32, #tpu.memory_space<hbm>>
      tpu.enqueue_dma source(%dma_start3A_48 : memref<128xi32, #tpu.memory_space<hbm>>) target(%arg6 : memref<128xi32, #tpu.memory_space<vmem>>) target_semaphore(%run_scoped3A_42 : memref<!tpu.dma_semaphore, #tpu.memory_space<semaphore_mem>>)
      %dma_wait3A = arith.constant 0 : i32
      %dma_wait3A_49 = tpu.memref_slice %arg3[%add3A, %run_scoped3A, %dma_wait3A] : memref<32x80x128xi32, #tpu.memory_space<hbm>> -> memref<1x1x128xi32, #tpu.memory_space<hbm>>
      %dma_wait3A_50 = tpu.memref_squeeze %dma_wait3A_49 : memref<1x1x128xi32, #tpu.memory_space<hbm>> -> memref<128xi32, #tpu.memory_space<hbm>>
      %dma_wait3A_51 = arith.constant 0 : i32
      %dma_wait3A_52 = tpu.memref_slice %arg3[%add3A, %run_scoped3A, %dma_wait3A_51] : memref<32x80x128xi32, #tpu.memory_space<hbm>> -> memref<1x1x128xi32, #tpu.memory_space<hbm>>
      %dma_wait3A_53 = tpu.memref_squeeze %dma_wait3A_52 : memref<1x1x128xi32, #tpu.memory_space<hbm>> -> memref<128xi32, #tpu.memory_space<hbm>>
      tpu.wait_dma2 semaphore(%run_scoped3A_42 : memref<!tpu.dma_semaphore, #tpu.memory_space<semaphore_mem>>) src(%dma_wait3A_53 : memref<128xi32, #tpu.memory_space<hbm>>) dst(%arg6 : memref<128xi32, #tpu.memory_space<vmem>>)
      tpu.yield
    }) : () -> ()
    %run_scoped3A_26 = arith.constant 0 : i32
    "tpu.region"() ({
      %run_scoped3A_42 = tpu.sem_alloc : memref<!tpu.dma_semaphore, #tpu.memory_space<semaphore_mem>>
      %dma_start3A_43 = arith.constant 0 : i32
      %dma_start3A_44 = tpu.memref_slice %arg4[%add3A, %run_scoped3A_26, %dma_start3A_43] : memref<32x80x128xi32, #tpu.memory_space<hbm>> -> memref<1x1x128xi32, #tpu.memory_space<hbm>>
      %dma_start3A_45 = tpu.memref_squeeze %dma_start3A_44 : memref<1x1x128xi32, #tpu.memory_space<hbm>> -> memref<128xi32, #tpu.memory_space<hbm>>
      %dma_start3A_46 = arith.constant 0 : i32
      %dma_start3A_47 = tpu.memref_slice %arg4[%add3A, %run_scoped3A_26, %dma_start3A_46] : memref<32x80x128xi32, #tpu.memory_space<hbm>> -> memref<1x1x128xi32, #tpu.memory_space<hbm>>
      %dma_start3A_48 = tpu.memref_squeeze %dma_start3A_47 : memref<1x1x128xi32, #tpu.memory_space<hbm>> -> memref<128xi32, #tpu.memory_space<hbm>>
      tpu.enqueue_dma source(%dma_start3A_48 : memref<128xi32, #tpu.memory_space<hbm>>) target(%arg7 : memref<128xi32, #tpu.memory_space<vmem>>) target_semaphore(%run_scoped3A_42 : memref<!tpu.dma_semaphore, #tpu.memory_space<semaphore_mem>>)
      %dma_wait3A = arith.constant 0 : i32
      %dma_wait3A_49 = tpu.memref_slice %arg4[%add3A, %run_scoped3A_26, %dma_wait3A] : memref<32x80x128xi32, #tpu.memory_space<hbm>> -> memref<1x1x128xi32, #tpu.memory_space<hbm>>
      %dma_wait3A_50 = tpu.memref_squeeze %dma_wait3A_49 : memref<1x1x128xi32, #tpu.memory_space<hbm>> -> memref<128xi32, #tpu.memory_space<hbm>>
      %dma_wait3A_51 = arith.constant 0 : i32
      %dma_wait3A_52 = tpu.memref_slice %arg4[%add3A, %run_scoped3A_26, %dma_wait3A_51] : memref<32x80x128xi32, #tpu.memory_space<hbm>> -> memref<1x1x128xi32, #tpu.memory_space<hbm>>
      %dma_wait3A_53 = tpu.memref_squeeze %dma_wait3A_52 : memref<1x1x128xi32, #tpu.memory_space<hbm>> -> memref<128xi32, #tpu.memory_space<hbm>>
      tpu.wait_dma2 semaphore(%run_scoped3A_42 : memref<!tpu.dma_semaphore, #tpu.memory_space<semaphore_mem>>) src(%dma_wait3A_53 : memref<128xi32, #tpu.memory_space<hbm>>) dst(%arg7 : memref<128xi32, #tpu.memory_space<vmem>>)
      tpu.yield
    }) : () -> ()
    %dma_start3A = arith.constant 0 : i32
    %dma_start3A_27 = arith.constant 0 : i32
    %dma_start3A_28 = tpu.memref_slice %arg2[%dma_start3A, %dma_start3A_27] : memref<10240x128xf32, #tpu.memory_space<hbm>> -> memref<10240x128xf32, #tpu.memory_space<hbm>>
    tpu.enqueue_indirect_dma source(%dma_start3A_28 : memref<10240x128xf32, #tpu.memory_space<hbm>>) target(%arg10 : memref<128x128xf32, #tpu.memory_space<vmem>>) offsets(%arg6 : memref<128xi32, #tpu.memory_space<vmem>>) semaphore(%arg13 : memref<!tpu.dma_semaphore, #tpu.memory_space<semaphore_mem>>)
    %scan3A_29 = arith.constant 0 : i32
    %scan3A_30 = arith.constant 40 : i32
    %scan3A_31 = arith.addi %scan3A_29, %scan3A_30 : i32
    %scan3A_32 = arith.constant 1 : i32
    scf.for %scan3A_42 = %scan3A_29 to %scan3A_31 step %scan3A_32  : i32 {
      %mul3A_43 = arith.constant 1 : i32
      %mul3A_44 = arith.muli %scan3A_42, %mul3A_43 : i32
      %add3A_45 = arith.constant 0 : i32
      %add3A_46 = arith.addi %add3A_45, %mul3A_44 : i32
      %mul3A_47 = arith.constant 2 : i32
      %mul3A_48 = arith.muli %mul3A_47, %add3A_46 : i32
      %add3A_49 = arith.constant 1 : i32
      %add3A_50 = arith.addi %mul3A_48, %add3A_49 : i32
      "tpu.region"() ({
        %run_scoped3A_65 = tpu.sem_alloc : memref<!tpu.dma_semaphore, #tpu.memory_space<semaphore_mem>>
        %dma_start3A_66 = arith.constant 0 : i32
        %dma_start3A_67 = tpu.memref_slice %arg3[%add3A, %add3A_50, %dma_start3A_66] : memref<32x80x128xi32, #tpu.memory_space<hbm>> -> memref<1x1x128xi32, #tpu.memory_space<hbm>>
        %dma_start3A_68 = tpu.memref_squeeze %dma_start3A_67 : memref<1x1x128xi32, #tpu.memory_space<hbm>> -> memref<128xi32, #tpu.memory_space<hbm>>
        %dma_start3A_69 = arith.constant 0 : i32
        %dma_start3A_70 = tpu.memref_slice %arg3[%add3A, %add3A_50, %dma_start3A_69] : memref<32x80x128xi32, #tpu.memory_space<hbm>> -> memref<1x1x128xi32, #tpu.memory_space<hbm>>
        %dma_start3A_71 = tpu.memref_squeeze %dma_start3A_70 : memref<1x1x128xi32, #tpu.memory_space<hbm>> -> memref<128xi32, #tpu.memory_space<hbm>>
        tpu.enqueue_dma source(%dma_start3A_71 : memref<128xi32, #tpu.memory_space<hbm>>) target(%arg8 : memref<128xi32, #tpu.memory_space<vmem>>) target_semaphore(%run_scoped3A_65 : memref<!tpu.dma_semaphore, #tpu.memory_space<semaphore_mem>>)
        %dma_wait3A_72 = arith.constant 0 : i32
        %dma_wait3A_73 = tpu.memref_slice %arg3[%add3A, %add3A_50, %dma_wait3A_72] : memref<32x80x128xi32, #tpu.memory_space<hbm>> -> memref<1x1x128xi32, #tpu.memory_space<hbm>>
        %dma_wait3A_74 = tpu.memref_squeeze %dma_wait3A_73 : memref<1x1x128xi32, #tpu.memory_space<hbm>> -> memref<128xi32, #tpu.memory_space<hbm>>
        %dma_wait3A_75 = arith.constant 0 : i32
        %dma_wait3A_76 = tpu.memref_slice %arg3[%add3A, %add3A_50, %dma_wait3A_75] : memref<32x80x128xi32, #tpu.memory_space<hbm>> -> memref<1x1x128xi32, #tpu.memory_space<hbm>>
        %dma_wait3A_77 = tpu.memref_squeeze %dma_wait3A_76 : memref<1x1x128xi32, #tpu.memory_space<hbm>> -> memref<128xi32, #tpu.memory_space<hbm>>
        tpu.wait_dma2 semaphore(%run_scoped3A_65 : memref<!tpu.dma_semaphore, #tpu.memory_space<semaphore_mem>>) src(%dma_wait3A_77 : memref<128xi32, #tpu.memory_space<hbm>>) dst(%arg8 : memref<128xi32, #tpu.memory_space<vmem>>)
        tpu.yield
      }) : () -> ()
      %add3A_51 = arith.constant 1 : i32
      %add3A_52 = arith.addi %mul3A_48, %add3A_51 : i32
      "tpu.region"() ({
        %run_scoped3A_65 = tpu.sem_alloc : memref<!tpu.dma_semaphore, #tpu.memory_space<semaphore_mem>>
        %dma_start3A_66 = arith.constant 0 : i32
        %dma_start3A_67 = tpu.memref_slice %arg4[%add3A, %add3A_52, %dma_start3A_66] : memref<32x80x128xi32, #tpu.memory_space<hbm>> -> memref<1x1x128xi32, #tpu.memory_space<hbm>>
        %dma_start3A_68 = tpu.memref_squeeze %dma_start3A_67 : memref<1x1x128xi32, #tpu.memory_space<hbm>> -> memref<128xi32, #tpu.memory_space<hbm>>
        %dma_start3A_69 = arith.constant 0 : i32
        %dma_start3A_70 = tpu.memref_slice %arg4[%add3A, %add3A_52, %dma_start3A_69] : memref<32x80x128xi32, #tpu.memory_space<hbm>> -> memref<1x1x128xi32, #tpu.memory_space<hbm>>
        %dma_start3A_71 = tpu.memref_squeeze %dma_start3A_70 : memref<1x1x128xi32, #tpu.memory_space<hbm>> -> memref<128xi32, #tpu.memory_space<hbm>>
        tpu.enqueue_dma source(%dma_start3A_71 : memref<128xi32, #tpu.memory_space<hbm>>) target(%arg9 : memref<128xi32, #tpu.memory_space<vmem>>) target_semaphore(%run_scoped3A_65 : memref<!tpu.dma_semaphore, #tpu.memory_space<semaphore_mem>>)
        %dma_wait3A_72 = arith.constant 0 : i32
        %dma_wait3A_73 = tpu.memref_slice %arg4[%add3A, %add3A_52, %dma_wait3A_72] : memref<32x80x128xi32, #tpu.memory_space<hbm>> -> memref<1x1x128xi32, #tpu.memory_space<hbm>>
        %dma_wait3A_74 = tpu.memref_squeeze %dma_wait3A_73 : memref<1x1x128xi32, #tpu.memory_space<hbm>> -> memref<128xi32, #tpu.memory_space<hbm>>
        %dma_wait3A_75 = arith.constant 0 : i32
        %dma_wait3A_76 = tpu.memref_slice %arg4[%add3A, %add3A_52, %dma_wait3A_75] : memref<32x80x128xi32, #tpu.memory_space<hbm>> -> memref<1x1x128xi32, #tpu.memory_space<hbm>>
        %dma_wait3A_77 = tpu.memref_squeeze %dma_wait3A_76 : memref<1x1x128xi32, #tpu.memory_space<hbm>> -> memref<128xi32, #tpu.memory_space<hbm>>
        tpu.wait_dma2 semaphore(%run_scoped3A_65 : memref<!tpu.dma_semaphore, #tpu.memory_space<semaphore_mem>>) src(%dma_wait3A_77 : memref<128xi32, #tpu.memory_space<hbm>>) dst(%arg9 : memref<128xi32, #tpu.memory_space<vmem>>)
        tpu.yield
      }) : () -> ()
      %dma_start3A_53 = arith.constant 0 : i32
      %dma_start3A_54 = arith.constant 0 : i32
      %dma_start3A_55 = tpu.memref_slice %arg2[%dma_start3A_53, %dma_start3A_54] : memref<10240x128xf32, #tpu.memory_space<hbm>> -> memref<10240x128xf32, #tpu.memory_space<hbm>>
      tpu.enqueue_indirect_dma source(%dma_start3A_55 : memref<10240x128xf32, #tpu.memory_space<hbm>>) target(%arg11 : memref<128x128xf32, #tpu.memory_space<vmem>>) offsets(%arg8 : memref<128xi32, #tpu.memory_space<vmem>>) semaphore(%arg14 : memref<!tpu.dma_semaphore, #tpu.memory_space<semaphore_mem>>)
      %dma_wait3A = arith.constant 0 : i32
      %dma_wait3A_56 = arith.constant 0 : i32
      %dma_wait3A_57 = tpu.memref_slice %arg2[%dma_wait3A, %dma_wait3A_56] : memref<10240x128xf32, #tpu.memory_space<hbm>> -> memref<10240x128xf32, #tpu.memory_space<hbm>>
      tpu.wait_indirect_dma semaphore(%arg13 : memref<!tpu.dma_semaphore, #tpu.memory_space<semaphore_mem>>) src(%dma_wait3A_57 : memref<10240x128xf32, #tpu.memory_space<hbm>>) dst(%arg10 : memref<128x128xf32, #tpu.memory_space<vmem>>)
      "tpu.region"() ({
        %run_scoped3A_65 = tpu.sem_alloc : memref<!tpu.dma_semaphore, #tpu.memory_space<semaphore_mem>>
        %dma_start3A_66 = arith.constant 0 : i32
        %dma_start3A_67 = arith.constant 0 : i32
        %dma_start3A_68 = tpu.memref_slice %arg12[%dma_start3A_66, %dma_start3A_67] : memref<10240x128xf32, #tpu.memory_space<vmem_shared>> -> memref<10240x128xf32, #tpu.memory_space<vmem_shared>>
        tpu.enqueue_indirect_dma source(%arg10 : memref<128x128xf32, #tpu.memory_space<vmem>>) target(%dma_start3A_68 : memref<10240x128xf32, #tpu.memory_space<vmem_shared>>) offsets(%arg7 : memref<128xi32, #tpu.memory_space<vmem>>) semaphore(%run_scoped3A_65 : memref<!tpu.dma_semaphore, #tpu.memory_space<semaphore_mem>>) {add = true}
        %dma_wait3A_69 = arith.constant 0 : i32
        %dma_wait3A_70 = arith.constant 0 : i32
        %dma_wait3A_71 = tpu.memref_slice %arg12[%dma_wait3A_69, %dma_wait3A_70] : memref<10240x128xf32, #tpu.memory_space<vmem_shared>> -> memref<10240x128xf32, #tpu.memory_space<vmem_shared>>
        tpu.wait_indirect_dma semaphore(%run_scoped3A_65 : memref<!tpu.dma_semaphore, #tpu.memory_space<semaphore_mem>>) src(%arg10 : memref<128x128xf32, #tpu.memory_space<vmem>>) dst(%dma_wait3A_71 : memref<10240x128xf32, #tpu.memory_space<vmem_shared>>)
        tpu.yield
      }) : () -> ()
      %add3A_58 = arith.constant 2 : i32
      %add3A_59 = arith.addi %mul3A_48, %add3A_58 : i32
      %lt3A = arith.constant 80 : i32
      %lt3A_60 = arith.cmpi slt, %add3A_59, %lt3A : i32
      %convert_element_type3A = arith.extui %lt3A_60 : i1 to i32
      %cond3A = arith.constant 0 : i32
      %cond3A_61 = arith.cmpi ne, %convert_element_type3A, %cond3A : i32
      scf.if %cond3A_61 {
        %add3A_65 = arith.constant 2 : i32
        %add3A_66 = arith.addi %mul3A_48, %add3A_65 : i32
        "tpu.region"() ({
          %run_scoped3A_72 = tpu.sem_alloc : memref<!tpu.dma_semaphore, #tpu.memory_space<semaphore_mem>>
          %dma_start3A_73 = arith.constant 0 : i32
          %dma_start3A_74 = tpu.memref_slice %arg3[%add3A, %add3A_66, %dma_start3A_73] : memref<32x80x128xi32, #tpu.memory_space<hbm>> -> memref<1x1x128xi32, #tpu.memory_space<hbm>>
          %dma_start3A_75 = tpu.memref_squeeze %dma_start3A_74 : memref<1x1x128xi32, #tpu.memory_space<hbm>> -> memref<128xi32, #tpu.memory_space<hbm>>
          %dma_start3A_76 = arith.constant 0 : i32
          %dma_start3A_77 = tpu.memref_slice %arg3[%add3A, %add3A_66, %dma_start3A_76] : memref<32x80x128xi32, #tpu.memory_space<hbm>> -> memref<1x1x128xi32, #tpu.memory_space<hbm>>
          %dma_start3A_78 = tpu.memref_squeeze %dma_start3A_77 : memref<1x1x128xi32, #tpu.memory_space<hbm>> -> memref<128xi32, #tpu.memory_space<hbm>>
          tpu.enqueue_dma source(%dma_start3A_78 : memref<128xi32, #tpu.memory_space<hbm>>) target(%arg6 : memref<128xi32, #tpu.memory_space<vmem>>) target_semaphore(%run_scoped3A_72 : memref<!tpu.dma_semaphore, #tpu.memory_space<semaphore_mem>>)
          %dma_wait3A_79 = arith.constant 0 : i32
          %dma_wait3A_80 = tpu.memref_slice %arg3[%add3A, %add3A_66, %dma_wait3A_79] : memref<32x80x128xi32, #tpu.memory_space<hbm>> -> memref<1x1x128xi32, #tpu.memory_space<hbm>>
          %dma_wait3A_81 = tpu.memref_squeeze %dma_wait3A_80 : memref<1x1x128xi32, #tpu.memory_space<hbm>> -> memref<128xi32, #tpu.memory_space<hbm>>
          %dma_wait3A_82 = arith.constant 0 : i32
          %dma_wait3A_83 = tpu.memref_slice %arg3[%add3A, %add3A_66, %dma_wait3A_82] : memref<32x80x128xi32, #tpu.memory_space<hbm>> -> memref<1x1x128xi32, #tpu.memory_space<hbm>>
          %dma_wait3A_84 = tpu.memref_squeeze %dma_wait3A_83 : memref<1x1x128xi32, #tpu.memory_space<hbm>> -> memref<128xi32, #tpu.memory_space<hbm>>
          tpu.wait_dma2 semaphore(%run_scoped3A_72 : memref<!tpu.dma_semaphore, #tpu.memory_space<semaphore_mem>>) src(%dma_wait3A_84 : memref<128xi32, #tpu.memory_space<hbm>>) dst(%arg6 : memref<128xi32, #tpu.memory_space<vmem>>)
          tpu.yield
        }) : () -> ()
        %add3A_67 = arith.constant 2 : i32
        %add3A_68 = arith.addi %mul3A_48, %add3A_67 : i32
        "tpu.region"() ({
          %run_scoped3A_72 = tpu.sem_alloc : memref<!tpu.dma_semaphore, #tpu.memory_space<semaphore_mem>>
          %dma_start3A_73 = arith.constant 0 : i32
          %dma_start3A_74 = tpu.memref_slice %arg4[%add3A, %add3A_68, %dma_start3A_73] : memref<32x80x128xi32, #tpu.memory_space<hbm>> -> memref<1x1x128xi32, #tpu.memory_space<hbm>>
          %dma_start3A_75 = tpu.memref_squeeze %dma_start3A_74 : memref<1x1x128xi32, #tpu.memory_space<hbm>> -> memref<128xi32, #tpu.memory_space<hbm>>
          %dma_start3A_76 = arith.constant 0 : i32
          %dma_start3A_77 = tpu.memref_slice %arg4[%add3A, %add3A_68, %dma_start3A_76] : memref<32x80x128xi32, #tpu.memory_space<hbm>> -> memref<1x1x128xi32, #tpu.memory_space<hbm>>
          %dma_start3A_78 = tpu.memref_squeeze %dma_start3A_77 : memref<1x1x128xi32, #tpu.memory_space<hbm>> -> memref<128xi32, #tpu.memory_space<hbm>>
          tpu.enqueue_dma source(%dma_start3A_78 : memref<128xi32, #tpu.memory_space<hbm>>) target(%arg7 : memref<128xi32, #tpu.memory_space<vmem>>) target_semaphore(%run_scoped3A_72 : memref<!tpu.dma_semaphore, #tpu.memory_space<semaphore_mem>>)
          %dma_wait3A_79 = arith.constant 0 : i32
          %dma_wait3A_80 = tpu.memref_slice %arg4[%add3A, %add3A_68, %dma_wait3A_79] : memref<32x80x128xi32, #tpu.memory_space<hbm>> -> memref<1x1x128xi32, #tpu.memory_space<hbm>>
          %dma_wait3A_81 = tpu.memref_squeeze %dma_wait3A_80 : memref<1x1x128xi32, #tpu.memory_space<hbm>> -> memref<128xi32, #tpu.memory_space<hbm>>
          %dma_wait3A_82 = arith.constant 0 : i32
          %dma_wait3A_83 = tpu.memref_slice %arg4[%add3A, %add3A_68, %dma_wait3A_82] : memref<32x80x128xi32, #tpu.memory_space<hbm>> -> memref<1x1x128xi32, #tpu.memory_space<hbm>>
          %dma_wait3A_84 = tpu.memref_squeeze %dma_wait3A_83 : memref<1x1x128xi32, #tpu.memory_space<hbm>> -> memref<128xi32, #tpu.memory_space<hbm>>
          tpu.wait_dma2 semaphore(%run_scoped3A_72 : memref<!tpu.dma_semaphore, #tpu.memory_space<semaphore_mem>>) src(%dma_wait3A_84 : memref<128xi32, #tpu.memory_space<hbm>>) dst(%arg7 : memref<128xi32, #tpu.memory_space<vmem>>)
          tpu.yield
        }) : () -> ()
        %dma_start3A_69 = arith.constant 0 : i32
        %dma_start3A_70 = arith.constant 0 : i32
        %dma_start3A_71 = tpu.memref_slice %arg2[%dma_start3A_69, %dma_start3A_70] : memref<10240x128xf32, #tpu.memory_space<hbm>> -> memref<10240x128xf32, #tpu.memory_space<hbm>>
        tpu.enqueue_indirect_dma source(%dma_start3A_71 : memref<10240x128xf32, #tpu.memory_space<hbm>>) target(%arg10 : memref<128x128xf32, #tpu.memory_space<vmem>>) offsets(%arg6 : memref<128xi32, #tpu.memory_space<vmem>>) semaphore(%arg13 : memref<!tpu.dma_semaphore, #tpu.memory_space<semaphore_mem>>)
      } else {
      }
      %dma_wait3A_62 = arith.constant 0 : i32
      %dma_wait3A_63 = arith.constant 0 : i32
      %dma_wait3A_64 = tpu.memref_slice %arg2[%dma_wait3A_62, %dma_wait3A_63] : memref<10240x128xf32, #tpu.memory_space<hbm>> -> memref<10240x128xf32, #tpu.memory_space<hbm>>
      tpu.wait_indirect_dma semaphore(%arg14 : memref<!tpu.dma_semaphore, #tpu.memory_space<semaphore_mem>>) src(%dma_wait3A_64 : memref<10240x128xf32, #tpu.memory_space<hbm>>) dst(%arg11 : memref<128x128xf32, #tpu.memory_space<vmem>>)
      "tpu.region"() ({
        %run_scoped3A_65 = tpu.sem_alloc : memref<!tpu.dma_semaphore, #tpu.memory_space<semaphore_mem>>
        %dma_start3A_66 = arith.constant 0 : i32
        %dma_start3A_67 = arith.constant 0 : i32
        %dma_start3A_68 = tpu.memref_slice %arg12[%dma_start3A_66, %dma_start3A_67] : memref<10240x128xf32, #tpu.memory_space<vmem_shared>> -> memref<10240x128xf32, #tpu.memory_space<vmem_shared>>
        tpu.enqueue_indirect_dma source(%arg11 : memref<128x128xf32, #tpu.memory_space<vmem>>) target(%dma_start3A_68 : memref<10240x128xf32, #tpu.memory_space<vmem_shared>>) offsets(%arg9 : memref<128xi32, #tpu.memory_space<vmem>>) semaphore(%run_scoped3A_65 : memref<!tpu.dma_semaphore, #tpu.memory_space<semaphore_mem>>) {add = true}
        %dma_wait3A_69 = arith.constant 0 : i32
        %dma_wait3A_70 = arith.constant 0 : i32
        %dma_wait3A_71 = tpu.memref_slice %arg12[%dma_wait3A_69, %dma_wait3A_70] : memref<10240x128xf32, #tpu.memory_space<vmem_shared>> -> memref<10240x128xf32, #tpu.memory_space<vmem_shared>>
        tpu.wait_indirect_dma semaphore(%run_scoped3A_65 : memref<!tpu.dma_semaphore, #tpu.memory_space<semaphore_mem>>) src(%arg11 : memref<128x128xf32, #tpu.memory_space<vmem>>) dst(%dma_wait3A_71 : memref<10240x128xf32, #tpu.memory_space<vmem_shared>>)
        tpu.yield
      }) : () -> ()
    }
    %scan3A_33 = arith.constant 40 : i32
    %barrier3A_34 = arith.constant 0 : index
    tpu.barrier barrier_id(%barrier3A_34)
    %mul3A_35 = arith.constant 640 : i32
    %mul3A_36 = arith.muli %arg1, %mul3A_35 : i32
    %mul3A_37 = arith.constant 10240 : i32
    %mul3A_38 = arith.muli %arg0, %mul3A_37 : i32
    %mul3A_39 = arith.constant 640 : i32
    %mul3A_40 = arith.muli %arg1, %mul3A_39 : i32
    %add3A_41 = arith.addi %mul3A_38, %mul3A_40 : i32
    "tpu.region"() ({
      %run_scoped3A_42 = tpu.sem_alloc : memref<!tpu.dma_semaphore, #tpu.memory_space<semaphore_mem>>
      %dma_start3A_43 = arith.constant 0 : i32
      %dma_start3A_44 = tpu.memref_slice %arg5[%add3A_41, %dma_start3A_43] : memref<20480x128xf32, #tpu.memory_space<hbm>> -> memref<640x128xf32, #tpu.memory_space<hbm>>
      %dma_start3A_45 = arith.constant 0 : i32
      %dma_start3A_46 = tpu.memref_slice %arg12[%mul3A_36, %dma_start3A_45] : memref<10240x128xf32, #tpu.memory_space<vmem_shared>> -> memref<640x128xf32, #tpu.memory_space<vmem_shared>>
      tpu.enqueue_dma source(%dma_start3A_46 : memref<640x128xf32, #tpu.memory_space<vmem_shared>>) target(%dma_start3A_44 : memref<640x128xf32, #tpu.memory_space<hbm>>) target_semaphore(%run_scoped3A_42 : memref<!tpu.dma_semaphore, #tpu.memory_space<semaphore_mem>>)
      %dma_wait3A = arith.constant 0 : i32
      %dma_wait3A_47 = tpu.memref_slice %arg5[%add3A_41, %dma_wait3A] : memref<20480x128xf32, #tpu.memory_space<hbm>> -> memref<640x128xf32, #tpu.memory_space<hbm>>
      %dma_wait3A_48 = arith.constant 0 : i32
      %dma_wait3A_49 = tpu.memref_slice %arg12[%mul3A_36, %dma_wait3A_48] : memref<10240x128xf32, #tpu.memory_space<vmem_shared>> -> memref<640x128xf32, #tpu.memory_space<vmem_shared>>
      tpu.wait_dma2 semaphore(%run_scoped3A_42 : memref<!tpu.dma_semaphore, #tpu.memory_space<semaphore_mem>>) src(%dma_wait3A_49 : memref<640x128xf32, #tpu.memory_space<vmem_shared>>) dst(%dma_wait3A_47 : memref<640x128xf32, #tpu.memory_space<hbm>>)
      tpu.yield
    }) : () -> ()
    return
  }
}

#map = affine_map<(d0, d1) -> (0, 0)>
module attributes {stable_mosaic.version = 14 : i64} {
  func.func @_pool_body(%arg0: i32, %arg1: i32, %arg2: memref<10240x128xf32, #tpu.memory_space<hbm>>, %arg3: memref<80x128xi32, #tpu.memory_space<hbm>>, %arg4: memref<768x128xf32, #tpu.memory_space<hbm>>, %arg5: memref<128xi32, #tpu.memory_space<vmem>>, %arg6: memref<128x128xf32, #tpu.memory_space<vmem>>, %arg7: memref<384x128xf32, #tpu.memory_space<vmem_shared>>, %arg8: memref<!tpu.dma_semaphore, #tpu.memory_space<semaphore_mem>>) attributes {dimension_semantics = [#tpu.dimension_semantics<core_parallel>, #tpu.dimension_semantics<subcore_parallel>], iteration_bounds = array<i64: 2, 16>, scalar_prefetch = 0 : i64, scratch_operands = 4 : i64, tpu.core_type = #tpu.core_type<sc_vector_subcore>, window_params = [{transform_indices = #map}, {transform_indices = #map}, {transform_indices = #map}]} {
    %mul3A = arith.constant 16 : i32
    %mul3A_0 = arith.muli %arg0, %mul3A : i32
    %add3A = arith.addi %mul3A_0, %arg1 : i32
    %broadcast_in_dim3A = arith.constant 0.000000e+00 : f32
    %broadcast_in_dim3A_1 = vector.broadcast %broadcast_in_dim3A : f32 to vector<16xf32>
    %scan3A = arith.constant 0 : i32
    %scan3A_2 = arith.constant 128 : i32
    %scan3A_3 = arith.addi %scan3A, %scan3A_2 : i32
    %scan3A_4 = arith.constant 1 : i32
    scf.for %scan3A_47 = %scan3A to %scan3A_3 step %scan3A_4  : i32 {
      %swap3A = arith.index_cast %scan3A_47 : i32 to index
      %swap3A_48 = arith.constant 0 : index
      %swap3A_49 = tpu.vector_load %arg6[%swap3A, %swap3A_48] {strides = array<i32>} : memref<128x128xf32, #tpu.memory_space<vmem>>, vector<1x16xf32>,
      %swap3A_50 = vector.shape_cast %swap3A_49 : vector<1x16xf32> to vector<16xf32>
      %swap3A_51 = vector.shape_cast %broadcast_in_dim3A_1 : vector<16xf32> to vector<1x16xf32>
      tpu.vector_store %arg6[%swap3A, %swap3A_48], %swap3A_51 {strides = array<i32>} : memref<128x128xf32, #tpu.memory_space<vmem>>, vector<1x16xf32>,
      %swap3A_52 = arith.index_cast %scan3A_47 : i32 to index
      %swap3A_53 = arith.constant 16 : index
      %swap3A_54 = tpu.vector_load %arg6[%swap3A_52, %swap3A_53] {strides = array<i32>} : memref<128x128xf32, #tpu.memory_space<vmem>>, vector<1x16xf32>,
      %swap3A_55 = vector.shape_cast %swap3A_54 : vector<1x16xf32> to vector<16xf32>
      %swap3A_56 = vector.shape_cast %broadcast_in_dim3A_1 : vector<16xf32> to vector<1x16xf32>
      tpu.vector_store %arg6[%swap3A_52, %swap3A_53], %swap3A_56 {strides = array<i32>} : memref<128x128xf32, #tpu.memory_space<vmem>>, vector<1x16xf32>,
      %swap3A_57 = arith.index_cast %scan3A_47 : i32 to index
      %swap3A_58 = arith.constant 32 : index
      %swap3A_59 = tpu.vector_load %arg6[%swap3A_57, %swap3A_58] {strides = array<i32>} : memref<128x128xf32, #tpu.memory_space<vmem>>, vector<1x16xf32>,
      %swap3A_60 = vector.shape_cast %swap3A_59 : vector<1x16xf32> to vector<16xf32>
      %swap3A_61 = vector.shape_cast %broadcast_in_dim3A_1 : vector<16xf32> to vector<1x16xf32>
      tpu.vector_store %arg6[%swap3A_57, %swap3A_58], %swap3A_61 {strides = array<i32>} : memref<128x128xf32, #tpu.memory_space<vmem>>, vector<1x16xf32>,
      %swap3A_62 = arith.index_cast %scan3A_47 : i32 to index
      %swap3A_63 = arith.constant 48 : index
      %swap3A_64 = tpu.vector_load %arg6[%swap3A_62, %swap3A_63] {strides = array<i32>} : memref<128x128xf32, #tpu.memory_space<vmem>>, vector<1x16xf32>,
      %swap3A_65 = vector.shape_cast %swap3A_64 : vector<1x16xf32> to vector<16xf32>
      %swap3A_66 = vector.shape_cast %broadcast_in_dim3A_1 : vector<16xf32> to vector<1x16xf32>
      tpu.vector_store %arg6[%swap3A_62, %swap3A_63], %swap3A_66 {strides = array<i32>} : memref<128x128xf32, #tpu.memory_space<vmem>>, vector<1x16xf32>,
      %swap3A_67 = arith.index_cast %scan3A_47 : i32 to index
      %swap3A_68 = arith.constant 64 : index
      %swap3A_69 = tpu.vector_load %arg6[%swap3A_67, %swap3A_68] {strides = array<i32>} : memref<128x128xf32, #tpu.memory_space<vmem>>, vector<1x16xf32>,
      %swap3A_70 = vector.shape_cast %swap3A_69 : vector<1x16xf32> to vector<16xf32>
      %swap3A_71 = vector.shape_cast %broadcast_in_dim3A_1 : vector<16xf32> to vector<1x16xf32>
      tpu.vector_store %arg6[%swap3A_67, %swap3A_68], %swap3A_71 {strides = array<i32>} : memref<128x128xf32, #tpu.memory_space<vmem>>, vector<1x16xf32>,
      %swap3A_72 = arith.index_cast %scan3A_47 : i32 to index
      %swap3A_73 = arith.constant 80 : index
      %swap3A_74 = tpu.vector_load %arg6[%swap3A_72, %swap3A_73] {strides = array<i32>} : memref<128x128xf32, #tpu.memory_space<vmem>>, vector<1x16xf32>,
      %swap3A_75 = vector.shape_cast %swap3A_74 : vector<1x16xf32> to vector<16xf32>
      %swap3A_76 = vector.shape_cast %broadcast_in_dim3A_1 : vector<16xf32> to vector<1x16xf32>
      tpu.vector_store %arg6[%swap3A_72, %swap3A_73], %swap3A_76 {strides = array<i32>} : memref<128x128xf32, #tpu.memory_space<vmem>>, vector<1x16xf32>,
      %swap3A_77 = arith.index_cast %scan3A_47 : i32 to index
      %swap3A_78 = arith.constant 96 : index
      %swap3A_79 = tpu.vector_load %arg6[%swap3A_77, %swap3A_78] {strides = array<i32>} : memref<128x128xf32, #tpu.memory_space<vmem>>, vector<1x16xf32>,
      %swap3A_80 = vector.shape_cast %swap3A_79 : vector<1x16xf32> to vector<16xf32>
      %swap3A_81 = vector.shape_cast %broadcast_in_dim3A_1 : vector<16xf32> to vector<1x16xf32>
      tpu.vector_store %arg6[%swap3A_77, %swap3A_78], %swap3A_81 {strides = array<i32>} : memref<128x128xf32, #tpu.memory_space<vmem>>, vector<1x16xf32>,
      %swap3A_82 = arith.index_cast %scan3A_47 : i32 to index
      %swap3A_83 = arith.constant 112 : index
      %swap3A_84 = tpu.vector_load %arg6[%swap3A_82, %swap3A_83] {strides = array<i32>} : memref<128x128xf32, #tpu.memory_space<vmem>>, vector<1x16xf32>,
      %swap3A_85 = vector.shape_cast %swap3A_84 : vector<1x16xf32> to vector<16xf32>
      %swap3A_86 = vector.shape_cast %broadcast_in_dim3A_1 : vector<16xf32> to vector<1x16xf32>
      tpu.vector_store %arg6[%swap3A_82, %swap3A_83], %swap3A_86 {strides = array<i32>} : memref<128x128xf32, #tpu.memory_space<vmem>>, vector<1x16xf32>,
    }
    %scan3A_5 = arith.constant 128 : i32
    %mul3A_6 = arith.constant 24 : i32
    %mul3A_7 = arith.muli %arg1, %mul3A_6 : i32
    "tpu.region"() ({
      %run_scoped3A = tpu.sem_alloc : memref<!tpu.dma_semaphore, #tpu.memory_space<semaphore_mem>>
      %dma_start3A_47 = arith.constant 0 : i32
      %dma_start3A_48 = arith.constant 0 : i32
      %dma_start3A_49 = tpu.memref_slice %arg6[%dma_start3A_47, %dma_start3A_48] : memref<128x128xf32, #tpu.memory_space<vmem>> -> memref<24x128xf32, #tpu.memory_space<vmem>>
      %dma_start3A_50 = arith.constant 0 : i32
      %dma_start3A_51 = tpu.memref_slice %arg7[%mul3A_7, %dma_start3A_50] : memref<384x128xf32, #tpu.memory_space<vmem_shared>> -> memref<24x128xf32, #tpu.memory_space<vmem_shared>>
      %dma_start3A_52 = arith.constant 0 : i32
      %dma_start3A_53 = tpu.memref_slice %arg7[%mul3A_7, %dma_start3A_52] : memref<384x128xf32, #tpu.memory_space<vmem_shared>> -> memref<24x128xf32, #tpu.memory_space<vmem_shared>>
      %dma_start3A_54 = arith.constant 0 : i32
      %dma_start3A_55 = arith.constant 0 : i32
      %dma_start3A_56 = tpu.memref_slice %arg6[%dma_start3A_54, %dma_start3A_55] : memref<128x128xf32, #tpu.memory_space<vmem>> -> memref<24x128xf32, #tpu.memory_space<vmem>>
      tpu.enqueue_dma source(%dma_start3A_56 : memref<24x128xf32, #tpu.memory_space<vmem>>) target(%dma_start3A_53 : memref<24x128xf32, #tpu.memory_space<vmem_shared>>) target_semaphore(%run_scoped3A : memref<!tpu.dma_semaphore, #tpu.memory_space<semaphore_mem>>)
      %dma_wait3A_57 = arith.constant 0 : i32
      %dma_wait3A_58 = arith.constant 0 : i32
      %dma_wait3A_59 = tpu.memref_slice %arg6[%dma_wait3A_57, %dma_wait3A_58] : memref<128x128xf32, #tpu.memory_space<vmem>> -> memref<24x128xf32, #tpu.memory_space<vmem>>
      %dma_wait3A_60 = arith.constant 0 : i32
      %dma_wait3A_61 = tpu.memref_slice %arg7[%mul3A_7, %dma_wait3A_60] : memref<384x128xf32, #tpu.memory_space<vmem_shared>> -> memref<24x128xf32, #tpu.memory_space<vmem_shared>>
      %dma_wait3A_62 = arith.constant 0 : i32
      %dma_wait3A_63 = tpu.memref_slice %arg7[%mul3A_7, %dma_wait3A_62] : memref<384x128xf32, #tpu.memory_space<vmem_shared>> -> memref<24x128xf32, #tpu.memory_space<vmem_shared>>
      %dma_wait3A_64 = arith.constant 0 : i32
      %dma_wait3A_65 = arith.constant 0 : i32
      %dma_wait3A_66 = tpu.memref_slice %arg6[%dma_wait3A_64, %dma_wait3A_65] : memref<128x128xf32, #tpu.memory_space<vmem>> -> memref<24x128xf32, #tpu.memory_space<vmem>>
      tpu.wait_dma2 semaphore(%run_scoped3A : memref<!tpu.dma_semaphore, #tpu.memory_space<semaphore_mem>>) src(%dma_wait3A_66 : memref<24x128xf32, #tpu.memory_space<vmem>>) dst(%dma_wait3A_63 : memref<24x128xf32, #tpu.memory_space<vmem_shared>>)
      tpu.yield
    }) : () -> ()
    %barrier3A = arith.constant 0 : index
    tpu.barrier barrier_id(%barrier3A)
    %lt3A = arith.constant 16 : i32
    %lt3A_8 = arith.cmpi slt, %add3A, %lt3A : i32
    %mul3A_9 = arith.constant 3 : i32
    %mul3A_10 = arith.muli %mul3A_9, %add3A : i32
    %sub3A = arith.constant 16 : i32
    %sub3A_11 = arith.subi %add3A, %sub3A : i32
    %mul3A_12 = arith.constant 2 : i32
    %mul3A_13 = arith.muli %mul3A_12, %sub3A_11 : i32
    %add3A_14 = arith.constant 48 : i32
    %add3A_15 = arith.addi %add3A_14, %mul3A_13 : i32
    %select_n3A = arith.select %lt3A_8, %mul3A_10, %add3A_15 : i32
    "tpu.region"() ({
      %run_scoped3A = tpu.sem_alloc : memref<!tpu.dma_semaphore, #tpu.memory_space<semaphore_mem>>
      %dma_start3A_47 = arith.constant 0 : i32
      %dma_start3A_48 = tpu.memref_slice %arg3[%select_n3A, %dma_start3A_47] : memref<80x128xi32, #tpu.memory_space<hbm>> -> memref<1x128xi32, #tpu.memory_space<hbm>>
      %dma_start3A_49 = tpu.memref_squeeze %dma_start3A_48 : memref<1x128xi32, #tpu.memory_space<hbm>> -> memref<128xi32, #tpu.memory_space<hbm>>
      %dma_start3A_50 = arith.constant 0 : i32
      %dma_start3A_51 = tpu.memref_slice %arg3[%select_n3A, %dma_start3A_50] : memref<80x128xi32, #tpu.memory_space<hbm>> -> memref<1x128xi32, #tpu.memory_space<hbm>>
      %dma_start3A_52 = tpu.memref_squeeze %dma_start3A_51 : memref<1x128xi32, #tpu.memory_space<hbm>> -> memref<128xi32, #tpu.memory_space<hbm>>
      tpu.enqueue_dma source(%dma_start3A_52 : memref<128xi32, #tpu.memory_space<hbm>>) target(%arg5 : memref<128xi32, #tpu.memory_space<vmem>>) target_semaphore(%run_scoped3A : memref<!tpu.dma_semaphore, #tpu.memory_space<semaphore_mem>>)
      %dma_wait3A_53 = arith.constant 0 : i32
      %dma_wait3A_54 = tpu.memref_slice %arg3[%select_n3A, %dma_wait3A_53] : memref<80x128xi32, #tpu.memory_space<hbm>> -> memref<1x128xi32, #tpu.memory_space<hbm>>
      %dma_wait3A_55 = tpu.memref_squeeze %dma_wait3A_54 : memref<1x128xi32, #tpu.memory_space<hbm>> -> memref<128xi32, #tpu.memory_space<hbm>>
      %dma_wait3A_56 = arith.constant 0 : i32
      %dma_wait3A_57 = tpu.memref_slice %arg3[%select_n3A, %dma_wait3A_56] : memref<80x128xi32, #tpu.memory_space<hbm>> -> memref<1x128xi32, #tpu.memory_space<hbm>>
      %dma_wait3A_58 = tpu.memref_squeeze %dma_wait3A_57 : memref<1x128xi32, #tpu.memory_space<hbm>> -> memref<128xi32, #tpu.memory_space<hbm>>
      tpu.wait_dma2 semaphore(%run_scoped3A : memref<!tpu.dma_semaphore, #tpu.memory_space<semaphore_mem>>) src(%dma_wait3A_58 : memref<128xi32, #tpu.memory_space<hbm>>) dst(%arg5 : memref<128xi32, #tpu.memory_space<vmem>>)
      tpu.yield
    }) : () -> ()
    %mul3A_16 = arith.constant 128 : i32
    %mul3A_17 = arith.muli %select_n3A, %mul3A_16 : i32
    %dma_start3A = arith.constant 0 : i32
    %dma_start3A_18 = tpu.memref_slice %arg2[%mul3A_17, %dma_start3A] : memref<10240x128xf32, #tpu.memory_space<hbm>> -> memref<128x128xf32, #tpu.memory_space<hbm>>
    %dma_start3A_19 = arith.constant 0 : i32
    %dma_start3A_20 = tpu.memref_slice %arg2[%mul3A_17, %dma_start3A_19] : memref<10240x128xf32, #tpu.memory_space<hbm>> -> memref<128x128xf32, #tpu.memory_space<hbm>>
    tpu.enqueue_dma source(%dma_start3A_20 : memref<128x128xf32, #tpu.memory_space<hbm>>) target(%arg6 : memref<128x128xf32, #tpu.memory_space<vmem>>) target_semaphore(%arg8 : memref<!tpu.dma_semaphore, #tpu.memory_space<semaphore_mem>>)
    %dma_wait3A = arith.constant 0 : i32
    %dma_wait3A_21 = tpu.memref_slice %arg2[%mul3A_17, %dma_wait3A] : memref<10240x128xf32, #tpu.memory_space<hbm>> -> memref<128x128xf32, #tpu.memory_space<hbm>>
    %dma_wait3A_22 = arith.constant 0 : i32
    %dma_wait3A_23 = tpu.memref_slice %arg2[%mul3A_17, %dma_wait3A_22] : memref<10240x128xf32, #tpu.memory_space<hbm>> -> memref<128x128xf32, #tpu.memory_space<hbm>>
    tpu.wait_dma2 semaphore(%arg8 : memref<!tpu.dma_semaphore, #tpu.memory_space<semaphore_mem>>) src(%dma_wait3A_23 : memref<128x128xf32, #tpu.memory_space<hbm>>) dst(%arg6 : memref<128x128xf32, #tpu.memory_space<vmem>>)
    "tpu.region"() ({
      %run_scoped3A = tpu.sem_alloc : memref<!tpu.dma_semaphore, #tpu.memory_space<semaphore_mem>>
      %dma_start3A_47 = arith.constant 0 : i32
      %dma_start3A_48 = arith.constant 0 : i32
      %dma_start3A_49 = tpu.memref_slice %arg7[%dma_start3A_47, %dma_start3A_48] : memref<384x128xf32, #tpu.memory_space<vmem_shared>> -> memref<384x128xf32, #tpu.memory_space<vmem_shared>>
      tpu.enqueue_indirect_dma source(%arg6 : memref<128x128xf32, #tpu.memory_space<vmem>>) target(%dma_start3A_49 : memref<384x128xf32, #tpu.memory_space<vmem_shared>>) offsets(%arg5 : memref<128xi32, #tpu.memory_space<vmem>>) semaphore(%run_scoped3A : memref<!tpu.dma_semaphore, #tpu.memory_space<semaphore_mem>>) {add = true}
      %dma_wait3A_50 = arith.constant 0 : i32
      %dma_wait3A_51 = arith.constant 0 : i32
      %dma_wait3A_52 = tpu.memref_slice %arg7[%dma_wait3A_50, %dma_wait3A_51] : memref<384x128xf32, #tpu.memory_space<vmem_shared>> -> memref<384x128xf32, #tpu.memory_space<vmem_shared>>
      tpu.wait_indirect_dma semaphore(%run_scoped3A : memref<!tpu.dma_semaphore, #tpu.memory_space<semaphore_mem>>) src(%arg6 : memref<128x128xf32, #tpu.memory_space<vmem>>) dst(%dma_wait3A_52 : memref<384x128xf32, #tpu.memory_space<vmem_shared>>)
      tpu.yield
    }) : () -> ()
    %add3A_24 = arith.constant 1 : i32
    %add3A_25 = arith.addi %select_n3A, %add3A_24 : i32
    "tpu.region"() ({
      %run_scoped3A = tpu.sem_alloc : memref<!tpu.dma_semaphore, #tpu.memory_space<semaphore_mem>>
      %dma_start3A_47 = arith.constant 0 : i32
      %dma_start3A_48 = tpu.memref_slice %arg3[%add3A_25, %dma_start3A_47] : memref<80x128xi32, #tpu.memory_space<hbm>> -> memref<1x128xi32, #tpu.memory_space<hbm>>
      %dma_start3A_49 = tpu.memref_squeeze %dma_start3A_48 : memref<1x128xi32, #tpu.memory_space<hbm>> -> memref<128xi32, #tpu.memory_space<hbm>>
      %dma_start3A_50 = arith.constant 0 : i32
      %dma_start3A_51 = tpu.memref_slice %arg3[%add3A_25, %dma_start3A_50] : memref<80x128xi32, #tpu.memory_space<hbm>> -> memref<1x128xi32, #tpu.memory_space<hbm>>
      %dma_start3A_52 = tpu.memref_squeeze %dma_start3A_51 : memref<1x128xi32, #tpu.memory_space<hbm>> -> memref<128xi32, #tpu.memory_space<hbm>>
      tpu.enqueue_dma source(%dma_start3A_52 : memref<128xi32, #tpu.memory_space<hbm>>) target(%arg5 : memref<128xi32, #tpu.memory_space<vmem>>) target_semaphore(%run_scoped3A : memref<!tpu.dma_semaphore, #tpu.memory_space<semaphore_mem>>)
      %dma_wait3A_53 = arith.constant 0 : i32
      %dma_wait3A_54 = tpu.memref_slice %arg3[%add3A_25, %dma_wait3A_53] : memref<80x128xi32, #tpu.memory_space<hbm>> -> memref<1x128xi32, #tpu.memory_space<hbm>>
      %dma_wait3A_55 = tpu.memref_squeeze %dma_wait3A_54 : memref<1x128xi32, #tpu.memory_space<hbm>> -> memref<128xi32, #tpu.memory_space<hbm>>
      %dma_wait3A_56 = arith.constant 0 : i32
      %dma_wait3A_57 = tpu.memref_slice %arg3[%add3A_25, %dma_wait3A_56] : memref<80x128xi32, #tpu.memory_space<hbm>> -> memref<1x128xi32, #tpu.memory_space<hbm>>
      %dma_wait3A_58 = tpu.memref_squeeze %dma_wait3A_57 : memref<1x128xi32, #tpu.memory_space<hbm>> -> memref<128xi32, #tpu.memory_space<hbm>>
      tpu.wait_dma2 semaphore(%run_scoped3A : memref<!tpu.dma_semaphore, #tpu.memory_space<semaphore_mem>>) src(%dma_wait3A_58 : memref<128xi32, #tpu.memory_space<hbm>>) dst(%arg5 : memref<128xi32, #tpu.memory_space<vmem>>)
      tpu.yield
    }) : () -> ()
    %mul3A_26 = arith.constant 128 : i32
    %mul3A_27 = arith.muli %add3A_25, %mul3A_26 : i32
    %dma_start3A_28 = arith.constant 0 : i32
    %dma_start3A_29 = tpu.memref_slice %arg2[%mul3A_27, %dma_start3A_28] : memref<10240x128xf32, #tpu.memory_space<hbm>> -> memref<128x128xf32, #tpu.memory_space<hbm>>
    %dma_start3A_30 = arith.constant 0 : i32
    %dma_start3A_31 = tpu.memref_slice %arg2[%mul3A_27, %dma_start3A_30] : memref<10240x128xf32, #tpu.memory_space<hbm>> -> memref<128x128xf32, #tpu.memory_space<hbm>>
    tpu.enqueue_dma source(%dma_start3A_31 : memref<128x128xf32, #tpu.memory_space<hbm>>) target(%arg6 : memref<128x128xf32, #tpu.memory_space<vmem>>) target_semaphore(%arg8 : memref<!tpu.dma_semaphore, #tpu.memory_space<semaphore_mem>>)
    %dma_wait3A_32 = arith.constant 0 : i32
    %dma_wait3A_33 = tpu.memref_slice %arg2[%mul3A_27, %dma_wait3A_32] : memref<10240x128xf32, #tpu.memory_space<hbm>> -> memref<128x128xf32, #tpu.memory_space<hbm>>
    %dma_wait3A_34 = arith.constant 0 : i32
    %dma_wait3A_35 = tpu.memref_slice %arg2[%mul3A_27, %dma_wait3A_34] : memref<10240x128xf32, #tpu.memory_space<hbm>> -> memref<128x128xf32, #tpu.memory_space<hbm>>
    tpu.wait_dma2 semaphore(%arg8 : memref<!tpu.dma_semaphore, #tpu.memory_space<semaphore_mem>>) src(%dma_wait3A_35 : memref<128x128xf32, #tpu.memory_space<hbm>>) dst(%arg6 : memref<128x128xf32, #tpu.memory_space<vmem>>)
    "tpu.region"() ({
      %run_scoped3A = tpu.sem_alloc : memref<!tpu.dma_semaphore, #tpu.memory_space<semaphore_mem>>
      %dma_start3A_47 = arith.constant 0 : i32
      %dma_start3A_48 = arith.constant 0 : i32
      %dma_start3A_49 = tpu.memref_slice %arg7[%dma_start3A_47, %dma_start3A_48] : memref<384x128xf32, #tpu.memory_space<vmem_shared>> -> memref<384x128xf32, #tpu.memory_space<vmem_shared>>
      tpu.enqueue_indirect_dma source(%arg6 : memref<128x128xf32, #tpu.memory_space<vmem>>) target(%dma_start3A_49 : memref<384x128xf32, #tpu.memory_space<vmem_shared>>) offsets(%arg5 : memref<128xi32, #tpu.memory_space<vmem>>) semaphore(%run_scoped3A : memref<!tpu.dma_semaphore, #tpu.memory_space<semaphore_mem>>) {add = true}
      %dma_wait3A_50 = arith.constant 0 : i32
      %dma_wait3A_51 = arith.constant 0 : i32
      %dma_wait3A_52 = tpu.memref_slice %arg7[%dma_wait3A_50, %dma_wait3A_51] : memref<384x128xf32, #tpu.memory_space<vmem_shared>> -> memref<384x128xf32, #tpu.memory_space<vmem_shared>>
      tpu.wait_indirect_dma semaphore(%run_scoped3A : memref<!tpu.dma_semaphore, #tpu.memory_space<semaphore_mem>>) src(%arg6 : memref<128x128xf32, #tpu.memory_space<vmem>>) dst(%dma_wait3A_52 : memref<384x128xf32, #tpu.memory_space<vmem_shared>>)
      tpu.yield
    }) : () -> ()
    %lt3A_36 = arith.constant 16 : i32
    %lt3A_37 = arith.cmpi slt, %add3A, %lt3A_36 : i32
    %convert_element_type3A = arith.extui %lt3A_37 : i1 to i32
    %cond3A = arith.constant 0 : i32
    %cond3A_38 = arith.cmpi ne, %convert_element_type3A, %cond3A : i32
    scf.if %cond3A_38 {
      %add3A_47 = arith.constant 2 : i32
      %add3A_48 = arith.addi %select_n3A, %add3A_47 : i32
      "tpu.region"() ({
        %run_scoped3A = tpu.sem_alloc : memref<!tpu.dma_semaphore, #tpu.memory_space<semaphore_mem>>
        %dma_start3A_59 = arith.constant 0 : i32
        %dma_start3A_60 = tpu.memref_slice %arg3[%add3A_48, %dma_start3A_59] : memref<80x128xi32, #tpu.memory_space<hbm>> -> memref<1x128xi32, #tpu.memory_space<hbm>>
        %dma_start3A_61 = tpu.memref_squeeze %dma_start3A_60 : memref<1x128xi32, #tpu.memory_space<hbm>> -> memref<128xi32, #tpu.memory_space<hbm>>
        %dma_start3A_62 = arith.constant 0 : i32
        %dma_start3A_63 = tpu.memref_slice %arg3[%add3A_48, %dma_start3A_62] : memref<80x128xi32, #tpu.memory_space<hbm>> -> memref<1x128xi32, #tpu.memory_space<hbm>>
        %dma_start3A_64 = tpu.memref_squeeze %dma_start3A_63 : memref<1x128xi32, #tpu.memory_space<hbm>> -> memref<128xi32, #tpu.memory_space<hbm>>
        tpu.enqueue_dma source(%dma_start3A_64 : memref<128xi32, #tpu.memory_space<hbm>>) target(%arg5 : memref<128xi32, #tpu.memory_space<vmem>>) target_semaphore(%run_scoped3A : memref<!tpu.dma_semaphore, #tpu.memory_space<semaphore_mem>>)
        %dma_wait3A_65 = arith.constant 0 : i32
        %dma_wait3A_66 = tpu.memref_slice %arg3[%add3A_48, %dma_wait3A_65] : memref<80x128xi32, #tpu.memory_space<hbm>> -> memref<1x128xi32, #tpu.memory_space<hbm>>
        %dma_wait3A_67 = tpu.memref_squeeze %dma_wait3A_66 : memref<1x128xi32, #tpu.memory_space<hbm>> -> memref<128xi32, #tpu.memory_space<hbm>>
        %dma_wait3A_68 = arith.constant 0 : i32
        %dma_wait3A_69 = tpu.memref_slice %arg3[%add3A_48, %dma_wait3A_68] : memref<80x128xi32, #tpu.memory_space<hbm>> -> memref<1x128xi32, #tpu.memory_space<hbm>>
        %dma_wait3A_70 = tpu.memref_squeeze %dma_wait3A_69 : memref<1x128xi32, #tpu.memory_space<hbm>> -> memref<128xi32, #tpu.memory_space<hbm>>
        tpu.wait_dma2 semaphore(%run_scoped3A : memref<!tpu.dma_semaphore, #tpu.memory_space<semaphore_mem>>) src(%dma_wait3A_70 : memref<128xi32, #tpu.memory_space<hbm>>) dst(%arg5 : memref<128xi32, #tpu.memory_space<vmem>>)
        tpu.yield
      }) : () -> ()
      %mul3A_49 = arith.constant 128 : i32
      %mul3A_50 = arith.muli %add3A_48, %mul3A_49 : i32
      %dma_start3A_51 = arith.constant 0 : i32
      %dma_start3A_52 = tpu.memref_slice %arg2[%mul3A_50, %dma_start3A_51] : memref<10240x128xf32, #tpu.memory_space<hbm>> -> memref<128x128xf32, #tpu.memory_space<hbm>>
      %dma_start3A_53 = arith.constant 0 : i32
      %dma_start3A_54 = tpu.memref_slice %arg2[%mul3A_50, %dma_start3A_53] : memref<10240x128xf32, #tpu.memory_space<hbm>> -> memref<128x128xf32, #tpu.memory_space<hbm>>
      tpu.enqueue_dma source(%dma_start3A_54 : memref<128x128xf32, #tpu.memory_space<hbm>>) target(%arg6 : memref<128x128xf32, #tpu.memory_space<vmem>>) target_semaphore(%arg8 : memref<!tpu.dma_semaphore, #tpu.memory_space<semaphore_mem>>)
      %dma_wait3A_55 = arith.constant 0 : i32
      %dma_wait3A_56 = tpu.memref_slice %arg2[%mul3A_50, %dma_wait3A_55] : memref<10240x128xf32, #tpu.memory_space<hbm>> -> memref<128x128xf32, #tpu.memory_space<hbm>>
      %dma_wait3A_57 = arith.constant 0 : i32
      %dma_wait3A_58 = tpu.memref_slice %arg2[%mul3A_50, %dma_wait3A_57] : memref<10240x128xf32, #tpu.memory_space<hbm>> -> memref<128x128xf32, #tpu.memory_space<hbm>>
      tpu.wait_dma2 semaphore(%arg8 : memref<!tpu.dma_semaphore, #tpu.memory_space<semaphore_mem>>) src(%dma_wait3A_58 : memref<128x128xf32, #tpu.memory_space<hbm>>) dst(%arg6 : memref<128x128xf32, #tpu.memory_space<vmem>>)
      "tpu.region"() ({
        %run_scoped3A = tpu.sem_alloc : memref<!tpu.dma_semaphore, #tpu.memory_space<semaphore_mem>>
        %dma_start3A_59 = arith.constant 0 : i32
        %dma_start3A_60 = arith.constant 0 : i32
        %dma_start3A_61 = tpu.memref_slice %arg7[%dma_start3A_59, %dma_start3A_60] : memref<384x128xf32, #tpu.memory_space<vmem_shared>> -> memref<384x128xf32, #tpu.memory_space<vmem_shared>>
        tpu.enqueue_indirect_dma source(%arg6 : memref<128x128xf32, #tpu.memory_space<vmem>>) target(%dma_start3A_61 : memref<384x128xf32, #tpu.memory_space<vmem_shared>>) offsets(%arg5 : memref<128xi32, #tpu.memory_space<vmem>>) semaphore(%run_scoped3A : memref<!tpu.dma_semaphore, #tpu.memory_space<semaphore_mem>>) {add = true}
        %dma_wait3A_62 = arith.constant 0 : i32
        %dma_wait3A_63 = arith.constant 0 : i32
        %dma_wait3A_64 = tpu.memref_slice %arg7[%dma_wait3A_62, %dma_wait3A_63] : memref<384x128xf32, #tpu.memory_space<vmem_shared>> -> memref<384x128xf32, #tpu.memory_space<vmem_shared>>
        tpu.wait_indirect_dma semaphore(%run_scoped3A : memref<!tpu.dma_semaphore, #tpu.memory_space<semaphore_mem>>) src(%arg6 : memref<128x128xf32, #tpu.memory_space<vmem>>) dst(%dma_wait3A_64 : memref<384x128xf32, #tpu.memory_space<vmem_shared>>)
        tpu.yield
      }) : () -> ()
    } else {
    }
    %barrier3A_39 = arith.constant 0 : index
    tpu.barrier barrier_id(%barrier3A_39)
    %mul3A_40 = arith.constant 24 : i32
    %mul3A_41 = arith.muli %arg1, %mul3A_40 : i32
    %mul3A_42 = arith.constant 384 : i32
    %mul3A_43 = arith.muli %arg0, %mul3A_42 : i32
    %mul3A_44 = arith.constant 24 : i32
    %mul3A_45 = arith.muli %arg1, %mul3A_44 : i32
    %add3A_46 = arith.addi %mul3A_43, %mul3A_45 : i32
    "tpu.region"() ({
      %run_scoped3A = tpu.sem_alloc : memref<!tpu.dma_semaphore, #tpu.memory_space<semaphore_mem>>
      %dma_start3A_47 = arith.constant 0 : i32
      %dma_start3A_48 = tpu.memref_slice %arg4[%add3A_46, %dma_start3A_47] : memref<768x128xf32, #tpu.memory_space<hbm>> -> memref<24x128xf32, #tpu.memory_space<hbm>>
      %dma_start3A_49 = arith.constant 0 : i32
      %dma_start3A_50 = tpu.memref_slice %arg7[%mul3A_41, %dma_start3A_49] : memref<384x128xf32, #tpu.memory_space<vmem_shared>> -> memref<24x128xf32, #tpu.memory_space<vmem_shared>>
      tpu.enqueue_dma source(%dma_start3A_50 : memref<24x128xf32, #tpu.memory_space<vmem_shared>>) target(%dma_start3A_48 : memref<24x128xf32, #tpu.memory_space<hbm>>) target_semaphore(%run_scoped3A : memref<!tpu.dma_semaphore, #tpu.memory_space<semaphore_mem>>)
      %dma_wait3A_51 = arith.constant 0 : i32
      %dma_wait3A_52 = tpu.memref_slice %arg4[%add3A_46, %dma_wait3A_51] : memref<768x128xf32, #tpu.memory_space<hbm>> -> memref<24x128xf32, #tpu.memory_space<hbm>>
      %dma_wait3A_53 = arith.constant 0 : i32
      %dma_wait3A_54 = tpu.memref_slice %arg7[%mul3A_41, %dma_wait3A_53] : memref<384x128xf32, #tpu.memory_space<vmem_shared>> -> memref<24x128xf32, #tpu.memory_space<vmem_shared>>
      tpu.wait_dma2 semaphore(%run_scoped3A : memref<!tpu.dma_semaphore, #tpu.memory_space<semaphore_mem>>) src(%dma_wait3A_54 : memref<24x128xf32, #tpu.memory_space<vmem_shared>>) dst(%dma_wait3A_52 : memref<24x128xf32, #tpu.memory_space<hbm>>)
      tpu.yield
    }) : () -> ()
    return
  }
}

module attributes {stable_mosaic.version = 14 : i64} {
  func.func @_mm_scale_body(%arg0: i32, %arg1: memref<1024x128xf32, #tpu.memory_space<vmem>>, %arg2: memref<128x128xf32, #tpu.memory_space<vmem>>, %arg3: memref<2x1024x128xf32, #tpu.memory_space<vmem>>, %arg4: memref<1024x128xf32, #tpu.memory_space<vmem>>) attributes {dimension_semantics = [#tpu.dimension_semantics<arbitrary>], iteration_bounds = array<i64: 10>, scalar_prefetch = 0 : i64, scratch_operands = 0 : i64, tpu.core_type = #tpu.core_type<tc>, window_params = [{transform_indices = @transform_0, window_bounds = array<i64: 1024, 128>}, {pipeline_mode = #tpu.pipeline_mode<synchronous>, transform_indices = @transform_1, window_bounds = array<i64: 128, 128>}, {transform_indices = @transform_2, window_bounds = array<i64: 2, 1024, 128>}, {transform_indices = @transform_3, window_bounds = array<i64: 1024, 128>}]} {
    %get3A = arith.constant 0 : index
    %get3A_0 = arith.constant 0 : index
    %get3A_1 = arith.constant 0 : index
    %get3A_2 = vector.load %arg3[%get3A, %get3A_0, %get3A_1] : memref<2x1024x128xf32, #tpu.memory_space<vmem>>, vector<1x1024x128xf32>
    %get3A_3 = vector.shape_cast %get3A_2 : vector<1x1024x128xf32> to vector<1024x128xf32>
    %slice3A = vector.extract_strided_slice %get3A_3 {offsets = [0, 0], sizes = [1024, 1], strides = [1, 1]} : vector<1024x128xf32> to vector<1024x1xf32>
    %get3A_4 = arith.constant 1 : index
    %get3A_5 = arith.constant 0 : index
    %get3A_6 = arith.constant 0 : index
    %get3A_7 = vector.load %arg3[%get3A_4, %get3A_5, %get3A_6] : memref<2x1024x128xf32, #tpu.memory_space<vmem>>, vector<1x1024x128xf32>
    %get3A_8 = vector.shape_cast %get3A_7 : vector<1x1024x128xf32> to vector<1024x128xf32>
    %slice3A_9 = vector.extract_strided_slice %get3A_8 {offsets = [0, 0], sizes = [1024, 1], strides = [1, 1]} : vector<1024x128xf32> to vector<1024x1xf32>
    %add3A = arith.addf %slice3A, %slice3A_9 : vector<1024x1xf32>
    %add3A_10 = arith.constant 1.000000e+00 : f32
    %add3A_11 = vector.broadcast %add3A_10 : f32 to vector<1024x1xf32>
    %add3A_12 = arith.addf %add3A, %add3A_11 : vector<1024x1xf32>
    %max3A = arith.constant 1.000000e+00 : f32
    %max3A_13 = vector.broadcast %max3A : f32 to vector<1024x1xf32>
    %max3A_14 = arith.maximumf %add3A_12, %max3A_13 : vector<1024x1xf32>
    %rsqrt3A = math.rsqrt %max3A_14 : vector<1024x1xf32>
    %get3A_15 = arith.constant 0 : index
    %get3A_16 = arith.constant 0 : index
    %get3A_17 = vector.load %arg1[%get3A_15, %get3A_16] : memref<1024x128xf32, #tpu.memory_space<vmem>>, vector<1024x128xf32>
    %get3A_18 = arith.constant 0 : index
    %get3A_19 = arith.constant 0 : index
    %get3A_20 = vector.load %arg2[%get3A_18, %get3A_19] : memref<128x128xf32, #tpu.memory_space<vmem>>, vector<128x128xf32>
    %dot_general3A = arith.constant dense<0.000000e+00> : vector<1024x128xf32>
    %dot_general3A_21 = tpu.matmul %get3A_17, %get3A_20, %dot_general3A {dimension_numbers = #tpu.dot_dimension_numbers<[1], [0], [0], [1], [0, 0, 1, 1], [], []>, transpose_lhs_hint = false} : vector<1024x128xf32>, vector<128x128xf32>, vector<1024x128xf32> -> vector<1024x128xf32>
    %mul3A = vector.broadcast %rsqrt3A : vector<1024x1xf32> to vector<1024x128xf32>
    %mul3A_22 = arith.mulf %dot_general3A_21, %mul3A : vector<1024x128xf32>
    %swap3A = arith.constant 0 : index
    %swap3A_23 = arith.constant 0 : index
    %swap3A_24 = vector.load %arg4[%swap3A, %swap3A_23] : memref<1024x128xf32, #tpu.memory_space<vmem>>, vector<1024x128xf32>
    tpu.vector_store %arg4[%swap3A, %swap3A_23], %mul3A_22 {strides = array<i32>} : memref<1024x128xf32, #tpu.memory_space<vmem>>, vector<1024x128xf32>,
    return
  }
  func.func @transform_0(%arg0: i32) -> (i32, i32) {
    %c0_i32 = arith.constant 0 : i32
    %c0_i32_0 = arith.constant 0 : i32
    return %arg0, %c0_i32 : i32, i32
  }
  func.func @transform_1(%arg0: i32) -> (i32, i32) {
    %c0_i32 = arith.constant 0 : i32
    %c0_i32_0 = arith.constant 0 : i32
    %c0_i32_1 = arith.constant 0 : i32
    return %c0_i32, %c0_i32_0 : i32, i32
  }
  func.func @transform_2(%arg0: i32) -> (i32, i32, i32) {
    %c0_i32 = arith.constant 0 : i32
    %c0_i32_0 = arith.constant 0 : i32
    %c0_i32_1 = arith.constant 0 : i32
    return %c0_i32, %arg0, %c0_i32_0 : i32, i32, i32
  }
  func.func @transform_3(%arg0: i32) -> (i32, i32) {
    %c0_i32 = arith.constant 0 : i32
    %c0_i32_0 = arith.constant 0 : i32
    return %arg0, %c0_i32 : i32, i32
  }
}

module attributes {stable_mosaic.version = 14 : i64} {
  func.func @_layer_body(%arg0: i32, %arg1: memref<2x1024x128xf32, #tpu.memory_space<vmem>>, %arg2: memref<1024x128xf32, #tpu.memory_space<vmem>>, %arg3: memref<2x1024x128xf32, #tpu.memory_space<vmem>>, %arg4: memref<1x128xf32, #tpu.memory_space<vmem>>, %arg5: memref<128x128xf32, #tpu.memory_space<vmem>>, %arg6: memref<1024x128xf32, #tpu.memory_space<vmem>>) attributes {dimension_semantics = [#tpu.dimension_semantics<arbitrary>], iteration_bounds = array<i64: 10>, scalar_prefetch = 0 : i64, scratch_operands = 0 : i64, tpu.core_type = #tpu.core_type<tc>, window_params = [{transform_indices = @transform_0, window_bounds = array<i64: 2, 1024, 128>}, {transform_indices = @transform_1, window_bounds = array<i64: 1024, 128>}, {transform_indices = @transform_2, window_bounds = array<i64: 2, 1024, 128>}, {pipeline_mode = #tpu.pipeline_mode<synchronous>, transform_indices = @transform_3, window_bounds = array<i64: 1, 128>}, {pipeline_mode = #tpu.pipeline_mode<synchronous>, transform_indices = @transform_4, window_bounds = array<i64: 128, 128>}, {transform_indices = @transform_5, window_bounds = array<i64: 1024, 128>}]} {
    %get3A = arith.constant 0 : index
    %get3A_0 = arith.constant 0 : index
    %get3A_1 = arith.constant 0 : index
    %get3A_2 = vector.load %arg3[%get3A, %get3A_0, %get3A_1] : memref<2x1024x128xf32, #tpu.memory_space<vmem>>, vector<1x1024x128xf32>
    %get3A_3 = vector.shape_cast %get3A_2 : vector<1x1024x128xf32> to vector<1024x128xf32>
    %slice3A = vector.extract_strided_slice %get3A_3 {offsets = [0, 0], sizes = [1024, 1], strides = [1, 1]} : vector<1024x128xf32> to vector<1024x1xf32>
    %get3A_4 = arith.constant 1 : index
    %get3A_5 = arith.constant 0 : index
    %get3A_6 = arith.constant 0 : index
    %get3A_7 = vector.load %arg3[%get3A_4, %get3A_5, %get3A_6] : memref<2x1024x128xf32, #tpu.memory_space<vmem>>, vector<1x1024x128xf32>
    %get3A_8 = vector.shape_cast %get3A_7 : vector<1x1024x128xf32> to vector<1024x128xf32>
    %slice3A_9 = vector.extract_strided_slice %get3A_8 {offsets = [0, 0], sizes = [1024, 1], strides = [1, 1]} : vector<1024x128xf32> to vector<1024x1xf32>
    %add3A = arith.addf %slice3A, %slice3A_9 : vector<1024x1xf32>
    %add3A_10 = arith.constant 1.000000e+00 : f32
    %add3A_11 = vector.broadcast %add3A_10 : f32 to vector<1024x1xf32>
    %add3A_12 = arith.addf %add3A, %add3A_11 : vector<1024x1xf32>
    %max3A = arith.constant 1.000000e+00 : f32
    %max3A_13 = vector.broadcast %max3A : f32 to vector<1024x1xf32>
    %max3A_14 = arith.maximumf %add3A_12, %max3A_13 : vector<1024x1xf32>
    %rsqrt3A = math.rsqrt %max3A_14 : vector<1024x1xf32>
    %get3A_15 = arith.constant 0 : index
    %get3A_16 = arith.constant 0 : index
    %get3A_17 = arith.constant 0 : index
    %get3A_18 = vector.load %arg1[%get3A_15, %get3A_16, %get3A_17] : memref<2x1024x128xf32, #tpu.memory_space<vmem>>, vector<1x1024x128xf32>
    %get3A_19 = vector.shape_cast %get3A_18 : vector<1x1024x128xf32> to vector<1024x128xf32>
    %get3A_20 = arith.constant 1 : index
    %get3A_21 = arith.constant 0 : index
    %get3A_22 = arith.constant 0 : index
    %get3A_23 = vector.load %arg1[%get3A_20, %get3A_21, %get3A_22] : memref<2x1024x128xf32, #tpu.memory_space<vmem>>, vector<1x1024x128xf32>
    %get3A_24 = vector.shape_cast %get3A_23 : vector<1x1024x128xf32> to vector<1024x128xf32>
    %add3A_25 = arith.addf %get3A_19, %get3A_24 : vector<1024x128xf32>
    %get3A_26 = arith.constant 0 : index
    %get3A_27 = arith.constant 0 : index
    %get3A_28 = vector.load %arg2[%get3A_26, %get3A_27] : memref<1024x128xf32, #tpu.memory_space<vmem>>, vector<1024x128xf32>
    %add3A_29 = arith.addf %add3A_25, %get3A_28 : vector<1024x128xf32>
    %mul3A = vector.broadcast %rsqrt3A : vector<1024x1xf32> to vector<1024x128xf32>
    %mul3A_30 = arith.mulf %mul3A, %add3A_29 : vector<1024x128xf32>
    %get3A_31 = arith.constant 0 : index
    %get3A_32 = arith.constant 0 : index
    %get3A_33 = vector.load %arg4[%get3A_31, %get3A_32] : memref<1x128xf32, #tpu.memory_space<vmem>>, vector<1x128xf32>
    %add3A_34 = vector.broadcast %get3A_33 : vector<1x128xf32> to vector<1024x128xf32>
    %add3A_35 = arith.addf %mul3A_30, %add3A_34 : vector<1024x128xf32>
    %max3A_36 = arith.constant 0.000000e+00 : f32
    %max3A_37 = vector.broadcast %max3A_36 : f32 to vector<1024x128xf32>
    %max3A_38 = arith.maximumf %add3A_35, %max3A_37 : vector<1024x128xf32>
    %get3A_39 = arith.constant 0 : index
    %get3A_40 = arith.constant 0 : index
    %get3A_41 = vector.load %arg5[%get3A_39, %get3A_40] : memref<128x128xf32, #tpu.memory_space<vmem>>, vector<128x128xf32>
    %dot_general3A = arith.constant dense<0.000000e+00> : vector<1024x128xf32>
    %dot_general3A_42 = tpu.matmul %max3A_38, %get3A_41, %dot_general3A {dimension_numbers = #tpu.dot_dimension_numbers<[1], [0], [0], [1], [0, 0, 1, 1], [], []>, transpose_lhs_hint = false} : vector<1024x128xf32>, vector<128x128xf32>, vector<1024x128xf32> -> vector<1024x128xf32>
    %mul3A_43 = vector.broadcast %rsqrt3A : vector<1024x1xf32> to vector<1024x128xf32>
    %mul3A_44 = arith.mulf %dot_general3A_42, %mul3A_43 : vector<1024x128xf32>
    %swap3A = arith.constant 0 : index
    %swap3A_45 = arith.constant 0 : index
    %swap3A_46 = vector.load %arg6[%swap3A, %swap3A_45] : memref<1024x128xf32, #tpu.memory_space<vmem>>, vector<1024x128xf32>
    tpu.vector_store %arg6[%swap3A, %swap3A_45], %mul3A_44 {strides = array<i32>} : memref<1024x128xf32, #tpu.memory_space<vmem>>, vector<1024x128xf32>,
    return
  }
  func.func @transform_0(%arg0: i32) -> (i32, i32, i32) {
    %c0_i32 = arith.constant 0 : i32
    %c0_i32_0 = arith.constant 0 : i32
    %c0_i32_1 = arith.constant 0 : i32
    return %c0_i32, %arg0, %c0_i32_0 : i32, i32, i32
  }
  func.func @transform_1(%arg0: i32) -> (i32, i32) {
    %c0_i32 = arith.constant 0 : i32
    %c0_i32_0 = arith.constant 0 : i32
    return %arg0, %c0_i32 : i32, i32
  }
  func.func @transform_2(%arg0: i32) -> (i32, i32, i32) {
    %c0_i32 = arith.constant 0 : i32
    %c0_i32_0 = arith.constant 0 : i32
    %c0_i32_1 = arith.constant 0 : i32
    return %c0_i32, %arg0, %c0_i32_0 : i32, i32, i32
  }
  func.func @transform_3(%arg0: i32) -> (i32, i32) {
    %c0_i32 = arith.constant 0 : i32
    %c0_i32_0 = arith.constant 0 : i32
    %c0_i32_1 = arith.constant 0 : i32
    return %c0_i32, %c0_i32_0 : i32, i32
  }
  func.func @transform_4(%arg0: i32) -> (i32, i32) {
    %c0_i32 = arith.constant 0 : i32
    %c0_i32_0 = arith.constant 0 : i32
    %c0_i32_1 = arith.constant 0 : i32
    return %c0_i32, %c0_i32_0 : i32, i32
  }
  func.func @transform_5(%arg0: i32) -> (i32, i32) {
    %c0_i32 = arith.constant 0 : i32
    %c0_i32_0 = arith.constant 0 : i32
    return %arg0, %c0_i32 : i32, i32
  }
}

module attributes {stable_mosaic.version = 14 : i64} {
  func.func @_relu_body(%arg0: i32, %arg1: memref<2x1024x128xf32, #tpu.memory_space<vmem>>, %arg2: memref<1024x128xf32, #tpu.memory_space<vmem>>, %arg3: memref<2x1024x128xf32, #tpu.memory_space<vmem>>, %arg4: memref<1x128xf32, #tpu.memory_space<vmem>>, %arg5: memref<1024x128xf32, #tpu.memory_space<vmem>>) attributes {dimension_semantics = [#tpu.dimension_semantics<arbitrary>], iteration_bounds = array<i64: 10>, scalar_prefetch = 0 : i64, scratch_operands = 0 : i64, tpu.core_type = #tpu.core_type<tc>, window_params = [{transform_indices = @transform_0, window_bounds = array<i64: 2, 1024, 128>}, {transform_indices = @transform_1, window_bounds = array<i64: 1024, 128>}, {transform_indices = @transform_2, window_bounds = array<i64: 2, 1024, 128>}, {pipeline_mode = #tpu.pipeline_mode<synchronous>, transform_indices = @transform_3, window_bounds = array<i64: 1, 128>}, {transform_indices = @transform_4, window_bounds = array<i64: 1024, 128>}]} {
    %get3A = arith.constant 0 : index
    %get3A_0 = arith.constant 0 : index
    %get3A_1 = arith.constant 0 : index
    %get3A_2 = vector.load %arg3[%get3A, %get3A_0, %get3A_1] : memref<2x1024x128xf32, #tpu.memory_space<vmem>>, vector<1x1024x128xf32>
    %get3A_3 = vector.shape_cast %get3A_2 : vector<1x1024x128xf32> to vector<1024x128xf32>
    %slice3A = vector.extract_strided_slice %get3A_3 {offsets = [0, 0], sizes = [1024, 1], strides = [1, 1]} : vector<1024x128xf32> to vector<1024x1xf32>
    %get3A_4 = arith.constant 1 : index
    %get3A_5 = arith.constant 0 : index
    %get3A_6 = arith.constant 0 : index
    %get3A_7 = vector.load %arg3[%get3A_4, %get3A_5, %get3A_6] : memref<2x1024x128xf32, #tpu.memory_space<vmem>>, vector<1x1024x128xf32>
    %get3A_8 = vector.shape_cast %get3A_7 : vector<1x1024x128xf32> to vector<1024x128xf32>
    %slice3A_9 = vector.extract_strided_slice %get3A_8 {offsets = [0, 0], sizes = [1024, 1], strides = [1, 1]} : vector<1024x128xf32> to vector<1024x1xf32>
    %add3A = arith.addf %slice3A, %slice3A_9 : vector<1024x1xf32>
    %add3A_10 = arith.constant 1.000000e+00 : f32
    %add3A_11 = vector.broadcast %add3A_10 : f32 to vector<1024x1xf32>
    %add3A_12 = arith.addf %add3A, %add3A_11 : vector<1024x1xf32>
    %max3A = arith.constant 1.000000e+00 : f32
    %max3A_13 = vector.broadcast %max3A : f32 to vector<1024x1xf32>
    %max3A_14 = arith.maximumf %add3A_12, %max3A_13 : vector<1024x1xf32>
    %rsqrt3A = math.rsqrt %max3A_14 : vector<1024x1xf32>
    %get3A_15 = arith.constant 0 : index
    %get3A_16 = arith.constant 0 : index
    %get3A_17 = arith.constant 0 : index
    %get3A_18 = vector.load %arg1[%get3A_15, %get3A_16, %get3A_17] : memref<2x1024x128xf32, #tpu.memory_space<vmem>>, vector<1x1024x128xf32>
    %get3A_19 = vector.shape_cast %get3A_18 : vector<1x1024x128xf32> to vector<1024x128xf32>
    %get3A_20 = arith.constant 1 : index
    %get3A_21 = arith.constant 0 : index
    %get3A_22 = arith.constant 0 : index
    %get3A_23 = vector.load %arg1[%get3A_20, %get3A_21, %get3A_22] : memref<2x1024x128xf32, #tpu.memory_space<vmem>>, vector<1x1024x128xf32>
    %get3A_24 = vector.shape_cast %get3A_23 : vector<1x1024x128xf32> to vector<1024x128xf32>
    %add3A_25 = arith.addf %get3A_19, %get3A_24 : vector<1024x128xf32>
    %get3A_26 = arith.constant 0 : index
    %get3A_27 = arith.constant 0 : index
    %get3A_28 = vector.load %arg2[%get3A_26, %get3A_27] : memref<1024x128xf32, #tpu.memory_space<vmem>>, vector<1024x128xf32>
    %add3A_29 = arith.addf %add3A_25, %get3A_28 : vector<1024x128xf32>
    %mul3A = vector.broadcast %rsqrt3A : vector<1024x1xf32> to vector<1024x128xf32>
    %mul3A_30 = arith.mulf %mul3A, %add3A_29 : vector<1024x128xf32>
    %get3A_31 = arith.constant 0 : index
    %get3A_32 = arith.constant 0 : index
    %get3A_33 = vector.load %arg4[%get3A_31, %get3A_32] : memref<1x128xf32, #tpu.memory_space<vmem>>, vector<1x128xf32>
    %add3A_34 = vector.broadcast %get3A_33 : vector<1x128xf32> to vector<1024x128xf32>
    %add3A_35 = arith.addf %mul3A_30, %add3A_34 : vector<1024x128xf32>
    %max3A_36 = arith.constant 0.000000e+00 : f32
    %max3A_37 = vector.broadcast %max3A_36 : f32 to vector<1024x128xf32>
    %max3A_38 = arith.maximumf %add3A_35, %max3A_37 : vector<1024x128xf32>
    %swap3A = arith.constant 0 : index
    %swap3A_39 = arith.constant 0 : index
    %swap3A_40 = vector.load %arg5[%swap3A, %swap3A_39] : memref<1024x128xf32, #tpu.memory_space<vmem>>, vector<1024x128xf32>
    tpu.vector_store %arg5[%swap3A, %swap3A_39], %max3A_38 {strides = array<i32>} : memref<1024x128xf32, #tpu.memory_space<vmem>>, vector<1024x128xf32>,
    return
  }
  func.func @transform_0(%arg0: i32) -> (i32, i32, i32) {
    %c0_i32 = arith.constant 0 : i32
    %c0_i32_0 = arith.constant 0 : i32
    %c0_i32_1 = arith.constant 0 : i32
    return %c0_i32, %arg0, %c0_i32_0 : i32, i32, i32
  }
  func.func @transform_1(%arg0: i32) -> (i32, i32) {
    %c0_i32 = arith.constant 0 : i32
    %c0_i32_0 = arith.constant 0 : i32
    return %arg0, %c0_i32 : i32, i32
  }
  func.func @transform_2(%arg0: i32) -> (i32, i32, i32) {
    %c0_i32 = arith.constant 0 : i32
    %c0_i32_0 = arith.constant 0 : i32
    %c0_i32_1 = arith.constant 0 : i32
    return %c0_i32, %arg0, %c0_i32_0 : i32, i32, i32
  }
  func.func @transform_3(%arg0: i32) -> (i32, i32) {
    %c0_i32 = arith.constant 0 : i32
    %c0_i32_0 = arith.constant 0 : i32
    %c0_i32_1 = arith.constant 0 : i32
    return %c0_i32, %c0_i32_0 : i32, i32
  }
  func.func @transform_4(%arg0: i32) -> (i32, i32) {
    %c0_i32 = arith.constant 0 : i32
    %c0_i32_0 = arith.constant 0 : i32
    return %arg0, %c0_i32 : i32, i32
  }
}

module attributes {stable_mosaic.version = 14 : i64} {
  func.func @_head_body(%arg0: memref<2x384x128xf32, #tpu.memory_space<vmem>>, %arg1: memref<128x128xf32, #tpu.memory_space<vmem>>, %arg2: memref<1x128xf32, #tpu.memory_space<vmem>>, %arg3: memref<128x128xf32, #tpu.memory_space<vmem>>, %arg4: memref<1x128xf32, #tpu.memory_space<vmem>>, %arg5: memref<128x128xf32, #tpu.memory_space<vmem>>, %arg6: memref<1x128xf32, #tpu.memory_space<vmem>>, %arg7: memref<256x128xf32, #tpu.memory_space<vmem>>) attributes {dimension_semantics = [], scalar_prefetch = 0 : i64, scratch_operands = 0 : i64, tpu.core_type = #tpu.core_type<tc>} {
    %get3A = arith.constant 0 : index
    %get3A_0 = arith.constant 0 : index
    %get3A_1 = arith.constant 0 : index
    %get3A_2 = vector.load %arg0[%get3A, %get3A_0, %get3A_1] : memref<2x384x128xf32, #tpu.memory_space<vmem>>, vector<1x256x128xf32>
    %get3A_3 = vector.shape_cast %get3A_2 : vector<1x256x128xf32> to vector<256x128xf32>
    %get3A_4 = arith.constant 1 : index
    %get3A_5 = arith.constant 0 : index
    %get3A_6 = arith.constant 0 : index
    %get3A_7 = vector.load %arg0[%get3A_4, %get3A_5, %get3A_6] : memref<2x384x128xf32, #tpu.memory_space<vmem>>, vector<1x256x128xf32>
    %get3A_8 = vector.shape_cast %get3A_7 : vector<1x256x128xf32> to vector<256x128xf32>
    %add3A = arith.addf %get3A_3, %get3A_8 : vector<256x128xf32>
    %get3A_9 = arith.constant 0 : index
    %get3A_10 = arith.constant 0 : index
    %get3A_11 = vector.load %arg1[%get3A_9, %get3A_10] : memref<128x128xf32, #tpu.memory_space<vmem>>, vector<128x128xf32>
    %dot_general3A = arith.constant dense<0.000000e+00> : vector<256x128xf32>
    %dot_general3A_12 = tpu.matmul %add3A, %get3A_11, %dot_general3A {dimension_numbers = #tpu.dot_dimension_numbers<[1], [0], [0], [1], [0, 0, 1, 1], [], []>, transpose_lhs_hint = false} : vector<256x128xf32>, vector<128x128xf32>, vector<256x128xf32> -> vector<256x128xf32>
    %get3A_13 = arith.constant 0 : index
    %get3A_14 = arith.constant 0 : index
    %get3A_15 = vector.load %arg2[%get3A_13, %get3A_14] : memref<1x128xf32, #tpu.memory_space<vmem>>, vector<1x128xf32>
    %add3A_16 = vector.broadcast %get3A_15 : vector<1x128xf32> to vector<256x128xf32>
    %add3A_17 = arith.addf %dot_general3A_12, %add3A_16 : vector<256x128xf32>
    %max3A = arith.constant 0.000000e+00 : f32
    %max3A_18 = vector.broadcast %max3A : f32 to vector<256x128xf32>
    %max3A_19 = arith.maximumf %add3A_17, %max3A_18 : vector<256x128xf32>
    %get3A_20 = arith.constant 0 : index
    %get3A_21 = arith.constant 0 : index
    %get3A_22 = vector.load %arg3[%get3A_20, %get3A_21] : memref<128x128xf32, #tpu.memory_space<vmem>>, vector<128x128xf32>
    %dot_general3A_23 = arith.constant dense<0.000000e+00> : vector<256x128xf32>
    %dot_general3A_24 = tpu.matmul %max3A_19, %get3A_22, %dot_general3A_23 {dimension_numbers = #tpu.dot_dimension_numbers<[1], [0], [0], [1], [0, 0, 1, 1], [], []>, transpose_lhs_hint = false} : vector<256x128xf32>, vector<128x128xf32>, vector<256x128xf32> -> vector<256x128xf32>
    %get3A_25 = arith.constant 0 : index
    %get3A_26 = arith.constant 0 : index
    %get3A_27 = vector.load %arg4[%get3A_25, %get3A_26] : memref<1x128xf32, #tpu.memory_space<vmem>>, vector<1x128xf32>
    %add3A_28 = vector.broadcast %get3A_27 : vector<1x128xf32> to vector<256x128xf32>
    %add3A_29 = arith.addf %dot_general3A_24, %add3A_28 : vector<256x128xf32>
    %max3A_30 = arith.constant 0.000000e+00 : f32
    %max3A_31 = vector.broadcast %max3A_30 : f32 to vector<256x128xf32>
    %max3A_32 = arith.maximumf %add3A_29, %max3A_31 : vector<256x128xf32>
    %get3A_33 = arith.constant 0 : index
    %get3A_34 = arith.constant 0 : index
    %get3A_35 = vector.load %arg5[%get3A_33, %get3A_34] : memref<128x128xf32, #tpu.memory_space<vmem>>, vector<128x128xf32>
    %dot_general3A_36 = arith.constant dense<0.000000e+00> : vector<256x128xf32>
    %dot_general3A_37 = tpu.matmul %max3A_32, %get3A_35, %dot_general3A_36 {dimension_numbers = #tpu.dot_dimension_numbers<[1], [0], [0], [1], [0, 0, 1, 1], [], []>, transpose_lhs_hint = false} : vector<256x128xf32>, vector<128x128xf32>, vector<256x128xf32> -> vector<256x128xf32>
    %get3A_38 = arith.constant 0 : index
    %get3A_39 = arith.constant 0 : index
    %get3A_40 = vector.load %arg6[%get3A_38, %get3A_39] : memref<1x128xf32, #tpu.memory_space<vmem>>, vector<1x128xf32>
    %add3A_41 = vector.broadcast %get3A_40 : vector<1x128xf32> to vector<256x128xf32>
    %add3A_42 = arith.addf %dot_general3A_37, %add3A_41 : vector<256x128xf32>
    %swap3A = arith.constant 0 : index
    %swap3A_43 = arith.constant 0 : index
    %swap3A_44 = vector.load %arg7[%swap3A, %swap3A_43] : memref<256x128xf32, #tpu.memory_space<vmem>>, vector<256x128xf32>
    tpu.vector_store %arg7[%swap3A, %swap3A_43], %add3A_42 {strides = array<i32>} : memref<256x128xf32, #tpu.memory_space<vmem>>, vector<256x128xf32>,
    return
  }
}

</mosaic_0001>

<sc_bundles>
// kernel: kernel.12.cloned.1.call-start
scs
__scs_entry_jumppad:
0x0: {  	(pc) =	sbr.rel $0x88, $3  }
0x1: {  	(tag) =	ssettag $0x0;
	lr =	simm.s32 $0x1  }
0x2: {  	[smem:$0x3F92] =	sst lr;
	_ =	strace $0xD0000000  }
0x3: {  	_ = 	snop  }
0x4: {  	_ = 	snop  }
0x5: {  	_ = 	snop  }
0x6: {  	_ = 	snop  }
0x7: {  	_ = 	snop  }
__scs_overlays_trampoline_lowered:
0x8: {  	[smem:$0x3FA1] =	sst s0  }
0x9: {  	[smem:$0x3FA2] =	sst s1  }
0xa: {  	[smem:$0x3FA3] =	sst s2  }
0xb: {  	[smem:$0x3FA4] =	sst s3  }
0xc: {  	[smem:$0x3FA5] =	sst s4  }
0xd: {  	[smem:$0x3FA6] =	sst s5  }
0xe: {  	[smem:$0x3FA7] =	sst s6  }
0xf: {  	[smem:$0x3FA8] =	sst s7  }
0x10: {  	[smem:$0x3FA9] =	sst s8  }
0x11: {  	[smem:$0x3FAA] =	sst s9;
	s0 =	simm.s32 @!p0 $0x0  }
0x12: {  	s1 =	sld [smem:$0x3F90];
	s0 =	simm.s32 @p0 $0x1  }
0x13: {  	[smem:$0x3FAB] =	sst s0;
	s0 =	simm.s32 @!p1 $0x0  }
0x14: {  	s2 =	sld [smem:$0x3F8F];
	s0 =	simm.s32 @p1 $0x1  }
0x15: {  	[smem:$0x3FAC] =	sst s0;
	s0 =	simm.s32 @!p2 $0x0  }
0x16: {  	s3 =	sld [smem:$0x3FDB];
	s0 =	simm.s32 @p2 $0x1  }
0x17: {  	s4 =	simm.s32 $0x1BF5;
	[smem:$0x3FAE] =	sst s0  }
0x18: {  	s0 =	sld [smem:$0x3F91];
	_ =	swait.ge [sflag:s4], $0x0  }
0x19: {  	s7 =	sld [smem:$0x3F92]  }
0x1a: {  	s8 =	sadd.s32 $0xFFFFE003, lr  }
0x1b: {  	s9 =	sadd.s32 $0xFFFFFEF7, lr;
	s5 =	simm.s32 $0xFFFFFFFF;
	p2 =	slt.u32 s8, $0xFFFFF086  }
0x1c: {  	p1 =	slt.u32 s9, $0xF7A;
	s5 =	simm.s32 @!p2 $0x0  }
0x1d: {  	s5 =	simm.s32 @p1 $0x1;
	p0 =	seq.s32 s7, s2  }
0x1e: {  	s7 =	smul.u32 @!p0 $0xF7A, s2;
	p2 =	seq.s32 @!p0 s5, $0x0  }
0x1f: {  	s9 =	smul.u32 $0xF7A, s1;
	s8 =	simm.s32 @!p0 $0x1BF5;
	p2 =	por !p2, p0  }
0x20: {  	[sflag:s8] =	ssyncset.s32 @!p0 $0xFFFFF086;
	s6 =	sadd.s32 @!p0 s3, s7;
	s7 =	simm.s32 @!p0 $0x108  }
0x21: {  	s3 =	sadd.s32 s3, s9;
	s6 =	sadd.s32 @!p0 $0x88, s6;
	s7 =	simm.s32 @p2 $0x1082  }
0x22: {  	[simem:s7], [sflag:s8] =	dma.local @!p0 [hbm:s6], $0xF7A  }
0x23: {  	s9 =	sor.u32 $0xD0000000, s2;
	s6 =	simm.s32 $0x108;
	_ =	swait.ge @!p0 [sflag:s8], $0x0  }
0x24: {  	s3 =	sadd.s32 $0x88, s3;
	s6 =	simm.s32 @!p1 $0x1082;
	[sflag:s4] =	ssyncset.s32 $0xFFFFF086  }
0x25: {  	[simem:s6], [sflag:s4] =	dma.local [hbm:s3], $0xF7A  }
0x26: {  	[smem:$0x3F92] =	sst s1;
	(tag) =	ssettag s2;
	_ =	strace s9  }
0x27: {  	s1 =	sld [smem:$0x3FA2]  }
0x28: {  	s2 =	sld [smem:$0x3FA3]  }
0x29: {  	s4 =	sld [smem:$0x3FA5]  }
0x2a: {  	p0 =	seq.s32 s5, $0x0;
	s5 =	sld [smem:$0x3FA6]  }
0x2b: {  	s6 =	sld [smem:$0x3FA7]  }
0x2c: {  	s7 =	sld [smem:$0x3FA8]  }
0x2d: {  	s3 =	simm.s32 $0x108;
	s8 =	sld [smem:$0x3FA9]  }
0x2e: {  	s3 =	simm.s32 @!p0 $0x1082;
	s9 =	sld [smem:$0x3FAA]  }
0x2f: {  	lr =	sadd.s32 s0, s3;
	s0 =	sld [smem:$0x3FA1]  }
0x30: {  	s3 =	sld [smem:$0x3FA4]  }
0x31: {  	[smem:$0x3FAD] =	sst s10  }
0x32: {  	s10 =	sld [smem:$0x3FAB];
	_ =	sdelay $0x3  }
0x33: {  	p0 =	seq.s32 s10, $0x1;
	s10 =	sld [smem:$0x3FAD];
	_ =	sdelay $0x3  }
0x34: {  	[smem:$0x3FAD] =	sst s10  }
0x35: {  	s10 =	sld [smem:$0x3FAC];
	_ =	sdelay $0x3  }
0x36: {  	p1 =	seq.s32 s10, $0x1;
	s10 =	sld [smem:$0x3FAD];
	_ =	sdelay $0x3  }
0x37: {  	[smem:$0x3FAD] =	sst s10  }
0x38: {  	s10 =	sld [smem:$0x3FAE]  }
0x39: {  	_ = 	snop;
	(pc) =	sbr.ind lr, $3  }
0x3a: {  	_ = 	snop  }
0x3b: {  	_ = 	snop  }
0x3c: {  	p2 =	seq.s32 s10, $0x1;
	s10 =	sld [smem:$0x3FAD]  }
0x3d: {  	_ =	shalt  }
0x3e: {  	_ =	shalt  }
0x3f: {  	_ =	shalt  }
0x40: {  	_ =	shalt  }
0x41: {  	_ =	shalt  }
0x42: {  	_ =	shalt  }
0x43: {  	_ =	shalt  }
0x44: {  	_ =	shalt  }
0x45: {  	_ =	shalt  }
0x46: {  	_ =	shalt  }
0x47: {  	_ =	shalt  }
0x48: {  	_ =	shalt  }
0x49: {  	_ =	shalt  }
0x4a: {  	_ =	shalt  }
0x4b: {  	_ =	shalt  }
0x4c: {  	_ =	shalt  }
0x4d: {  	_ =	shalt  }
0x4e: {  	_ =	shalt  }
0x4f: {  	_ =	shalt  }
0x50: {  	_ =	shalt  }
0x51: {  	_ =	shalt  }
0x52: {  	_ =	shalt  }
0x53: {  	_ =	shalt  }
0x54: {  	_ =	shalt  }
0x55: {  	_ =	shalt  }
0x56: {  	_ =	shalt  }
0x57: {  	_ =	shalt  }
0x58: {  	_ =	shalt  }
0x59: {  	_ =	shalt  }
0x5a: {  	_ =	shalt  }
0x5b: {  	_ =	shalt  }
0x5c: {  	_ =	shalt  }
0x5d: {  	_ =	shalt  }
0x5e: {  	_ =	shalt  }
0x5f: {  	_ =	shalt  }
0x60: {  	_ =	shalt  }
0x61: {  	_ =	shalt  }
0x62: {  	_ =	shalt  }
0x63: {  	_ =	shalt  }
0x64: {  	_ =	shalt  }
0x65: {  	_ =	shalt  }
0x66: {  	_ =	shalt  }
0x67: {  	_ =	shalt  }
0x68: {  	_ =	shalt  }
0x69: {  	_ =	shalt  }
0x6a: {  	_ =	shalt  }
0x6b: {  	_ =	shalt  }
0x6c: {  	_ =	shalt  }
0x6d: {  	_ =	shalt  }
0x6e: {  	_ =	shalt  }
0x6f: {  	_ =	shalt  }
0x70: {  	_ =	shalt  }
0x71: {  	_ =	shalt  }
0x72: {  	_ =	shalt  }
0x73: {  	_ =	shalt  }
0x74: {  	_ =	shalt  }
0x75: {  	_ =	shalt  }
0x76: {  	_ =	shalt  }
0x77: {  	_ =	shalt  }
0x78: {  	_ =	shalt  }
0x79: {  	_ =	shalt  }
0x7a: {  	_ =	shalt  }
0x7b: {  	_ =	shalt  }
0x7c: {  	_ =	shalt  }
0x7d: {  	_ =	shalt  }
0x7e: {  	_ =	shalt  }
0x7f: {  	_ =	shalt  }
0x80: {  	_ =	shalt  }
0x81: {  	_ =	shalt  }
0x82: {  	_ =	shalt  }
0x83: {  	_ =	shalt  }
0x84: {  	_ =	shalt  }
0x85: {  	_ =	shalt  }
0x86: {  	_ =	shalt  }
0x87: {  	_ =	shalt  }
.Lfunc_end0:
.L_simem_size_0:
called_computation_lowered:
.L_overlay_start_0:
0x88: {  	s2 =	sld [smem:$0x3FD9]  }
0x89: {  	s3 =	sld [smem:$0x3FFE];
	_ =	sdelay $0x1  }
0x8a: {  	s1 =	srdreg.scid  }
0x8b: {  	s0 =	sand.u32 $0x1, s1  }
0x8c: {  	s16 =	sshll.u32 s0, $0xA;
	s2 =	sadd.s32 s3, s2  }
0x8d: {  	s2 =	sadd.s32 s2, s16  }
0x8e: {  	[smem:$0x3FB9] =	sst s2  }
0x8f: {  	_ = 	snop  }
0x90: {  	(tm) =	ssettm $0x1  }
0x91: {  	s17 =	sld [smem:$0x3FFB];
	_ =	sdelay $0x3  }
0x92: {  	_ =	strace s17  }
0x93: {  	s2 =	sld [smem:$0x3FFC];
	_ =	sdelay $0x3  }
0x94: {  	_ =	strace s2  }
0x95: {  	s2 =	sld [smem:$0x3FFD];
	_ =	sdelay $0x3  }
0x96: {  	_ =	strace s2  }
0x97: {  	_ =	strace $0x8FFFFFFF  }
0x98: {  	s18 =	sld [smem:$0x3FDB];
	_ =	sdelay $0x1  }
0x99: {  	s19 =	simm.s32 $_scs_section_size  }
0x9a: {  	s4 =	simm.s32 $_size__tile_overlayer_lowered;
	s5 =	simm.s32 $_tile_overlayer_lowered  }
0x9b: {  	s22 =	simm.s32 $0x1BFF;
	s21 =	sshll.u32 s5, $0x1;
	s2 =	sadd.s32 s19, s18  }
0x9c: {  	s6 =	simm.s32 $0x0;
	s20 =	sshll.u32 s4, $0x1;
	s4 =	sadd.s32 s21, s2  }
0x9d: {  	[timem:s6], [sflag:s22] =	dma.local [hbm:s4], s20  }
0x9e: {  	_ =	swait.ge [sflag:s22], s20  }
0x9f: {  	s3 =	ssub.s32 $0x0, s20;
	[sflag:s22] =	ssyncset.done $0x0  }
0xa0: {  	[sflag:s22] =	ssyncadd.s32 s3;
	_ =	sdelay $0x1  }
0xa1: {  	s23 =	simm.s32 $0x1B8B  }
0xa2: {  	_ =	swait.ge [sflag:s23], $0x1  }
0xa3: {  	[sflag:s23] =	ssyncset.done $0x0  }
0xa4: {  	s25 =	simm.s32 $0x1B8E;
	s24 =	sld [smem:$0x3FFE];
	[sflag:s23] =	ssyncadd.s32 $0xFFFFFFFF  }
0xa5: {  	s26 =	simm.s32 $execute0_lowered;
	[smem:$0x3FD2] =	sst s25  }
0xa6: {  	s4 =	sshll.u32 s26, $0x1;
	_ =	strace $0x80000046;
	[dreg:$0x1] =	wrdreg $0xFFFFFFFF  }
0xa7: {  	s28 =	simm.s32 $_size_execute0_lowered;
	s2 =	sadd.s32 s2, s4;
	[dreg:$0x0] =	wrdreg $0x0  }
0xa8: {  	s4 =	sshll.u32 s28, $0x1;
	[dreg:$0x2] =	wrdreg s2  }
0xa9: {  	[dreg:$0x3] =	wrdreg s4  }
0xaa: {  	[dreg:$0x4] =	wrdreg $0xC0  }
0xab: {  	_ =	task [dreg:s6], $0x5FFFF  }
0xac: {  	[dreg:$0x1] =	wrdreg $0xFFFFFFFF  }
0xad: {  	[dreg:$0x0] =	wrdreg $0x60  }
0xae: {  	[dreg:$0x2] =	wrdreg s24  }
0xaf: {  	[dreg:$0x3] =	wrdreg $0x82000  }
0xb0: {  	[dreg:$0x4] =	wrdreg $0x9  }
0xb1: {  	_ =	task.clear_ibuf [dreg:s6], $0x5FFFF;
	_ =	strace $0x90000046  }
0xb2: {  	s29 =	simm.s32 $0x9;
	_ =	strace $0x80000048  }
0xb3: {  	_ =	swait.ge [sflag:s29], $0x1  }
0xb4: {  	[sflag:s29] =	ssyncadd.s32 $0xFFFFFFFF  }
0xb5: {  	_ =	strace $0x90000048  }
0xb6: {  	_ =	sfence  }
0xb7: {  	s30 =	sld [smem:$0x0];
	_ =	sdelay $0x2  }
0xb8: {  	s31 =	sshll.u32 s1, $0xD;
	s1 =	sshrl.u32 s1, $0x2  }
0xb9: {  	s3 =	sand.u32 $0x4000, s31;
	s1 =	sadd.s32 s1, s30  }
0xba: {  	s0 =	sor.u32 s3, s0;
	s1 =	sshll.u32 s1, $0x11  }
0xbb: {  	s0 =	sor.u32 s1, s0  }
0xbc: {  	s0 =	sadd.s32 $0x8F2B, s0  }
0xbd: {  	[sflag:s0] =	ssyncadd.remote.s32 $0x1  }
0xbe: {  	_ =	sfence.sel $0xFFFF  }
0xbf: {  	[dreg:$0x0] =	wrdreg $0xFFFFFFFF;
	(pc) =	sbr.abs _section_cstart, $3  }
0xc0: {  	[dreg:$0x1] =	wrdreg $0xFFFFFFFF  }
0xc1: {  	_ =	task.clear_ibuf [dreg:s6], $0x2FFFF;
	_ =	strace $0x9FFFFFFF  }
0xc2: {  	(tm) =	ssettm $0x7FFFFFFF  }
0xc3: {  	_ =	shalt  }
tec
execute0_lowered:
.L_overlay_start_1:
0x0: {  	(tag) =	ssettag $0x1  }
0x1: {  	s8 =	rddreg [dreg:$0x0]  }
0x2: {  	s1 =	rddreg [dreg:$0x1];
	s3 =	simm.s32 $0x0  }
0x3: {  	s4 =	srdreg.scid;
	s0 =	stileid.u32;
	s19 =	simm.s32 $0x200  }
0x4: {  	s20 =	simm.s32 $0x3;
	s21 =	simm.s32 $0x80;
	s22 =	simm.s32 $0x100  }
0x5: {  	s23 =	simm.s32 $0x180;
	s24 =	simm.s32 $0x4200;
	s25 =	simm.s32 $0x1  }
0x6: {  	s26 =	simm.s32 $0x2;
	s28 =	simm.s32 $0x0;
	[smem:$0x7FF] =	sst s3  }
0x7: {  	s7 =	sand.u32 $0x1, s4;
	s9 =	smul.u32 $0x2800, s0;
	s4 =	sadd.s32 $0x18200, s8  }
0x8: {  	s5 =	sadd.s32 $0xE200, s8;
	s6 =	sadd.s32 $0x4200, s8;
	s12 =	smul.u32 $0x50000, s0  }
0x9: {  	s10 =	smul.u32 $0x28000, s7;
	s11 =	sshll.u32 s7, $0x4;
	s29 =	ssub.s32 $0x2, s7  }
0xa: {  	_ =	strace $0x80000047;
	s30 =	sor.u32 s0, s11;
	s31 =	sshrl.u32 s29, $0x1  }
0xb: {  	s12 =	sshrl.u32 s12, $0x2;
	s9 =	sadd.s32 s9, s10;
	s7 =	smul.u32 $0x2800, s30  }
0xc: {  	s16 =	ssub.s32 s29, s31;
	s15 =	sadd.s32 s9, s8;
	s8 =	sadd.s32 s12, s1  }
0xd: {  	s16 =	smax.u32 s16, $0x1;
	s9 =	sadd.s32 $0x4000, s8;
	s10 =	sadd.s32 $0x8000, s8  }
0xe: {  	s17 =	sshrl.u32 s7, $0x3;
	s11 =	sadd.s32 $0xC000, s8;
	s12 =	sadd.s32 $0x10000, s8  }
0xf: {  	s15 =	sadd.s32 $0x40200, s15;
	s13 =	sadd.s32 s5, s17;
	s18 =	sadd.s32 $0x4F0, s17  }
0x10: {  	v0 =	vimm.f32 $0.0e+00;
	s14 =	sadd.s32 s6, s17;
	s17 =	sadd.s32 s5, s18;
	s18 =	sadd.s32 s6, s18  }
.LBB2_1:
0x11: {  	s29 =	simm.s32 $0x0;
	s30 =	simm.s32 $0x200  }
.LBB2_2:
0x12: {  	p0 =	sne.s32 s30, $0xFE00;
	[tilespmem:s29+$0x270] =	vst v0  }
0x13: {  	[tilespmem:s29+$0x200] =	vst v0  }
0x14: {  	[tilespmem:s29+$0x210] =	vst v0  }
.Ltmp0:
0x15: {  	[tilespmem:s29+$0x220] =	vst v0;
	(pc) =	sbr.rel @p0 .LBB2_2-.Ltmp0, $4  }
0x16: {  	[tilespmem:s29+$0x230] =	vst v0  }
0x17: {  	[tilespmem:s29+$0x240] =	vst v0  }
0x18: {  	[tilespmem:s29+$0x250] =	vst v0  }
0x19: {  	[tilespmem:s29+$0x260] =	vst v0;
	s29 =	sshra.s32 s30, $0x2;
	s30 =	sadd.s32 $0x200, s30  }
0x1a: {  	[tilespmem:s29+$0x270] =	vst v0  }
0x1b: {  	[tilespmem:s29+$0x200] =	vst v0  }
0x1c: {  	[tilespmem:s29+$0x210] =	vst v0  }
0x1d: {  	[tilespmem:s29+$0x220] =	vst v0  }
0x1e: {  	[tilespmem:s29+$0x230] =	vst v0  }
0x1f: {  	[tilespmem:s29+$0x240] =	vst v0  }
0x20: {  	[tilespmem:s29+$0x250] =	vst v0  }
0x21: {  	[tilespmem:s29+$0x260] =	vst v0  }
0x22: {  	[spmem:s8] =	stream.linear.scatter [tilespmem:s19], [sflag:$0x3], $0x4000, $0x38;
	[tilespmem:$0x1C200] =	vst v63  }
0x23: {  	_ =	swait.ge [sflag:s20], $0x4000  }
0x24: {  	[sflag:s20] =	ssyncset.done $0x0  }
0x25: {  	[sflag:s20] =	ssyncadd.s32 $0xFFFFC000  }
0x26: {  	[spmem:s9] =	stream.linear.scatter [tilespmem:s19], [sflag:$0x3], $0x4000, $0x38;
	[tilespmem:$0x1C200] =	vst v63  }
0x27: {  	_ =	swait.ge [sflag:s20], $0x4000  }
0x28: {  	[sflag:s20] =	ssyncset.done $0x0  }
0x29: {  	[sflag:s20] =	ssyncadd.s32 $0xFFFFC000  }
0x2a: {  	[spmem:s10] =	stream.linear.scatter [tilespmem:s19], [sflag:$0x3], $0x4000, $0x38;
	[tilespmem:$0x1C200] =	vst v63  }
0x2b: {  	_ =	swait.ge [sflag:s20], $0x4000  }
0x2c: {  	[sflag:s20] =	ssyncset.done $0x0  }
0x2d: {  	[sflag:s20] =	ssyncadd.s32 $0xFFFFC000  }
0x2e: {  	[spmem:s11] =	stream.linear.scatter [tilespmem:s19], [sflag:$0x3], $0x4000, $0x38;
	[tilespmem:$0x1C200] =	vst v63  }
0x2f: {  	_ =	swait.ge [sflag:s20], $0x4000  }
0x30: {  	[sflag:s20] =	ssyncset.done $0x0  }
0x31: {  	[sflag:s20] =	ssyncadd.s32 $0xFFFFC000  }
0x32: {  	[spmem:s12] =	stream.linear.scatter [tilespmem:s19], [sflag:$0x3], $0x4000, $0x38;
	[tilespmem:$0x1C200] =	vst v63  }
0x33: {  	_ =	swait.ge [sflag:s20], $0x4000  }
0x34: {  	[sflag:s20] =	ssyncset.done $0x0  }
0x35: {  	[sflag:s20] =	ssyncadd.s32 $0xFFFFC000  }
0x36: {  	[bflag:$0x0] =	sbarrier.arrive $0xFFFF  }
0x37: {  	[tilespmem:s3], [sflag:$0x3] =	stream.linear.gather [hbm4b:s13+s3], $0x80, $0x38;
	[tilespmem:$0x1C200] =	vst v63  }
0x38: {  	s29 =	simm.s32 $0x0;
	_ =	swait.ge [sflag:s20], $0x80  }
0x39: {  	s30 =	sand.u32 $0x3C00, s29;
	[sflag:s20] =	ssyncset.done $0x0  }
0x3a: {  	s29 =	sand.u32 $0x300, s29;
	s30 =	sadd.s32 s7, s30;
	[sflag:s20] =	ssyncadd.s32 $0xFFFFFF80  }
0x3b: {  	[tilespmem:s21], [sflag:$0x3] =	stream.linear.gather [hbm4b:s14+s3], $0x80, $0x38;
	[tilespmem:$0x1C200] =	vst v63  }
0x3c: {  	s29 =	sor.u32 s30, s29;
	_ =	swait.ge [sflag:s20], $0x80  }
0x3d: {  	s29 =	sor.u32 $0x80, s29;
	[sflag:s20] =	ssyncset.done $0x0  }
0x3e: {  	s29 =	sshrl.u32 s29, $0x3;
	[sflag:s20] =	ssyncadd.s32 $0xFFFFFF80  }
0x3f: {  	[tilespmem:s19], [sflag:$0x1] =	stream.indirect.gather [hbm4b:s4+s21], $0x80, s3, s21, $0xb8;
	[tilespmem:$0x1C200] =	vst v63  }
0x40: {  	s30 =	sadd.s32 s5, s29  }
0x41: {  	[tilespmem:s22], [sflag:$0x3] =	stream.linear.gather [hbm4b:s30+s3], $0x80, $0x38;
	[tilespmem:$0x1C200] =	vst v63  }
0x42: {  	_ =	swait.ge [sflag:s20], $0x80  }
0x43: {  	[sflag:s20] =	ssyncset.done $0x0  }
0x44: {  	s29 =	sadd.s32 s6, s29;
	[sflag:s20] =	ssyncadd.s32 $0xFFFFFF80  }
0x45: {  	[tilespmem:s23], [sflag:$0x3] =	stream.linear.gather [hbm4b:s29+s3], $0x80, $0x38;
	[tilespmem:$0x1C200] =	vst v63  }
0x46: {  	_ =	swait.ge [sflag:s20], $0x80  }
0x47: {  	[sflag:s20] =	ssyncset.done $0x0  }
0x48: {  	[sflag:s20] =	ssyncadd.s32 $0xFFFFFF80  }
0x49: {  	[tilespmem:s24], [sflag:$0x2] =	stream.indirect.gather [hbm4b:s4+s21], $0x80, s22, s21, $0xb8;
	[tilespmem:$0x1C200] =	vst v63  }
0x4a: {  	s29 =	simm.s32 $0x100;
	_ =	swait.ge [sflag:s25], $0x4000  }
0x4b: {  	s30 =	sand.u32 $0x7C00, s29;
	[sflag:s25] =	ssyncset.done $0x0  }
0x4c: {  	s29 =	sand.u32 $0x300, s29;
	s30 =	sadd.s32 s7, s30;
	[sflag:s25] =	ssyncadd.s32 $0xFFFFC000  }
0x4d: {  	[spmem:s1] =	stream.indirect.scatter.add.f32 [tilespmem:s19], [sflag:$0x3], $0x80, s21, s21, $0xb8;
	[tilespmem:$0x1C200] =	vst v63  }
0x4e: {  	s29 =	sor.u32 s29, s30;
	_ =	swait.ge [sflag:s20], $0x4000  }
0x4f: {  	s29 =	sshrl.u32 s29, $0x3;
	[sflag:s20] =	ssyncset.done $0x0  }
0x50: {  	s30 =	sadd.s32 s5, s29;
	[sflag:s20] =	ssyncadd.s32 $0xFFFFC000  }
0x51: {  	[tilespmem:s3], [sflag:$0x3] =	stream.linear.gather [hbm4b:s30+s3], $0x80, $0x38;
	[tilespmem:$0x1C200] =	vst v63  }
0x52: {  	_ =	swait.ge [sflag:s20], $0x80  }
0x53: {  	[sflag:s20] =	ssyncset.done $0x0  }
0x54: {  	s29 =	sadd.s32 s6, s29;
	[sflag:s20] =	ssyncadd.s32 $0xFFFFFF80  }
0x55: {  	[tilespmem:s21], [sflag:$0x3] =	stream.linear.gather [hbm4b:s29+s3], $0x80, $0x38;
	[tilespmem:$0x1C200] =	vst v63  }
0x56: {  	s30 =	simm.s32 $0x100;
	_ =	swait.ge [sflag:s20], $0x80  }
0x57: {  	s31 =	sand.u32 $0x3C00, s30;
	s0 =	sand.u32 $0x300, s30;
	[sflag:s20] =	ssyncset.done $0x0  }
0x58: {  	s30 =	simm.s32 $0x300;
	s31 =	sadd.s32 s7, s31;
	[sflag:s20] =	ssyncadd.s32 $0xFFFFFF80  }
0x59: {  	[tilespmem:s19], [sflag:$0x1] =	stream.indirect.gather [hbm4b:s4+s21], $0x80, s3, s21, $0xb8;
	[tilespmem:$0x1C200] =	vst v63  }
0x5a: {  	s31 =	sor.u32 s31, s0;
	s29 =	simm.s32 $0x200;
	_ =	swait.ge [sflag:s26], $0x4000  }
.LBB2_4:
0x5b: {  	p0 =	sne.s32 s30, $0x2700  }
0x5c: {  	[sflag:s26] =	ssyncset.done $0x0;
	s0 =	smov.u32 s30;
	s30 =	sadd.s32 $0x100, s30  }
0x5d: {  	[sflag:s26] =	ssyncadd.s32 $0xFFFFC000  }
0x5e: {  	[spmem:s1] =	stream.indirect.scatter.add.f32 [tilespmem:s24], [sflag:$0x3], $0x80, s23, s21, $0xb8;
	[tilespmem:$0x1C200] =	vst v63  }
0x5f: {  	s31 =	sor.u32 $0x80, s31;
	_ =	swait.ge [sflag:s20], $0x4000  }
0x60: {  	s31 =	sshrl.u32 s31, $0x3;
	[sflag:s20] =	ssyncset.done $0x0  }
0x61: {  	s2 =	sadd.s32 s5, s31;
	[sflag:s20] =	ssyncadd.s32 $0xFFFFC000  }
0x62: {  	[tilespmem:s22], [sflag:$0x3] =	stream.linear.gather [hbm4b:s2+s3], $0x80, $0x38;
	[tilespmem:$0x1C200] =	vst v63  }
0x63: {  	_ =	swait.ge [sflag:s20], $0x80  }
0x64: {  	[sflag:s20] =	ssyncset.done $0x0  }
0x65: {  	s2 =	sadd.s32 s6, s31;
	[sflag:s20] =	ssyncadd.s32 $0xFFFFFF80  }
0x66: {  	[tilespmem:s23], [sflag:$0x3] =	stream.linear.gather [hbm4b:s2+s3], $0x80, $0x38;
	[tilespmem:$0x1C200] =	vst v63  }
0x67: {  	_ =	swait.ge [sflag:s20], $0x80  }
0x68: {  	[sflag:s20] =	ssyncset.done $0x0  }
0x69: {  	[sflag:s20] =	ssyncadd.s32 $0xFFFFFF80  }
0x6a: {  	[tilespmem:s24], [sflag:$0x2] =	stream.indirect.gather [hbm4b:s4+s21], $0x80, s22, s21, $0xb8;
	[tilespmem:$0x1C200] =	vst v63  }
0x6b: {  	_ =	swait.ge [sflag:s25], $0x4000  }
0x6c: {  	[sflag:s25] =	ssyncset.done $0x0  }
0x6d: {  	s31 =	sand.u32 $0x300, s29;
	s2 =	sand.u32 $0x7C00, s29;
	[sflag:s25] =	ssyncadd.s32 $0xFFFFC000  }
0x6e: {  	[spmem:s1] =	stream.indirect.scatter.add.f32 [tilespmem:s19], [sflag:$0x3], $0x80, s21, s21, $0xb8;
	[tilespmem:$0x1C200] =	vst v63  }
0x6f: {  	s29 =	smov.u32 s0;
	s2 =	sadd.s32 s7, s2;
	_ =	swait.ge [sflag:s20], $0x4000  }
0x70: {  	s0 =	sor.u32 s31, s2;
	[sflag:s20] =	ssyncset.done $0x0  }
0x71: {  	s0 =	sshrl.u32 s0, $0x3;
	[sflag:s20] =	ssyncadd.s32 $0xFFFFC000  }
0x72: {  	s2 =	sadd.s32 s5, s0  }
0x73: {  	[tilespmem:s3], [sflag:$0x3] =	stream.linear.gather [hbm4b:s2+s3], $0x80, $0x38;
	[tilespmem:$0x1C200] =	vst v63  }
0x74: {  	_ =	swait.ge [sflag:s20], $0x80  }
0x75: {  	s0 =	sadd.s32 s6, s0;
	[sflag:s20] =	ssyncset.done $0x0  }
0x76: {  	[sflag:s20] =	ssyncadd.s32 $0xFFFFFF80  }
0x77: {  	[tilespmem:s21], [sflag:$0x3] =	stream.linear.gather [hbm4b:s0+s3], $0x80, $0x38;
	[tilespmem:$0x1C200] =	vst v63  }
.Ltmp1:
0x78: {  	s0 =	sadd.s32 $0xFFFFFF00, s29;
	_ =	swait.ge [sflag:s20], $0x80;
	(pc) =	sbr.rel @p0 .LBB2_4-.Ltmp1, $4  }
0x79: {  	s2 =	sand.u32 $0x3C00, s0;
	[sflag:s20] =	ssyncset.done $0x0  }
0x7a: {  	s0 =	sand.u32 $0x300, s0;
	s2 =	sadd.s32 s7, s2;
	[sflag:s20] =	ssyncadd.s32 $0xFFFFFF80  }
0x7b: {  	[tilespmem:s19], [sflag:$0x1] =	stream.indirect.gather [hbm4b:s4+s21], $0x80, s3, s21, $0xb8;
	[tilespmem:$0x1C200] =	vst v63  }
0x7c: {  	s31 =	sor.u32 s2, s0;
	_ =	swait.ge [sflag:s26], $0x4000  }
0x7d: {  	[sflag:s26] =	ssyncset.done $0x0  }
0x7e: {  	[sflag:s26] =	ssyncadd.s32 $0xFFFFC000  }
0x7f: {  	[spmem:s1] =	stream.indirect.scatter.add.f32 [tilespmem:s24], [sflag:$0x3], $0x80, s23, s21, $0xb8;
	[tilespmem:$0x1C200] =	vst v63  }
0x80: {  	s0 =	sor.u32 $0x80, s31;
	_ =	swait.ge [sflag:s20], $0x4000  }
0x81: {  	s0 =	sshrl.u32 s0, $0x3;
	[sflag:s20] =	ssyncset.done $0x0  }
0x82: {  	s2 =	sadd.s32 s5, s0;
	[sflag:s20] =	ssyncadd.s32 $0xFFFFC000  }
0x83: {  	[tilespmem:s22], [sflag:$0x3] =	stream.linear.gather [hbm4b:s2+s3], $0x80, $0x38;
	[tilespmem:$0x1C200] =	vst v63  }
0x84: {  	_ =	swait.ge [sflag:s20], $0x80  }
0x85: {  	[sflag:s20] =	ssyncset.done $0x0  }
0x86: {  	s0 =	sadd.s32 s6, s0;
	[sflag:s20] =	ssyncadd.s32 $0xFFFFFF80  }
0x87: {  	[tilespmem:s23], [sflag:$0x3] =	stream.linear.gather [hbm4b:s0+s3], $0x80, $0x38;
	[tilespmem:$0x1C200] =	vst v63  }
0x88: {  	_ =	swait.ge [sflag:s20], $0x80  }
0x89: {  	[sflag:s20] =	ssyncset.done $0x0  }
0x8a: {  	[sflag:s20] =	ssyncadd.s32 $0xFFFFFF80  }
0x8b: {  	[tilespmem:s24], [sflag:$0x2] =	stream.indirect.gather [hbm4b:s4+s21], $0x80, s22, s21, $0xb8;
	[tilespmem:$0x1C200] =	vst v63  }
0x8c: {  	_ =	swait.ge [sflag:s25], $0x4000  }
0x8d: {  	s30 =	sand.u32 $0x7C00, s29;
	[sflag:s25] =	ssyncset.done $0x0  }
0x8e: {  	s31 =	sand.u32 $0x300, s29;
	s0 =	sadd.s32 s7, s30;
	[sflag:s25] =	ssyncadd.s32 $0xFFFFC000  }
0x8f: {  	[spmem:s1] =	stream.indirect.scatter.add.f32 [tilespmem:s19], [sflag:$0x3], $0x80, s21, s21, $0xb8;
	[tilespmem:$0x1C200] =	vst v63  }
0x90: {  	s0 =	sor.u32 s31, s0;
	_ =	swait.ge [sflag:s20], $0x4000  }
0x91: {  	s0 =	sshrl.u32 s0, $0x3;
	[sflag:s20] =	ssyncset.done $0x0  }
0x92: {  	s29 =	sadd.s32 s5, s0;
	[sflag:s20] =	ssyncadd.s32 $0xFFFFC000  }
0x93: {  	[tilespmem:s3], [sflag:$0x3] =	stream.linear.gather [hbm4b:s29+s3], $0x80, $0x38;
	[tilespmem:$0x1C200] =	vst v63  }
0x94: {  	_ =	swait.ge [sflag:s20], $0x80  }
0x95: {  	[sflag:s20] =	ssyncset.done $0x0  }
0x96: {  	s0 =	sadd.s32 s6, s0;
	[sflag:s20] =	ssyncadd.s32 $0xFFFFFF80  }
0x97: {  	[tilespmem:s21], [sflag:$0x3] =	stream.linear.gather [hbm4b:s0+s3], $0x80, $0x38;
	[tilespmem:$0x1C200] =	vst v63  }
0x98: {  	_ =	swait.ge [sflag:s20], $0x80  }
0x99: {  	[sflag:s20] =	ssyncset.done $0x0  }
0x9a: {  	[sflag:s20] =	ssyncadd.s32 $0xFFFFFF80  }
0x9b: {  	[tilespmem:s19], [sflag:$0x1] =	stream.indirect.gather [hbm4b:s4+s21], $0x80, s3, s21, $0xb8;
	[tilespmem:$0x1C200] =	vst v63  }
0x9c: {  	_ =	swait.ge [sflag:s26], $0x4000  }
0x9d: {  	[sflag:s26] =	ssyncset.done $0x0  }
0x9e: {  	[sflag:s26] =	ssyncadd.s32 $0xFFFFC000  }
0x9f: {  	[spmem:s1] =	stream.indirect.scatter.add.f32 [tilespmem:s24], [sflag:$0x3], $0x80, s23, s21, $0xb8;
	[tilespmem:$0x1C200] =	vst v63  }
0xa0: {  	_ =	swait.ge [sflag:s20], $0x4000  }
0xa1: {  	[sflag:s20] =	ssyncset.done $0x0  }
0xa2: {  	[sflag:s20] =	ssyncadd.s32 $0xFFFFC000  }
0xa3: {  	[tilespmem:s22], [sflag:$0x3] =	stream.linear.gather [hbm4b:s17+s3], $0x80, $0x38;
	[tilespmem:$0x1C200] =	vst v63  }
0xa4: {  	_ =	swait.ge [sflag:s20], $0x80  }
0xa5: {  	[sflag:s20] =	ssyncset.done $0x0  }
0xa6: {  	[sflag:s20] =	ssyncadd.s32 $0xFFFFFF80  }
0xa7: {  	[tilespmem:s23], [sflag:$0x3] =	stream.linear.gather [hbm4b:s18+s3], $0x80, $0x38;
	[tilespmem:$0x1C200] =	vst v63  }
0xa8: {  	_ =	swait.ge [sflag:s20], $0x80  }
0xa9: {  	[sflag:s20] =	ssyncset.done $0x0  }
0xaa: {  	[sflag:s20] =	ssyncadd.s32 $0xFFFFFF80  }
0xab: {  	[tilespmem:s24], [sflag:$0x2] =	stream.indirect.gather [hbm4b:s4+s21], $0x80, s22, s21, $0xb8;
	[tilespmem:$0x1C200] =	vst v63  }
0xac: {  	_ =	swait.ge [sflag:s25], $0x4000  }
0xad: {  	[sflag:s25] =	ssyncset.done $0x0  }
0xae: {  	[sflag:s25] =	ssyncadd.s32 $0xFFFFC000  }
0xaf: {  	[spmem:s1] =	stream.indirect.scatter.add.f32 [tilespmem:s19], [sflag:$0x3], $0x80, s21, s21, $0xb8;
	[tilespmem:$0x1C200] =	vst v63  }
0xb0: {  	_ =	swait.ge [sflag:s20], $0x4000  }
0xb1: {  	[sflag:s20] =	ssyncset.done $0x0  }
0xb2: {  	[sflag:s20] =	ssyncadd.s32 $0xFFFFC000  }
0xb3: {  	_ =	swait.ge [sflag:s26], $0x4000  }
0xb4: {  	[sflag:s26] =	ssyncset.done $0x0  }
0xb5: {  	[sflag:s26] =	ssyncadd.s32 $0xFFFFC000  }
0xb6: {  	[spmem:s1] =	stream.indirect.scatter.add.f32 [tilespmem:s24], [sflag:$0x3], $0x80, s23, s21, $0xb8;
	[tilespmem:$0x1C200] =	vst v63  }
0xb7: {  	s28 =	sadd.s32 $0x1, s28;
	_ =	swait.ge [sflag:s20], $0x4000  }
0xb8: {  	p0 =	sne.s32 s28, s16;
	s30 =	stileid.u32;
	[sflag:s20] =	ssyncset.done $0x0  }
0xb9: {  	s31 =	sshrl.u32 s8, $0x3;
	s0 =	sshll.u32 s30, $0x6;
	[sflag:s20] =	ssyncadd.s32 $0xFFFFC000  }
.Ltmp2:
0xba: {  	s0 =	sor.u32 $0x1C03, s0;
	[bflag:$0x0] =	sbarrier.arrive $0xFFFF;
	(pc) =	sbr.rel @p0 .LBB2_1-.Ltmp2, $4  }
0xbb: {  	[hbm:s15], [sflag:s0] =	dma.local [spmem:s31], $0x2800  }
0xbc: {  	_ =	swait.ge [sflag:s20], $0x2800  }
0xbd: {  	[sflag:s20] =	ssyncset.done $0x0  }
0xbe: {  	[sflag:s20] =	ssyncadd.s32 $0xFFFFD800  }
0xbf: {  	_ =	sfence.sel $0x180000  }
0xc0: {  	[bflag:$0x0] =	sbarrier.arrive $0xFFFF  }
0xc1: {  	_ =	strace $0x90000047  }
0xc2: {  	s0 =	stileid.u32;
	[bflag:$0x2] =	sbarrier.arrive $0xFFFF  }
0xc3: {  	p0 =	sne.s32 s0, $0x0;
	s0 =	rddreg [dreg:$0x2]  }
0xc4: {  	s0 =	sadd.s32 @!p0 $0x100000, s0  }
0xc5: {  	[sflag:s0] =	ssyncadd.tile.s32 @!p0 $0x1;
	_ =	shalt  }
.Lfunc_end2:
_tile_overlayer_lowered:
.L_overlay_start_2:
0xc6: {  	(tag) =	ssettag $0x2  }
0xc7: {  	s0 =	rddreg [dreg:$0x0];
	s2 =	stileid.u32  }
0xc8: {  	s1 =	rddreg [dreg:$0x1];
	p0 =	sne.s32 s2, $0x0  }
0xc9: {  	s3 =	rddreg [dreg:$0x2];
	[bflag:$0x3] =	sbarrier.arrive $0xFFFF;
	s2 =	simm.s32 @!p0 $0x1C03  }
0xca: {  	[timem:s3], [sflag:s2] =	dma.local @!p0 [hbm:s0], s1  }
0xcb: {  	s0 =	simm.s32 @!p0 $0x3  }
0xcc: {  	_ =	swait.ge @!p0 [sflag:s0], s1  }
0xcd: {  	s1 =	ssub.s32 @!p0 $0x0, s1;
	[sflag:s0] =	ssyncset.done @!p0 $0x0  }
0xce: {  	[sflag:s0] =	ssyncadd.s32 @!p0 s1  }
0xcf: {  	[bflag:$0x3] =	sbarrier.arrive $0xFFFF  }
0xd0: {  	_ =	shalt  }

// kernel: kernel.15.cloned.1.call-start
scs
__scs_entry_jumppad:
0x0: {  	(pc) =	sbr.rel $0x88, $3  }
0x1: {  	(tag) =	ssettag $0x0;
	lr =	simm.s32 $0x1  }
0x2: {  	[smem:$0x3F92] =	sst lr;
	_ =	strace $0xD0000000  }
0x3: {  	_ = 	snop  }
0x4: {  	_ = 	snop  }
0x5: {  	_ = 	snop  }
0x6: {  	_ = 	snop  }
0x7: {  	_ = 	snop  }
__scs_overlays_trampoline_lowered:
0x8: {  	[smem:$0x3FA1] =	sst s0  }
0x9: {  	[smem:$0x3FA2] =	sst s1  }
0xa: {  	[smem:$0x3FA3] =	sst s2  }
0xb: {  	[smem:$0x3FA4] =	sst s3  }
0xc: {  	[smem:$0x3FA5] =	sst s4  }
0xd: {  	[smem:$0x3FA6] =	sst s5  }
0xe: {  	[smem:$0x3FA7] =	sst s6  }
0xf: {  	[smem:$0x3FA8] =	sst s7  }
0x10: {  	[smem:$0x3FA9] =	sst s8  }
0x11: {  	[smem:$0x3FAA] =	sst s9;
	s0 =	simm.s32 @!p0 $0x0  }
0x12: {  	s1 =	sld [smem:$0x3F90];
	s0 =	simm.s32 @p0 $0x1  }
0x13: {  	[smem:$0x3FAB] =	sst s0;
	s0 =	simm.s32 @!p1 $0x0  }
0x14: {  	s2 =	sld [smem:$0x3F8F];
	s0 =	simm.s32 @p1 $0x1  }
0x15: {  	[smem:$0x3FAC] =	sst s0;
	s0 =	simm.s32 @!p2 $0x0  }
0x16: {  	s3 =	sld [smem:$0x3FDB];
	s0 =	simm.s32 @p2 $0x1  }
0x17: {  	s4 =	simm.s32 $0x1BF5;
	[smem:$0x3FAE] =	sst s0  }
0x18: {  	s0 =	sld [smem:$0x3F91];
	_ =	swait.ge [sflag:s4], $0x0  }
0x19: {  	s7 =	sld [smem:$0x3F92]  }
0x1a: {  	s8 =	sadd.s32 $0xFFFFE003, lr  }
0x1b: {  	s9 =	sadd.s32 $0xFFFFFEF7, lr;
	s5 =	simm.s32 $0xFFFFFFFF;
	p2 =	slt.u32 s8, $0xFFFFF086  }
0x1c: {  	p1 =	slt.u32 s9, $0xF7A;
	s5 =	simm.s32 @!p2 $0x0  }
0x1d: {  	s5 =	simm.s32 @p1 $0x1;
	p0 =	seq.s32 s7, s2  }
0x1e: {  	s7 =	smul.u32 @!p0 $0xF7A, s2;
	p2 =	seq.s32 @!p0 s5, $0x0  }
0x1f: {  	s9 =	smul.u32 $0xF7A, s1;
	s8 =	simm.s32 @!p0 $0x1BF5;
	p2 =	por !p2, p0  }
0x20: {  	[sflag:s8] =	ssyncset.s32 @!p0 $0xFFFFF086;
	s6 =	sadd.s32 @!p0 s3, s7;
	s7 =	simm.s32 @!p0 $0x108  }
0x21: {  	s3 =	sadd.s32 s3, s9;
	s6 =	sadd.s32 @!p0 $0x88, s6;
	s7 =	simm.s32 @p2 $0x1082  }
0x22: {  	[simem:s7], [sflag:s8] =	dma.local @!p0 [hbm:s6], $0xF7A  }
0x23: {  	s9 =	sor.u32 $0xD0000000, s2;
	s6 =	simm.s32 $0x108;
	_ =	swait.ge @!p0 [sflag:s8], $0x0  }
0x24: {  	s3 =	sadd.s32 $0x88, s3;
	s6 =	simm.s32 @!p1 $0x1082;
	[sflag:s4] =	ssyncset.s32 $0xFFFFF086  }
0x25: {  	[simem:s6], [sflag:s4] =	dma.local [hbm:s3], $0xF7A  }
0x26: {  	[smem:$0x3F92] =	sst s1;
	(tag) =	ssettag s2;
	_ =	strace s9  }
0x27: {  	s1 =	sld [smem:$0x3FA2]  }
0x28: {  	s2 =	sld [smem:$0x3FA3]  }
0x29: {  	s4 =	sld [smem:$0x3FA5]  }
0x2a: {  	p0 =	seq.s32 s5, $0x0;
	s5 =	sld [smem:$0x3FA6]  }
0x2b: {  	s6 =	sld [smem:$0x3FA7]  }
0x2c: {  	s7 =	sld [smem:$0x3FA8]  }
0x2d: {  	s3 =	simm.s32 $0x108;
	s8 =	sld [smem:$0x3FA9]  }
0x2e: {  	s3 =	simm.s32 @!p0 $0x1082;
	s9 =	sld [smem:$0x3FAA]  }
0x2f: {  	lr =	sadd.s32 s0, s3;
	s0 =	sld [smem:$0x3FA1]  }
0x30: {  	s3 =	sld [smem:$0x3FA4]  }
0x31: {  	[smem:$0x3FAD] =	sst s10  }
0x32: {  	s10 =	sld [smem:$0x3FAB];
	_ =	sdelay $0x3  }
0x33: {  	p0 =	seq.s32 s10, $0x1;
	s10 =	sld [smem:$0x3FAD];
	_ =	sdelay $0x3  }
0x34: {  	[smem:$0x3FAD] =	sst s10  }
0x35: {  	s10 =	sld [smem:$0x3FAC];
	_ =	sdelay $0x3  }
0x36: {  	p1 =	seq.s32 s10, $0x1;
	s10 =	sld [smem:$0x3FAD];
	_ =	sdelay $0x3  }
0x37: {  	[smem:$0x3FAD] =	sst s10  }
0x38: {  	s10 =	sld [smem:$0x3FAE]  }
0x39: {  	_ = 	snop;
	(pc) =	sbr.ind lr, $3  }
0x3a: {  	_ = 	snop  }
0x3b: {  	_ = 	snop  }
0x3c: {  	p2 =	seq.s32 s10, $0x1;
	s10 =	sld [smem:$0x3FAD]  }
0x3d: {  	_ =	shalt  }
0x3e: {  	_ =	shalt  }
0x3f: {  	_ =	shalt  }
0x40: {  	_ =	shalt  }
0x41: {  	_ =	shalt  }
0x42: {  	_ =	shalt  }
0x43: {  	_ =	shalt  }
0x44: {  	_ =	shalt  }
0x45: {  	_ =	shalt  }
0x46: {  	_ =	shalt  }
0x47: {  	_ =	shalt  }
0x48: {  	_ =	shalt  }
0x49: {  	_ =	shalt  }
0x4a: {  	_ =	shalt  }
0x4b: {  	_ =	shalt  }
0x4c: {  	_ =	shalt  }
0x4d: {  	_ =	shalt  }
0x4e: {  	_ =	shalt  }
0x4f: {  	_ =	shalt  }
0x50: {  	_ =	shalt  }
0x51: {  	_ =	shalt  }
0x52: {  	_ =	shalt  }
0x53: {  	_ =	shalt  }
0x54: {  	_ =	shalt  }
0x55: {  	_ =	shalt  }
0x56: {  	_ =	shalt  }
0x57: {  	_ =	shalt  }
0x58: {  	_ =	shalt  }
0x59: {  	_ =	shalt  }
0x5a: {  	_ =	shalt  }
0x5b: {  	_ =	shalt  }
0x5c: {  	_ =	shalt  }
0x5d: {  	_ =	shalt  }
0x5e: {  	_ =	shalt  }
0x5f: {  	_ =	shalt  }
0x60: {  	_ =	shalt  }
0x61: {  	_ =	shalt  }
0x62: {  	_ =	shalt  }
0x63: {  	_ =	shalt  }
0x64: {  	_ =	shalt  }
0x65: {  	_ =	shalt  }
0x66: {  	_ =	shalt  }
0x67: {  	_ =	shalt  }
0x68: {  	_ =	shalt  }
0x69: {  	_ =	shalt  }
0x6a: {  	_ =	shalt  }
0x6b: {  	_ =	shalt  }
0x6c: {  	_ =	shalt  }
0x6d: {  	_ =	shalt  }
0x6e: {  	_ =	shalt  }
0x6f: {  	_ =	shalt  }
0x70: {  	_ =	shalt  }
0x71: {  	_ =	shalt  }
0x72: {  	_ =	shalt  }
0x73: {  	_ =	shalt  }
0x74: {  	_ =	shalt  }
0x75: {  	_ =	shalt  }
0x76: {  	_ =	shalt  }
0x77: {  	_ =	shalt  }
0x78: {  	_ =	shalt  }
0x79: {  	_ =	shalt  }
0x7a: {  	_ =	shalt  }
0x7b: {  	_ =	shalt  }
0x7c: {  	_ =	shalt  }
0x7d: {  	_ =	shalt  }
0x7e: {  	_ =	shalt  }
0x7f: {  	_ =	shalt  }
0x80: {  	_ =	shalt  }
0x81: {  	_ =	shalt  }
0x82: {  	_ =	shalt  }
0x83: {  	_ =	shalt  }
0x84: {  	_ =	shalt  }
0x85: {  	_ =	shalt  }
0x86: {  	_ =	shalt  }
0x87: {  	_ =	shalt  }
.Lfunc_end0:
.L_simem_size_0:
called_computation.1_lowered:
.L_overlay_start_0:
0x88: {  	s2 =	sld [smem:$0x3FD9]  }
0x89: {  	s3 =	sld [smem:$0x3FFE];
	_ =	sdelay $0x1  }
0x8a: {  	s1 =	srdreg.scid  }
0x8b: {  	s0 =	sand.u32 $0x1, s1  }
0x8c: {  	s16 =	sshll.u32 s0, $0xA;
	s2 =	sadd.s32 s3, s2  }
0x8d: {  	s2 =	sadd.s32 s2, s16  }
0x8e: {  	[smem:$0x3FB9] =	sst s2  }
0x8f: {  	_ = 	snop  }
0x90: {  	(tm) =	ssettm $0x1  }
0x91: {  	s17 =	sld [smem:$0x3FFB];
	_ =	sdelay $0x3  }
0x92: {  	_ =	strace s17  }
0x93: {  	s2 =	sld [smem:$0x3FFC];
	_ =	sdelay $0x3  }
0x94: {  	_ =	strace s2  }
0x95: {  	s2 =	sld [smem:$0x3FFD];
	_ =	sdelay $0x3  }
0x96: {  	_ =	strace s2  }
0x97: {  	_ =	strace $0x8FFFFFFF  }
0x98: {  	s18 =	sld [smem:$0x3FDB];
	_ =	sdelay $0x1  }
0x99: {  	s19 =	simm.s32 $_scs_section_size  }
0x9a: {  	s4 =	simm.s32 $_size__tile_overlayer_lowered;
	s5 =	simm.s32 $_tile_overlayer_lowered  }
0x9b: {  	s22 =	simm.s32 $0x1BFF;
	s21 =	sshll.u32 s5, $0x1;
	s2 =	sadd.s32 s19, s18  }
0x9c: {  	s6 =	simm.s32 $0x0;
	s20 =	sshll.u32 s4, $0x1;
	s4 =	sadd.s32 s21, s2  }
0x9d: {  	[timem:s6], [sflag:s22] =	dma.local [hbm:s4], s20  }
0x9e: {  	_ =	swait.ge [sflag:s22], s20  }
0x9f: {  	s3 =	ssub.s32 $0x0, s20;
	[sflag:s22] =	ssyncset.done $0x0  }
0xa0: {  	[sflag:s22] =	ssyncadd.s32 s3;
	_ =	sdelay $0x1  }
0xa1: {  	s23 =	simm.s32 $0x1B8B  }
0xa2: {  	_ =	swait.ge [sflag:s23], $0x1  }
0xa3: {  	[sflag:s23] =	ssyncset.done $0x0  }
0xa4: {  	s25 =	simm.s32 $0x1B8E;
	s24 =	sld [smem:$0x3FFE];
	[sflag:s23] =	ssyncadd.s32 $0xFFFFFFFF  }
0xa5: {  	s26 =	simm.s32 $execute0_lowered;
	[smem:$0x3FD2] =	sst s25  }
0xa6: {  	s4 =	sshll.u32 s26, $0x1;
	_ =	strace $0x80000049;
	[dreg:$0x1] =	wrdreg $0xFFFFFFFF  }
0xa7: {  	s28 =	simm.s32 $_size_execute0_lowered;
	s2 =	sadd.s32 s2, s4;
	[dreg:$0x0] =	wrdreg $0x0  }
0xa8: {  	s4 =	sshll.u32 s28, $0x1;
	[dreg:$0x2] =	wrdreg s2  }
0xa9: {  	[dreg:$0x3] =	wrdreg s4  }
0xaa: {  	[dreg:$0x4] =	wrdreg $0xC0  }
0xab: {  	_ =	task [dreg:s6], $0x5FFFF  }
0xac: {  	[dreg:$0x1] =	wrdreg $0xFFFFFFFF  }
0xad: {  	[dreg:$0x0] =	wrdreg $0x60  }
0xae: {  	[dreg:$0x2] =	wrdreg s24  }
0xaf: {  	[dreg:$0x3] =	wrdreg $0x82000  }
0xb0: {  	[dreg:$0x4] =	wrdreg $0x9  }
0xb1: {  	_ =	task.clear_ibuf [dreg:s6], $0x5FFFF;
	_ =	strace $0x90000049  }
0xb2: {  	s29 =	simm.s32 $0x9;
	_ =	strace $0x8000004B  }
0xb3: {  	_ =	swait.ge [sflag:s29], $0x1  }
0xb4: {  	[sflag:s29] =	ssyncadd.s32 $0xFFFFFFFF  }
0xb5: {  	_ =	strace $0x9000004B  }
0xb6: {  	_ =	sfence  }
0xb7: {  	s30 =	sld [smem:$0x0];
	_ =	sdelay $0x2  }
0xb8: {  	s31 =	sshll.u32 s1, $0xD;
	s1 =	sshrl.u32 s1, $0x2  }
0xb9: {  	s3 =	sand.u32 $0x4000, s31;
	s1 =	sadd.s32 s1, s30  }
0xba: {  	s0 =	sor.u32 s3, s0;
	s1 =	sshll.u32 s1, $0x11  }
0xbb: {  	s0 =	sor.u32 s1, s0  }
0xbc: {  	s0 =	sadd.s32 $0x8F2B, s0  }
0xbd: {  	[sflag:s0] =	ssyncadd.remote.s32 $0x1  }
0xbe: {  	_ =	sfence.sel $0xFFFF  }
0xbf: {  	[dreg:$0x0] =	wrdreg $0xFFFFFFFF;
	(pc) =	sbr.abs _section_cstart, $3  }
0xc0: {  	[dreg:$0x1] =	wrdreg $0xFFFFFFFF  }
0xc1: {  	_ =	task.clear_ibuf [dreg:s6], $0x2FFFF;
	_ =	strace $0x9FFFFFFF  }
0xc2: {  	(tm) =	ssettm $0x7FFFFFFF  }
0xc3: {  	_ =	shalt  }
tec
execute0_lowered:
.L_overlay_start_1:
0x0: {  	(tag) =	ssettag $0x1  }
0x1: {  	s8 =	rddreg [dreg:$0x0]  }
0x2: {  	s1 =	rddreg [dreg:$0x1];
	s3 =	simm.s32 $0x0  }
0x3: {  	s4 =	srdreg.scid;
	s0 =	stileid.u32;
	s19 =	simm.s32 $0x200  }
0x4: {  	s20 =	simm.s32 $0x3;
	s21 =	simm.s32 $0x80;
	s22 =	simm.s32 $0x100  }
0x5: {  	s23 =	simm.s32 $0x180;
	s24 =	simm.s32 $0x4200;
	s25 =	simm.s32 $0x1  }
0x6: {  	s26 =	simm.s32 $0x2;
	s28 =	simm.s32 $0x0;
	[smem:$0x7FF] =	sst s3  }
0x7: {  	s7 =	sand.u32 $0x1, s4;
	s9 =	smul.u32 $0x2800, s0;
	s4 =	sadd.s32 $0x18200, s8  }
0x8: {  	s5 =	sadd.s32 $0xE200, s8;
	s6 =	sadd.s32 $0x4200, s8;
	s12 =	smul.u32 $0x50000, s0  }
0x9: {  	s10 =	smul.u32 $0x28000, s7;
	s11 =	sshll.u32 s7, $0x4;
	s29 =	ssub.s32 $0x2, s7  }
0xa: {  	_ =	strace $0x8000004A;
	s30 =	sor.u32 s0, s11;
	s31 =	sshrl.u32 s29, $0x1  }
0xb: {  	s12 =	sshrl.u32 s12, $0x2;
	s9 =	sadd.s32 s9, s10;
	s7 =	smul.u32 $0x2800, s30  }
0xc: {  	s16 =	ssub.s32 s29, s31;
	s15 =	sadd.s32 s9, s8;
	s8 =	sadd.s32 s12, s1  }
0xd: {  	s16 =	smax.u32 s16, $0x1;
	s9 =	sadd.s32 $0x4000, s8;
	s10 =	sadd.s32 $0x8000, s8  }
0xe: {  	s17 =	sshrl.u32 s7, $0x3;
	s11 =	sadd.s32 $0xC000, s8;
	s12 =	sadd.s32 $0x10000, s8  }
0xf: {  	s15 =	sadd.s32 $0x90200, s15;
	s13 =	sadd.s32 s5, s17;
	s18 =	sadd.s32 $0x4F0, s17  }
0x10: {  	v0 =	vimm.f32 $0.0e+00;
	s14 =	sadd.s32 s6, s17;
	s17 =	sadd.s32 s5, s18;
	s18 =	sadd.s32 s6, s18  }
.LBB2_1:
0x11: {  	s29 =	simm.s32 $0x0;
	s30 =	simm.s32 $0x200  }
.LBB2_2:
0x12: {  	p0 =	sne.s32 s30, $0xFE00;
	[tilespmem:s29+$0x270] =	vst v0  }
0x13: {  	[tilespmem:s29+$0x200] =	vst v0  }
0x14: {  	[tilespmem:s29+$0x210] =	vst v0  }
.Ltmp0:
0x15: {  	[tilespmem:s29+$0x220] =	vst v0;
	(pc) =	sbr.rel @p0 .LBB2_2-.Ltmp0, $4  }
0x16: {  	[tilespmem:s29+$0x230] =	vst v0  }
0x17: {  	[tilespmem:s29+$0x240] =	vst v0  }
0x18: {  	[tilespmem:s29+$0x250] =	vst v0  }
0x19: {  	[tilespmem:s29+$0x260] =	vst v0;
	s29 =	sshra.s32 s30, $0x2;
	s30 =	sadd.s32 $0x200, s30  }
0x1a: {  	[tilespmem:s29+$0x270] =	vst v0  }
0x1b: {  	[tilespmem:s29+$0x200] =	vst v0  }
0x1c: {  	[tilespmem:s29+$0x210] =	vst v0  }
0x1d: {  	[tilespmem:s29+$0x220] =	vst v0  }
0x1e: {  	[tilespmem:s29+$0x230] =	vst v0  }
0x1f: {  	[tilespmem:s29+$0x240] =	vst v0  }
0x20: {  	[tilespmem:s29+$0x250] =	vst v0  }
0x21: {  	[tilespmem:s29+$0x260] =	vst v0  }
0x22: {  	[spmem:s8] =	stream.linear.scatter [tilespmem:s19], [sflag:$0x3], $0x4000, $0x38;
	[tilespmem:$0x1C200] =	vst v63  }
0x23: {  	_ =	swait.ge [sflag:s20], $0x4000  }
0x24: {  	[sflag:s20] =	ssyncset.done $0x0  }
0x25: {  	[sflag:s20] =	ssyncadd.s32 $0xFFFFC000  }
0x26: {  	[spmem:s9] =	stream.linear.scatter [tilespmem:s19], [sflag:$0x3], $0x4000, $0x38;
	[tilespmem:$0x1C200] =	vst v63  }
0x27: {  	_ =	swait.ge [sflag:s20], $0x4000  }
0x28: {  	[sflag:s20] =	ssyncset.done $0x0  }
0x29: {  	[sflag:s20] =	ssyncadd.s32 $0xFFFFC000  }
0x2a: {  	[spmem:s10] =	stream.linear.scatter [tilespmem:s19], [sflag:$0x3], $0x4000, $0x38;
	[tilespmem:$0x1C200] =	vst v63  }
0x2b: {  	_ =	swait.ge [sflag:s20], $0x4000  }
0x2c: {  	[sflag:s20] =	ssyncset.done $0x0  }
0x2d: {  	[sflag:s20] =	ssyncadd.s32 $0xFFFFC000  }
0x2e: {  	[spmem:s11] =	stream.linear.scatter [tilespmem:s19], [sflag:$0x3], $0x4000, $0x38;
	[tilespmem:$0x1C200] =	vst v63  }
0x2f: {  	_ =	swait.ge [sflag:s20], $0x4000  }
0x30: {  	[sflag:s20] =	ssyncset.done $0x0  }
0x31: {  	[sflag:s20] =	ssyncadd.s32 $0xFFFFC000  }
0x32: {  	[spmem:s12] =	stream.linear.scatter [tilespmem:s19], [sflag:$0x3], $0x4000, $0x38;
	[tilespmem:$0x1C200] =	vst v63  }
0x33: {  	_ =	swait.ge [sflag:s20], $0x4000  }
0x34: {  	[sflag:s20] =	ssyncset.done $0x0  }
0x35: {  	[sflag:s20] =	ssyncadd.s32 $0xFFFFC000  }
0x36: {  	[bflag:$0x0] =	sbarrier.arrive $0xFFFF  }
0x37: {  	[tilespmem:s3], [sflag:$0x3] =	stream.linear.gather [hbm4b:s13+s3], $0x80, $0x38;
	[tilespmem:$0x1C200] =	vst v63  }
0x38: {  	s29 =	simm.s32 $0x0;
	_ =	swait.ge [sflag:s20], $0x80  }
0x39: {  	s30 =	sand.u32 $0x3C00, s29;
	[sflag:s20] =	ssyncset.done $0x0  }
0x3a: {  	s29 =	sand.u32 $0x300, s29;
	s30 =	sadd.s32 s7, s30;
	[sflag:s20] =	ssyncadd.s32 $0xFFFFFF80  }
0x3b: {  	[tilespmem:s21], [sflag:$0x3] =	stream.linear.gather [hbm4b:s14+s3], $0x80, $0x38;
	[tilespmem:$0x1C200] =	vst v63  }
0x3c: {  	s29 =	sor.u32 s30, s29;
	_ =	swait.ge [sflag:s20], $0x80  }
0x3d: {  	s29 =	sor.u32 $0x80, s29;
	[sflag:s20] =	ssyncset.done $0x0  }
0x3e: {  	s29 =	sshrl.u32 s29, $0x3;
	[sflag:s20] =	ssyncadd.s32 $0xFFFFFF80  }
0x3f: {  	[tilespmem:s19], [sflag:$0x1] =	stream.indirect.gather [hbm4b:s4+s21], $0x80, s3, s21, $0xb8;
	[tilespmem:$0x1C200] =	vst v63  }
0x40: {  	s30 =	sadd.s32 s5, s29  }
0x41: {  	[tilespmem:s22], [sflag:$0x3] =	stream.linear.gather [hbm4b:s30+s3], $0x80, $0x38;
	[tilespmem:$0x1C200] =	vst v63  }
0x42: {  	_ =	swait.ge [sflag:s20], $0x80  }
0x43: {  	[sflag:s20] =	ssyncset.done $0x0  }
0x44: {  	s29 =	sadd.s32 s6, s29;
	[sflag:s20] =	ssyncadd.s32 $0xFFFFFF80  }
0x45: {  	[tilespmem:s23], [sflag:$0x3] =	stream.linear.gather [hbm4b:s29+s3], $0x80, $0x38;
	[tilespmem:$0x1C200] =	vst v63  }
0x46: {  	_ =	swait.ge [sflag:s20], $0x80  }
0x47: {  	[sflag:s20] =	ssyncset.done $0x0  }
0x48: {  	[sflag:s20] =	ssyncadd.s32 $0xFFFFFF80  }
0x49: {  	[tilespmem:s24], [sflag:$0x2] =	stream.indirect.gather [hbm4b:s4+s21], $0x80, s22, s21, $0xb8;
	[tilespmem:$0x1C200] =	vst v63  }
0x4a: {  	s29 =	simm.s32 $0x100;
	_ =	swait.ge [sflag:s25], $0x4000  }
0x4b: {  	s30 =	sand.u32 $0x7C00, s29;
	[sflag:s25] =	ssyncset.done $0x0  }
0x4c: {  	s29 =	sand.u32 $0x300, s29;
	s30 =	sadd.s32 s7, s30;
	[sflag:s25] =	ssyncadd.s32 $0xFFFFC000  }
0x4d: {  	[spmem:s1] =	stream.indirect.scatter.add.f32 [tilespmem:s19], [sflag:$0x3], $0x80, s21, s21, $0xb8;
	[tilespmem:$0x1C200] =	vst v63  }
0x4e: {  	s29 =	sor.u32 s29, s30;
	_ =	swait.ge [sflag:s20], $0x4000  }
0x4f: {  	s29 =	sshrl.u32 s29, $0x3;
	[sflag:s20] =	ssyncset.done $0x0  }
0x50: {  	s30 =	sadd.s32 s5, s29;
	[sflag:s20] =	ssyncadd.s32 $0xFFFFC000  }
0x51: {  	[tilespmem:s3], [sflag:$0x3] =	stream.linear.gather [hbm4b:s30+s3], $0x80, $0x38;
	[tilespmem:$0x1C200] =	vst v63  }
0x52: {  	_ =	swait.ge [sflag:s20], $0x80  }
0x53: {  	[sflag:s20] =	ssyncset.done $0x0  }
0x54: {  	s29 =	sadd.s32 s6, s29;
	[sflag:s20] =	ssyncadd.s32 $0xFFFFFF80  }
0x55: {  	[tilespmem:s21], [sflag:$0x3] =	stream.linear.gather [hbm4b:s29+s3], $0x80, $0x38;
	[tilespmem:$0x1C200] =	vst v63  }
0x56: {  	s30 =	simm.s32 $0x100;
	_ =	swait.ge [sflag:s20], $0x80  }
0x57: {  	s31 =	sand.u32 $0x3C00, s30;
	s0 =	sand.u32 $0x300, s30;
	[sflag:s20] =	ssyncset.done $0x0  }
0x58: {  	s30 =	simm.s32 $0x300;
	s31 =	sadd.s32 s7, s31;
	[sflag:s20] =	ssyncadd.s32 $0xFFFFFF80  }
0x59: {  	[tilespmem:s19], [sflag:$0x1] =	stream.indirect.gather [hbm4b:s4+s21], $0x80, s3, s21, $0xb8;
	[tilespmem:$0x1C200] =	vst v63  }
0x5a: {  	s31 =	sor.u32 s31, s0;
	s29 =	simm.s32 $0x200;
	_ =	swait.ge [sflag:s26], $0x4000  }
.LBB2_4:
0x5b: {  	p0 =	sne.s32 s30, $0x2700  }
0x5c: {  	[sflag:s26] =	ssyncset.done $0x0;
	s0 =	smov.u32 s30;
	s30 =	sadd.s32 $0x100, s30  }
0x5d: {  	[sflag:s26] =	ssyncadd.s32 $0xFFFFC000  }
0x5e: {  	[spmem:s1] =	stream.indirect.scatter.add.f32 [tilespmem:s24], [sflag:$0x3], $0x80, s23, s21, $0xb8;
	[tilespmem:$0x1C200] =	vst v63  }
0x5f: {  	s31 =	sor.u32 $0x80, s31;
	_ =	swait.ge [sflag:s20], $0x4000  }
0x60: {  	s31 =	sshrl.u32 s31, $0x3;
	[sflag:s20] =	ssyncset.done $0x0  }
0x61: {  	s2 =	sadd.s32 s5, s31;
	[sflag:s20] =	ssyncadd.s32 $0xFFFFC000  }
0x62: {  	[tilespmem:s22], [sflag:$0x3] =	stream.linear.gather [hbm4b:s2+s3], $0x80, $0x38;
	[tilespmem:$0x1C200] =	vst v63  }
0x63: {  	_ =	swait.ge [sflag:s20], $0x80  }
0x64: {  	[sflag:s20] =	ssyncset.done $0x0  }
0x65: {  	s2 =	sadd.s32 s6, s31;
	[sflag:s20] =	ssyncadd.s32 $0xFFFFFF80  }
0x66: {  	[tilespmem:s23], [sflag:$0x3] =	stream.linear.gather [hbm4b:s2+s3], $0x80, $0x38;
	[tilespmem:$0x1C200] =	vst v63  }
0x67: {  	_ =	swait.ge [sflag:s20], $0x80  }
0x68: {  	[sflag:s20] =	ssyncset.done $0x0  }
0x69: {  	[sflag:s20] =	ssyncadd.s32 $0xFFFFFF80  }
0x6a: {  	[tilespmem:s24], [sflag:$0x2] =	stream.indirect.gather [hbm4b:s4+s21], $0x80, s22, s21, $0xb8;
	[tilespmem:$0x1C200] =	vst v63  }
0x6b: {  	_ =	swait.ge [sflag:s25], $0x4000  }
0x6c: {  	[sflag:s25] =	ssyncset.done $0x0  }
0x6d: {  	s31 =	sand.u32 $0x300, s29;
	s2 =	sand.u32 $0x7C00, s29;
	[sflag:s25] =	ssyncadd.s32 $0xFFFFC000  }
0x6e: {  	[spmem:s1] =	stream.indirect.scatter.add.f32 [tilespmem:s19], [sflag:$0x3], $0x80, s21, s21, $0xb8;
	[tilespmem:$0x1C200] =	vst v63  }
0x6f: {  	s29 =	smov.u32 s0;
	s2 =	sadd.s32 s7, s2;
	_ =	swait.ge [sflag:s20], $0x4000  }
0x70: {  	s0 =	sor.u32 s31, s2;
	[sflag:s20] =	ssyncset.done $0x0  }
0x71: {  	s0 =	sshrl.u32 s0, $0x3;
	[sflag:s20] =	ssyncadd.s32 $0xFFFFC000  }
0x72: {  	s2 =	sadd.s32 s5, s0  }
0x73: {  	[tilespmem:s3], [sflag:$0x3] =	stream.linear.gather [hbm4b:s2+s3], $0x80, $0x38;
	[tilespmem:$0x1C200] =	vst v63  }
0x74: {  	_ =	swait.ge [sflag:s20], $0x80  }
0x75: {  	s0 =	sadd.s32 s6, s0;
	[sflag:s20] =	ssyncset.done $0x0  }
0x76: {  	[sflag:s20] =	ssyncadd.s32 $0xFFFFFF80  }
0x77: {  	[tilespmem:s21], [sflag:$0x3] =	stream.linear.gather [hbm4b:s0+s3], $0x80, $0x38;
	[tilespmem:$0x1C200] =	vst v63  }
.Ltmp1:
0x78: {  	s0 =	sadd.s32 $0xFFFFFF00, s29;
	_ =	swait.ge [sflag:s20], $0x80;
	(pc) =	sbr.rel @p0 .LBB2_4-.Ltmp1, $4  }
0x79: {  	s2 =	sand.u32 $0x3C00, s0;
	[sflag:s20] =	ssyncset.done $0x0  }
0x7a: {  	s0 =	sand.u32 $0x300, s0;
	s2 =	sadd.s32 s7, s2;
	[sflag:s20] =	ssyncadd.s32 $0xFFFFFF80  }
0x7b: {  	[tilespmem:s19], [sflag:$0x1] =	stream.indirect.gather [hbm4b:s4+s21], $0x80, s3, s21, $0xb8;
	[tilespmem:$0x1C200] =	vst v63  }
0x7c: {  	s31 =	sor.u32 s2, s0;
	_ =	swait.ge [sflag:s26], $0x4000  }
0x7d: {  	[sflag:s26] =	ssyncset.done $0x0  }
0x7e: {  	[sflag:s26] =	ssyncadd.s32 $0xFFFFC000  }
0x7f: {  	[spmem:s1] =	stream.indirect.scatter.add.f32 [tilespmem:s24], [sflag:$0x3], $0x80, s23, s21, $0xb8;
	[tilespmem:$0x1C200] =	vst v63  }
0x80: {  	s0 =	sor.u32 $0x80, s31;
	_ =	swait.ge [sflag:s20], $0x4000  }
0x81: {  	s0 =	sshrl.u32 s0, $0x3;
	[sflag:s20] =	ssyncset.done $0x0  }
0x82: {  	s2 =	sadd.s32 s5, s0;
	[sflag:s20] =	ssyncadd.s32 $0xFFFFC000  }
0x83: {  	[tilespmem:s22], [sflag:$0x3] =	stream.linear.gather [hbm4b:s2+s3], $0x80, $0x38;
	[tilespmem:$0x1C200] =	vst v63  }
0x84: {  	_ =	swait.ge [sflag:s20], $0x80  }
0x85: {  	[sflag:s20] =	ssyncset.done $0x0  }
0x86: {  	s0 =	sadd.s32 s6, s0;
	[sflag:s20] =	ssyncadd.s32 $0xFFFFFF80  }
0x87: {  	[tilespmem:s23], [sflag:$0x3] =	stream.linear.gather [hbm4b:s0+s3], $0x80, $0x38;
	[tilespmem:$0x1C200] =	vst v63  }
0x88: {  	_ =	swait.ge [sflag:s20], $0x80  }
0x89: {  	[sflag:s20] =	ssyncset.done $0x0  }
0x8a: {  	[sflag:s20] =	ssyncadd.s32 $0xFFFFFF80  }
0x8b: {  	[tilespmem:s24], [sflag:$0x2] =	stream.indirect.gather [hbm4b:s4+s21], $0x80, s22, s21, $0xb8;
	[tilespmem:$0x1C200] =	vst v63  }
0x8c: {  	_ =	swait.ge [sflag:s25], $0x4000  }
0x8d: {  	s30 =	sand.u32 $0x7C00, s29;
	[sflag:s25] =	ssyncset.done $0x0  }
0x8e: {  	s31 =	sand.u32 $0x300, s29;
	s0 =	sadd.s32 s7, s30;
	[sflag:s25] =	ssyncadd.s32 $0xFFFFC000  }
0x8f: {  	[spmem:s1] =	stream.indirect.scatter.add.f32 [tilespmem:s19], [sflag:$0x3], $0x80, s21, s21, $0xb8;
	[tilespmem:$0x1C200] =	vst v63  }
0x90: {  	s0 =	sor.u32 s31, s0;
	_ =	swait.ge [sflag:s20], $0x4000  }
0x91: {  	s0 =	sshrl.u32 s0, $0x3;
	[sflag:s20] =	ssyncset.done $0x0  }
0x92: {  	s29 =	sadd.s32 s5, s0;
	[sflag:s20] =	ssyncadd.s32 $0xFFFFC000  }
0x93: {  	[tilespmem:s3], [sflag:$0x3] =	stream.linear.gather [hbm4b:s29+s3], $0x80, $0x38;
	[tilespmem:$0x1C200] =	vst v63  }
0x94: {  	_ =	swait.ge [sflag:s20], $0x80  }
0x95: {  	[sflag:s20] =	ssyncset.done $0x0  }
0x96: {  	s0 =	sadd.s32 s6, s0;
	[sflag:s20] =	ssyncadd.s32 $0xFFFFFF80  }
0x97: {  	[tilespmem:s21], [sflag:$0x3] =	stream.linear.gather [hbm4b:s0+s3], $0x80, $0x38;
	[tilespmem:$0x1C200] =	vst v63  }
0x98: {  	_ =	swait.ge [sflag:s20], $0x80  }
0x99: {  	[sflag:s20] =	ssyncset.done $0x0  }
0x9a: {  	[sflag:s20] =	ssyncadd.s32 $0xFFFFFF80  }
0x9b: {  	[tilespmem:s19], [sflag:$0x1] =	stream.indirect.gather [hbm4b:s4+s21], $0x80, s3, s21, $0xb8;
	[tilespmem:$0x1C200] =	vst v63  }
0x9c: {  	_ =	swait.ge [sflag:s26], $0x4000  }
0x9d: {  	[sflag:s26] =	ssyncset.done $0x0  }
0x9e: {  	[sflag:s26] =	ssyncadd.s32 $0xFFFFC000  }
0x9f: {  	[spmem:s1] =	stream.indirect.scatter.add.f32 [tilespmem:s24], [sflag:$0x3], $0x80, s23, s21, $0xb8;
	[tilespmem:$0x1C200] =	vst v63  }
0xa0: {  	_ =	swait.ge [sflag:s20], $0x4000  }
0xa1: {  	[sflag:s20] =	ssyncset.done $0x0  }
0xa2: {  	[sflag:s20] =	ssyncadd.s32 $0xFFFFC000  }
0xa3: {  	[tilespmem:s22], [sflag:$0x3] =	stream.linear.gather [hbm4b:s17+s3], $0x80, $0x38;
	[tilespmem:$0x1C200] =	vst v63  }
0xa4: {  	_ =	swait.ge [sflag:s20], $0x80  }
0xa5: {  	[sflag:s20] =	ssyncset.done $0x0  }
0xa6: {  	[sflag:s20] =	ssyncadd.s32 $0xFFFFFF80  }
0xa7: {  	[tilespmem:s23], [sflag:$0x3] =	stream.linear.gather [hbm4b:s18+s3], $0x80, $0x38;
	[tilespmem:$0x1C200] =	vst v63  }
0xa8: {  	_ =	swait.ge [sflag:s20], $0x80  }
0xa9: {  	[sflag:s20] =	ssyncset.done $0x0  }
0xaa: {  	[sflag:s20] =	ssyncadd.s32 $0xFFFFFF80  }
0xab: {  	[tilespmem:s24], [sflag:$0x2] =	stream.indirect.gather [hbm4b:s4+s21], $0x80, s22, s21, $0xb8;
	[tilespmem:$0x1C200] =	vst v63  }
0xac: {  	_ =	swait.ge [sflag:s25], $0x4000  }
0xad: {  	[sflag:s25] =	ssyncset.done $0x0  }
0xae: {  	[sflag:s25] =	ssyncadd.s32 $0xFFFFC000  }
0xaf: {  	[spmem:s1] =	stream.indirect.scatter.add.f32 [tilespmem:s19], [sflag:$0x3], $0x80, s21, s21, $0xb8;
	[tilespmem:$0x1C200] =	vst v63  }
0xb0: {  	_ =	swait.ge [sflag:s20], $0x4000  }
0xb1: {  	[sflag:s20] =	ssyncset.done $0x0  }
0xb2: {  	[sflag:s20] =	ssyncadd.s32 $0xFFFFC000  }
0xb3: {  	_ =	swait.ge [sflag:s26], $0x4000  }
0xb4: {  	[sflag:s26] =	ssyncset.done $0x0  }
0xb5: {  	[sflag:s26] =	ssyncadd.s32 $0xFFFFC000  }
0xb6: {  	[spmem:s1] =	stream.indirect.scatter.add.f32 [tilespmem:s24], [sflag:$0x3], $0x80, s23, s21, $0xb8;
	[tilespmem:$0x1C200] =	vst v63  }
0xb7: {  	s28 =	sadd.s32 $0x1, s28;
	_ =	swait.ge [sflag:s20], $0x4000  }
0xb8: {  	p0 =	sne.s32 s28, s16;
	s30 =	stileid.u32;
	[sflag:s20] =	ssyncset.done $0x0  }
0xb9: {  	s31 =	sshrl.u32 s8, $0x3;
	s0 =	sshll.u32 s30, $0x6;
	[sflag:s20] =	ssyncadd.s32 $0xFFFFC000  }
.Ltmp2:
0xba: {  	s0 =	sor.u32 $0x1C03, s0;
	[bflag:$0x0] =	sbarrier.arrive $0xFFFF;
	(pc) =	sbr.rel @p0 .LBB2_1-.Ltmp2, $4  }
0xbb: {  	[hbm:s15], [sflag:s0] =	dma.local [spmem:s31], $0x2800  }
0xbc: {  	_ =	swait.ge [sflag:s20], $0x2800  }
0xbd: {  	[sflag:s20] =	ssyncset.done $0x0  }
0xbe: {  	[sflag:s20] =	ssyncadd.s32 $0xFFFFD800  }
0xbf: {  	_ =	sfence.sel $0x180000  }
0xc0: {  	[bflag:$0x0] =	sbarrier.arrive $0xFFFF  }
0xc1: {  	_ =	strace $0x9000004A  }
0xc2: {  	s0 =	stileid.u32;
	[bflag:$0x2] =	sbarrier.arrive $0xFFFF  }
0xc3: {  	p0 =	sne.s32 s0, $0x0;
	s0 =	rddreg [dreg:$0x2]  }
0xc4: {  	s0 =	sadd.s32 @!p0 $0x100000, s0  }
0xc5: {  	[sflag:s0] =	ssyncadd.tile.s32 @!p0 $0x1;
	_ =	shalt  }
.Lfunc_end2:
_tile_overlayer_lowered:
.L_overlay_start_2:
0xc6: {  	(tag) =	ssettag $0x2  }
0xc7: {  	s0 =	rddreg [dreg:$0x0];
	s2 =	stileid.u32  }
0xc8: {  	s1 =	rddreg [dreg:$0x1];
	p0 =	sne.s32 s2, $0x0  }
0xc9: {  	s3 =	rddreg [dreg:$0x2];
	[bflag:$0x3] =	sbarrier.arrive $0xFFFF;
	s2 =	simm.s32 @!p0 $0x1C03  }
0xca: {  	[timem:s3], [sflag:s2] =	dma.local @!p0 [hbm:s0], s1  }
0xcb: {  	s0 =	simm.s32 @!p0 $0x3  }
0xcc: {  	_ =	swait.ge @!p0 [sflag:s0], s1  }
0xcd: {  	s1 =	ssub.s32 @!p0 $0x0, s1;
	[sflag:s0] =	ssyncset.done @!p0 $0x0  }
0xce: {  	[sflag:s0] =	ssyncadd.s32 @!p0 s1  }
0xcf: {  	[bflag:$0x3] =	sbarrier.arrive $0xFFFF  }
0xd0: {  	_ =	shalt  }

// kernel: kernel.18.cloned.1.call-start
scs
__scs_entry_jumppad:
0x0: {  	(pc) =	sbr.rel $0x88, $3  }
0x1: {  	(tag) =	ssettag $0x0;
	lr =	simm.s32 $0x1  }
0x2: {  	[smem:$0x3F92] =	sst lr;
	_ =	strace $0xD0000000  }
0x3: {  	_ = 	snop  }
0x4: {  	_ = 	snop  }
0x5: {  	_ = 	snop  }
0x6: {  	_ = 	snop  }
0x7: {  	_ = 	snop  }
__scs_overlays_trampoline_lowered:
0x8: {  	[smem:$0x3FA1] =	sst s0  }
0x9: {  	[smem:$0x3FA2] =	sst s1  }
0xa: {  	[smem:$0x3FA3] =	sst s2  }
0xb: {  	[smem:$0x3FA4] =	sst s3  }
0xc: {  	[smem:$0x3FA5] =	sst s4  }
0xd: {  	[smem:$0x3FA6] =	sst s5  }
0xe: {  	[smem:$0x3FA7] =	sst s6  }
0xf: {  	[smem:$0x3FA8] =	sst s7  }
0x10: {  	[smem:$0x3FA9] =	sst s8  }
0x11: {  	[smem:$0x3FAA] =	sst s9;
	s0 =	simm.s32 @!p0 $0x0  }
0x12: {  	s1 =	sld [smem:$0x3F90];
	s0 =	simm.s32 @p0 $0x1  }
0x13: {  	[smem:$0x3FAB] =	sst s0;
	s0 =	simm.s32 @!p1 $0x0  }
0x14: {  	s2 =	sld [smem:$0x3F8F];
	s0 =	simm.s32 @p1 $0x1  }
0x15: {  	[smem:$0x3FAC] =	sst s0;
	s0 =	simm.s32 @!p2 $0x0  }
0x16: {  	s3 =	sld [smem:$0x3FDB];
	s0 =	simm.s32 @p2 $0x1  }
0x17: {  	s4 =	simm.s32 $0x1BF5;
	[smem:$0x3FAE] =	sst s0  }
0x18: {  	s0 =	sld [smem:$0x3F91];
	_ =	swait.ge [sflag:s4], $0x0  }
0x19: {  	s7 =	sld [smem:$0x3F92]  }
0x1a: {  	s8 =	sadd.s32 $0xFFFFE003, lr  }
0x1b: {  	s9 =	sadd.s32 $0xFFFFFEF7, lr;
	s5 =	simm.s32 $0xFFFFFFFF;
	p2 =	slt.u32 s8, $0xFFFFF086  }
0x1c: {  	p1 =	slt.u32 s9, $0xF7A;
	s5 =	simm.s32 @!p2 $0x0  }
0x1d: {  	s5 =	simm.s32 @p1 $0x1;
	p0 =	seq.s32 s7, s2  }
0x1e: {  	s7 =	smul.u32 @!p0 $0xF7A, s2;
	p2 =	seq.s32 @!p0 s5, $0x0  }
0x1f: {  	s9 =	smul.u32 $0xF7A, s1;
	s8 =	simm.s32 @!p0 $0x1BF5;
	p2 =	por !p2, p0  }
0x20: {  	[sflag:s8] =	ssyncset.s32 @!p0 $0xFFFFF086;
	s6 =	sadd.s32 @!p0 s3, s7;
	s7 =	simm.s32 @!p0 $0x108  }
0x21: {  	s3 =	sadd.s32 s3, s9;
	s6 =	sadd.s32 @!p0 $0x88, s6;
	s7 =	simm.s32 @p2 $0x1082  }
0x22: {  	[simem:s7], [sflag:s8] =	dma.local @!p0 [hbm:s6], $0xF7A  }
0x23: {  	s9 =	sor.u32 $0xD0000000, s2;
	s6 =	simm.s32 $0x108;
	_ =	swait.ge @!p0 [sflag:s8], $0x0  }
0x24: {  	s3 =	sadd.s32 $0x88, s3;
	s6 =	simm.s32 @!p1 $0x1082;
	[sflag:s4] =	ssyncset.s32 $0xFFFFF086  }
0x25: {  	[simem:s6], [sflag:s4] =	dma.local [hbm:s3], $0xF7A  }
0x26: {  	[smem:$0x3F92] =	sst s1;
	(tag) =	ssettag s2;
	_ =	strace s9  }
0x27: {  	s1 =	sld [smem:$0x3FA2]  }
0x28: {  	s2 =	sld [smem:$0x3FA3]  }
0x29: {  	s4 =	sld [smem:$0x3FA5]  }
0x2a: {  	p0 =	seq.s32 s5, $0x0;
	s5 =	sld [smem:$0x3FA6]  }
0x2b: {  	s6 =	sld [smem:$0x3FA7]  }
0x2c: {  	s7 =	sld [smem:$0x3FA8]  }
0x2d: {  	s3 =	simm.s32 $0x108;
	s8 =	sld [smem:$0x3FA9]  }
0x2e: {  	s3 =	simm.s32 @!p0 $0x1082;
	s9 =	sld [smem:$0x3FAA]  }
0x2f: {  	lr =	sadd.s32 s0, s3;
	s0 =	sld [smem:$0x3FA1]  }
0x30: {  	s3 =	sld [smem:$0x3FA4]  }
0x31: {  	[smem:$0x3FAD] =	sst s10  }
0x32: {  	s10 =	sld [smem:$0x3FAB];
	_ =	sdelay $0x3  }
0x33: {  	p0 =	seq.s32 s10, $0x1;
	s10 =	sld [smem:$0x3FAD];
	_ =	sdelay $0x3  }
0x34: {  	[smem:$0x3FAD] =	sst s10  }
0x35: {  	s10 =	sld [smem:$0x3FAC];
	_ =	sdelay $0x3  }
0x36: {  	p1 =	seq.s32 s10, $0x1;
	s10 =	sld [smem:$0x3FAD];
	_ =	sdelay $0x3  }
0x37: {  	[smem:$0x3FAD] =	sst s10  }
0x38: {  	s10 =	sld [smem:$0x3FAE]  }
0x39: {  	_ = 	snop;
	(pc) =	sbr.ind lr, $3  }
0x3a: {  	_ = 	snop  }
0x3b: {  	_ = 	snop  }
0x3c: {  	p2 =	seq.s32 s10, $0x1;
	s10 =	sld [smem:$0x3FAD]  }
0x3d: {  	_ =	shalt  }
0x3e: {  	_ =	shalt  }
0x3f: {  	_ =	shalt  }
0x40: {  	_ =	shalt  }
0x41: {  	_ =	shalt  }
0x42: {  	_ =	shalt  }
0x43: {  	_ =	shalt  }
0x44: {  	_ =	shalt  }
0x45: {  	_ =	shalt  }
0x46: {  	_ =	shalt  }
0x47: {  	_ =	shalt  }
0x48: {  	_ =	shalt  }
0x49: {  	_ =	shalt  }
0x4a: {  	_ =	shalt  }
0x4b: {  	_ =	shalt  }
0x4c: {  	_ =	shalt  }
0x4d: {  	_ =	shalt  }
0x4e: {  	_ =	shalt  }
0x4f: {  	_ =	shalt  }
0x50: {  	_ =	shalt  }
0x51: {  	_ =	shalt  }
0x52: {  	_ =	shalt  }
0x53: {  	_ =	shalt  }
0x54: {  	_ =	shalt  }
0x55: {  	_ =	shalt  }
0x56: {  	_ =	shalt  }
0x57: {  	_ =	shalt  }
0x58: {  	_ =	shalt  }
0x59: {  	_ =	shalt  }
0x5a: {  	_ =	shalt  }
0x5b: {  	_ =	shalt  }
0x5c: {  	_ =	shalt  }
0x5d: {  	_ =	shalt  }
0x5e: {  	_ =	shalt  }
0x5f: {  	_ =	shalt  }
0x60: {  	_ =	shalt  }
0x61: {  	_ =	shalt  }
0x62: {  	_ =	shalt  }
0x63: {  	_ =	shalt  }
0x64: {  	_ =	shalt  }
0x65: {  	_ =	shalt  }
0x66: {  	_ =	shalt  }
0x67: {  	_ =	shalt  }
0x68: {  	_ =	shalt  }
0x69: {  	_ =	shalt  }
0x6a: {  	_ =	shalt  }
0x6b: {  	_ =	shalt  }
0x6c: {  	_ =	shalt  }
0x6d: {  	_ =	shalt  }
0x6e: {  	_ =	shalt  }
0x6f: {  	_ =	shalt  }
0x70: {  	_ =	shalt  }
0x71: {  	_ =	shalt  }
0x72: {  	_ =	shalt  }
0x73: {  	_ =	shalt  }
0x74: {  	_ =	shalt  }
0x75: {  	_ =	shalt  }
0x76: {  	_ =	shalt  }
0x77: {  	_ =	shalt  }
0x78: {  	_ =	shalt  }
0x79: {  	_ =	shalt  }
0x7a: {  	_ =	shalt  }
0x7b: {  	_ =	shalt  }
0x7c: {  	_ =	shalt  }
0x7d: {  	_ =	shalt  }
0x7e: {  	_ =	shalt  }
0x7f: {  	_ =	shalt  }
0x80: {  	_ =	shalt  }
0x81: {  	_ =	shalt  }
0x82: {  	_ =	shalt  }
0x83: {  	_ =	shalt  }
0x84: {  	_ =	shalt  }
0x85: {  	_ =	shalt  }
0x86: {  	_ =	shalt  }
0x87: {  	_ =	shalt  }
.Lfunc_end0:
.L_simem_size_0:
called_computation.2_lowered:
.L_overlay_start_0:
0x88: {  	s2 =	sld [smem:$0x3FD9]  }
0x89: {  	s3 =	sld [smem:$0x3FFE];
	_ =	sdelay $0x1  }
0x8a: {  	s1 =	srdreg.scid  }
0x8b: {  	s0 =	sand.u32 $0x1, s1  }
0x8c: {  	s16 =	sshll.u32 s0, $0xA;
	s2 =	sadd.s32 s3, s2  }
0x8d: {  	s2 =	sadd.s32 s2, s16  }
0x8e: {  	[smem:$0x3FB9] =	sst s2  }
0x8f: {  	_ = 	snop  }
0x90: {  	(tm) =	ssettm $0x1  }
0x91: {  	s17 =	sld [smem:$0x3FFB];
	_ =	sdelay $0x3  }
0x92: {  	_ =	strace s17  }
0x93: {  	s2 =	sld [smem:$0x3FFC];
	_ =	sdelay $0x3  }
0x94: {  	_ =	strace s2  }
0x95: {  	s2 =	sld [smem:$0x3FFD];
	_ =	sdelay $0x3  }
0x96: {  	_ =	strace s2  }
0x97: {  	_ =	strace $0x8FFFFFFF  }
0x98: {  	s18 =	sld [smem:$0x3FDB];
	_ =	sdelay $0x1  }
0x99: {  	s19 =	simm.s32 $_scs_section_size  }
0x9a: {  	s4 =	simm.s32 $_size__tile_overlayer_lowered;
	s5 =	simm.s32 $_tile_overlayer_lowered  }
0x9b: {  	s22 =	simm.s32 $0x1BFF;
	s21 =	sshll.u32 s5, $0x1;
	s2 =	sadd.s32 s19, s18  }
0x9c: {  	s6 =	simm.s32 $0x0;
	s20 =	sshll.u32 s4, $0x1;
	s4 =	sadd.s32 s21, s2  }
0x9d: {  	[timem:s6], [sflag:s22] =	dma.local [hbm:s4], s20  }
0x9e: {  	_ =	swait.ge [sflag:s22], s20  }
0x9f: {  	s3 =	ssub.s32 $0x0, s20;
	[sflag:s22] =	ssyncset.done $0x0  }
0xa0: {  	[sflag:s22] =	ssyncadd.s32 s3;
	_ =	sdelay $0x1  }
0xa1: {  	s23 =	simm.s32 $0x1B8B  }
0xa2: {  	_ =	swait.ge [sflag:s23], $0x1  }
0xa3: {  	[sflag:s23] =	ssyncset.done $0x0  }
0xa4: {  	s25 =	simm.s32 $0x1B8E;
	s24 =	sld [smem:$0x3FFE];
	[sflag:s23] =	ssyncadd.s32 $0xFFFFFFFF  }
0xa5: {  	s26 =	simm.s32 $execute0_lowered;
	[smem:$0x3FD2] =	sst s25  }
0xa6: {  	s4 =	sshll.u32 s26, $0x1;
	_ =	strace $0x8000004C;
	[dreg:$0x1] =	wrdreg $0xFFFFFFFF  }
0xa7: {  	s28 =	simm.s32 $_size_execute0_lowered;
	s2 =	sadd.s32 s2, s4;
	[dreg:$0x0] =	wrdreg $0x0  }
0xa8: {  	s4 =	sshll.u32 s28, $0x1;
	[dreg:$0x2] =	wrdreg s2  }
0xa9: {  	[dreg:$0x3] =	wrdreg s4  }
0xaa: {  	[dreg:$0x4] =	wrdreg $0xC0  }
0xab: {  	_ =	task [dreg:s6], $0x5FFFF  }
0xac: {  	[dreg:$0x1] =	wrdreg $0xFFFFFFFF  }
0xad: {  	[dreg:$0x0] =	wrdreg $0x60  }
0xae: {  	[dreg:$0x2] =	wrdreg s24  }
0xaf: {  	[dreg:$0x3] =	wrdreg $0x82000  }
0xb0: {  	[dreg:$0x4] =	wrdreg $0x9  }
0xb1: {  	_ =	task.clear_ibuf [dreg:s6], $0x5FFFF;
	_ =	strace $0x9000004C  }
0xb2: {  	s29 =	simm.s32 $0x9;
	_ =	strace $0x8000004E  }
0xb3: {  	_ =	swait.ge [sflag:s29], $0x1  }
0xb4: {  	[sflag:s29] =	ssyncadd.s32 $0xFFFFFFFF  }
0xb5: {  	_ =	strace $0x9000004E  }
0xb6: {  	_ =	sfence  }
0xb7: {  	s30 =	sld [smem:$0x0];
	_ =	sdelay $0x2  }
0xb8: {  	s31 =	sshll.u32 s1, $0xD;
	s1 =	sshrl.u32 s1, $0x2  }
0xb9: {  	s3 =	sand.u32 $0x4000, s31;
	s1 =	sadd.s32 s1, s30  }
0xba: {  	s0 =	sor.u32 s3, s0;
	s1 =	sshll.u32 s1, $0x11  }
0xbb: {  	s0 =	sor.u32 s1, s0  }
0xbc: {  	s0 =	sadd.s32 $0x8F2B, s0  }
0xbd: {  	[sflag:s0] =	ssyncadd.remote.s32 $0x1  }
0xbe: {  	_ =	sfence.sel $0xFFFF  }
0xbf: {  	[dreg:$0x0] =	wrdreg $0xFFFFFFFF;
	(pc) =	sbr.abs _section_cstart, $3  }
0xc0: {  	[dreg:$0x1] =	wrdreg $0xFFFFFFFF  }
0xc1: {  	_ =	task.clear_ibuf [dreg:s6], $0x2FFFF;
	_ =	strace $0x9FFFFFFF  }
0xc2: {  	(tm) =	ssettm $0x7FFFFFFF  }
0xc3: {  	_ =	shalt  }
tec
execute0_lowered:
.L_overlay_start_1:
0x0: {  	(tag) =	ssettag $0x1  }
0x1: {  	s8 =	rddreg [dreg:$0x0]  }
0x2: {  	s1 =	rddreg [dreg:$0x1];
	s3 =	simm.s32 $0x0  }
0x3: {  	s4 =	srdreg.scid;
	s0 =	stileid.u32;
	s19 =	simm.s32 $0x200  }
0x4: {  	s20 =	simm.s32 $0x3;
	s21 =	simm.s32 $0x80;
	s22 =	simm.s32 $0x100  }
0x5: {  	s23 =	simm.s32 $0x180;
	s24 =	simm.s32 $0x4200;
	s25 =	simm.s32 $0x1  }
0x6: {  	s26 =	simm.s32 $0x2;
	s28 =	simm.s32 $0x0;
	[smem:$0x7FF] =	sst s3  }
0x7: {  	s7 =	sand.u32 $0x1, s4;
	s9 =	smul.u32 $0x2800, s0;
	s4 =	sadd.s32 $0x18200, s8  }
0x8: {  	s5 =	sadd.s32 $0xE200, s8;
	s6 =	sadd.s32 $0x4200, s8;
	s12 =	smul.u32 $0x50000, s0  }
0x9: {  	s10 =	smul.u32 $0x28000, s7;
	s11 =	sshll.u32 s7, $0x4;
	s29 =	ssub.s32 $0x2, s7  }
0xa: {  	_ =	strace $0x8000004D;
	s30 =	sor.u32 s0, s11;
	s31 =	sshrl.u32 s29, $0x1  }
0xb: {  	s12 =	sshrl.u32 s12, $0x2;
	s9 =	sadd.s32 s9, s10;
	s7 =	smul.u32 $0x2800, s30  }
0xc: {  	s16 =	ssub.s32 s29, s31;
	s15 =	sadd.s32 s9, s8;
	s8 =	sadd.s32 s12, s1  }
0xd: {  	s16 =	smax.u32 s16, $0x1;
	s9 =	sadd.s32 $0x4000, s8;
	s10 =	sadd.s32 $0x8000, s8  }
0xe: {  	s17 =	sshrl.u32 s7, $0x3;
	s11 =	sadd.s32 $0xC000, s8;
	s12 =	sadd.s32 $0x10000, s8  }
0xf: {  	s15 =	sadd.s32 $0x90200, s15;
	s13 =	sadd.s32 s5, s17;
	s18 =	sadd.s32 $0x4F0, s17  }
0x10: {  	v0 =	vimm.f32 $0.0e+00;
	s14 =	sadd.s32 s6, s17;
	s17 =	sadd.s32 s5, s18;
	s18 =	sadd.s32 s6, s18  }
.LBB2_1:
0x11: {  	s29 =	simm.s32 $0x0;
	s30 =	simm.s32 $0x200  }
.LBB2_2:
0x12: {  	p0 =	sne.s32 s30, $0xFE00;
	[tilespmem:s29+$0x270] =	vst v0  }
0x13: {  	[tilespmem:s29+$0x200] =	vst v0  }
0x14: {  	[tilespmem:s29+$0x210] =	vst v0  }
.Ltmp0:
0x15: {  	[tilespmem:s29+$0x220] =	vst v0;
	(pc) =	sbr.rel @p0 .LBB2_2-.Ltmp0, $4  }
0x16: {  	[tilespmem:s29+$0x230] =	vst v0  }
0x17: {  	[tilespmem:s29+$0x240] =	vst v0  }
0x18: {  	[tilespmem:s29+$0x250] =	vst v0  }
0x19: {  	[tilespmem:s29+$0x260] =	vst v0;
	s29 =	sshra.s32 s30, $0x2;
	s30 =	sadd.s32 $0x200, s30  }
0x1a: {  	[tilespmem:s29+$0x270] =	vst v0  }
0x1b: {  	[tilespmem:s29+$0x200] =	vst v0  }
0x1c: {  	[tilespmem:s29+$0x210] =	vst v0  }
0x1d: {  	[tilespmem:s29+$0x220] =	vst v0  }
0x1e: {  	[tilespmem:s29+$0x230] =	vst v0  }
0x1f: {  	[tilespmem:s29+$0x240] =	vst v0  }
0x20: {  	[tilespmem:s29+$0x250] =	vst v0  }
0x21: {  	[tilespmem:s29+$0x260] =	vst v0  }
0x22: {  	[spmem:s8] =	stream.linear.scatter [tilespmem:s19], [sflag:$0x3], $0x4000, $0x38;
	[tilespmem:$0x1C200] =	vst v63  }
0x23: {  	_ =	swait.ge [sflag:s20], $0x4000  }
0x24: {  	[sflag:s20] =	ssyncset.done $0x0  }
0x25: {  	[sflag:s20] =	ssyncadd.s32 $0xFFFFC000  }
0x26: {  	[spmem:s9] =	stream.linear.scatter [tilespmem:s19], [sflag:$0x3], $0x4000, $0x38;
	[tilespmem:$0x1C200] =	vst v63  }
0x27: {  	_ =	swait.ge [sflag:s20], $0x4000  }
0x28: {  	[sflag:s20] =	ssyncset.done $0x0  }
0x29: {  	[sflag:s20] =	ssyncadd.s32 $0xFFFFC000  }
0x2a: {  	[spmem:s10] =	stream.linear.scatter [tilespmem:s19], [sflag:$0x3], $0x4000, $0x38;
	[tilespmem:$0x1C200] =	vst v63  }
0x2b: {  	_ =	swait.ge [sflag:s20], $0x4000  }
0x2c: {  	[sflag:s20] =	ssyncset.done $0x0  }
0x2d: {  	[sflag:s20] =	ssyncadd.s32 $0xFFFFC000  }
0x2e: {  	[spmem:s11] =	stream.linear.scatter [tilespmem:s19], [sflag:$0x3], $0x4000, $0x38;
	[tilespmem:$0x1C200] =	vst v63  }
0x2f: {  	_ =	swait.ge [sflag:s20], $0x4000  }
0x30: {  	[sflag:s20] =	ssyncset.done $0x0  }
0x31: {  	[sflag:s20] =	ssyncadd.s32 $0xFFFFC000  }
0x32: {  	[spmem:s12] =	stream.linear.scatter [tilespmem:s19], [sflag:$0x3], $0x4000, $0x38;
	[tilespmem:$0x1C200] =	vst v63  }
0x33: {  	_ =	swait.ge [sflag:s20], $0x4000  }
0x34: {  	[sflag:s20] =	ssyncset.done $0x0  }
0x35: {  	[sflag:s20] =	ssyncadd.s32 $0xFFFFC000  }
0x36: {  	[bflag:$0x0] =	sbarrier.arrive $0xFFFF  }
0x37: {  	[tilespmem:s3], [sflag:$0x3] =	stream.linear.gather [hbm4b:s13+s3], $0x80, $0x38;
	[tilespmem:$0x1C200] =	vst v63  }
0x38: {  	s29 =	simm.s32 $0x0;
	_ =	swait.ge [sflag:s20], $0x80  }
0x39: {  	s30 =	sand.u32 $0x3C00, s29;
	[sflag:s20] =	ssyncset.done $0x0  }
0x3a: {  	s29 =	sand.u32 $0x300, s29;
	s30 =	sadd.s32 s7, s30;
	[sflag:s20] =	ssyncadd.s32 $0xFFFFFF80  }
0x3b: {  	[tilespmem:s21], [sflag:$0x3] =	stream.linear.gather [hbm4b:s14+s3], $0x80, $0x38;
	[tilespmem:$0x1C200] =	vst v63  }
0x3c: {  	s29 =	sor.u32 s30, s29;
	_ =	swait.ge [sflag:s20], $0x80  }
0x3d: {  	s29 =	sor.u32 $0x80, s29;
	[sflag:s20] =	ssyncset.done $0x0  }
0x3e: {  	s29 =	sshrl.u32 s29, $0x3;
	[sflag:s20] =	ssyncadd.s32 $0xFFFFFF80  }
0x3f: {  	[tilespmem:s19], [sflag:$0x1] =	stream.indirect.gather [hbm4b:s4+s21], $0x80, s3, s21, $0xb8;
	[tilespmem:$0x1C200] =	vst v63  }
0x40: {  	s30 =	sadd.s32 s5, s29  }
0x41: {  	[tilespmem:s22], [sflag:$0x3] =	stream.linear.gather [hbm4b:s30+s3], $0x80, $0x38;
	[tilespmem:$0x1C200] =	vst v63  }
0x42: {  	_ =	swait.ge [sflag:s20], $0x80  }
0x43: {  	[sflag:s20] =	ssyncset.done $0x0  }
0x44: {  	s29 =	sadd.s32 s6, s29;
	[sflag:s20] =	ssyncadd.s32 $0xFFFFFF80  }
0x45: {  	[tilespmem:s23], [sflag:$0x3] =	stream.linear.gather [hbm4b:s29+s3], $0x80, $0x38;
	[tilespmem:$0x1C200] =	vst v63  }
0x46: {  	_ =	swait.ge [sflag:s20], $0x80  }
0x47: {  	[sflag:s20] =	ssyncset.done $0x0  }
0x48: {  	[sflag:s20] =	ssyncadd.s32 $0xFFFFFF80  }
0x49: {  	[tilespmem:s24], [sflag:$0x2] =	stream.indirect.gather [hbm4b:s4+s21], $0x80, s22, s21, $0xb8;
	[tilespmem:$0x1C200] =	vst v63  }
0x4a: {  	s29 =	simm.s32 $0x100;
	_ =	swait.ge [sflag:s25], $0x4000  }
0x4b: {  	s30 =	sand.u32 $0x7C00, s29;
	[sflag:s25] =	ssyncset.done $0x0  }
0x4c: {  	s29 =	sand.u32 $0x300, s29;
	s30 =	sadd.s32 s7, s30;
	[sflag:s25] =	ssyncadd.s32 $0xFFFFC000  }
0x4d: {  	[spmem:s1] =	stream.indirect.scatter.add.f32 [tilespmem:s19], [sflag:$0x3], $0x80, s21, s21, $0xb8;
	[tilespmem:$0x1C200] =	vst v63  }
0x4e: {  	s29 =	sor.u32 s29, s30;
	_ =	swait.ge [sflag:s20], $0x4000  }
0x4f: {  	s29 =	sshrl.u32 s29, $0x3;
	[sflag:s20] =	ssyncset.done $0x0  }
0x50: {  	s30 =	sadd.s32 s5, s29;
	[sflag:s20] =	ssyncadd.s32 $0xFFFFC000  }
0x51: {  	[tilespmem:s3], [sflag:$0x3] =	stream.linear.gather [hbm4b:s30+s3], $0x80, $0x38;
	[tilespmem:$0x1C200] =	vst v63  }
0x52: {  	_ =	swait.ge [sflag:s20], $0x80  }
0x53: {  	[sflag:s20] =	ssyncset.done $0x0  }
0x54: {  	s29 =	sadd.s32 s6, s29;
	[sflag:s20] =	ssyncadd.s32 $0xFFFFFF80  }
0x55: {  	[tilespmem:s21], [sflag:$0x3] =	stream.linear.gather [hbm4b:s29+s3], $0x80, $0x38;
	[tilespmem:$0x1C200] =	vst v63  }
0x56: {  	s30 =	simm.s32 $0x100;
	_ =	swait.ge [sflag:s20], $0x80  }
0x57: {  	s31 =	sand.u32 $0x3C00, s30;
	s0 =	sand.u32 $0x300, s30;
	[sflag:s20] =	ssyncset.done $0x0  }
0x58: {  	s30 =	simm.s32 $0x300;
	s31 =	sadd.s32 s7, s31;
	[sflag:s20] =	ssyncadd.s32 $0xFFFFFF80  }
0x59: {  	[tilespmem:s19], [sflag:$0x1] =	stream.indirect.gather [hbm4b:s4+s21], $0x80, s3, s21, $0xb8;
	[tilespmem:$0x1C200] =	vst v63  }
0x5a: {  	s31 =	sor.u32 s31, s0;
	s29 =	simm.s32 $0x200;
	_ =	swait.ge [sflag:s26], $0x4000  }
.LBB2_4:
0x5b: {  	p0 =	sne.s32 s30, $0x2700  }
0x5c: {  	[sflag:s26] =	ssyncset.done $0x0;
	s0 =	smov.u32 s30;
	s30 =	sadd.s32 $0x100, s30  }
0x5d: {  	[sflag:s26] =	ssyncadd.s32 $0xFFFFC000  }
0x5e: {  	[spmem:s1] =	stream.indirect.scatter.add.f32 [tilespmem:s24], [sflag:$0x3], $0x80, s23, s21, $0xb8;
	[tilespmem:$0x1C200] =	vst v63  }
0x5f: {  	s31 =	sor.u32 $0x80, s31;
	_ =	swait.ge [sflag:s20], $0x4000  }
0x60: {  	s31 =	sshrl.u32 s31, $0x3;
	[sflag:s20] =	ssyncset.done $0x0  }
0x61: {  	s2 =	sadd.s32 s5, s31;
	[sflag:s20] =	ssyncadd.s32 $0xFFFFC000  }
0x62: {  	[tilespmem:s22], [sflag:$0x3] =	stream.linear.gather [hbm4b:s2+s3], $0x80, $0x38;
	[tilespmem:$0x1C200] =	vst v63  }
0x63: {  	_ =	swait.ge [sflag:s20], $0x80  }
0x64: {  	[sflag:s20] =	ssyncset.done $0x0  }
0x65: {  	s2 =	sadd.s32 s6, s31;
	[sflag:s20] =	ssyncadd.s32 $0xFFFFFF80  }
0x66: {  	[tilespmem:s23], [sflag:$0x3] =	stream.linear.gather [hbm4b:s2+s3], $0x80, $0x38;
	[tilespmem:$0x1C200] =	vst v63  }
0x67: {  	_ =	swait.ge [sflag:s20], $0x80  }
0x68: {  	[sflag:s20] =	ssyncset.done $0x0  }
0x69: {  	[sflag:s20] =	ssyncadd.s32 $0xFFFFFF80  }
0x6a: {  	[tilespmem:s24], [sflag:$0x2] =	stream.indirect.gather [hbm4b:s4+s21], $0x80, s22, s21, $0xb8;
	[tilespmem:$0x1C200] =	vst v63  }
0x6b: {  	_ =	swait.ge [sflag:s25], $0x4000  }
0x6c: {  	[sflag:s25] =	ssyncset.done $0x0  }
0x6d: {  	s31 =	sand.u32 $0x300, s29;
	s2 =	sand.u32 $0x7C00, s29;
	[sflag:s25] =	ssyncadd.s32 $0xFFFFC000  }
0x6e: {  	[spmem:s1] =	stream.indirect.scatter.add.f32 [tilespmem:s19], [sflag:$0x3], $0x80, s21, s21, $0xb8;
	[tilespmem:$0x1C200] =	vst v63  }
0x6f: {  	s29 =	smov.u32 s0;
	s2 =	sadd.s32 s7, s2;
	_ =	swait.ge [sflag:s20], $0x4000  }
0x70: {  	s0 =	sor.u32 s31, s2;
	[sflag:s20] =	ssyncset.done $0x0  }
0x71: {  	s0 =	sshrl.u32 s0, $0x3;
	[sflag:s20] =	ssyncadd.s32 $0xFFFFC000  }
0x72: {  	s2 =	sadd.s32 s5, s0  }
0x73: {  	[tilespmem:s3], [sflag:$0x3] =	stream.linear.gather [hbm4b:s2+s3], $0x80, $0x38;
	[tilespmem:$0x1C200] =	vst v63  }
0x74: {  	_ =	swait.ge [sflag:s20], $0x80  }
0x75: {  	s0 =	sadd.s32 s6, s0;
	[sflag:s20] =	ssyncset.done $0x0  }
0x76: {  	[sflag:s20] =	ssyncadd.s32 $0xFFFFFF80  }
0x77: {  	[tilespmem:s21], [sflag:$0x3] =	stream.linear.gather [hbm4b:s0+s3], $0x80, $0x38;
	[tilespmem:$0x1C200] =	vst v63  }
.Ltmp1:
0x78: {  	s0 =	sadd.s32 $0xFFFFFF00, s29;
	_ =	swait.ge [sflag:s20], $0x80;
	(pc) =	sbr.rel @p0 .LBB2_4-.Ltmp1, $4  }
0x79: {  	s2 =	sand.u32 $0x3C00, s0;
	[sflag:s20] =	ssyncset.done $0x0  }
0x7a: {  	s0 =	sand.u32 $0x300, s0;
	s2 =	sadd.s32 s7, s2;
	[sflag:s20] =	ssyncadd.s32 $0xFFFFFF80  }
0x7b: {  	[tilespmem:s19], [sflag:$0x1] =	stream.indirect.gather [hbm4b:s4+s21], $0x80, s3, s21, $0xb8;
	[tilespmem:$0x1C200] =	vst v63  }
0x7c: {  	s31 =	sor.u32 s2, s0;
	_ =	swait.ge [sflag:s26], $0x4000  }
0x7d: {  	[sflag:s26] =	ssyncset.done $0x0  }
0x7e: {  	[sflag:s26] =	ssyncadd.s32 $0xFFFFC000  }
0x7f: {  	[spmem:s1] =	stream.indirect.scatter.add.f32 [tilespmem:s24], [sflag:$0x3], $0x80, s23, s21, $0xb8;
	[tilespmem:$0x1C200] =	vst v63  }
0x80: {  	s0 =	sor.u32 $0x80, s31;
	_ =	swait.ge [sflag:s20], $0x4000  }
0x81: {  	s0 =	sshrl.u32 s0, $0x3;
	[sflag:s20] =	ssyncset.done $0x0  }
0x82: {  	s2 =	sadd.s32 s5, s0;
	[sflag:s20] =	ssyncadd.s32 $0xFFFFC000  }
0x83: {  	[tilespmem:s22], [sflag:$0x3] =	stream.linear.gather [hbm4b:s2+s3], $0x80, $0x38;
	[tilespmem:$0x1C200] =	vst v63  }
0x84: {  	_ =	swait.ge [sflag:s20], $0x80  }
0x85: {  	[sflag:s20] =	ssyncset.done $0x0  }
0x86: {  	s0 =	sadd.s32 s6, s0;
	[sflag:s20] =	ssyncadd.s32 $0xFFFFFF80  }
0x87: {  	[tilespmem:s23], [sflag:$0x3] =	stream.linear.gather [hbm4b:s0+s3], $0x80, $0x38;
	[tilespmem:$0x1C200] =	vst v63  }
0x88: {  	_ =	swait.ge [sflag:s20], $0x80  }
0x89: {  	[sflag:s20] =	ssyncset.done $0x0  }
0x8a: {  	[sflag:s20] =	ssyncadd.s32 $0xFFFFFF80  }
0x8b: {  	[tilespmem:s24], [sflag:$0x2] =	stream.indirect.gather [hbm4b:s4+s21], $0x80, s22, s21, $0xb8;
	[tilespmem:$0x1C200] =	vst v63  }
0x8c: {  	_ =	swait.ge [sflag:s25], $0x4000  }
0x8d: {  	s30 =	sand.u32 $0x7C00, s29;
	[sflag:s25] =	ssyncset.done $0x0  }
0x8e: {  	s31 =	sand.u32 $0x300, s29;
	s0 =	sadd.s32 s7, s30;
	[sflag:s25] =	ssyncadd.s32 $0xFFFFC000  }
0x8f: {  	[spmem:s1] =	stream.indirect.scatter.add.f32 [tilespmem:s19], [sflag:$0x3], $0x80, s21, s21, $0xb8;
	[tilespmem:$0x1C200] =	vst v63  }
0x90: {  	s0 =	sor.u32 s31, s0;
	_ =	swait.ge [sflag:s20], $0x4000  }
0x91: {  	s0 =	sshrl.u32 s0, $0x3;
	[sflag:s20] =	ssyncset.done $0x0  }
0x92: {  	s29 =	sadd.s32 s5, s0;
	[sflag:s20] =	ssyncadd.s32 $0xFFFFC000  }
0x93: {  	[tilespmem:s3], [sflag:$0x3] =	stream.linear.gather [hbm4b:s29+s3], $0x80, $0x38;
	[tilespmem:$0x1C200] =	vst v63  }
0x94: {  	_ =	swait.ge [sflag:s20], $0x80  }
0x95: {  	[sflag:s20] =	ssyncset.done $0x0  }
0x96: {  	s0 =	sadd.s32 s6, s0;
	[sflag:s20] =	ssyncadd.s32 $0xFFFFFF80  }
0x97: {  	[tilespmem:s21], [sflag:$0x3] =	stream.linear.gather [hbm4b:s0+s3], $0x80, $0x38;
	[tilespmem:$0x1C200] =	vst v63  }
0x98: {  	_ =	swait.ge [sflag:s20], $0x80  }
0x99: {  	[sflag:s20] =	ssyncset.done $0x0  }
0x9a: {  	[sflag:s20] =	ssyncadd.s32 $0xFFFFFF80  }
0x9b: {  	[tilespmem:s19], [sflag:$0x1] =	stream.indirect.gather [hbm4b:s4+s21], $0x80, s3, s21, $0xb8;
	[tilespmem:$0x1C200] =	vst v63  }
0x9c: {  	_ =	swait.ge [sflag:s26], $0x4000  }
0x9d: {  	[sflag:s26] =	ssyncset.done $0x0  }
0x9e: {  	[sflag:s26] =	ssyncadd.s32 $0xFFFFC000  }
0x9f: {  	[spmem:s1] =	stream.indirect.scatter.add.f32 [tilespmem:s24], [sflag:$0x3], $0x80, s23, s21, $0xb8;
	[tilespmem:$0x1C200] =	vst v63  }
0xa0: {  	_ =	swait.ge [sflag:s20], $0x4000  }
0xa1: {  	[sflag:s20] =	ssyncset.done $0x0  }
0xa2: {  	[sflag:s20] =	ssyncadd.s32 $0xFFFFC000  }
0xa3: {  	[tilespmem:s22], [sflag:$0x3] =	stream.linear.gather [hbm4b:s17+s3], $0x80, $0x38;
	[tilespmem:$0x1C200] =	vst v63  }
0xa4: {  	_ =	swait.ge [sflag:s20], $0x80  }
0xa5: {  	[sflag:s20] =	ssyncset.done $0x0  }
0xa6: {  	[sflag:s20] =	ssyncadd.s32 $0xFFFFFF80  }
0xa7: {  	[tilespmem:s23], [sflag:$0x3] =	stream.linear.gather [hbm4b:s18+s3], $0x80, $0x38;
	[tilespmem:$0x1C200] =	vst v63  }
0xa8: {  	_ =	swait.ge [sflag:s20], $0x80  }
0xa9: {  	[sflag:s20] =	ssyncset.done $0x0  }
0xaa: {  	[sflag:s20] =	ssyncadd.s32 $0xFFFFFF80  }
0xab: {  	[tilespmem:s24], [sflag:$0x2] =	stream.indirect.gather [hbm4b:s4+s21], $0x80, s22, s21, $0xb8;
	[tilespmem:$0x1C200] =	vst v63  }
0xac: {  	_ =	swait.ge [sflag:s25], $0x4000  }
0xad: {  	[sflag:s25] =	ssyncset.done $0x0  }
0xae: {  	[sflag:s25] =	ssyncadd.s32 $0xFFFFC000  }
0xaf: {  	[spmem:s1] =	stream.indirect.scatter.add.f32 [tilespmem:s19], [sflag:$0x3], $0x80, s21, s21, $0xb8;
	[tilespmem:$0x1C200] =	vst v63  }
0xb0: {  	_ =	swait.ge [sflag:s20], $0x4000  }
0xb1: {  	[sflag:s20] =	ssyncset.done $0x0  }
0xb2: {  	[sflag:s20] =	ssyncadd.s32 $0xFFFFC000  }
0xb3: {  	_ =	swait.ge [sflag:s26], $0x4000  }
0xb4: {  	[sflag:s26] =	ssyncset.done $0x0  }
0xb5: {  	[sflag:s26] =	ssyncadd.s32 $0xFFFFC000  }
0xb6: {  	[spmem:s1] =	stream.indirect.scatter.add.f32 [tilespmem:s24], [sflag:$0x3], $0x80, s23, s21, $0xb8;
	[tilespmem:$0x1C200] =	vst v63  }
0xb7: {  	s28 =	sadd.s32 $0x1, s28;
	_ =	swait.ge [sflag:s20], $0x4000  }
0xb8: {  	p0 =	sne.s32 s28, s16;
	s30 =	stileid.u32;
	[sflag:s20] =	ssyncset.done $0x0  }
0xb9: {  	s31 =	sshrl.u32 s8, $0x3;
	s0 =	sshll.u32 s30, $0x6;
	[sflag:s20] =	ssyncadd.s32 $0xFFFFC000  }
.Ltmp2:
0xba: {  	s0 =	sor.u32 $0x1C03, s0;
	[bflag:$0x0] =	sbarrier.arrive $0xFFFF;
	(pc) =	sbr.rel @p0 .LBB2_1-.Ltmp2, $4  }
0xbb: {  	[hbm:s15], [sflag:s0] =	dma.local [spmem:s31], $0x2800  }
0xbc: {  	_ =	swait.ge [sflag:s20], $0x2800  }
0xbd: {  	[sflag:s20] =	ssyncset.done $0x0  }
0xbe: {  	[sflag:s20] =	ssyncadd.s32 $0xFFFFD800  }
0xbf: {  	_ =	sfence.sel $0x180000  }
0xc0: {  	[bflag:$0x0] =	sbarrier.arrive $0xFFFF  }
0xc1: {  	_ =	strace $0x9000004D  }
0xc2: {  	s0 =	stileid.u32;
	[bflag:$0x2] =	sbarrier.arrive $0xFFFF  }
0xc3: {  	p0 =	sne.s32 s0, $0x0;
	s0 =	rddreg [dreg:$0x2]  }
0xc4: {  	s0 =	sadd.s32 @!p0 $0x100000, s0  }
0xc5: {  	[sflag:s0] =	ssyncadd.tile.s32 @!p0 $0x1;
	_ =	shalt  }
.Lfunc_end2:
_tile_overlayer_lowered:
.L_overlay_start_2:
0xc6: {  	(tag) =	ssettag $0x2  }
0xc7: {  	s0 =	rddreg [dreg:$0x0];
	s2 =	stileid.u32  }
0xc8: {  	s1 =	rddreg [dreg:$0x1];
	p0 =	sne.s32 s2, $0x0  }
0xc9: {  	s3 =	rddreg [dreg:$0x2];
	[bflag:$0x3] =	sbarrier.arrive $0xFFFF;
	s2 =	simm.s32 @!p0 $0x1C03  }
0xca: {  	[timem:s3], [sflag:s2] =	dma.local @!p0 [hbm:s0], s1  }
0xcb: {  	s0 =	simm.s32 @!p0 $0x3  }
0xcc: {  	_ =	swait.ge @!p0 [sflag:s0], s1  }
0xcd: {  	s1 =	ssub.s32 @!p0 $0x0, s1;
	[sflag:s0] =	ssyncset.done @!p0 $0x0  }
0xce: {  	[sflag:s0] =	ssyncadd.s32 @!p0 s1  }
0xcf: {  	[bflag:$0x3] =	sbarrier.arrive $0xFFFF  }
0xd0: {  	_ =	shalt  }

// kernel: kernel.21.cloned.1.call-start
scs
__scs_entry_jumppad:
0x0: {  	(pc) =	sbr.rel $0x88, $3  }
0x1: {  	(tag) =	ssettag $0x0;
	lr =	simm.s32 $0x1  }
0x2: {  	[smem:$0x3F92] =	sst lr;
	_ =	strace $0xD0000000  }
0x3: {  	_ = 	snop  }
0x4: {  	_ = 	snop  }
0x5: {  	_ = 	snop  }
0x6: {  	_ = 	snop  }
0x7: {  	_ = 	snop  }
__scs_overlays_trampoline_lowered:
0x8: {  	[smem:$0x3FA1] =	sst s0  }
0x9: {  	[smem:$0x3FA2] =	sst s1  }
0xa: {  	[smem:$0x3FA3] =	sst s2  }
0xb: {  	[smem:$0x3FA4] =	sst s3  }
0xc: {  	[smem:$0x3FA5] =	sst s4  }
0xd: {  	[smem:$0x3FA6] =	sst s5  }
0xe: {  	[smem:$0x3FA7] =	sst s6  }
0xf: {  	[smem:$0x3FA8] =	sst s7  }
0x10: {  	[smem:$0x3FA9] =	sst s8  }
0x11: {  	[smem:$0x3FAA] =	sst s9;
	s0 =	simm.s32 @!p0 $0x0  }
0x12: {  	s1 =	sld [smem:$0x3F90];
	s0 =	simm.s32 @p0 $0x1  }
0x13: {  	[smem:$0x3FAB] =	sst s0;
	s0 =	simm.s32 @!p1 $0x0  }
0x14: {  	s2 =	sld [smem:$0x3F8F];
	s0 =	simm.s32 @p1 $0x1  }
0x15: {  	[smem:$0x3FAC] =	sst s0;
	s0 =	simm.s32 @!p2 $0x0  }
0x16: {  	s3 =	sld [smem:$0x3FDB];
	s0 =	simm.s32 @p2 $0x1  }
0x17: {  	s4 =	simm.s32 $0x1BF5;
	[smem:$0x3FAE] =	sst s0  }
0x18: {  	s0 =	sld [smem:$0x3F91];
	_ =	swait.ge [sflag:s4], $0x0  }
0x19: {  	s7 =	sld [smem:$0x3F92]  }
0x1a: {  	s8 =	sadd.s32 $0xFFFFE003, lr  }
0x1b: {  	s9 =	sadd.s32 $0xFFFFFEF7, lr;
	s5 =	simm.s32 $0xFFFFFFFF;
	p2 =	slt.u32 s8, $0xFFFFF086  }
0x1c: {  	p1 =	slt.u32 s9, $0xF7A;
	s5 =	simm.s32 @!p2 $0x0  }
0x1d: {  	s5 =	simm.s32 @p1 $0x1;
	p0 =	seq.s32 s7, s2  }
0x1e: {  	s7 =	smul.u32 @!p0 $0xF7A, s2;
	p2 =	seq.s32 @!p0 s5, $0x0  }
0x1f: {  	s9 =	smul.u32 $0xF7A, s1;
	s8 =	simm.s32 @!p0 $0x1BF5;
	p2 =	por !p2, p0  }
0x20: {  	[sflag:s8] =	ssyncset.s32 @!p0 $0xFFFFF086;
	s6 =	sadd.s32 @!p0 s3, s7;
	s7 =	simm.s32 @!p0 $0x108  }
0x21: {  	s3 =	sadd.s32 s3, s9;
	s6 =	sadd.s32 @!p0 $0x88, s6;
	s7 =	simm.s32 @p2 $0x1082  }
0x22: {  	[simem:s7], [sflag:s8] =	dma.local @!p0 [hbm:s6], $0xF7A  }
0x23: {  	s9 =	sor.u32 $0xD0000000, s2;
	s6 =	simm.s32 $0x108;
	_ =	swait.ge @!p0 [sflag:s8], $0x0  }
0x24: {  	s3 =	sadd.s32 $0x88, s3;
	s6 =	simm.s32 @!p1 $0x1082;
	[sflag:s4] =	ssyncset.s32 $0xFFFFF086  }
0x25: {  	[simem:s6], [sflag:s4] =	dma.local [hbm:s3], $0xF7A  }
0x26: {  	[smem:$0x3F92] =	sst s1;
	(tag) =	ssettag s2;
	_ =	strace s9  }
0x27: {  	s1 =	sld [smem:$0x3FA2]  }
0x28: {  	s2 =	sld [smem:$0x3FA3]  }
0x29: {  	s4 =	sld [smem:$0x3FA5]  }
0x2a: {  	p0 =	seq.s32 s5, $0x0;
	s5 =	sld [smem:$0x3FA6]  }
0x2b: {  	s6 =	sld [smem:$0x3FA7]  }
0x2c: {  	s7 =	sld [smem:$0x3FA8]  }
0x2d: {  	s3 =	simm.s32 $0x108;
	s8 =	sld [smem:$0x3FA9]  }
0x2e: {  	s3 =	simm.s32 @!p0 $0x1082;
	s9 =	sld [smem:$0x3FAA]  }
0x2f: {  	lr =	sadd.s32 s0, s3;
	s0 =	sld [smem:$0x3FA1]  }
0x30: {  	s3 =	sld [smem:$0x3FA4]  }
0x31: {  	[smem:$0x3FAD] =	sst s10  }
0x32: {  	s10 =	sld [smem:$0x3FAB];
	_ =	sdelay $0x3  }
0x33: {  	p0 =	seq.s32 s10, $0x1;
	s10 =	sld [smem:$0x3FAD];
	_ =	sdelay $0x3  }
0x34: {  	[smem:$0x3FAD] =	sst s10  }
0x35: {  	s10 =	sld [smem:$0x3FAC];
	_ =	sdelay $0x3  }
0x36: {  	p1 =	seq.s32 s10, $0x1;
	s10 =	sld [smem:$0x3FAD];
	_ =	sdelay $0x3  }
0x37: {  	[smem:$0x3FAD] =	sst s10  }
0x38: {  	s10 =	sld [smem:$0x3FAE]  }
0x39: {  	_ = 	snop;
	(pc) =	sbr.ind lr, $3  }
0x3a: {  	_ = 	snop  }
0x3b: {  	_ = 	snop  }
0x3c: {  	p2 =	seq.s32 s10, $0x1;
	s10 =	sld [smem:$0x3FAD]  }
0x3d: {  	_ =	shalt  }
0x3e: {  	_ =	shalt  }
0x3f: {  	_ =	shalt  }
0x40: {  	_ =	shalt  }
0x41: {  	_ =	shalt  }
0x42: {  	_ =	shalt  }
0x43: {  	_ =	shalt  }
0x44: {  	_ =	shalt  }
0x45: {  	_ =	shalt  }
0x46: {  	_ =	shalt  }
0x47: {  	_ =	shalt  }
0x48: {  	_ =	shalt  }
0x49: {  	_ =	shalt  }
0x4a: {  	_ =	shalt  }
0x4b: {  	_ =	shalt  }
0x4c: {  	_ =	shalt  }
0x4d: {  	_ =	shalt  }
0x4e: {  	_ =	shalt  }
0x4f: {  	_ =	shalt  }
0x50: {  	_ =	shalt  }
0x51: {  	_ =	shalt  }
0x52: {  	_ =	shalt  }
0x53: {  	_ =	shalt  }
0x54: {  	_ =	shalt  }
0x55: {  	_ =	shalt  }
0x56: {  	_ =	shalt  }
0x57: {  	_ =	shalt  }
0x58: {  	_ =	shalt  }
0x59: {  	_ =	shalt  }
0x5a: {  	_ =	shalt  }
0x5b: {  	_ =	shalt  }
0x5c: {  	_ =	shalt  }
0x5d: {  	_ =	shalt  }
0x5e: {  	_ =	shalt  }
0x5f: {  	_ =	shalt  }
0x60: {  	_ =	shalt  }
0x61: {  	_ =	shalt  }
0x62: {  	_ =	shalt  }
0x63: {  	_ =	shalt  }
0x64: {  	_ =	shalt  }
0x65: {  	_ =	shalt  }
0x66: {  	_ =	shalt  }
0x67: {  	_ =	shalt  }
0x68: {  	_ =	shalt  }
0x69: {  	_ =	shalt  }
0x6a: {  	_ =	shalt  }
0x6b: {  	_ =	shalt  }
0x6c: {  	_ =	shalt  }
0x6d: {  	_ =	shalt  }
0x6e: {  	_ =	shalt  }
0x6f: {  	_ =	shalt  }
0x70: {  	_ =	shalt  }
0x71: {  	_ =	shalt  }
0x72: {  	_ =	shalt  }
0x73: {  	_ =	shalt  }
0x74: {  	_ =	shalt  }
0x75: {  	_ =	shalt  }
0x76: {  	_ =	shalt  }
0x77: {  	_ =	shalt  }
0x78: {  	_ =	shalt  }
0x79: {  	_ =	shalt  }
0x7a: {  	_ =	shalt  }
0x7b: {  	_ =	shalt  }
0x7c: {  	_ =	shalt  }
0x7d: {  	_ =	shalt  }
0x7e: {  	_ =	shalt  }
0x7f: {  	_ =	shalt  }
0x80: {  	_ =	shalt  }
0x81: {  	_ =	shalt  }
0x82: {  	_ =	shalt  }
0x83: {  	_ =	shalt  }
0x84: {  	_ =	shalt  }
0x85: {  	_ =	shalt  }
0x86: {  	_ =	shalt  }
0x87: {  	_ =	shalt  }
.Lfunc_end0:
.L_simem_size_0:
called_computation.3_lowered:
.L_overlay_start_0:
0x88: {  	s2 =	sld [smem:$0x3FD9]  }
0x89: {  	s3 =	sld [smem:$0x3FFE];
	_ =	sdelay $0x1  }
0x8a: {  	s1 =	srdreg.scid  }
0x8b: {  	s0 =	sand.u32 $0x1, s1  }
0x8c: {  	s16 =	sshll.u32 s0, $0xA;
	s2 =	sadd.s32 s3, s2  }
0x8d: {  	s2 =	sadd.s32 s2, s16  }
0x8e: {  	[smem:$0x3FB9] =	sst s2  }
0x8f: {  	_ = 	snop  }
0x90: {  	(tm) =	ssettm $0x1  }
0x91: {  	s17 =	sld [smem:$0x3FFB];
	_ =	sdelay $0x3  }
0x92: {  	_ =	strace s17  }
0x93: {  	s2 =	sld [smem:$0x3FFC];
	_ =	sdelay $0x3  }
0x94: {  	_ =	strace s2  }
0x95: {  	s2 =	sld [smem:$0x3FFD];
	_ =	sdelay $0x3  }
0x96: {  	_ =	strace s2  }
0x97: {  	_ =	strace $0x8FFFFFFF  }
0x98: {  	s18 =	sld [smem:$0x3FDB];
	_ =	sdelay $0x1  }
0x99: {  	s19 =	simm.s32 $_scs_section_size  }
0x9a: {  	s4 =	simm.s32 $_size__tile_overlayer_lowered;
	s5 =	simm.s32 $_tile_overlayer_lowered  }
0x9b: {  	s22 =	simm.s32 $0x1BFF;
	s21 =	sshll.u32 s5, $0x1;
	s2 =	sadd.s32 s19, s18  }
0x9c: {  	s6 =	simm.s32 $0x0;
	s20 =	sshll.u32 s4, $0x1;
	s4 =	sadd.s32 s21, s2  }
0x9d: {  	[timem:s6], [sflag:s22] =	dma.local [hbm:s4], s20  }
0x9e: {  	_ =	swait.ge [sflag:s22], s20  }
0x9f: {  	s3 =	ssub.s32 $0x0, s20;
	[sflag:s22] =	ssyncset.done $0x0  }
0xa0: {  	[sflag:s22] =	ssyncadd.s32 s3;
	_ =	sdelay $0x1  }
0xa1: {  	s23 =	simm.s32 $0x1B8B  }
0xa2: {  	_ =	swait.ge [sflag:s23], $0x1  }
0xa3: {  	[sflag:s23] =	ssyncset.done $0x0  }
0xa4: {  	s25 =	simm.s32 $0x1B8E;
	s24 =	sld [smem:$0x3FFE];
	[sflag:s23] =	ssyncadd.s32 $0xFFFFFFFF  }
0xa5: {  	s26 =	simm.s32 $execute0_lowered;
	[smem:$0x3FD2] =	sst s25  }
0xa6: {  	s4 =	sshll.u32 s26, $0x1;
	_ =	strace $0x8000004F;
	[dreg:$0x1] =	wrdreg $0xFFFFFFFF  }
0xa7: {  	s28 =	simm.s32 $_size_execute0_lowered;
	s2 =	sadd.s32 s2, s4;
	[dreg:$0x0] =	wrdreg $0x0  }
0xa8: {  	s4 =	sshll.u32 s28, $0x1;
	[dreg:$0x2] =	wrdreg s2  }
0xa9: {  	[dreg:$0x3] =	wrdreg s4  }
0xaa: {  	[dreg:$0x4] =	wrdreg $0xC0  }
0xab: {  	_ =	task [dreg:s6], $0x5FFFF  }
0xac: {  	[dreg:$0x1] =	wrdreg $0xFFFFFFFF  }
0xad: {  	[dreg:$0x0] =	wrdreg $0x60  }
0xae: {  	[dreg:$0x2] =	wrdreg s24  }
0xaf: {  	[dreg:$0x3] =	wrdreg $0x82000  }
0xb0: {  	[dreg:$0x4] =	wrdreg $0x9  }
0xb1: {  	_ =	task.clear_ibuf [dreg:s6], $0x5FFFF;
	_ =	strace $0x9000004F  }
0xb2: {  	s29 =	simm.s32 $0x9;
	_ =	strace $0x80000051  }
0xb3: {  	_ =	swait.ge [sflag:s29], $0x1  }
0xb4: {  	[sflag:s29] =	ssyncadd.s32 $0xFFFFFFFF  }
0xb5: {  	_ =	strace $0x90000051  }
0xb6: {  	_ =	sfence  }
0xb7: {  	s30 =	sld [smem:$0x0];
	_ =	sdelay $0x2  }
0xb8: {  	s31 =	sshll.u32 s1, $0xD;
	s1 =	sshrl.u32 s1, $0x2  }
0xb9: {  	s3 =	sand.u32 $0x4000, s31;
	s1 =	sadd.s32 s1, s30  }
0xba: {  	s0 =	sor.u32 s3, s0;
	s1 =	sshll.u32 s1, $0x11  }
0xbb: {  	s0 =	sor.u32 s1, s0  }
0xbc: {  	s0 =	sadd.s32 $0x8F2B, s0  }
0xbd: {  	[sflag:s0] =	ssyncadd.remote.s32 $0x1  }
0xbe: {  	_ =	sfence.sel $0xFFFF  }
0xbf: {  	[dreg:$0x0] =	wrdreg $0xFFFFFFFF;
	(pc) =	sbr.abs _section_cstart, $3  }
0xc0: {  	[dreg:$0x1] =	wrdreg $0xFFFFFFFF  }
0xc1: {  	_ =	task.clear_ibuf [dreg:s6], $0x2FFFF;
	_ =	strace $0x9FFFFFFF  }
0xc2: {  	(tm) =	ssettm $0x7FFFFFFF  }
0xc3: {  	_ =	shalt  }
tec
execute0_lowered:
.L_overlay_start_1:
0x0: {  	(tag) =	ssettag $0x1  }
0x1: {  	s8 =	rddreg [dreg:$0x0]  }
0x2: {  	s1 =	rddreg [dreg:$0x1];
	s3 =	simm.s32 $0x0  }
0x3: {  	s4 =	srdreg.scid;
	s0 =	stileid.u32;
	s19 =	simm.s32 $0x200  }
0x4: {  	s20 =	simm.s32 $0x3;
	s21 =	simm.s32 $0x80;
	s22 =	simm.s32 $0x100  }
0x5: {  	s23 =	simm.s32 $0x180;
	s24 =	simm.s32 $0x4200;
	s25 =	simm.s32 $0x1  }
0x6: {  	s26 =	simm.s32 $0x2;
	s28 =	simm.s32 $0x0;
	[smem:$0x7FF] =	sst s3  }
0x7: {  	s7 =	sand.u32 $0x1, s4;
	s9 =	smul.u32 $0x2800, s0;
	s4 =	sadd.s32 $0x18200, s8  }
0x8: {  	s5 =	sadd.s32 $0xE200, s8;
	s6 =	sadd.s32 $0x4200, s8;
	s12 =	smul.u32 $0x50000, s0  }
0x9: {  	s10 =	smul.u32 $0x28000, s7;
	s11 =	sshll.u32 s7, $0x4;
	s29 =	ssub.s32 $0x2, s7  }
0xa: {  	_ =	strace $0x80000050;
	s30 =	sor.u32 s0, s11;
	s31 =	sshrl.u32 s29, $0x1  }
0xb: {  	s12 =	sshrl.u32 s12, $0x2;
	s9 =	sadd.s32 s9, s10;
	s7 =	smul.u32 $0x2800, s30  }
0xc: {  	s16 =	ssub.s32 s29, s31;
	s15 =	sadd.s32 s9, s8;
	s8 =	sadd.s32 s12, s1  }
0xd: {  	s16 =	smax.u32 s16, $0x1;
	s9 =	sadd.s32 $0x4000, s8;
	s10 =	sadd.s32 $0x8000, s8  }
0xe: {  	s17 =	sshrl.u32 s7, $0x3;
	s11 =	sadd.s32 $0xC000, s8;
	s12 =	sadd.s32 $0x10000, s8  }
0xf: {  	s15 =	sadd.s32 $0x90200, s15;
	s13 =	sadd.s32 s5, s17;
	s18 =	sadd.s32 $0x4F0, s17  }
0x10: {  	v0 =	vimm.f32 $0.0e+00;
	s14 =	sadd.s32 s6, s17;
	s17 =	sadd.s32 s5, s18;
	s18 =	sadd.s32 s6, s18  }
.LBB2_1:
0x11: {  	s29 =	simm.s32 $0x0;
	s30 =	simm.s32 $0x200  }
.LBB2_2:
0x12: {  	p0 =	sne.s32 s30, $0xFE00;
	[tilespmem:s29+$0x270] =	vst v0  }
0x13: {  	[tilespmem:s29+$0x200] =	vst v0  }
0x14: {  	[tilespmem:s29+$0x210] =	vst v0  }
.Ltmp0:
0x15: {  	[tilespmem:s29+$0x220] =	vst v0;
	(pc) =	sbr.rel @p0 .LBB2_2-.Ltmp0, $4  }
0x16: {  	[tilespmem:s29+$0x230] =	vst v0  }
0x17: {  	[tilespmem:s29+$0x240] =	vst v0  }
0x18: {  	[tilespmem:s29+$0x250] =	vst v0  }
0x19: {  	[tilespmem:s29+$0x260] =	vst v0;
	s29 =	sshra.s32 s30, $0x2;
	s30 =	sadd.s32 $0x200, s30  }
0x1a: {  	[tilespmem:s29+$0x270] =	vst v0  }
0x1b: {  	[tilespmem:s29+$0x200] =	vst v0  }
0x1c: {  	[tilespmem:s29+$0x210] =	vst v0  }
0x1d: {  	[tilespmem:s29+$0x220] =	vst v0  }
0x1e: {  	[tilespmem:s29+$0x230] =	vst v0  }
0x1f: {  	[tilespmem:s29+$0x240] =	vst v0  }
0x20: {  	[tilespmem:s29+$0x250] =	vst v0  }
0x21: {  	[tilespmem:s29+$0x260] =	vst v0  }
0x22: {  	[spmem:s8] =	stream.linear.scatter [tilespmem:s19], [sflag:$0x3], $0x4000, $0x38;
	[tilespmem:$0x1C200] =	vst v63  }
0x23: {  	_ =	swait.ge [sflag:s20], $0x4000  }
0x24: {  	[sflag:s20] =	ssyncset.done $0x0  }
0x25: {  	[sflag:s20] =	ssyncadd.s32 $0xFFFFC000  }
0x26: {  	[spmem:s9] =	stream.linear.scatter [tilespmem:s19], [sflag:$0x3], $0x4000, $0x38;
	[tilespmem:$0x1C200] =	vst v63  }
0x27: {  	_ =	swait.ge [sflag:s20], $0x4000  }
0x28: {  	[sflag:s20] =	ssyncset.done $0x0  }
0x29: {  	[sflag:s20] =	ssyncadd.s32 $0xFFFFC000  }
0x2a: {  	[spmem:s10] =	stream.linear.scatter [tilespmem:s19], [sflag:$0x3], $0x4000, $0x38;
	[tilespmem:$0x1C200] =	vst v63  }
0x2b: {  	_ =	swait.ge [sflag:s20], $0x4000  }
0x2c: {  	[sflag:s20] =	ssyncset.done $0x0  }
0x2d: {  	[sflag:s20] =	ssyncadd.s32 $0xFFFFC000  }
0x2e: {  	[spmem:s11] =	stream.linear.scatter [tilespmem:s19], [sflag:$0x3], $0x4000, $0x38;
	[tilespmem:$0x1C200] =	vst v63  }
0x2f: {  	_ =	swait.ge [sflag:s20], $0x4000  }
0x30: {  	[sflag:s20] =	ssyncset.done $0x0  }
0x31: {  	[sflag:s20] =	ssyncadd.s32 $0xFFFFC000  }
0x32: {  	[spmem:s12] =	stream.linear.scatter [tilespmem:s19], [sflag:$0x3], $0x4000, $0x38;
	[tilespmem:$0x1C200] =	vst v63  }
0x33: {  	_ =	swait.ge [sflag:s20], $0x4000  }
0x34: {  	[sflag:s20] =	ssyncset.done $0x0  }
0x35: {  	[sflag:s20] =	ssyncadd.s32 $0xFFFFC000  }
0x36: {  	[bflag:$0x0] =	sbarrier.arrive $0xFFFF  }
0x37: {  	[tilespmem:s3], [sflag:$0x3] =	stream.linear.gather [hbm4b:s13+s3], $0x80, $0x38;
	[tilespmem:$0x1C200] =	vst v63  }
0x38: {  	s29 =	simm.s32 $0x0;
	_ =	swait.ge [sflag:s20], $0x80  }
0x39: {  	s30 =	sand.u32 $0x3C00, s29;
	[sflag:s20] =	ssyncset.done $0x0  }
0x3a: {  	s29 =	sand.u32 $0x300, s29;
	s30 =	sadd.s32 s7, s30;
	[sflag:s20] =	ssyncadd.s32 $0xFFFFFF80  }
0x3b: {  	[tilespmem:s21], [sflag:$0x3] =	stream.linear.gather [hbm4b:s14+s3], $0x80, $0x38;
	[tilespmem:$0x1C200] =	vst v63  }
0x3c: {  	s29 =	sor.u32 s30, s29;
	_ =	swait.ge [sflag:s20], $0x80  }
0x3d: {  	s29 =	sor.u32 $0x80, s29;
	[sflag:s20] =	ssyncset.done $0x0  }
0x3e: {  	s29 =	sshrl.u32 s29, $0x3;
	[sflag:s20] =	ssyncadd.s32 $0xFFFFFF80  }
0x3f: {  	[tilespmem:s19], [sflag:$0x1] =	stream.indirect.gather [hbm4b:s4+s21], $0x80, s3, s21, $0xb8;
	[tilespmem:$0x1C200] =	vst v63  }
0x40: {  	s30 =	sadd.s32 s5, s29  }
0x41: {  	[tilespmem:s22], [sflag:$0x3] =	stream.linear.gather [hbm4b:s30+s3], $0x80, $0x38;
	[tilespmem:$0x1C200] =	vst v63  }
0x42: {  	_ =	swait.ge [sflag:s20], $0x80  }
0x43: {  	[sflag:s20] =	ssyncset.done $0x0  }
0x44: {  	s29 =	sadd.s32 s6, s29;
	[sflag:s20] =	ssyncadd.s32 $0xFFFFFF80  }
0x45: {  	[tilespmem:s23], [sflag:$0x3] =	stream.linear.gather [hbm4b:s29+s3], $0x80, $0x38;
	[tilespmem:$0x1C200] =	vst v63  }
0x46: {  	_ =	swait.ge [sflag:s20], $0x80  }
0x47: {  	[sflag:s20] =	ssyncset.done $0x0  }
0x48: {  	[sflag:s20] =	ssyncadd.s32 $0xFFFFFF80  }
0x49: {  	[tilespmem:s24], [sflag:$0x2] =	stream.indirect.gather [hbm4b:s4+s21], $0x80, s22, s21, $0xb8;
	[tilespmem:$0x1C200] =	vst v63  }
0x4a: {  	s29 =	simm.s32 $0x100;
	_ =	swait.ge [sflag:s25], $0x4000  }
0x4b: {  	s30 =	sand.u32 $0x7C00, s29;
	[sflag:s25] =	ssyncset.done $0x0  }
0x4c: {  	s29 =	sand.u32 $0x300, s29;
	s30 =	sadd.s32 s7, s30;
	[sflag:s25] =	ssyncadd.s32 $0xFFFFC000  }
0x4d: {  	[spmem:s1] =	stream.indirect.scatter.add.f32 [tilespmem:s19], [sflag:$0x3], $0x80, s21, s21, $0xb8;
	[tilespmem:$0x1C200] =	vst v63  }
0x4e: {  	s29 =	sor.u32 s29, s30;
	_ =	swait.ge [sflag:s20], $0x4000  }
0x4f: {  	s29 =	sshrl.u32 s29, $0x3;
	[sflag:s20] =	ssyncset.done $0x0  }
0x50: {  	s30 =	sadd.s32 s5, s29;
	[sflag:s20] =	ssyncadd.s32 $0xFFFFC000  }
0x51: {  	[tilespmem:s3], [sflag:$0x3] =	stream.linear.gather [hbm4b:s30+s3], $0x80, $0x38;
	[tilespmem:$0x1C200] =	vst v63  }
0x52: {  	_ =	swait.ge [sflag:s20], $0x80  }
0x53: {  	[sflag:s20] =	ssyncset.done $0x0  }
0x54: {  	s29 =	sadd.s32 s6, s29;
	[sflag:s20] =	ssyncadd.s32 $0xFFFFFF80  }
0x55: {  	[tilespmem:s21], [sflag:$0x3] =	stream.linear.gather [hbm4b:s29+s3], $0x80, $0x38;
	[tilespmem:$0x1C200] =	vst v63  }
0x56: {  	s30 =	simm.s32 $0x100;
	_ =	swait.ge [sflag:s20], $0x80  }
0x57: {  	s31 =	sand.u32 $0x3C00, s30;
	s0 =	sand.u32 $0x300, s30;
	[sflag:s20] =	ssyncset.done $0x0  }
0x58: {  	s30 =	simm.s32 $0x300;
	s31 =	sadd.s32 s7, s31;
	[sflag:s20] =	ssyncadd.s32 $0xFFFFFF80  }
0x59: {  	[tilespmem:s19], [sflag:$0x1] =	stream.indirect.gather [hbm4b:s4+s21], $0x80, s3, s21, $0xb8;
	[tilespmem:$0x1C200] =	vst v63  }
0x5a: {  	s31 =	sor.u32 s31, s0;
	s29 =	simm.s32 $0x200;
	_ =	swait.ge [sflag:s26], $0x4000  }
.LBB2_4:
0x5b: {  	p0 =	sne.s32 s30, $0x2700  }
0x5c: {  	[sflag:s26] =	ssyncset.done $0x0;
	s0 =	smov.u32 s30;
	s30 =	sadd.s32 $0x100, s30  }
0x5d: {  	[sflag:s26] =	ssyncadd.s32 $0xFFFFC000  }
0x5e: {  	[spmem:s1] =	stream.indirect.scatter.add.f32 [tilespmem:s24], [sflag:$0x3], $0x80, s23, s21, $0xb8;
	[tilespmem:$0x1C200] =	vst v63  }
0x5f: {  	s31 =	sor.u32 $0x80, s31;
	_ =	swait.ge [sflag:s20], $0x4000  }
0x60: {  	s31 =	sshrl.u32 s31, $0x3;
	[sflag:s20] =	ssyncset.done $0x0  }
0x61: {  	s2 =	sadd.s32 s5, s31;
	[sflag:s20] =	ssyncadd.s32 $0xFFFFC000  }
0x62: {  	[tilespmem:s22], [sflag:$0x3] =	stream.linear.gather [hbm4b:s2+s3], $0x80, $0x38;
	[tilespmem:$0x1C200] =	vst v63  }
0x63: {  	_ =	swait.ge [sflag:s20], $0x80  }
0x64: {  	[sflag:s20] =	ssyncset.done $0x0  }
0x65: {  	s2 =	sadd.s32 s6, s31;
	[sflag:s20] =	ssyncadd.s32 $0xFFFFFF80  }
0x66: {  	[tilespmem:s23], [sflag:$0x3] =	stream.linear.gather [hbm4b:s2+s3], $0x80, $0x38;
	[tilespmem:$0x1C200] =	vst v63  }
0x67: {  	_ =	swait.ge [sflag:s20], $0x80  }
0x68: {  	[sflag:s20] =	ssyncset.done $0x0  }
0x69: {  	[sflag:s20] =	ssyncadd.s32 $0xFFFFFF80  }
0x6a: {  	[tilespmem:s24], [sflag:$0x2] =	stream.indirect.gather [hbm4b:s4+s21], $0x80, s22, s21, $0xb8;
	[tilespmem:$0x1C200] =	vst v63  }
0x6b: {  	_ =	swait.ge [sflag:s25], $0x4000  }
0x6c: {  	[sflag:s25] =	ssyncset.done $0x0  }
0x6d: {  	s31 =	sand.u32 $0x300, s29;
	s2 =	sand.u32 $0x7C00, s29;
	[sflag:s25] =	ssyncadd.s32 $0xFFFFC000  }
0x6e: {  	[spmem:s1] =	stream.indirect.scatter.add.f32 [tilespmem:s19], [sflag:$0x3], $0x80, s21, s21, $0xb8;
	[tilespmem:$0x1C200] =	vst v63  }
0x6f: {  	s29 =	smov.u32 s0;
	s2 =	sadd.s32 s7, s2;
	_ =	swait.ge [sflag:s20], $0x4000  }
0x70: {  	s0 =	sor.u32 s31, s2;
	[sflag:s20] =	ssyncset.done $0x0  }
0x71: {  	s0 =	sshrl.u32 s0, $0x3;
	[sflag:s20] =	ssyncadd.s32 $0xFFFFC000  }
0x72: {  	s2 =	sadd.s32 s5, s0  }
0x73: {  	[tilespmem:s3], [sflag:$0x3] =	stream.linear.gather [hbm4b:s2+s3], $0x80, $0x38;
	[tilespmem:$0x1C200] =	vst v63  }
0x74: {  	_ =	swait.ge [sflag:s20], $0x80  }
0x75: {  	s0 =	sadd.s32 s6, s0;
	[sflag:s20] =	ssyncset.done $0x0  }
0x76: {  	[sflag:s20] =	ssyncadd.s32 $0xFFFFFF80  }
0x77: {  	[tilespmem:s21], [sflag:$0x3] =	stream.linear.gather [hbm4b:s0+s3], $0x80, $0x38;
	[tilespmem:$0x1C200] =	vst v63  }
.Ltmp1:
0x78: {  	s0 =	sadd.s32 $0xFFFFFF00, s29;
	_ =	swait.ge [sflag:s20], $0x80;
	(pc) =	sbr.rel @p0 .LBB2_4-.Ltmp1, $4  }
0x79: {  	s2 =	sand.u32 $0x3C00, s0;
	[sflag:s20] =	ssyncset.done $0x0  }
0x7a: {  	s0 =	sand.u32 $0x300, s0;
	s2 =	sadd.s32 s7, s2;
	[sflag:s20] =	ssyncadd.s32 $0xFFFFFF80  }
0x7b: {  	[tilespmem:s19], [sflag:$0x1] =	stream.indirect.gather [hbm4b:s4+s21], $0x80, s3, s21, $0xb8;
	[tilespmem:$0x1C200] =	vst v63  }
0x7c: {  	s31 =	sor.u32 s2, s0;
	_ =	swait.ge [sflag:s26], $0x4000  }
0x7d: {  	[sflag:s26] =	ssyncset.done $0x0  }
0x7e: {  	[sflag:s26] =	ssyncadd.s32 $0xFFFFC000  }
0x7f: {  	[spmem:s1] =	stream.indirect.scatter.add.f32 [tilespmem:s24], [sflag:$0x3], $0x80, s23, s21, $0xb8;
	[tilespmem:$0x1C200] =	vst v63  }
0x80: {  	s0 =	sor.u32 $0x80, s31;
	_ =	swait.ge [sflag:s20], $0x4000  }
0x81: {  	s0 =	sshrl.u32 s0, $0x3;
	[sflag:s20] =	ssyncset.done $0x0  }
0x82: {  	s2 =	sadd.s32 s5, s0;
	[sflag:s20] =	ssyncadd.s32 $0xFFFFC000  }
0x83: {  	[tilespmem:s22], [sflag:$0x3] =	stream.linear.gather [hbm4b:s2+s3], $0x80, $0x38;
	[tilespmem:$0x1C200] =	vst v63  }
0x84: {  	_ =	swait.ge [sflag:s20], $0x80  }
0x85: {  	[sflag:s20] =	ssyncset.done $0x0  }
0x86: {  	s0 =	sadd.s32 s6, s0;
	[sflag:s20] =	ssyncadd.s32 $0xFFFFFF80  }
0x87: {  	[tilespmem:s23], [sflag:$0x3] =	stream.linear.gather [hbm4b:s0+s3], $0x80, $0x38;
	[tilespmem:$0x1C200] =	vst v63  }
0x88: {  	_ =	swait.ge [sflag:s20], $0x80  }
0x89: {  	[sflag:s20] =	ssyncset.done $0x0  }
0x8a: {  	[sflag:s20] =	ssyncadd.s32 $0xFFFFFF80  }
0x8b: {  	[tilespmem:s24], [sflag:$0x2] =	stream.indirect.gather [hbm4b:s4+s21], $0x80, s22, s21, $0xb8;
	[tilespmem:$0x1C200] =	vst v63  }
0x8c: {  	_ =	swait.ge [sflag:s25], $0x4000  }
0x8d: {  	s30 =	sand.u32 $0x7C00, s29;
	[sflag:s25] =	ssyncset.done $0x0  }
0x8e: {  	s31 =	sand.u32 $0x300, s29;
	s0 =	sadd.s32 s7, s30;
	[sflag:s25] =	ssyncadd.s32 $0xFFFFC000  }
0x8f: {  	[spmem:s1] =	stream.indirect.scatter.add.f32 [tilespmem:s19], [sflag:$0x3], $0x80, s21, s21, $0xb8;
	[tilespmem:$0x1C200] =	vst v63  }
0x90: {  	s0 =	sor.u32 s31, s0;
	_ =	swait.ge [sflag:s20], $0x4000  }
0x91: {  	s0 =	sshrl.u32 s0, $0x3;
	[sflag:s20] =	ssyncset.done $0x0  }
0x92: {  	s29 =	sadd.s32 s5, s0;
	[sflag:s20] =	ssyncadd.s32 $0xFFFFC000  }
0x93: {  	[tilespmem:s3], [sflag:$0x3] =	stream.linear.gather [hbm4b:s29+s3], $0x80, $0x38;
	[tilespmem:$0x1C200] =	vst v63  }
0x94: {  	_ =	swait.ge [sflag:s20], $0x80  }
0x95: {  	[sflag:s20] =	ssyncset.done $0x0  }
0x96: {  	s0 =	sadd.s32 s6, s0;
	[sflag:s20] =	ssyncadd.s32 $0xFFFFFF80  }
0x97: {  	[tilespmem:s21], [sflag:$0x3] =	stream.linear.gather [hbm4b:s0+s3], $0x80, $0x38;
	[tilespmem:$0x1C200] =	vst v63  }
0x98: {  	_ =	swait.ge [sflag:s20], $0x80  }
0x99: {  	[sflag:s20] =	ssyncset.done $0x0  }
0x9a: {  	[sflag:s20] =	ssyncadd.s32 $0xFFFFFF80  }
0x9b: {  	[tilespmem:s19], [sflag:$0x1] =	stream.indirect.gather [hbm4b:s4+s21], $0x80, s3, s21, $0xb8;
	[tilespmem:$0x1C200] =	vst v63  }
0x9c: {  	_ =	swait.ge [sflag:s26], $0x4000  }
0x9d: {  	[sflag:s26] =	ssyncset.done $0x0  }
0x9e: {  	[sflag:s26] =	ssyncadd.s32 $0xFFFFC000  }
0x9f: {  	[spmem:s1] =	stream.indirect.scatter.add.f32 [tilespmem:s24], [sflag:$0x3], $0x80, s23, s21, $0xb8;
	[tilespmem:$0x1C200] =	vst v63  }
0xa0: {  	_ =	swait.ge [sflag:s20], $0x4000  }
0xa1: {  	[sflag:s20] =	ssyncset.done $0x0  }
0xa2: {  	[sflag:s20] =	ssyncadd.s32 $0xFFFFC000  }
0xa3: {  	[tilespmem:s22], [sflag:$0x3] =	stream.linear.gather [hbm4b:s17+s3], $0x80, $0x38;
	[tilespmem:$0x1C200] =	vst v63  }
0xa4: {  	_ =	swait.ge [sflag:s20], $0x80  }
0xa5: {  	[sflag:s20] =	ssyncset.done $0x0  }
0xa6: {  	[sflag:s20] =	ssyncadd.s32 $0xFFFFFF80  }
0xa7: {  	[tilespmem:s23], [sflag:$0x3] =	stream.linear.gather [hbm4b:s18+s3], $0x80, $0x38;
	[tilespmem:$0x1C200] =	vst v63  }
0xa8: {  	_ =	swait.ge [sflag:s20], $0x80  }
0xa9: {  	[sflag:s20] =	ssyncset.done $0x0  }
0xaa: {  	[sflag:s20] =	ssyncadd.s32 $0xFFFFFF80  }
0xab: {  	[tilespmem:s24], [sflag:$0x2] =	stream.indirect.gather [hbm4b:s4+s21], $0x80, s22, s21, $0xb8;
	[tilespmem:$0x1C200] =	vst v63  }
0xac: {  	_ =	swait.ge [sflag:s25], $0x4000  }
0xad: {  	[sflag:s25] =	ssyncset.done $0x0  }
0xae: {  	[sflag:s25] =	ssyncadd.s32 $0xFFFFC000  }
0xaf: {  	[spmem:s1] =	stream.indirect.scatter.add.f32 [tilespmem:s19], [sflag:$0x3], $0x80, s21, s21, $0xb8;
	[tilespmem:$0x1C200] =	vst v63  }
0xb0: {  	_ =	swait.ge [sflag:s20], $0x4000  }
0xb1: {  	[sflag:s20] =	ssyncset.done $0x0  }
0xb2: {  	[sflag:s20] =	ssyncadd.s32 $0xFFFFC000  }
0xb3: {  	_ =	swait.ge [sflag:s26], $0x4000  }
0xb4: {  	[sflag:s26] =	ssyncset.done $0x0  }
0xb5: {  	[sflag:s26] =	ssyncadd.s32 $0xFFFFC000  }
0xb6: {  	[spmem:s1] =	stream.indirect.scatter.add.f32 [tilespmem:s24], [sflag:$0x3], $0x80, s23, s21, $0xb8;
	[tilespmem:$0x1C200] =	vst v63  }
0xb7: {  	s28 =	sadd.s32 $0x1, s28;
	_ =	swait.ge [sflag:s20], $0x4000  }
0xb8: {  	p0 =	sne.s32 s28, s16;
	s30 =	stileid.u32;
	[sflag:s20] =	ssyncset.done $0x0  }
0xb9: {  	s31 =	sshrl.u32 s8, $0x3;
	s0 =	sshll.u32 s30, $0x6;
	[sflag:s20] =	ssyncadd.s32 $0xFFFFC000  }
.Ltmp2:
0xba: {  	s0 =	sor.u32 $0x1C03, s0;
	[bflag:$0x0] =	sbarrier.arrive $0xFFFF;
	(pc) =	sbr.rel @p0 .LBB2_1-.Ltmp2, $4  }
0xbb: {  	[hbm:s15], [sflag:s0] =	dma.local [spmem:s31], $0x2800  }
0xbc: {  	_ =	swait.ge [sflag:s20], $0x2800  }
0xbd: {  	[sflag:s20] =	ssyncset.done $0x0  }
0xbe: {  	[sflag:s20] =	ssyncadd.s32 $0xFFFFD800  }
0xbf: {  	_ =	sfence.sel $0x180000  }
0xc0: {  	[bflag:$0x0] =	sbarrier.arrive $0xFFFF  }
0xc1: {  	_ =	strace $0x90000050  }
0xc2: {  	s0 =	stileid.u32;
	[bflag:$0x2] =	sbarrier.arrive $0xFFFF  }
0xc3: {  	p0 =	sne.s32 s0, $0x0;
	s0 =	rddreg [dreg:$0x2]  }
0xc4: {  	s0 =	sadd.s32 @!p0 $0x100000, s0  }
0xc5: {  	[sflag:s0] =	ssyncadd.tile.s32 @!p0 $0x1;
	_ =	shalt  }
.Lfunc_end2:
_tile_overlayer_lowered:
.L_overlay_start_2:
0xc6: {  	(tag) =	ssettag $0x2  }
0xc7: {  	s0 =	rddreg [dreg:$0x0];
	s2 =	stileid.u32  }
0xc8: {  	s1 =	rddreg [dreg:$0x1];
	p0 =	sne.s32 s2, $0x0  }
0xc9: {  	s3 =	rddreg [dreg:$0x2];
	[bflag:$0x3] =	sbarrier.arrive $0xFFFF;
	s2 =	simm.s32 @!p0 $0x1C03  }
0xca: {  	[timem:s3], [sflag:s2] =	dma.local @!p0 [hbm:s0], s1  }
0xcb: {  	s0 =	simm.s32 @!p0 $0x3  }
0xcc: {  	_ =	swait.ge @!p0 [sflag:s0], s1  }
0xcd: {  	s1 =	ssub.s32 @!p0 $0x0, s1;
	[sflag:s0] =	ssyncset.done @!p0 $0x0  }
0xce: {  	[sflag:s0] =	ssyncadd.s32 @!p0 s1  }
0xcf: {  	[bflag:$0x3] =	sbarrier.arrive $0xFFFF  }
0xd0: {  	_ =	shalt  }

// kernel: kernel.24.cloned.1.call-start
scs
__scs_entry_jumppad:
0x0: {  	(pc) =	sbr.rel $0x88, $3  }
0x1: {  	(tag) =	ssettag $0x0;
	lr =	simm.s32 $0x1  }
0x2: {  	[smem:$0x3F92] =	sst lr;
	_ =	strace $0xD0000000  }
0x3: {  	_ = 	snop  }
0x4: {  	_ = 	snop  }
0x5: {  	_ = 	snop  }
0x6: {  	_ = 	snop  }
0x7: {  	_ = 	snop  }
__scs_overlays_trampoline_lowered:
0x8: {  	[smem:$0x3FA1] =	sst s0  }
0x9: {  	[smem:$0x3FA2] =	sst s1  }
0xa: {  	[smem:$0x3FA3] =	sst s2  }
0xb: {  	[smem:$0x3FA4] =	sst s3  }
0xc: {  	[smem:$0x3FA5] =	sst s4  }
0xd: {  	[smem:$0x3FA6] =	sst s5  }
0xe: {  	[smem:$0x3FA7] =	sst s6  }
0xf: {  	[smem:$0x3FA8] =	sst s7  }
0x10: {  	[smem:$0x3FA9] =	sst s8  }
0x11: {  	[smem:$0x3FAA] =	sst s9;
	s0 =	simm.s32 @!p0 $0x0  }
0x12: {  	s1 =	sld [smem:$0x3F90];
	s0 =	simm.s32 @p0 $0x1  }
0x13: {  	[smem:$0x3FAB] =	sst s0;
	s0 =	simm.s32 @!p1 $0x0  }
0x14: {  	s2 =	sld [smem:$0x3F8F];
	s0 =	simm.s32 @p1 $0x1  }
0x15: {  	[smem:$0x3FAC] =	sst s0;
	s0 =	simm.s32 @!p2 $0x0  }
0x16: {  	s3 =	sld [smem:$0x3FDB];
	s0 =	simm.s32 @p2 $0x1  }
0x17: {  	s4 =	simm.s32 $0x1BF5;
	[smem:$0x3FAE] =	sst s0  }
0x18: {  	s0 =	sld [smem:$0x3F91];
	_ =	swait.ge [sflag:s4], $0x0  }
0x19: {  	s7 =	sld [smem:$0x3F92]  }
0x1a: {  	s8 =	sadd.s32 $0xFFFFE003, lr  }
0x1b: {  	s9 =	sadd.s32 $0xFFFFFEF7, lr;
	s5 =	simm.s32 $0xFFFFFFFF;
	p2 =	slt.u32 s8, $0xFFFFF086  }
0x1c: {  	p1 =	slt.u32 s9, $0xF7A;
	s5 =	simm.s32 @!p2 $0x0  }
0x1d: {  	s5 =	simm.s32 @p1 $0x1;
	p0 =	seq.s32 s7, s2  }
0x1e: {  	s7 =	smul.u32 @!p0 $0xF7A, s2;
	p2 =	seq.s32 @!p0 s5, $0x0  }
0x1f: {  	s9 =	smul.u32 $0xF7A, s1;
	s8 =	simm.s32 @!p0 $0x1BF5;
	p2 =	por !p2, p0  }
0x20: {  	[sflag:s8] =	ssyncset.s32 @!p0 $0xFFFFF086;
	s6 =	sadd.s32 @!p0 s3, s7;
	s7 =	simm.s32 @!p0 $0x108  }
0x21: {  	s3 =	sadd.s32 s3, s9;
	s6 =	sadd.s32 @!p0 $0x88, s6;
	s7 =	simm.s32 @p2 $0x1082  }
0x22: {  	[simem:s7], [sflag:s8] =	dma.local @!p0 [hbm:s6], $0xF7A  }
0x23: {  	s9 =	sor.u32 $0xD0000000, s2;
	s6 =	simm.s32 $0x108;
	_ =	swait.ge @!p0 [sflag:s8], $0x0  }
0x24: {  	s3 =	sadd.s32 $0x88, s3;
	s6 =	simm.s32 @!p1 $0x1082;
	[sflag:s4] =	ssyncset.s32 $0xFFFFF086  }
0x25: {  	[simem:s6], [sflag:s4] =	dma.local [hbm:s3], $0xF7A  }
0x26: {  	[smem:$0x3F92] =	sst s1;
	(tag) =	ssettag s2;
	_ =	strace s9  }
0x27: {  	s1 =	sld [smem:$0x3FA2]  }
0x28: {  	s2 =	sld [smem:$0x3FA3]  }
0x29: {  	s4 =	sld [smem:$0x3FA5]  }
0x2a: {  	p0 =	seq.s32 s5, $0x0;
	s5 =	sld [smem:$0x3FA6]  }
0x2b: {  	s6 =	sld [smem:$0x3FA7]  }
0x2c: {  	s7 =	sld [smem:$0x3FA8]  }
0x2d: {  	s3 =	simm.s32 $0x108;
	s8 =	sld [smem:$0x3FA9]  }
0x2e: {  	s3 =	simm.s32 @!p0 $0x1082;
	s9 =	sld [smem:$0x3FAA]  }
0x2f: {  	lr =	sadd.s32 s0, s3;
	s0 =	sld [smem:$0x3FA1]  }
0x30: {  	s3 =	sld [smem:$0x3FA4]  }
0x31: {  	[smem:$0x3FAD] =	sst s10  }
0x32: {  	s10 =	sld [smem:$0x3FAB];
	_ =	sdelay $0x3  }
0x33: {  	p0 =	seq.s32 s10, $0x1;
	s10 =	sld [smem:$0x3FAD];
	_ =	sdelay $0x3  }
0x34: {  	[smem:$0x3FAD] =	sst s10  }
0x35: {  	s10 =	sld [smem:$0x3FAC];
	_ =	sdelay $0x3  }
0x36: {  	p1 =	seq.s32 s10, $0x1;
	s10 =	sld [smem:$0x3FAD];
	_ =	sdelay $0x3  }
0x37: {  	[smem:$0x3FAD] =	sst s10  }
0x38: {  	s10 =	sld [smem:$0x3FAE]  }
0x39: {  	_ = 	snop;
	(pc) =	sbr.ind lr, $3  }
0x3a: {  	_ = 	snop  }
0x3b: {  	_ = 	snop  }
0x3c: {  	p2 =	seq.s32 s10, $0x1;
	s10 =	sld [smem:$0x3FAD]  }
0x3d: {  	_ =	shalt  }
0x3e: {  	_ =	shalt  }
0x3f: {  	_ =	shalt  }
0x40: {  	_ =	shalt  }
0x41: {  	_ =	shalt  }
0x42: {  	_ =	shalt  }
0x43: {  	_ =	shalt  }
0x44: {  	_ =	shalt  }
0x45: {  	_ =	shalt  }
0x46: {  	_ =	shalt  }
0x47: {  	_ =	shalt  }
0x48: {  	_ =	shalt  }
0x49: {  	_ =	shalt  }
0x4a: {  	_ =	shalt  }
0x4b: {  	_ =	shalt  }
0x4c: {  	_ =	shalt  }
0x4d: {  	_ =	shalt  }
0x4e: {  	_ =	shalt  }
0x4f: {  	_ =	shalt  }
0x50: {  	_ =	shalt  }
0x51: {  	_ =	shalt  }
0x52: {  	_ =	shalt  }
0x53: {  	_ =	shalt  }
0x54: {  	_ =	shalt  }
0x55: {  	_ =	shalt  }
0x56: {  	_ =	shalt  }
0x57: {  	_ =	shalt  }
0x58: {  	_ =	shalt  }
0x59: {  	_ =	shalt  }
0x5a: {  	_ =	shalt  }
0x5b: {  	_ =	shalt  }
0x5c: {  	_ =	shalt  }
0x5d: {  	_ =	shalt  }
0x5e: {  	_ =	shalt  }
0x5f: {  	_ =	shalt  }
0x60: {  	_ =	shalt  }
0x61: {  	_ =	shalt  }
0x62: {  	_ =	shalt  }
0x63: {  	_ =	shalt  }
0x64: {  	_ =	shalt  }
0x65: {  	_ =	shalt  }
0x66: {  	_ =	shalt  }
0x67: {  	_ =	shalt  }
0x68: {  	_ =	shalt  }
0x69: {  	_ =	shalt  }
0x6a: {  	_ =	shalt  }
0x6b: {  	_ =	shalt  }
0x6c: {  	_ =	shalt  }
0x6d: {  	_ =	shalt  }
0x6e: {  	_ =	shalt  }
0x6f: {  	_ =	shalt  }
0x70: {  	_ =	shalt  }
0x71: {  	_ =	shalt  }
0x72: {  	_ =	shalt  }
0x73: {  	_ =	shalt  }
0x74: {  	_ =	shalt  }
0x75: {  	_ =	shalt  }
0x76: {  	_ =	shalt  }
0x77: {  	_ =	shalt  }
0x78: {  	_ =	shalt  }
0x79: {  	_ =	shalt  }
0x7a: {  	_ =	shalt  }
0x7b: {  	_ =	shalt  }
0x7c: {  	_ =	shalt  }
0x7d: {  	_ =	shalt  }
0x7e: {  	_ =	shalt  }
0x7f: {  	_ =	shalt  }
0x80: {  	_ =	shalt  }
0x81: {  	_ =	shalt  }
0x82: {  	_ =	shalt  }
0x83: {  	_ =	shalt  }
0x84: {  	_ =	shalt  }
0x85: {  	_ =	shalt  }
0x86: {  	_ =	shalt  }
0x87: {  	_ =	shalt  }
.Lfunc_end0:
.L_simem_size_0:
called_computation.4_lowered:
.L_overlay_start_0:
0x88: {  	s2 =	sld [smem:$0x3FD9]  }
0x89: {  	s3 =	sld [smem:$0x3FFE];
	_ =	sdelay $0x1  }
0x8a: {  	s1 =	srdreg.scid  }
0x8b: {  	s0 =	sand.u32 $0x1, s1  }
0x8c: {  	s16 =	sshll.u32 s0, $0xA;
	s2 =	sadd.s32 s3, s2  }
0x8d: {  	s2 =	sadd.s32 s2, s16  }
0x8e: {  	[smem:$0x3FB9] =	sst s2  }
0x8f: {  	_ = 	snop  }
0x90: {  	(tm) =	ssettm $0x1  }
0x91: {  	s17 =	sld [smem:$0x3FFB];
	_ =	sdelay $0x3  }
0x92: {  	_ =	strace s17  }
0x93: {  	s2 =	sld [smem:$0x3FFC];
	_ =	sdelay $0x3  }
0x94: {  	_ =	strace s2  }
0x95: {  	s2 =	sld [smem:$0x3FFD];
	_ =	sdelay $0x3  }
0x96: {  	_ =	strace s2  }
0x97: {  	_ =	strace $0x8FFFFFFF  }
0x98: {  	s18 =	sld [smem:$0x3FDB];
	_ =	sdelay $0x1  }
0x99: {  	s19 =	simm.s32 $_scs_section_size  }
0x9a: {  	s4 =	simm.s32 $_size__tile_overlayer_lowered;
	s5 =	simm.s32 $_tile_overlayer_lowered  }
0x9b: {  	s22 =	simm.s32 $0x1BFF;
	s21 =	sshll.u32 s5, $0x1;
	s2 =	sadd.s32 s19, s18  }
0x9c: {  	s6 =	simm.s32 $0x0;
	s20 =	sshll.u32 s4, $0x1;
	s4 =	sadd.s32 s21, s2  }
0x9d: {  	[timem:s6], [sflag:s22] =	dma.local [hbm:s4], s20  }
0x9e: {  	_ =	swait.ge [sflag:s22], s20  }
0x9f: {  	s3 =	ssub.s32 $0x0, s20;
	[sflag:s22] =	ssyncset.done $0x0  }
0xa0: {  	[sflag:s22] =	ssyncadd.s32 s3;
	_ =	sdelay $0x1  }
0xa1: {  	s23 =	simm.s32 $0x1B8B  }
0xa2: {  	_ =	swait.ge [sflag:s23], $0x1  }
0xa3: {  	[sflag:s23] =	ssyncset.done $0x0  }
0xa4: {  	s25 =	simm.s32 $0x1B8E;
	s24 =	sld [smem:$0x3FFE];
	[sflag:s23] =	ssyncadd.s32 $0xFFFFFFFF  }
0xa5: {  	s26 =	simm.s32 $execute0_lowered;
	[smem:$0x3FD2] =	sst s25  }
0xa6: {  	s4 =	sshll.u32 s26, $0x1;
	_ =	strace $0x80000052;
	[dreg:$0x1] =	wrdreg $0xFFFFFFFF  }
0xa7: {  	s28 =	simm.s32 $_size_execute0_lowered;
	s2 =	sadd.s32 s2, s4;
	[dreg:$0x0] =	wrdreg $0x0  }
0xa8: {  	s4 =	sshll.u32 s28, $0x1;
	[dreg:$0x2] =	wrdreg s2  }
0xa9: {  	[dreg:$0x3] =	wrdreg s4  }
0xaa: {  	[dreg:$0x4] =	wrdreg $0xC0  }
0xab: {  	_ =	task [dreg:s6], $0x5FFFF  }
0xac: {  	[dreg:$0x1] =	wrdreg $0xFFFFFFFF  }
0xad: {  	[dreg:$0x0] =	wrdreg $0x60  }
0xae: {  	[dreg:$0x2] =	wrdreg s24  }
0xaf: {  	[dreg:$0x3] =	wrdreg $0x40800  }
0xb0: {  	[dreg:$0x4] =	wrdreg $0x9  }
0xb1: {  	_ =	task.clear_ibuf [dreg:s6], $0x5FFFF;
	_ =	strace $0x90000052  }
0xb2: {  	s29 =	simm.s32 $0x9;
	_ =	strace $0x80000054  }
0xb3: {  	_ =	swait.ge [sflag:s29], $0x1  }
0xb4: {  	[sflag:s29] =	ssyncadd.s32 $0xFFFFFFFF  }
0xb5: {  	_ =	strace $0x90000054  }
0xb6: {  	_ =	sfence  }
0xb7: {  	s30 =	sld [smem:$0x0];
	_ =	sdelay $0x2  }
0xb8: {  	s31 =	sshll.u32 s1, $0xD;
	s1 =	sshrl.u32 s1, $0x2  }
0xb9: {  	s3 =	sand.u32 $0x4000, s31;
	s1 =	sadd.s32 s1, s30  }
0xba: {  	s0 =	sor.u32 s3, s0;
	s1 =	sshll.u32 s1, $0x11  }
0xbb: {  	s0 =	sor.u32 s1, s0  }
0xbc: {  	s0 =	sadd.s32 $0x8F2B, s0  }
0xbd: {  	[sflag:s0] =	ssyncadd.remote.s32 $0x1  }
0xbe: {  	_ =	sfence.sel $0xFFFF  }
0xbf: {  	[dreg:$0x0] =	wrdreg $0xFFFFFFFF;
	(pc) =	sbr.abs _section_cstart, $3  }
0xc0: {  	[dreg:$0x1] =	wrdreg $0xFFFFFFFF  }
0xc1: {  	_ =	task.clear_ibuf [dreg:s6], $0x2FFFF;
	_ =	strace $0x9FFFFFFF  }
0xc2: {  	(tm) =	ssettm $0x7FFFFFFF  }
0xc3: {  	_ =	shalt  }
tec
execute0_lowered:
.L_overlay_start_1:
0x0: {  	(tag) =	ssettag $0x1  }
0x1: {  	s4 =	rddreg [dreg:$0x0]  }
0x2: {  	s2 =	rddreg [dreg:$0x1]  }
0x3: {  	s0 =	rddreg [dreg:$0x2]  }
0x4: {  	s5 =	srdreg.scid;
	s1 =	stileid.u32;
	s3 =	simm.s32 $0x0  }
0x5: {  	s16 =	simm.s32 $0x0;
	s13 =	sand.u32 $0x1, s5;
	s19 =	smul.u32 $0x180, s1  }
0x6: {  	[smem:$0x7FF] =	sst s3;
	s10 =	sadd.s32 $0x4200, s4;
	s22 =	smul.u32 $0x3000, s1  }
0x7: {  	s9 =	sadd.s32 $0xE0200, s4;
	s6 =	smul.u32 $0x1800, s13;
	_ =	strace $0x80000053  }
0x8: {  	s20 =	sshll.u32 s13, $0x4;
	s23 =	ssub.s32 $0x2, s13;
	p0 =	seq.s32 s13, $0x0  }
0x9: {  	s21 =	sor.u32 s1, s20;
	s7 =	sshrl.u32 s23, $0x1;
	s5 =	sadd.s32 s19, s6  }
0xa: {  	s8 =	smul.u32 $0x3, s21;
	s11 =	sadd.s32 s5, s4;
	s4 =	sshll.u32 s21, $0x1  }
0xb: {  	s24 =	sshrl.u32 s22, $0x2;
	s14 =	ssub.s32 s23, s7;
	s12 =	sadd.s32 $0x10, s4  }
0xc: {  	s4 =	sadd.s32 s24, s2;
	s30 =	sadd.s32 $0x2, s8;
	s11 =	sadd.s32 $0x2C200, s11  }
0xd: {  	s12 =	smov.u32 @p0 s8;
	s31 =	sshll.u32 s30, $0x4;
	p0 =	sne.s32 s13, $0x0  }
0xe: {  	s13 =	simm.s32 $0x80;
	s25 =	sshll.u32 s12, $0x4;
	s26 =	sshll.u32 s12, $0xB  }
0xf: {  	s28 =	sadd.s32 $0x1, s12;
	s5 =	sadd.s32 s9, s25;
	s6 =	sand.u32 $0x1FFFF800, s26  }
0x10: {  	s12 =	sshll.u32 s28, $0x4;
	s15 =	sshll.u32 s28, $0xB;
	s6 =	sadd.s32 s10, s6  }
0x11: {  	s7 =	sadd.s32 s9, s12;
	s29 =	sand.u32 $0x1FFFF800, s15;
	s15 =	sshll.u32 s30, $0xB  }
0x12: {  	s9 =	sadd.s32 s9, s31;
	s12 =	smax.u32 s14, $0x1;
	s14 =	simm.s32 $0x2  }
0x13: {  	v0 =	vimm.f32 $0.0e+00;
	s8 =	sadd.s32 s10, s29;
	s10 =	sadd.s32 s10, s15;
	s15 =	simm.s32 $0x1  }
.LBB2_1:
0x14: {  	s17 =	simm.s32 $0x0;
	s18 =	simm.s32 $0x200  }
.LBB2_2:
0x15: {  	p1 =	sne.s32 s18, $0xFE00;
	[tilespmem:s17+$0xF0] =	vst v0  }
0x16: {  	[tilespmem:s17+$0x80] =	vst v0  }
0x17: {  	[tilespmem:s17+$0x90] =	vst v0  }
.Ltmp0:
0x18: {  	[tilespmem:s17+$0xA0] =	vst v0;
	(pc) =	sbr.rel @p1 .LBB2_2-.Ltmp0, $4  }
0x19: {  	[tilespmem:s17+$0xB0] =	vst v0  }
0x1a: {  	[tilespmem:s17+$0xC0] =	vst v0  }
0x1b: {  	[tilespmem:s17+$0xD0] =	vst v0  }
0x1c: {  	[tilespmem:s17+$0xE0] =	vst v0;
	s17 =	sshra.s32 s18, $0x2;
	s18 =	sadd.s32 $0x200, s18  }
0x1d: {  	[tilespmem:s17+$0xF0] =	vst v0  }
0x1e: {  	[tilespmem:s17+$0x80] =	vst v0  }
0x1f: {  	[tilespmem:s17+$0x90] =	vst v0  }
0x20: {  	[tilespmem:s17+$0xA0] =	vst v0  }
0x21: {  	[tilespmem:s17+$0xB0] =	vst v0  }
0x22: {  	[tilespmem:s17+$0xC0] =	vst v0  }
0x23: {  	[tilespmem:s17+$0xD0] =	vst v0  }
0x24: {  	[tilespmem:s17+$0xE0] =	vst v0  }
0x25: {  	[spmem:s4] =	stream.linear.scatter [tilespmem:s13], [sflag:$0x2], $0xC00, $0x38;
	[tilespmem:$0x4C80] =	vst v63  }
0x26: {  	_ =	swait.ge [sflag:s14], $0xC00  }
0x27: {  	[sflag:s14] =	ssyncset.done $0x0  }
0x28: {  	[sflag:s14] =	ssyncadd.s32 $0xFFFFF400  }
0x29: {  	[bflag:$0x0] =	sbarrier.arrive $0xFFFF  }
0x2a: {  	[tilespmem:s3], [sflag:$0x2] =	stream.linear.gather [hbm4b:s5+s3], $0x80, $0x38;
	[tilespmem:$0x4C80] =	vst v63  }
0x2b: {  	_ =	swait.ge [sflag:s14], $0x80  }
0x2c: {  	[sflag:s14] =	ssyncset.done $0x0  }
0x2d: {  	[sflag:s14] =	ssyncadd.s32 $0xFFFFFF80  }
0x2e: {  	[tilespmem:s13], [sflag:$0x1] =	stream.linear.gather [hbm4b:s6+s3], $0x4000, $0x38;
	[tilespmem:$0x4C80] =	vst v63  }
0x2f: {  	_ =	swait.ge [sflag:s15], $0x4000  }
0x30: {  	[sflag:s15] =	ssyncset.done $0x0  }
0x31: {  	[sflag:s15] =	ssyncadd.s32 $0xFFFFC000  }
0x32: {  	[spmem:s2] =	stream.indirect.scatter.add.f32 [tilespmem:s13], [sflag:$0x2], $0x80, s3, s13, $0xb8;
	[tilespmem:$0x4C80] =	vst v63  }
0x33: {  	_ =	swait.ge [sflag:s14], $0x4000  }
0x34: {  	[sflag:s14] =	ssyncset.done $0x0  }
0x35: {  	[sflag:s14] =	ssyncadd.s32 $0xFFFFC000  }
0x36: {  	[tilespmem:s3], [sflag:$0x2] =	stream.linear.gather [hbm4b:s7+s3], $0x80, $0x38;
	[tilespmem:$0x4C80] =	vst v63  }
0x37: {  	_ =	swait.ge [sflag:s14], $0x80  }
0x38: {  	[sflag:s14] =	ssyncset.done $0x0  }
0x39: {  	[sflag:s14] =	ssyncadd.s32 $0xFFFFFF80  }
0x3a: {  	[tilespmem:s13], [sflag:$0x1] =	stream.linear.gather [hbm4b:s8+s3], $0x4000, $0x38;
	[tilespmem:$0x4C80] =	vst v63  }
0x3b: {  	_ =	swait.ge [sflag:s15], $0x4000  }
0x3c: {  	[sflag:s15] =	ssyncset.done $0x0  }
0x3d: {  	[sflag:s15] =	ssyncadd.s32 $0xFFFFC000  }
0x3e: {  	[spmem:s2] =	stream.indirect.scatter.add.f32 [tilespmem:s13], [sflag:$0x2], $0x80, s3, s13, $0xb8;
	[tilespmem:$0x4C80] =	vst v63  }
0x3f: {  	_ =	swait.ge [sflag:s14], $0x4000  }
0x40: {  	[sflag:s14] =	ssyncset.done $0x0  }
0x41: {  	s17 =	simm.s32 @!p0 $0x0;
	s18 =	simm.s32 @!p0 $0x2;
	[sflag:s14] =	ssyncadd.s32 $0xFFFFC000  }
0x42: {  	[tilespmem:s17], [sflag:$0x2] =	stream.linear.gather @!p0 [hbm4b:s9+s17], $0x80, $0x38;
	[tilespmem:$0x4C80] =	vst v63  }
0x43: {  	_ =	swait.ge @!p0 [sflag:s18], $0x80  }
0x44: {  	[sflag:s18] =	ssyncset.done @!p0 $0x0  }
0x45: {  	s19 =	simm.s32 @!p0 $0x80;
	s20 =	simm.s32 @!p0 $0x1;
	[sflag:s18] =	ssyncadd.s32 @!p0 $0xFFFFFF80  }
0x46: {  	[tilespmem:s19], [sflag:$0x1] =	stream.linear.gather @!p0 [hbm4b:s10+s17], $0x4000, $0x38;
	[tilespmem:$0x4C80] =	vst v63  }
0x47: {  	_ =	swait.ge @!p0 [sflag:s20], $0x4000  }
0x48: {  	[sflag:s20] =	ssyncset.done @!p0 $0x0  }
0x49: {  	[sflag:s20] =	ssyncadd.s32 @!p0 $0xFFFFC000  }
0x4a: {  	[spmem:s2] =	stream.indirect.scatter.add.f32 @!p0 [tilespmem:s19], [sflag:$0x2], $0x80, s17, s19, $0xb8;
	[tilespmem:$0x4C80] =	vst v63  }
0x4b: {  	_ =	swait.ge @!p0 [sflag:s18], $0x4000  }
0x4c: {  	s30 =	sshll.u32 s1, $0x6;
	s16 =	sadd.s32 $0x1, s16;
	[sflag:s18] =	ssyncset.done @!p0 $0x0  }
0x4d: {  	s31 =	sshrl.u32 s4, $0x3;
	p1 =	sne.s32 s16, s12;
	[sflag:s18] =	ssyncadd.s32 @!p0 $0xFFFFC000  }
.Ltmp1:
0x4e: {  	s17 =	sor.u32 $0x1C02, s30;
	[bflag:$0x0] =	sbarrier.arrive $0xFFFF;
	(pc) =	sbr.rel @p1 .LBB2_1-.Ltmp1, $4  }
0x4f: {  	[hbm:s11], [sflag:s17] =	dma.local [spmem:s31], $0x180  }
0x50: {  	_ =	swait.ge [sflag:s14], $0x180  }
0x51: {  	[sflag:s14] =	ssyncset.done $0x0  }
0x52: {  	[sflag:s14] =	ssyncadd.s32 $0xFFFFFE80  }
0x53: {  	_ =	sfence.sel $0x180000  }
0x54: {  	[bflag:$0x0] =	sbarrier.arrive $0xFFFF  }
0x55: {  	p0 =	sne.s32 s1, $0x0;
	_ =	strace $0x90000053  }
0x56: {  	s0 =	sadd.s32 @!p0 $0x100000, s0;
	[bflag:$0x2] =	sbarrier.arrive $0xFFFF  }
0x57: {  	[sflag:s0] =	ssyncadd.tile.s32 @!p0 $0x1;
	_ =	shalt  }
.Lfunc_end2:
_tile_overlayer_lowered:
.L_overlay_start_2:
0x58: {  	(tag) =	ssettag $0x2  }
0x59: {  	s0 =	rddreg [dreg:$0x0];
	s2 =	stileid.u32  }
0x5a: {  	s1 =	rddreg [dreg:$0x1];
	p0 =	sne.s32 s2, $0x0  }
0x5b: {  	s3 =	rddreg [dreg:$0x2];
	[bflag:$0x3] =	sbarrier.arrive $0xFFFF;
	s2 =	simm.s32 @!p0 $0x1C02  }
0x5c: {  	[timem:s3], [sflag:s2] =	dma.local @!p0 [hbm:s0], s1  }
0x5d: {  	s0 =	simm.s32 @!p0 $0x2  }
0x5e: {  	_ =	swait.ge @!p0 [sflag:s0], s1  }
0x5f: {  	s1 =	ssub.s32 @!p0 $0x0, s1;
	[sflag:s0] =	ssyncset.done @!p0 $0x0  }
0x60: {  	[sflag:s0] =	ssyncadd.s32 @!p0 s1  }
0x61: {  	[bflag:$0x3] =	sbarrier.arrive $0xFFFF  }
0x62: {  	_ =	shalt  }

</sc_bundles>
